<compile_context>
chip_gen: v7x
topology: tpu7x:2x2x1
jax: 0.10.2.dev20260603
libtpu: 0.0.44.dev20260713+nightly
codegen_flags: <defaults>
</compile_context>

<pallas_src>
import functools

import jax
import jax.numpy as jnp
from jax import lax
from jax.experimental import pallas as pl
from jax.experimental.pallas import tpu as pltpu
from jax.experimental.pallas import tpu_sc as plsc

MN = 131072
NS = 16
CH = MN // NS
NV = CH // 16
F32 = jnp.float32
I32 = jnp.int32

DELTA_V = 0.5
DELTA_D = 3.0


def _lane():
    return lax.iota(I32, 16)


def _recip(x):
    i = lax.bitcast_convert_type(x, I32)
    y = lax.bitcast_convert_type(I32(0x7EF311C3) - i, F32)
    for _ in range(4):
        y = y * (F32(2.0) - x * y)
    return y


def _sqrt(x, iters=3):
    i = lax.bitcast_convert_type(x, I32)
    y = lax.bitcast_convert_type(I32(0x5F3759DF) - lax.shift_right_logical(i, 1), F32)
    xh = x * F32(0.5)
    for _ in range(iters):
        y = y * (F32(1.5) - xh * y * y)
    return x * y


def _assemble(vals):
    lane = _lane()
    v = jnp.zeros((16,), F32)
    for j, sc in enumerate(vals):
        v = jnp.where(lane == j, sc, v)
    return v


def _hsum(x, tmp):
    lane = _lane()
    for sh in (8, 4, 2, 1):
        tmp[pl.ds(0, 16)] = x
        x = x + plsc.load_gather(tmp, [lane ^ sh])
    return x


def _phase1(xrefs, labref, K, D, tmp):
    z = jnp.zeros((16,), F32)

    def body(i, carry):
        cnts, sums, tots = carry
        base = i * 16
        labv = labref[pl.ds(base, 16)]
        xs = [xrefs[d][pl.ds(base, 16)] for d in range(D)]
        cnts = list(cnts)
        sums = list(sums)
        tots = [tots[d] + xs[d] for d in range(D)]
        for k in range(1, K):
            m = labv == k
            cnts[k - 1] = cnts[k - 1] + jnp.where(m, F32(1.0), F32(0.0))
            for d in range(D):
                kd = (k - 1) * D + d
                sums[kd] = sums[kd] + jnp.where(m, xs[d], F32(0.0))
        return (tuple(cnts), tuple(sums), tuple(tots))

    cnts0 = tuple(z for _ in range(K - 1))
    sums0 = tuple(z for _ in range((K - 1) * D))
    tots0 = tuple(z for _ in range(D))
    cnts, sums, tots = lax.fori_loop(0, NV, body, (cnts0, sums0, tots0))
    cnts = [_hsum(c, tmp) for c in cnts]
    sums = [_hsum(s, tmp) for s in sums]
    tots = [_hsum(t, tmp) for t in tots]
    cnt0 = jnp.full((16,), F32(CH)) - sum(cnts)
    sums0 = [tots[d] - sum(sums[d::D]) for d in range(D)]
    return [cnt0] + cnts, sums0 + sums


def _phase2(heads, tmp):
    z = jnp.zeros((16,), F32)

    def one(h, base):
        xrefs, labref, murefs, invcref, D = h
        labv = labref[pl.ds(base, 16)]
        d2 = jnp.zeros((16,), F32)
        for d in range(D):
            mu = plsc.load_gather(murefs[d], [labv])
            diff = xrefs[d][pl.ds(base, 16)] - mu
            d2 = d2 + diff * diff
        dist = _sqrt(d2, iters=2)
        t = jnp.maximum(dist - F32(DELTA_V), F32(0.0))
        return t * t * plsc.load_gather(invcref, [labv])

    def body(i, accs):
        base = i * 16
        return tuple(acc + one(h, base) for acc, h in zip(accs, heads))

    accs = lax.fori_loop(0, NV, body, tuple(z for _ in heads))
    return [_hsum(a, tmp) for a in accs]


def _sc_body(bin_x_hbm, bin_lab_hbm, inst_x_hbm, inst_lab_hbm, out_hbm,
             xi0, xi1, xi2, xi3, xi4, xb0, xb1, li, lb, stage, allp, garr,
             mui, mub, invci, invcb, mi0, mi1, mi2, mi3, mi4, mb0, mb1,
             vstage, allv, outv, tmp, dsem, shp, shv):
    c = lax.axis_index("c")
    s = lax.axis_index("s")
    off = s * CH
    lane = _lane()

    xi = [xi0, xi1, xi2, xi3, xi4]
    xb = [xb0, xb1]
    copies = [pltpu.async_copy(
        inst_x_hbm.at[pl.ds((c * 5 + d) * MN + off, CH)], xi[d], dsem)
        for d in range(5)]
    copies += [pltpu.async_copy(
        bin_x_hbm.at[pl.ds((c * 2 + d) * MN + off, CH)], xb[d], dsem)
        for d in range(2)]
    copies.append(pltpu.async_copy(inst_lab_hbm.at[pl.ds(c * MN + off, CH)], li, dsem))
    copies.append(pltpu.async_copy(bin_lab_hbm.at[pl.ds(c * MN + off, CH)], lb, dsem))
    for cp in copies:
        cp.wait()

    icnt, isum = _phase1(xi, li, 5, 5, tmp)
    bcnt, bsum = _phase1(xb, lb, 2, 2, tmp)

    stage[pl.ds(0, 16)] = _assemble(isum[0:16])
    stage[pl.ds(16, 16)] = _assemble(isum[16:25] + icnt)
    stage[pl.ds(32, 16)] = _assemble(bsum + bcnt)
    pltpu.sync_copy(stage, shp.at[pl.ds(s * 48, 48)])
    plsc.subcore_barrier()

    pltpu.sync_copy(shp, allp)

    def red_body(t, carry):
        g0, g1, g2 = carry
        return (g0 + allp[pl.ds(t * 48, 16)],
                g1 + allp[pl.ds(t * 48 + 16, 16)],
                g2 + allp[pl.ds(t * 48 + 32, 16)])

    z = jnp.zeros((16,), F32)
    g0, g1, g2 = lax.fori_loop(0, NS, red_body, (z, z, z))
    garr[pl.ds(0, 16)] = g0
    garr[pl.ds(16, 16)] = g1
    garr[pl.ds(32, 16)] = g2

    k0 = lane // 5
    mui[pl.ds(0, 16)] = g0 * _recip(plsc.load_gather(garr, [k0 + 25]))
    k1 = (lane + 16) // 5
    mui[pl.ds(16, 16)] = g1 * _recip(plsc.load_gather(garr, [k1 + 25]))
    kb = lane // 2
    mub[pl.ds(0, 16)] = g2 * _recip(plsc.load_gather(garr, [jnp.minimum(kb, 9) + 36]))
    invci[pl.ds(0, 16)] = _recip(plsc.load_gather(garr, [jnp.minimum(lane, 6) + 25]))
    invcb[pl.ds(0, 16)] = _recip(plsc.load_gather(garr, [jnp.minimum(lane, 9) + 36]))

    mudi = [mi0, mi1, mi2, mi3, mi4]
    for d in range(5):
        mudi[d][pl.ds(0, 16)] = plsc.load_gather(
            mui, [jnp.minimum(lane, 4) * 5 + d])
    mudb = [mb0, mb1]
    for d in range(2):
        mudb[d][pl.ds(0, 16)] = plsc.load_gather(
            mub, [jnp.minimum(lane, 1) * 2 + d])

    v_i, v_b = _phase2([(xi, li, mudi, invci, 5), (xb, lb, mudb, invcb, 2)], tmp)
    vstage[pl.ds(0, 16)] = _assemble([v_i, v_b])
    pltpu.sync_copy(vstage, shv.at[pl.ds(s * 16, 16)])
    plsc.subcore_barrier()

    @pl.when(s == 0)
    def _():
        pltpu.sync_copy(shv, allv)

        def vred(t, acc):
            return acc + allv[pl.ds(t * 16, 16)]

        vtot = lax.fori_loop(0, NS, vred, jnp.zeros((16,), F32))
        sv_i = _hsum(jnp.where(lane == 0, vtot, F32(0.0)), tmp)
        sv_b = _hsum(jnp.where(lane == 1, vtot, F32(0.0)), tmp)

        def pair_sum(chunk_base, nvalid):
            p = jnp.minimum(lane + chunk_base, 19)
            i = p // 4
            r = p - 4 * i
            j = r + (r >= i).astype(I32)
            d2 = jnp.zeros((16,), F32)
            for d in range(5):
                mi = plsc.load_gather(mui, [i * 5 + d])
                mj = plsc.load_gather(mui, [j * 5 + d])
                diff = mi - mj
                d2 = d2 + diff * diff
            t = jnp.maximum(F32(2.0 * DELTA_D) - _sqrt(d2), F32(0.0))
            return _hsum(jnp.where(lane < nvalid, t * t, F32(0.0)), tmp)

        l_dist_i = (pair_sum(0, 16) + pair_sum(16, 4)) * F32(1.0 / 20.0)

        db = plsc.load_gather(mub, [jnp.minimum(lane, 1)]) - \
            plsc.load_gather(mub, [jnp.minimum(lane, 1) + 2])
        d2b = _hsum(jnp.where(lane < 2, db * db, F32(0.0)), tmp)
        tb = jnp.maximum(F32(2.0 * DELTA_D) - _sqrt(d2b), F32(0.0))
        l_dist_b = tb * tb

        kcl_i = jnp.minimum(lane, 4)
        r2i = jnp.zeros((16,), F32)
        for d in range(5):
            m = plsc.load_gather(mui, [kcl_i * 5 + d])
            r2i = r2i + m * m
        l_reg_i = _hsum(jnp.where(lane < 5, _sqrt(r2i), F32(0.0)), tmp) * F32(0.2)
        kcl_b = jnp.minimum(lane, 1)
        r2b = jnp.zeros((16,), F32)
        for d in range(2):
            m = plsc.load_gather(mub, [kcl_b * 2 + d])
            r2b = r2b + m * m
        l_reg_b = _hsum(jnp.where(lane < 2, _sqrt(r2b), F32(0.0)), tmp) * F32(0.5)

        loss_i = sv_i * F32(0.2) + l_dist_i + F32(0.001) * l_reg_i
        loss_b = sv_b * F32(0.5) + l_dist_b + F32(0.001) * l_reg_b
        outv[pl.ds(0, 16)] = _assemble([loss_b, loss_i])
        pltpu.sync_copy(outv, out_hbm.at[pl.ds(c * 16, 16)])


@jax.jit
def _sc_loss(binary_logits, binary_labels, instance_logits, instance_labels):
    mesh = plsc.VectorSubcoreMesh(
        core_axis_name="c", subcore_axis_name="s", num_cores=2, num_subcores=NS)
    f = functools.partial(
        pl.kernel,
        out_type=jax.ShapeDtypeStruct((32,), F32),
        mesh=mesh,
        compiler_params=pltpu.CompilerParams(
            needs_layout_passes=False, use_tc_tiling_on_sc=False),
        scratch_types=[
            pltpu.VMEM((CH,), F32),
            pltpu.VMEM((CH,), F32),
            pltpu.VMEM((CH,), F32),
            pltpu.VMEM((CH,), F32),
            pltpu.VMEM((CH,), F32),
            pltpu.VMEM((CH,), F32),
            pltpu.VMEM((CH,), F32),
            pltpu.VMEM((CH,), I32),
            pltpu.VMEM((CH,), I32),
            pltpu.VMEM((48,), F32),
            pltpu.VMEM((NS * 48,), F32),
            pltpu.VMEM((48,), F32),
            pltpu.VMEM((32,), F32),
            pltpu.VMEM((16,), F32),
            pltpu.VMEM((16,), F32),
            pltpu.VMEM((16,), F32),
            pltpu.VMEM((16,), F32),
            pltpu.VMEM((16,), F32),
            pltpu.VMEM((16,), F32),
            pltpu.VMEM((16,), F32),
            pltpu.VMEM((16,), F32),
            pltpu.VMEM((16,), F32),
            pltpu.VMEM((16,), F32),
            pltpu.VMEM((16,), F32),
            pltpu.VMEM((NS * 16,), F32),
            pltpu.VMEM((16,), F32),
            pltpu.VMEM((16,), F32),
            pltpu.SemaphoreType.DMA,
            pltpu.VMEM_SHARED((NS * 48,), F32),
            pltpu.VMEM_SHARED((NS * 16,), F32),
        ],
    )(_sc_body)
    return f(binary_logits.reshape(-1), binary_labels.reshape(-1),
             instance_logits.reshape(-1), instance_labels.reshape(-1))


def kernel(binary_logits, binary_labels, instance_logits, instance_labels):
    out = _sc_loss(binary_logits, binary_labels, instance_logits, instance_labels)
    bin_loss = (out[0] + out[16]) * F32(0.5)
    inst_loss = (out[1] + out[17]) * F32(0.5)
    return bin_loss, inst_loss

# --- scband reference (transcript-rebuilt; emitter-appended) ---
"""Pipeline reference for scband-discriminative-loss-65884798320741 (READ-ONLY COPY).

The authoritative reference and input builder live on the scoring server;
editing this copy changes nothing except your own understanding.
"""

import jax, jax.numpy as jnp
import numpy as np


def _offdiag_indices(K):
    idx = np.arange(K * K)
    i = idx // K
    j = idx % K
    keep = i != j
    return i[keep], j[keep]


def _loss_single(pred, labels, num_instances, delta_v=0.5, delta_d=3.0,
                 param_var=1.0, param_dist=1.0, param_reg=0.001):
    # pred: [D, MN] float; labels: [MN] int with values in [0, num_instances)
    # (labels assumed to cover all ids, so unique sorted labels == arange(K)
    #  and unique inverse ids == labels, matching torch.unique semantics)
    K = num_instances
    predT = pred.T  # [MN, D]
    ones = jnp.ones(labels.shape, dtype=pred.dtype)
    counts = jax.ops.segment_sum(ones, labels, num_segments=K)  # [K]
    sums = jax.ops.segment_sum(predT, labels, num_segments=K)   # [K, D]
    segment_mean = sums / counts[:, None]                        # [K, D]
    # intra-cluster variance term
    mu_expand = jnp.take(segment_mean, labels, axis=0)           # [MN, D]
    distance = jnp.linalg.norm(mu_expand - predT, axis=1)        # [MN]
    distance = jax.nn.relu(distance - delta_v) ** 2
    var_sums = jax.ops.segment_sum(distance, labels, num_segments=K)
    l_var = jnp.mean(var_sums / counts)
    # inter-cluster distance term over off-diagonal pairs (mask applied
    # before the norm, as masked_select removes the i==j rows in torch)
    ii, jj = _offdiag_indices(K)
    dist_diff = segment_mean[ii] - segment_mean[jj]              # [K*(K-1), D]
    dist_norm = jnp.linalg.norm(dist_diff, axis=1)
    dist_norm = jax.nn.relu(2.0 * delta_d - dist_norm) ** 2
    l_dist = jnp.mean(dist_norm)
    # regularization term: mean over instances of L2 norm along feature dim
    l_reg = jnp.mean(jnp.linalg.norm(segment_mean, axis=1))
    return param_var * l_var + param_dist * l_dist + param_reg * l_reg


def setup_inputs(seed: int = 0) -> dict:
    key = jax.random.key(seed)
    k1, k2, k3, k4 = jax.random.split(key, 4)
    B, MN = 2, 131072
    binary_logits = jax.random.normal(k1, (B, 2, MN), dtype=jnp.float32)
    binary_labels = jax.random.randint(k2, (B, MN), 0, 2, dtype=jnp.int32)
    instance_logits = jax.random.normal(k3, (B, 5, MN), dtype=jnp.float32)
    instance_labels = jax.random.randint(k4, (B, MN), 0, 5, dtype=jnp.int32)
    return {
        "binary_logits": binary_logits,
        "binary_labels": binary_labels,
        "instance_logits": instance_logits,
        "instance_labels": instance_labels,
    }


def reference(binary_logits, binary_labels, instance_logits, instance_labels):
    delta_v, delta_d = 0.5, 3.0
    B = instance_logits.shape[0]
    bin_loss = jnp.float32(0.0)
    inst_loss = jnp.float32(0.0)
    for b in range(B):
        inst_loss = inst_loss + _loss_single(instance_logits[b], instance_labels[b], 5, delta_v, delta_d)
        bin_loss = bin_loss + _loss_single(binary_logits[b], binary_labels[b], 2, delta_v, delta_d)
    return (bin_loss / B, inst_loss / B)

if __name__ == "__main__":
    import jax
    _d = setup_inputs()
    print(jax.jit(kernel)(*tuple(_d.values())))

</pallas_src>

<mosaic_0001>
#map = affine_map<(d0, d1) -> (0)>
module attributes {stable_mosaic.version = 14 : i64} {
  func.func @_sc_body(%arg0: i32, %arg1: i32, %arg2: memref<524288xf32, #tpu.memory_space<hbm>>, %arg3: memref<262144xi32, #tpu.memory_space<hbm>>, %arg4: memref<1310720xf32, #tpu.memory_space<hbm>>, %arg5: memref<262144xi32, #tpu.memory_space<hbm>>, %arg6: memref<32xf32, #tpu.memory_space<hbm>>, %arg7: memref<8192xf32, #tpu.memory_space<vmem>>, %arg8: memref<8192xf32, #tpu.memory_space<vmem>>, %arg9: memref<8192xf32, #tpu.memory_space<vmem>>, %arg10: memref<8192xf32, #tpu.memory_space<vmem>>, %arg11: memref<8192xf32, #tpu.memory_space<vmem>>, %arg12: memref<8192xf32, #tpu.memory_space<vmem>>, %arg13: memref<8192xf32, #tpu.memory_space<vmem>>, %arg14: memref<8192xi32, #tpu.memory_space<vmem>>, %arg15: memref<8192xi32, #tpu.memory_space<vmem>>, %arg16: memref<48xf32, #tpu.memory_space<vmem>>, %arg17: memref<768xf32, #tpu.memory_space<vmem>>, %arg18: memref<48xf32, #tpu.memory_space<vmem>>, %arg19: memref<32xf32, #tpu.memory_space<vmem>>, %arg20: memref<16xf32, #tpu.memory_space<vmem>>, %arg21: memref<16xf32, #tpu.memory_space<vmem>>, %arg22: memref<16xf32, #tpu.memory_space<vmem>>, %arg23: memref<16xf32, #tpu.memory_space<vmem>>, %arg24: memref<16xf32, #tpu.memory_space<vmem>>, %arg25: memref<16xf32, #tpu.memory_space<vmem>>, %arg26: memref<16xf32, #tpu.memory_space<vmem>>, %arg27: memref<16xf32, #tpu.memory_space<vmem>>, %arg28: memref<16xf32, #tpu.memory_space<vmem>>, %arg29: memref<16xf32, #tpu.memory_space<vmem>>, %arg30: memref<16xf32, #tpu.memory_space<vmem>>, %arg31: memref<256xf32, #tpu.memory_space<vmem>>, %arg32: memref<16xf32, #tpu.memory_space<vmem>>, %arg33: memref<16xf32, #tpu.memory_space<vmem>>, %arg34: memref<!tpu.dma_semaphore, #tpu.memory_space<semaphore_mem>>, %arg35: memref<768xf32, #tpu.memory_space<vmem_shared>>, %arg36: memref<256xf32, #tpu.memory_space<vmem_shared>>) attributes {dimension_semantics = [#tpu.dimension_semantics<core_parallel>, #tpu.dimension_semantics<subcore_parallel>], iteration_bounds = array<i64: 2, 16>, scalar_prefetch = 0 : i64, scratch_operands = 30 : i64, tpu.core_type = #tpu.core_type<sc_vector_subcore>, window_params = [{transform_indices = #map}, {transform_indices = #map}, {transform_indices = #map}, {transform_indices = #map}, {transform_indices = #map}]} {
    %mul3A = arith.constant 8192 : i32
    %mul3A_0 = arith.muli %arg1, %mul3A : i32
    %iota3A = tpu.iota {dimensions = array<i32: 0>} : vector<16xi32>
    %mul3A_1 = arith.constant 5 : i32
    %mul3A_2 = arith.muli %arg0, %mul3A_1 : i32
    %add3A = arith.constant 0 : i32
    %add3A_3 = arith.addi %mul3A_2, %add3A : i32
    %mul3A_4 = arith.constant 131072 : i32
    %mul3A_5 = arith.muli %add3A_3, %mul3A_4 : i32
    %add3A_6 = arith.addi %mul3A_5, %mul3A_0 : i32
    %dma_start3A = tpu.memref_slice %arg4[%add3A_6] : memref<1310720xf32, #tpu.memory_space<hbm>> -> memref<8192xf32, #tpu.memory_space<hbm>>
    %dma_start3A_7 = tpu.memref_slice %arg4[%add3A_6] : memref<1310720xf32, #tpu.memory_space<hbm>> -> memref<8192xf32, #tpu.memory_space<hbm>>
    tpu.enqueue_dma source(%dma_start3A_7 : memref<8192xf32, #tpu.memory_space<hbm>>) target(%arg7 : memref<8192xf32, #tpu.memory_space<vmem>>) target_semaphore(%arg34 : memref<!tpu.dma_semaphore, #tpu.memory_space<semaphore_mem>>)
    %mul3A_8 = arith.constant 5 : i32
    %mul3A_9 = arith.muli %arg0, %mul3A_8 : i32
    %add3A_10 = arith.constant 1 : i32
    %add3A_11 = arith.addi %mul3A_9, %add3A_10 : i32
    %mul3A_12 = arith.constant 131072 : i32
    %mul3A_13 = arith.muli %add3A_11, %mul3A_12 : i32
    %add3A_14 = arith.addi %mul3A_13, %mul3A_0 : i32
    %dma_start3A_15 = tpu.memref_slice %arg4[%add3A_14] : memref<1310720xf32, #tpu.memory_space<hbm>> -> memref<8192xf32, #tpu.memory_space<hbm>>
    %dma_start3A_16 = tpu.memref_slice %arg4[%add3A_14] : memref<1310720xf32, #tpu.memory_space<hbm>> -> memref<8192xf32, #tpu.memory_space<hbm>>
    tpu.enqueue_dma source(%dma_start3A_16 : memref<8192xf32, #tpu.memory_space<hbm>>) target(%arg8 : memref<8192xf32, #tpu.memory_space<vmem>>) target_semaphore(%arg34 : memref<!tpu.dma_semaphore, #tpu.memory_space<semaphore_mem>>)
    %mul3A_17 = arith.constant 5 : i32
    %mul3A_18 = arith.muli %arg0, %mul3A_17 : i32
    %add3A_19 = arith.constant 2 : i32
    %add3A_20 = arith.addi %mul3A_18, %add3A_19 : i32
    %mul3A_21 = arith.constant 131072 : i32
    %mul3A_22 = arith.muli %add3A_20, %mul3A_21 : i32
    %add3A_23 = arith.addi %mul3A_22, %mul3A_0 : i32
    %dma_start3A_24 = tpu.memref_slice %arg4[%add3A_23] : memref<1310720xf32, #tpu.memory_space<hbm>> -> memref<8192xf32, #tpu.memory_space<hbm>>
    %dma_start3A_25 = tpu.memref_slice %arg4[%add3A_23] : memref<1310720xf32, #tpu.memory_space<hbm>> -> memref<8192xf32, #tpu.memory_space<hbm>>
    tpu.enqueue_dma source(%dma_start3A_25 : memref<8192xf32, #tpu.memory_space<hbm>>) target(%arg9 : memref<8192xf32, #tpu.memory_space<vmem>>) target_semaphore(%arg34 : memref<!tpu.dma_semaphore, #tpu.memory_space<semaphore_mem>>)
    %mul3A_26 = arith.constant 5 : i32
    %mul3A_27 = arith.muli %arg0, %mul3A_26 : i32
    %add3A_28 = arith.constant 3 : i32
    %add3A_29 = arith.addi %mul3A_27, %add3A_28 : i32
    %mul3A_30 = arith.constant 131072 : i32
    %mul3A_31 = arith.muli %add3A_29, %mul3A_30 : i32
    %add3A_32 = arith.addi %mul3A_31, %mul3A_0 : i32
    %dma_start3A_33 = tpu.memref_slice %arg4[%add3A_32] : memref<1310720xf32, #tpu.memory_space<hbm>> -> memref<8192xf32, #tpu.memory_space<hbm>>
    %dma_start3A_34 = tpu.memref_slice %arg4[%add3A_32] : memref<1310720xf32, #tpu.memory_space<hbm>> -> memref<8192xf32, #tpu.memory_space<hbm>>
    tpu.enqueue_dma source(%dma_start3A_34 : memref<8192xf32, #tpu.memory_space<hbm>>) target(%arg10 : memref<8192xf32, #tpu.memory_space<vmem>>) target_semaphore(%arg34 : memref<!tpu.dma_semaphore, #tpu.memory_space<semaphore_mem>>)
    %mul3A_35 = arith.constant 5 : i32
    %mul3A_36 = arith.muli %arg0, %mul3A_35 : i32
    %add3A_37 = arith.constant 4 : i32
    %add3A_38 = arith.addi %mul3A_36, %add3A_37 : i32
    %mul3A_39 = arith.constant 131072 : i32
    %mul3A_40 = arith.muli %add3A_38, %mul3A_39 : i32
    %add3A_41 = arith.addi %mul3A_40, %mul3A_0 : i32
    %dma_start3A_42 = tpu.memref_slice %arg4[%add3A_41] : memref<1310720xf32, #tpu.memory_space<hbm>> -> memref<8192xf32, #tpu.memory_space<hbm>>
    %dma_start3A_43 = tpu.memref_slice %arg4[%add3A_41] : memref<1310720xf32, #tpu.memory_space<hbm>> -> memref<8192xf32, #tpu.memory_space<hbm>>
    tpu.enqueue_dma source(%dma_start3A_43 : memref<8192xf32, #tpu.memory_space<hbm>>) target(%arg11 : memref<8192xf32, #tpu.memory_space<vmem>>) target_semaphore(%arg34 : memref<!tpu.dma_semaphore, #tpu.memory_space<semaphore_mem>>)
    %mul3A_44 = arith.constant 2 : i32
    %mul3A_45 = arith.muli %arg0, %mul3A_44 : i32
    %add3A_46 = arith.constant 0 : i32
    %add3A_47 = arith.addi %mul3A_45, %add3A_46 : i32
    %mul3A_48 = arith.constant 131072 : i32
    %mul3A_49 = arith.muli %add3A_47, %mul3A_48 : i32
    %add3A_50 = arith.addi %mul3A_49, %mul3A_0 : i32
    %dma_start3A_51 = tpu.memref_slice %arg2[%add3A_50] : memref<524288xf32, #tpu.memory_space<hbm>> -> memref<8192xf32, #tpu.memory_space<hbm>>
    %dma_start3A_52 = tpu.memref_slice %arg2[%add3A_50] : memref<524288xf32, #tpu.memory_space<hbm>> -> memref<8192xf32, #tpu.memory_space<hbm>>
    tpu.enqueue_dma source(%dma_start3A_52 : memref<8192xf32, #tpu.memory_space<hbm>>) target(%arg12 : memref<8192xf32, #tpu.memory_space<vmem>>) target_semaphore(%arg34 : memref<!tpu.dma_semaphore, #tpu.memory_space<semaphore_mem>>)
    %mul3A_53 = arith.constant 2 : i32
    %mul3A_54 = arith.muli %arg0, %mul3A_53 : i32
    %add3A_55 = arith.constant 1 : i32
    %add3A_56 = arith.addi %mul3A_54, %add3A_55 : i32
    %mul3A_57 = arith.constant 131072 : i32
    %mul3A_58 = arith.muli %add3A_56, %mul3A_57 : i32
    %add3A_59 = arith.addi %mul3A_58, %mul3A_0 : i32
    %dma_start3A_60 = tpu.memref_slice %arg2[%add3A_59] : memref<524288xf32, #tpu.memory_space<hbm>> -> memref<8192xf32, #tpu.memory_space<hbm>>
    %dma_start3A_61 = tpu.memref_slice %arg2[%add3A_59] : memref<524288xf32, #tpu.memory_space<hbm>> -> memref<8192xf32, #tpu.memory_space<hbm>>
    tpu.enqueue_dma source(%dma_start3A_61 : memref<8192xf32, #tpu.memory_space<hbm>>) target(%arg13 : memref<8192xf32, #tpu.memory_space<vmem>>) target_semaphore(%arg34 : memref<!tpu.dma_semaphore, #tpu.memory_space<semaphore_mem>>)
    %mul3A_62 = arith.constant 131072 : i32
    %mul3A_63 = arith.muli %arg0, %mul3A_62 : i32
    %add3A_64 = arith.addi %mul3A_63, %mul3A_0 : i32
    %dma_start3A_65 = tpu.memref_slice %arg5[%add3A_64] : memref<262144xi32, #tpu.memory_space<hbm>> -> memref<8192xi32, #tpu.memory_space<hbm>>
    %dma_start3A_66 = tpu.memref_slice %arg5[%add3A_64] : memref<262144xi32, #tpu.memory_space<hbm>> -> memref<8192xi32, #tpu.memory_space<hbm>>
    tpu.enqueue_dma source(%dma_start3A_66 : memref<8192xi32, #tpu.memory_space<hbm>>) target(%arg14 : memref<8192xi32, #tpu.memory_space<vmem>>) target_semaphore(%arg34 : memref<!tpu.dma_semaphore, #tpu.memory_space<semaphore_mem>>)
    %mul3A_67 = arith.constant 131072 : i32
    %mul3A_68 = arith.muli %arg0, %mul3A_67 : i32
    %add3A_69 = arith.addi %mul3A_68, %mul3A_0 : i32
    %dma_start3A_70 = tpu.memref_slice %arg3[%add3A_69] : memref<262144xi32, #tpu.memory_space<hbm>> -> memref<8192xi32, #tpu.memory_space<hbm>>
    %dma_start3A_71 = tpu.memref_slice %arg3[%add3A_69] : memref<262144xi32, #tpu.memory_space<hbm>> -> memref<8192xi32, #tpu.memory_space<hbm>>
    tpu.enqueue_dma source(%dma_start3A_71 : memref<8192xi32, #tpu.memory_space<hbm>>) target(%arg15 : memref<8192xi32, #tpu.memory_space<vmem>>) target_semaphore(%arg34 : memref<!tpu.dma_semaphore, #tpu.memory_space<semaphore_mem>>)
    %dma_wait3A = tpu.memref_slice %arg4[%add3A_6] : memref<1310720xf32, #tpu.memory_space<hbm>> -> memref<8192xf32, #tpu.memory_space<hbm>>
    %dma_wait3A_72 = tpu.memref_slice %arg4[%add3A_6] : memref<1310720xf32, #tpu.memory_space<hbm>> -> memref<8192xf32, #tpu.memory_space<hbm>>
    tpu.wait_dma2 semaphore(%arg34 : memref<!tpu.dma_semaphore, #tpu.memory_space<semaphore_mem>>) src(%dma_wait3A_72 : memref<8192xf32, #tpu.memory_space<hbm>>) dst(%arg7 : memref<8192xf32, #tpu.memory_space<vmem>>)
    %dma_wait3A_73 = tpu.memref_slice %arg4[%add3A_14] : memref<1310720xf32, #tpu.memory_space<hbm>> -> memref<8192xf32, #tpu.memory_space<hbm>>
    %dma_wait3A_74 = tpu.memref_slice %arg4[%add3A_14] : memref<1310720xf32, #tpu.memory_space<hbm>> -> memref<8192xf32, #tpu.memory_space<hbm>>
    tpu.wait_dma2 semaphore(%arg34 : memref<!tpu.dma_semaphore, #tpu.memory_space<semaphore_mem>>) src(%dma_wait3A_74 : memref<8192xf32, #tpu.memory_space<hbm>>) dst(%arg8 : memref<8192xf32, #tpu.memory_space<vmem>>)
    %dma_wait3A_75 = tpu.memref_slice %arg4[%add3A_23] : memref<1310720xf32, #tpu.memory_space<hbm>> -> memref<8192xf32, #tpu.memory_space<hbm>>
    %dma_wait3A_76 = tpu.memref_slice %arg4[%add3A_23] : memref<1310720xf32, #tpu.memory_space<hbm>> -> memref<8192xf32, #tpu.memory_space<hbm>>
    tpu.wait_dma2 semaphore(%arg34 : memref<!tpu.dma_semaphore, #tpu.memory_space<semaphore_mem>>) src(%dma_wait3A_76 : memref<8192xf32, #tpu.memory_space<hbm>>) dst(%arg9 : memref<8192xf32, #tpu.memory_space<vmem>>)
    %dma_wait3A_77 = tpu.memref_slice %arg4[%add3A_32] : memref<1310720xf32, #tpu.memory_space<hbm>> -> memref<8192xf32, #tpu.memory_space<hbm>>
    %dma_wait3A_78 = tpu.memref_slice %arg4[%add3A_32] : memref<1310720xf32, #tpu.memory_space<hbm>> -> memref<8192xf32, #tpu.memory_space<hbm>>
    tpu.wait_dma2 semaphore(%arg34 : memref<!tpu.dma_semaphore, #tpu.memory_space<semaphore_mem>>) src(%dma_wait3A_78 : memref<8192xf32, #tpu.memory_space<hbm>>) dst(%arg10 : memref<8192xf32, #tpu.memory_space<vmem>>)
    %dma_wait3A_79 = tpu.memref_slice %arg4[%add3A_41] : memref<1310720xf32, #tpu.memory_space<hbm>> -> memref<8192xf32, #tpu.memory_space<hbm>>
    %dma_wait3A_80 = tpu.memref_slice %arg4[%add3A_41] : memref<1310720xf32, #tpu.memory_space<hbm>> -> memref<8192xf32, #tpu.memory_space<hbm>>
    tpu.wait_dma2 semaphore(%arg34 : memref<!tpu.dma_semaphore, #tpu.memory_space<semaphore_mem>>) src(%dma_wait3A_80 : memref<8192xf32, #tpu.memory_space<hbm>>) dst(%arg11 : memref<8192xf32, #tpu.memory_space<vmem>>)
    %dma_wait3A_81 = tpu.memref_slice %arg2[%add3A_50] : memref<524288xf32, #tpu.memory_space<hbm>> -> memref<8192xf32, #tpu.memory_space<hbm>>
    %dma_wait3A_82 = tpu.memref_slice %arg2[%add3A_50] : memref<524288xf32, #tpu.memory_space<hbm>> -> memref<8192xf32, #tpu.memory_space<hbm>>
    tpu.wait_dma2 semaphore(%arg34 : memref<!tpu.dma_semaphore, #tpu.memory_space<semaphore_mem>>) src(%dma_wait3A_82 : memref<8192xf32, #tpu.memory_space<hbm>>) dst(%arg12 : memref<8192xf32, #tpu.memory_space<vmem>>)
    %dma_wait3A_83 = tpu.memref_slice %arg2[%add3A_59] : memref<524288xf32, #tpu.memory_space<hbm>> -> memref<8192xf32, #tpu.memory_space<hbm>>
    %dma_wait3A_84 = tpu.memref_slice %arg2[%add3A_59] : memref<524288xf32, #tpu.memory_space<hbm>> -> memref<8192xf32, #tpu.memory_space<hbm>>
    tpu.wait_dma2 semaphore(%arg34 : memref<!tpu.dma_semaphore, #tpu.memory_space<semaphore_mem>>) src(%dma_wait3A_84 : memref<8192xf32, #tpu.memory_space<hbm>>) dst(%arg13 : memref<8192xf32, #tpu.memory_space<vmem>>)
    %dma_wait3A_85 = tpu.memref_slice %arg5[%add3A_64] : memref<262144xi32, #tpu.memory_space<hbm>> -> memref<8192xi32, #tpu.memory_space<hbm>>
    %dma_wait3A_86 = tpu.memref_slice %arg5[%add3A_64] : memref<262144xi32, #tpu.memory_space<hbm>> -> memref<8192xi32, #tpu.memory_space<hbm>>
    tpu.wait_dma2 semaphore(%arg34 : memref<!tpu.dma_semaphore, #tpu.memory_space<semaphore_mem>>) src(%dma_wait3A_86 : memref<8192xi32, #tpu.memory_space<hbm>>) dst(%arg14 : memref<8192xi32, #tpu.memory_space<vmem>>)
    %dma_wait3A_87 = tpu.memref_slice %arg3[%add3A_69] : memref<262144xi32, #tpu.memory_space<hbm>> -> memref<8192xi32, #tpu.memory_space<hbm>>
    %dma_wait3A_88 = tpu.memref_slice %arg3[%add3A_69] : memref<262144xi32, #tpu.memory_space<hbm>> -> memref<8192xi32, #tpu.memory_space<hbm>>
    tpu.wait_dma2 semaphore(%arg34 : memref<!tpu.dma_semaphore, #tpu.memory_space<semaphore_mem>>) src(%dma_wait3A_88 : memref<8192xi32, #tpu.memory_space<hbm>>) dst(%arg15 : memref<8192xi32, #tpu.memory_space<vmem>>)
    %broadcast_in_dim3A = arith.constant 0.000000e+00 : f32
    %broadcast_in_dim3A_89 = vector.broadcast %broadcast_in_dim3A : f32 to vector<16xf32>
    %scan3A = arith.constant 0 : i32
    %scan3A_90 = arith.constant 512 : i32
    %scan3A_91 = arith.addi %scan3A, %scan3A_90 : i32
    %scan3A_92 = arith.constant 1 : i32
    %scan3A_93:29 = scf.for %scan3A_1740 = %scan3A to %scan3A_91 step %scan3A_92 iter_args(%scan3A_1741 = %broadcast_in_dim3A_89, %scan3A_1742 = %broadcast_in_dim3A_89, %scan3A_1743 = %broadcast_in_dim3A_89, %scan3A_1744 = %broadcast_in_dim3A_89, %scan3A_1745 = %broadcast_in_dim3A_89, %scan3A_1746 = %broadcast_in_dim3A_89, %scan3A_1747 = %broadcast_in_dim3A_89, %scan3A_1748 = %broadcast_in_dim3A_89, %scan3A_1749 = %broadcast_in_dim3A_89, %scan3A_1750 = %broadcast_in_dim3A_89, %scan3A_1751 = %broadcast_in_dim3A_89, %scan3A_1752 = %broadcast_in_dim3A_89, %scan3A_1753 = %broadcast_in_dim3A_89, %scan3A_1754 = %broadcast_in_dim3A_89, %scan3A_1755 = %broadcast_in_dim3A_89, %scan3A_1756 = %broadcast_in_dim3A_89, %scan3A_1757 = %broadcast_in_dim3A_89, %scan3A_1758 = %broadcast_in_dim3A_89, %scan3A_1759 = %broadcast_in_dim3A_89, %scan3A_1760 = %broadcast_in_dim3A_89, %scan3A_1761 = %broadcast_in_dim3A_89, %scan3A_1762 = %broadcast_in_dim3A_89, %scan3A_1763 = %broadcast_in_dim3A_89, %scan3A_1764 = %broadcast_in_dim3A_89, %scan3A_1765 = %broadcast_in_dim3A_89, %scan3A_1766 = %broadcast_in_dim3A_89, %scan3A_1767 = %broadcast_in_dim3A_89, %scan3A_1768 = %broadcast_in_dim3A_89, %scan3A_1769 = %broadcast_in_dim3A_89) -> (vector<16xf32>, vector<16xf32>, vector<16xf32>, vector<16xf32>, vector<16xf32>, vector<16xf32>, vector<16xf32>, vector<16xf32>, vector<16xf32>, vector<16xf32>, vector<16xf32>, vector<16xf32>, vector<16xf32>, vector<16xf32>, vector<16xf32>, vector<16xf32>, vector<16xf32>, vector<16xf32>, vector<16xf32>, vector<16xf32>, vector<16xf32>, vector<16xf32>, vector<16xf32>, vector<16xf32>, vector<16xf32>, vector<16xf32>, vector<16xf32>, vector<16xf32>, vector<16xf32>)  : i32 {
      %mul3A_1770 = arith.constant 16 : i32
      %mul3A_1771 = arith.muli %scan3A_1740, %mul3A_1770 : i32
      %get3A = arith.index_cast %mul3A_1771 : i32 to index
      %get3A_1772 = tpu.vector_load %arg14[%get3A] {strides = array<i32>} : memref<8192xi32, #tpu.memory_space<vmem>>, vector<16xi32>,
      %get3A_1773 = arith.index_cast %mul3A_1771 : i32 to index
      %get3A_1774 = tpu.vector_load %arg7[%get3A_1773] {strides = array<i32>} : memref<8192xf32, #tpu.memory_space<vmem>>, vector<16xf32>,
      %get3A_1775 = arith.index_cast %mul3A_1771 : i32 to index
      %get3A_1776 = tpu.vector_load %arg8[%get3A_1775] {strides = array<i32>} : memref<8192xf32, #tpu.memory_space<vmem>>, vector<16xf32>,
      %get3A_1777 = arith.index_cast %mul3A_1771 : i32 to index
      %get3A_1778 = tpu.vector_load %arg9[%get3A_1777] {strides = array<i32>} : memref<8192xf32, #tpu.memory_space<vmem>>, vector<16xf32>,
      %get3A_1779 = arith.index_cast %mul3A_1771 : i32 to index
      %get3A_1780 = tpu.vector_load %arg10[%get3A_1779] {strides = array<i32>} : memref<8192xf32, #tpu.memory_space<vmem>>, vector<16xf32>,
      %get3A_1781 = arith.index_cast %mul3A_1771 : i32 to index
      %get3A_1782 = tpu.vector_load %arg11[%get3A_1781] {strides = array<i32>} : memref<8192xf32, #tpu.memory_space<vmem>>, vector<16xf32>,
      %add3A_1783 = arith.addf %scan3A_1765, %get3A_1774 : vector<16xf32>
      %add3A_1784 = arith.addf %scan3A_1766, %get3A_1776 : vector<16xf32>
      %add3A_1785 = arith.addf %scan3A_1767, %get3A_1778 : vector<16xf32>
      %add3A_1786 = arith.addf %scan3A_1768, %get3A_1780 : vector<16xf32>
      %add3A_1787 = arith.addf %scan3A_1769, %get3A_1782 : vector<16xf32>
      %eq3A_1788 = arith.constant 1 : i32
      %eq3A_1789 = vector.broadcast %eq3A_1788 : i32 to vector<16xi32>
      %eq3A_1790 = arith.cmpi eq, %get3A_1772, %eq3A_1789 : vector<16xi32>
      %jit3A_1791 = arith.constant 1.000000e+00 : f32
      %jit3A_1792 = arith.constant 0.000000e+00 : f32
      %broadcast_in_dim3A_1793 = vector.broadcast %jit3A_1791 : f32 to vector<16xf32>
      %broadcast_in_dim3A_1794 = vector.broadcast %jit3A_1792 : f32 to vector<16xf32>
      %select_n3A_1795 = arith.select %eq3A_1790, %broadcast_in_dim3A_1793, %broadcast_in_dim3A_1794 : vector<16xi1>, vector<16xf32>
      %add3A_1796 = arith.addf %scan3A_1741, %select_n3A_1795 : vector<16xf32>
      %jit3A_1797 = arith.constant 0.000000e+00 : f32
      %broadcast_in_dim3A_1798 = vector.broadcast %jit3A_1797 : f32 to vector<16xf32>
      %select_n3A_1799 = arith.select %eq3A_1790, %get3A_1774, %broadcast_in_dim3A_1798 : vector<16xi1>, vector<16xf32>
      %add3A_1800 = arith.addf %scan3A_1745, %select_n3A_1799 : vector<16xf32>
      %jit3A_1801 = arith.constant 0.000000e+00 : f32
      %broadcast_in_dim3A_1802 = vector.broadcast %jit3A_1801 : f32 to vector<16xf32>
      %select_n3A_1803 = arith.select %eq3A_1790, %get3A_1776, %broadcast_in_dim3A_1802 : vector<16xi1>, vector<16xf32>
      %add3A_1804 = arith.addf %scan3A_1746, %select_n3A_1803 : vector<16xf32>
      %jit3A_1805 = arith.constant 0.000000e+00 : f32
      %broadcast_in_dim3A_1806 = vector.broadcast %jit3A_1805 : f32 to vector<16xf32>
      %select_n3A_1807 = arith.select %eq3A_1790, %get3A_1778, %broadcast_in_dim3A_1806 : vector<16xi1>, vector<16xf32>
      %add3A_1808 = arith.addf %scan3A_1747, %select_n3A_1807 : vector<16xf32>
      %jit3A_1809 = arith.constant 0.000000e+00 : f32
      %broadcast_in_dim3A_1810 = vector.broadcast %jit3A_1809 : f32 to vector<16xf32>
      %select_n3A_1811 = arith.select %eq3A_1790, %get3A_1780, %broadcast_in_dim3A_1810 : vector<16xi1>, vector<16xf32>
      %add3A_1812 = arith.addf %scan3A_1748, %select_n3A_1811 : vector<16xf32>
      %jit3A_1813 = arith.constant 0.000000e+00 : f32
      %broadcast_in_dim3A_1814 = vector.broadcast %jit3A_1813 : f32 to vector<16xf32>
      %select_n3A_1815 = arith.select %eq3A_1790, %get3A_1782, %broadcast_in_dim3A_1814 : vector<16xi1>, vector<16xf32>
      %add3A_1816 = arith.addf %scan3A_1749, %select_n3A_1815 : vector<16xf32>
      %eq3A_1817 = arith.constant 2 : i32
      %eq3A_1818 = vector.broadcast %eq3A_1817 : i32 to vector<16xi32>
      %eq3A_1819 = arith.cmpi eq, %get3A_1772, %eq3A_1818 : vector<16xi32>
      %jit3A_1820 = arith.constant 1.000000e+00 : f32
      %jit3A_1821 = arith.constant 0.000000e+00 : f32
      %broadcast_in_dim3A_1822 = vector.broadcast %jit3A_1820 : f32 to vector<16xf32>
      %broadcast_in_dim3A_1823 = vector.broadcast %jit3A_1821 : f32 to vector<16xf32>
      %select_n3A_1824 = arith.select %eq3A_1819, %broadcast_in_dim3A_1822, %broadcast_in_dim3A_1823 : vector<16xi1>, vector<16xf32>
      %add3A_1825 = arith.addf %scan3A_1742, %select_n3A_1824 : vector<16xf32>
      %jit3A_1826 = arith.constant 0.000000e+00 : f32
      %broadcast_in_dim3A_1827 = vector.broadcast %jit3A_1826 : f32 to vector<16xf32>
      %select_n3A_1828 = arith.select %eq3A_1819, %get3A_1774, %broadcast_in_dim3A_1827 : vector<16xi1>, vector<16xf32>
      %add3A_1829 = arith.addf %scan3A_1750, %select_n3A_1828 : vector<16xf32>
      %jit3A_1830 = arith.constant 0.000000e+00 : f32
      %broadcast_in_dim3A_1831 = vector.broadcast %jit3A_1830 : f32 to vector<16xf32>
      %select_n3A_1832 = arith.select %eq3A_1819, %get3A_1776, %broadcast_in_dim3A_1831 : vector<16xi1>, vector<16xf32>
      %add3A_1833 = arith.addf %scan3A_1751, %select_n3A_1832 : vector<16xf32>
      %jit3A_1834 = arith.constant 0.000000e+00 : f32
      %broadcast_in_dim3A_1835 = vector.broadcast %jit3A_1834 : f32 to vector<16xf32>
      %select_n3A_1836 = arith.select %eq3A_1819, %get3A_1778, %broadcast_in_dim3A_1835 : vector<16xi1>, vector<16xf32>
      %add3A_1837 = arith.addf %scan3A_1752, %select_n3A_1836 : vector<16xf32>
      %jit3A_1838 = arith.constant 0.000000e+00 : f32
      %broadcast_in_dim3A_1839 = vector.broadcast %jit3A_1838 : f32 to vector<16xf32>
      %select_n3A_1840 = arith.select %eq3A_1819, %get3A_1780, %broadcast_in_dim3A_1839 : vector<16xi1>, vector<16xf32>
      %add3A_1841 = arith.addf %scan3A_1753, %select_n3A_1840 : vector<16xf32>
      %jit3A_1842 = arith.constant 0.000000e+00 : f32
      %broadcast_in_dim3A_1843 = vector.broadcast %jit3A_1842 : f32 to vector<16xf32>
      %select_n3A_1844 = arith.select %eq3A_1819, %get3A_1782, %broadcast_in_dim3A_1843 : vector<16xi1>, vector<16xf32>
      %add3A_1845 = arith.addf %scan3A_1754, %select_n3A_1844 : vector<16xf32>
      %eq3A_1846 = arith.constant 3 : i32
      %eq3A_1847 = vector.broadcast %eq3A_1846 : i32 to vector<16xi32>
      %eq3A_1848 = arith.cmpi eq, %get3A_1772, %eq3A_1847 : vector<16xi32>
      %jit3A_1849 = arith.constant 1.000000e+00 : f32
      %jit3A_1850 = arith.constant 0.000000e+00 : f32
      %broadcast_in_dim3A_1851 = vector.broadcast %jit3A_1849 : f32 to vector<16xf32>
      %broadcast_in_dim3A_1852 = vector.broadcast %jit3A_1850 : f32 to vector<16xf32>
      %select_n3A_1853 = arith.select %eq3A_1848, %broadcast_in_dim3A_1851, %broadcast_in_dim3A_1852 : vector<16xi1>, vector<16xf32>
      %add3A_1854 = arith.addf %scan3A_1743, %select_n3A_1853 : vector<16xf32>
      %jit3A_1855 = arith.constant 0.000000e+00 : f32
      %broadcast_in_dim3A_1856 = vector.broadcast %jit3A_1855 : f32 to vector<16xf32>
      %select_n3A_1857 = arith.select %eq3A_1848, %get3A_1774, %broadcast_in_dim3A_1856 : vector<16xi1>, vector<16xf32>
      %add3A_1858 = arith.addf %scan3A_1755, %select_n3A_1857 : vector<16xf32>
      %jit3A_1859 = arith.constant 0.000000e+00 : f32
      %broadcast_in_dim3A_1860 = vector.broadcast %jit3A_1859 : f32 to vector<16xf32>
      %select_n3A_1861 = arith.select %eq3A_1848, %get3A_1776, %broadcast_in_dim3A_1860 : vector<16xi1>, vector<16xf32>
      %add3A_1862 = arith.addf %scan3A_1756, %select_n3A_1861 : vector<16xf32>
      %jit3A_1863 = arith.constant 0.000000e+00 : f32
      %broadcast_in_dim3A_1864 = vector.broadcast %jit3A_1863 : f32 to vector<16xf32>
      %select_n3A_1865 = arith.select %eq3A_1848, %get3A_1778, %broadcast_in_dim3A_1864 : vector<16xi1>, vector<16xf32>
      %add3A_1866 = arith.addf %scan3A_1757, %select_n3A_1865 : vector<16xf32>
      %jit3A_1867 = arith.constant 0.000000e+00 : f32
      %broadcast_in_dim3A_1868 = vector.broadcast %jit3A_1867 : f32 to vector<16xf32>
      %select_n3A_1869 = arith.select %eq3A_1848, %get3A_1780, %broadcast_in_dim3A_1868 : vector<16xi1>, vector<16xf32>
      %add3A_1870 = arith.addf %scan3A_1758, %select_n3A_1869 : vector<16xf32>
      %jit3A_1871 = arith.constant 0.000000e+00 : f32
      %broadcast_in_dim3A_1872 = vector.broadcast %jit3A_1871 : f32 to vector<16xf32>
      %select_n3A_1873 = arith.select %eq3A_1848, %get3A_1782, %broadcast_in_dim3A_1872 : vector<16xi1>, vector<16xf32>
      %add3A_1874 = arith.addf %scan3A_1759, %select_n3A_1873 : vector<16xf32>
      %eq3A_1875 = arith.constant 4 : i32
      %eq3A_1876 = vector.broadcast %eq3A_1875 : i32 to vector<16xi32>
      %eq3A_1877 = arith.cmpi eq, %get3A_1772, %eq3A_1876 : vector<16xi32>
      %jit3A_1878 = arith.constant 1.000000e+00 : f32
      %jit3A_1879 = arith.constant 0.000000e+00 : f32
      %broadcast_in_dim3A_1880 = vector.broadcast %jit3A_1878 : f32 to vector<16xf32>
      %broadcast_in_dim3A_1881 = vector.broadcast %jit3A_1879 : f32 to vector<16xf32>
      %select_n3A_1882 = arith.select %eq3A_1877, %broadcast_in_dim3A_1880, %broadcast_in_dim3A_1881 : vector<16xi1>, vector<16xf32>
      %add3A_1883 = arith.addf %scan3A_1744, %select_n3A_1882 : vector<16xf32>
      %jit3A_1884 = arith.constant 0.000000e+00 : f32
      %broadcast_in_dim3A_1885 = vector.broadcast %jit3A_1884 : f32 to vector<16xf32>
      %select_n3A_1886 = arith.select %eq3A_1877, %get3A_1774, %broadcast_in_dim3A_1885 : vector<16xi1>, vector<16xf32>
      %add3A_1887 = arith.addf %scan3A_1760, %select_n3A_1886 : vector<16xf32>
      %jit3A_1888 = arith.constant 0.000000e+00 : f32
      %broadcast_in_dim3A_1889 = vector.broadcast %jit3A_1888 : f32 to vector<16xf32>
      %select_n3A_1890 = arith.select %eq3A_1877, %get3A_1776, %broadcast_in_dim3A_1889 : vector<16xi1>, vector<16xf32>
      %add3A_1891 = arith.addf %scan3A_1761, %select_n3A_1890 : vector<16xf32>
      %jit3A_1892 = arith.constant 0.000000e+00 : f32
      %broadcast_in_dim3A_1893 = vector.broadcast %jit3A_1892 : f32 to vector<16xf32>
      %select_n3A_1894 = arith.select %eq3A_1877, %get3A_1778, %broadcast_in_dim3A_1893 : vector<16xi1>, vector<16xf32>
      %add3A_1895 = arith.addf %scan3A_1762, %select_n3A_1894 : vector<16xf32>
      %jit3A_1896 = arith.constant 0.000000e+00 : f32
      %broadcast_in_dim3A_1897 = vector.broadcast %jit3A_1896 : f32 to vector<16xf32>
      %select_n3A_1898 = arith.select %eq3A_1877, %get3A_1780, %broadcast_in_dim3A_1897 : vector<16xi1>, vector<16xf32>
      %add3A_1899 = arith.addf %scan3A_1763, %select_n3A_1898 : vector<16xf32>
      %jit3A_1900 = arith.constant 0.000000e+00 : f32
      %broadcast_in_dim3A_1901 = vector.broadcast %jit3A_1900 : f32 to vector<16xf32>
      %select_n3A_1902 = arith.select %eq3A_1877, %get3A_1782, %broadcast_in_dim3A_1901 : vector<16xi1>, vector<16xf32>
      %add3A_1903 = arith.addf %scan3A_1764, %select_n3A_1902 : vector<16xf32>
      scf.yield %add3A_1796, %add3A_1825, %add3A_1854, %add3A_1883, %add3A_1800, %add3A_1804, %add3A_1808, %add3A_1812, %add3A_1816, %add3A_1829, %add3A_1833, %add3A_1837, %add3A_1841, %add3A_1845, %add3A_1858, %add3A_1862, %add3A_1866, %add3A_1870, %add3A_1874, %add3A_1887, %add3A_1891, %add3A_1895, %add3A_1899, %add3A_1903, %add3A_1783, %add3A_1784, %add3A_1785, %add3A_1786, %add3A_1787 : vector<16xf32>, vector<16xf32>, vector<16xf32>, vector<16xf32>, vector<16xf32>, vector<16xf32>, vector<16xf32>, vector<16xf32>, vector<16xf32>, vector<16xf32>, vector<16xf32>, vector<16xf32>, vector<16xf32>, vector<16xf32>, vector<16xf32>, vector<16xf32>, vector<16xf32>, vector<16xf32>, vector<16xf32>, vector<16xf32>, vector<16xf32>, vector<16xf32>, vector<16xf32>, vector<16xf32>, vector<16xf32>, vector<16xf32>, vector<16xf32>, vector<16xf32>, vector<16xf32>
    }
    %scan3A_94 = arith.constant 512 : i32
    %iota3A_95 = tpu.iota {dimensions = array<i32: 0>} : vector<16xi32>
    %swap3A = arith.constant 0 : index
    %swap3A_96 = tpu.vector_load %arg33[%swap3A] {strides = array<i32>} : memref<16xf32, #tpu.memory_space<vmem>>, vector<16xf32>,
    tpu.vector_store %arg33[%swap3A], %scan3A_93#0 {strides = array<i32>} : memref<16xf32, #tpu.memory_space<vmem>>, vector<16xf32>,
    %xor3A = arith.constant 8 : i32
    %xor3A_97 = vector.broadcast %xor3A : i32 to vector<16xi32>
    %xor3A_98 = arith.xori %iota3A_95, %xor3A_97 : vector<16xi32>
    %gather3A = tpu.vector_load_idx %arg33[%xor3A_98] : memref<16xf32, #tpu.memory_space<vmem>>[vector<16xi32>], vector<16xf32>,
    %add3A_99 = arith.addf %scan3A_93#0, %gather3A : vector<16xf32>
    %swap3A_100 = arith.constant 0 : index
    %swap3A_101 = tpu.vector_load %arg33[%swap3A_100] {strides = array<i32>} : memref<16xf32, #tpu.memory_space<vmem>>, vector<16xf32>,
    tpu.vector_store %arg33[%swap3A_100], %add3A_99 {strides = array<i32>} : memref<16xf32, #tpu.memory_space<vmem>>, vector<16xf32>,
    %xor3A_102 = arith.constant 4 : i32
    %xor3A_103 = vector.broadcast %xor3A_102 : i32 to vector<16xi32>
    %xor3A_104 = arith.xori %iota3A_95, %xor3A_103 : vector<16xi32>
    %gather3A_105 = tpu.vector_load_idx %arg33[%xor3A_104] : memref<16xf32, #tpu.memory_space<vmem>>[vector<16xi32>], vector<16xf32>,
    %add3A_106 = arith.addf %add3A_99, %gather3A_105 : vector<16xf32>
    %swap3A_107 = arith.constant 0 : index
    %swap3A_108 = tpu.vector_load %arg33[%swap3A_107] {strides = array<i32>} : memref<16xf32, #tpu.memory_space<vmem>>, vector<16xf32>,
    tpu.vector_store %arg33[%swap3A_107], %add3A_106 {strides = array<i32>} : memref<16xf32, #tpu.memory_space<vmem>>, vector<16xf32>,
    %xor3A_109 = arith.constant 2 : i32
    %xor3A_110 = vector.broadcast %xor3A_109 : i32 to vector<16xi32>
    %xor3A_111 = arith.xori %iota3A_95, %xor3A_110 : vector<16xi32>
    %gather3A_112 = tpu.vector_load_idx %arg33[%xor3A_111] : memref<16xf32, #tpu.memory_space<vmem>>[vector<16xi32>], vector<16xf32>,
    %add3A_113 = arith.addf %add3A_106, %gather3A_112 : vector<16xf32>
    %swap3A_114 = arith.constant 0 : index
    %swap3A_115 = tpu.vector_load %arg33[%swap3A_114] {strides = array<i32>} : memref<16xf32, #tpu.memory_space<vmem>>, vector<16xf32>,
    tpu.vector_store %arg33[%swap3A_114], %add3A_113 {strides = array<i32>} : memref<16xf32, #tpu.memory_space<vmem>>, vector<16xf32>,
    %xor3A_116 = arith.constant 1 : i32
    %xor3A_117 = vector.broadcast %xor3A_116 : i32 to vector<16xi32>
    %xor3A_118 = arith.xori %iota3A_95, %xor3A_117 : vector<16xi32>
    %gather3A_119 = tpu.vector_load_idx %arg33[%xor3A_118] : memref<16xf32, #tpu.memory_space<vmem>>[vector<16xi32>], vector<16xf32>,
    %add3A_120 = arith.addf %add3A_113, %gather3A_119 : vector<16xf32>
    %iota3A_121 = tpu.iota {dimensions = array<i32: 0>} : vector<16xi32>
    %swap3A_122 = arith.constant 0 : index
    %swap3A_123 = tpu.vector_load %arg33[%swap3A_122] {strides = array<i32>} : memref<16xf32, #tpu.memory_space<vmem>>, vector<16xf32>,
    tpu.vector_store %arg33[%swap3A_122], %scan3A_93#1 {strides = array<i32>} : memref<16xf32, #tpu.memory_space<vmem>>, vector<16xf32>,
    %xor3A_124 = arith.constant 8 : i32
    %xor3A_125 = vector.broadcast %xor3A_124 : i32 to vector<16xi32>
    %xor3A_126 = arith.xori %iota3A_121, %xor3A_125 : vector<16xi32>
    %gather3A_127 = tpu.vector_load_idx %arg33[%xor3A_126] : memref<16xf32, #tpu.memory_space<vmem>>[vector<16xi32>], vector<16xf32>,
    %add3A_128 = arith.addf %scan3A_93#1, %gather3A_127 : vector<16xf32>
    %swap3A_129 = arith.constant 0 : index
    %swap3A_130 = tpu.vector_load %arg33[%swap3A_129] {strides = array<i32>} : memref<16xf32, #tpu.memory_space<vmem>>, vector<16xf32>,
    tpu.vector_store %arg33[%swap3A_129], %add3A_128 {strides = array<i32>} : memref<16xf32, #tpu.memory_space<vmem>>, vector<16xf32>,
    %xor3A_131 = arith.constant 4 : i32
    %xor3A_132 = vector.broadcast %xor3A_131 : i32 to vector<16xi32>
    %xor3A_133 = arith.xori %iota3A_121, %xor3A_132 : vector<16xi32>
    %gather3A_134 = tpu.vector_load_idx %arg33[%xor3A_133] : memref<16xf32, #tpu.memory_space<vmem>>[vector<16xi32>], vector<16xf32>,
    %add3A_135 = arith.addf %add3A_128, %gather3A_134 : vector<16xf32>
    %swap3A_136 = arith.constant 0 : index
    %swap3A_137 = tpu.vector_load %arg33[%swap3A_136] {strides = array<i32>} : memref<16xf32, #tpu.memory_space<vmem>>, vector<16xf32>,
    tpu.vector_store %arg33[%swap3A_136], %add3A_135 {strides = array<i32>} : memref<16xf32, #tpu.memory_space<vmem>>, vector<16xf32>,
    %xor3A_138 = arith.constant 2 : i32
    %xor3A_139 = vector.broadcast %xor3A_138 : i32 to vector<16xi32>
    %xor3A_140 = arith.xori %iota3A_121, %xor3A_139 : vector<16xi32>
    %gather3A_141 = tpu.vector_load_idx %arg33[%xor3A_140] : memref<16xf32, #tpu.memory_space<vmem>>[vector<16xi32>], vector<16xf32>,
    %add3A_142 = arith.addf %add3A_135, %gather3A_141 : vector<16xf32>
    %swap3A_143 = arith.constant 0 : index
    %swap3A_144 = tpu.vector_load %arg33[%swap3A_143] {strides = array<i32>} : memref<16xf32, #tpu.memory_space<vmem>>, vector<16xf32>,
    tpu.vector_store %arg33[%swap3A_143], %add3A_142 {strides = array<i32>} : memref<16xf32, #tpu.memory_space<vmem>>, vector<16xf32>,
    %xor3A_145 = arith.constant 1 : i32
    %xor3A_146 = vector.broadcast %xor3A_145 : i32 to vector<16xi32>
    %xor3A_147 = arith.xori %iota3A_121, %xor3A_146 : vector<16xi32>
    %gather3A_148 = tpu.vector_load_idx %arg33[%xor3A_147] : memref<16xf32, #tpu.memory_space<vmem>>[vector<16xi32>], vector<16xf32>,
    %add3A_149 = arith.addf %add3A_142, %gather3A_148 : vector<16xf32>
    %iota3A_150 = tpu.iota {dimensions = array<i32: 0>} : vector<16xi32>
    %swap3A_151 = arith.constant 0 : index
    %swap3A_152 = tpu.vector_load %arg33[%swap3A_151] {strides = array<i32>} : memref<16xf32, #tpu.memory_space<vmem>>, vector<16xf32>,
    tpu.vector_store %arg33[%swap3A_151], %scan3A_93#2 {strides = array<i32>} : memref<16xf32, #tpu.memory_space<vmem>>, vector<16xf32>,
    %xor3A_153 = arith.constant 8 : i32
    %xor3A_154 = vector.broadcast %xor3A_153 : i32 to vector<16xi32>
    %xor3A_155 = arith.xori %iota3A_150, %xor3A_154 : vector<16xi32>
    %gather3A_156 = tpu.vector_load_idx %arg33[%xor3A_155] : memref<16xf32, #tpu.memory_space<vmem>>[vector<16xi32>], vector<16xf32>,
    %add3A_157 = arith.addf %scan3A_93#2, %gather3A_156 : vector<16xf32>
    %swap3A_158 = arith.constant 0 : index
    %swap3A_159 = tpu.vector_load %arg33[%swap3A_158] {strides = array<i32>} : memref<16xf32, #tpu.memory_space<vmem>>, vector<16xf32>,
    tpu.vector_store %arg33[%swap3A_158], %add3A_157 {strides = array<i32>} : memref<16xf32, #tpu.memory_space<vmem>>, vector<16xf32>,
    %xor3A_160 = arith.constant 4 : i32
    %xor3A_161 = vector.broadcast %xor3A_160 : i32 to vector<16xi32>
    %xor3A_162 = arith.xori %iota3A_150, %xor3A_161 : vector<16xi32>
    %gather3A_163 = tpu.vector_load_idx %arg33[%xor3A_162] : memref<16xf32, #tpu.memory_space<vmem>>[vector<16xi32>], vector<16xf32>,
    %add3A_164 = arith.addf %add3A_157, %gather3A_163 : vector<16xf32>
    %swap3A_165 = arith.constant 0 : index
    %swap3A_166 = tpu.vector_load %arg33[%swap3A_165] {strides = array<i32>} : memref<16xf32, #tpu.memory_space<vmem>>, vector<16xf32>,
    tpu.vector_store %arg33[%swap3A_165], %add3A_164 {strides = array<i32>} : memref<16xf32, #tpu.memory_space<vmem>>, vector<16xf32>,
    %xor3A_167 = arith.constant 2 : i32
    %xor3A_168 = vector.broadcast %xor3A_167 : i32 to vector<16xi32>
    %xor3A_169 = arith.xori %iota3A_150, %xor3A_168 : vector<16xi32>
    %gather3A_170 = tpu.vector_load_idx %arg33[%xor3A_169] : memref<16xf32, #tpu.memory_space<vmem>>[vector<16xi32>], vector<16xf32>,
    %add3A_171 = arith.addf %add3A_164, %gather3A_170 : vector<16xf32>
    %swap3A_172 = arith.constant 0 : index
    %swap3A_173 = tpu.vector_load %arg33[%swap3A_172] {strides = array<i32>} : memref<16xf32, #tpu.memory_space<vmem>>, vector<16xf32>,
    tpu.vector_store %arg33[%swap3A_172], %add3A_171 {strides = array<i32>} : memref<16xf32, #tpu.memory_space<vmem>>, vector<16xf32>,
    %xor3A_174 = arith.constant 1 : i32
    %xor3A_175 = vector.broadcast %xor3A_174 : i32 to vector<16xi32>
    %xor3A_176 = arith.xori %iota3A_150, %xor3A_175 : vector<16xi32>
    %gather3A_177 = tpu.vector_load_idx %arg33[%xor3A_176] : memref<16xf32, #tpu.memory_space<vmem>>[vector<16xi32>], vector<16xf32>,
    %add3A_178 = arith.addf %add3A_171, %gather3A_177 : vector<16xf32>
    %iota3A_179 = tpu.iota {dimensions = array<i32: 0>} : vector<16xi32>
    %swap3A_180 = arith.constant 0 : index
    %swap3A_181 = tpu.vector_load %arg33[%swap3A_180] {strides = array<i32>} : memref<16xf32, #tpu.memory_space<vmem>>, vector<16xf32>,
    tpu.vector_store %arg33[%swap3A_180], %scan3A_93#3 {strides = array<i32>} : memref<16xf32, #tpu.memory_space<vmem>>, vector<16xf32>,
    %xor3A_182 = arith.constant 8 : i32
    %xor3A_183 = vector.broadcast %xor3A_182 : i32 to vector<16xi32>
    %xor3A_184 = arith.xori %iota3A_179, %xor3A_183 : vector<16xi32>
    %gather3A_185 = tpu.vector_load_idx %arg33[%xor3A_184] : memref<16xf32, #tpu.memory_space<vmem>>[vector<16xi32>], vector<16xf32>,
    %add3A_186 = arith.addf %scan3A_93#3, %gather3A_185 : vector<16xf32>
    %swap3A_187 = arith.constant 0 : index
    %swap3A_188 = tpu.vector_load %arg33[%swap3A_187] {strides = array<i32>} : memref<16xf32, #tpu.memory_space<vmem>>, vector<16xf32>,
    tpu.vector_store %arg33[%swap3A_187], %add3A_186 {strides = array<i32>} : memref<16xf32, #tpu.memory_space<vmem>>, vector<16xf32>,
    %xor3A_189 = arith.constant 4 : i32
    %xor3A_190 = vector.broadcast %xor3A_189 : i32 to vector<16xi32>
    %xor3A_191 = arith.xori %iota3A_179, %xor3A_190 : vector<16xi32>
    %gather3A_192 = tpu.vector_load_idx %arg33[%xor3A_191] : memref<16xf32, #tpu.memory_space<vmem>>[vector<16xi32>], vector<16xf32>,
    %add3A_193 = arith.addf %add3A_186, %gather3A_192 : vector<16xf32>
    %swap3A_194 = arith.constant 0 : index
    %swap3A_195 = tpu.vector_load %arg33[%swap3A_194] {strides = array<i32>} : memref<16xf32, #tpu.memory_space<vmem>>, vector<16xf32>,
    tpu.vector_store %arg33[%swap3A_194], %add3A_193 {strides = array<i32>} : memref<16xf32, #tpu.memory_space<vmem>>, vector<16xf32>,
    %xor3A_196 = arith.constant 2 : i32
    %xor3A_197 = vector.broadcast %xor3A_196 : i32 to vector<16xi32>
    %xor3A_198 = arith.xori %iota3A_179, %xor3A_197 : vector<16xi32>
    %gather3A_199 = tpu.vector_load_idx %arg33[%xor3A_198] : memref<16xf32, #tpu.memory_space<vmem>>[vector<16xi32>], vector<16xf32>,
    %add3A_200 = arith.addf %add3A_193, %gather3A_199 : vector<16xf32>
    %swap3A_201 = arith.constant 0 : index
    %swap3A_202 = tpu.vector_load %arg33[%swap3A_201] {strides = array<i32>} : memref<16xf32, #tpu.memory_space<vmem>>, vector<16xf32>,
    tpu.vector_store %arg33[%swap3A_201], %add3A_200 {strides = array<i32>} : memref<16xf32, #tpu.memory_space<vmem>>, vector<16xf32>,
    %xor3A_203 = arith.constant 1 : i32
    %xor3A_204 = vector.broadcast %xor3A_203 : i32 to vector<16xi32>
    %xor3A_205 = arith.xori %iota3A_179, %xor3A_204 : vector<16xi32>
    %gather3A_206 = tpu.vector_load_idx %arg33[%xor3A_205] : memref<16xf32, #tpu.memory_space<vmem>>[vector<16xi32>], vector<16xf32>,
    %add3A_207 = arith.addf %add3A_200, %gather3A_206 : vector<16xf32>
    %iota3A_208 = tpu.iota {dimensions = array<i32: 0>} : vector<16xi32>
    %swap3A_209 = arith.constant 0 : index
    %swap3A_210 = tpu.vector_load %arg33[%swap3A_209] {strides = array<i32>} : memref<16xf32, #tpu.memory_space<vmem>>, vector<16xf32>,
    tpu.vector_store %arg33[%swap3A_209], %scan3A_93#4 {strides = array<i32>} : memref<16xf32, #tpu.memory_space<vmem>>, vector<16xf32>,
    %xor3A_211 = arith.constant 8 : i32
    %xor3A_212 = vector.broadcast %xor3A_211 : i32 to vector<16xi32>
    %xor3A_213 = arith.xori %iota3A_208, %xor3A_212 : vector<16xi32>
    %gather3A_214 = tpu.vector_load_idx %arg33[%xor3A_213] : memref<16xf32, #tpu.memory_space<vmem>>[vector<16xi32>], vector<16xf32>,
    %add3A_215 = arith.addf %scan3A_93#4, %gather3A_214 : vector<16xf32>
    %swap3A_216 = arith.constant 0 : index
    %swap3A_217 = tpu.vector_load %arg33[%swap3A_216] {strides = array<i32>} : memref<16xf32, #tpu.memory_space<vmem>>, vector<16xf32>,
    tpu.vector_store %arg33[%swap3A_216], %add3A_215 {strides = array<i32>} : memref<16xf32, #tpu.memory_space<vmem>>, vector<16xf32>,
    %xor3A_218 = arith.constant 4 : i32
    %xor3A_219 = vector.broadcast %xor3A_218 : i32 to vector<16xi32>
    %xor3A_220 = arith.xori %iota3A_208, %xor3A_219 : vector<16xi32>
    %gather3A_221 = tpu.vector_load_idx %arg33[%xor3A_220] : memref<16xf32, #tpu.memory_space<vmem>>[vector<16xi32>], vector<16xf32>,
    %add3A_222 = arith.addf %add3A_215, %gather3A_221 : vector<16xf32>
    %swap3A_223 = arith.constant 0 : index
    %swap3A_224 = tpu.vector_load %arg33[%swap3A_223] {strides = array<i32>} : memref<16xf32, #tpu.memory_space<vmem>>, vector<16xf32>,
    tpu.vector_store %arg33[%swap3A_223], %add3A_222 {strides = array<i32>} : memref<16xf32, #tpu.memory_space<vmem>>, vector<16xf32>,
    %xor3A_225 = arith.constant 2 : i32
    %xor3A_226 = vector.broadcast %xor3A_225 : i32 to vector<16xi32>
    %xor3A_227 = arith.xori %iota3A_208, %xor3A_226 : vector<16xi32>
    %gather3A_228 = tpu.vector_load_idx %arg33[%xor3A_227] : memref<16xf32, #tpu.memory_space<vmem>>[vector<16xi32>], vector<16xf32>,
    %add3A_229 = arith.addf %add3A_222, %gather3A_228 : vector<16xf32>
    %swap3A_230 = arith.constant 0 : index
    %swap3A_231 = tpu.vector_load %arg33[%swap3A_230] {strides = array<i32>} : memref<16xf32, #tpu.memory_space<vmem>>, vector<16xf32>,
    tpu.vector_store %arg33[%swap3A_230], %add3A_229 {strides = array<i32>} : memref<16xf32, #tpu.memory_space<vmem>>, vector<16xf32>,
    %xor3A_232 = arith.constant 1 : i32
    %xor3A_233 = vector.broadcast %xor3A_232 : i32 to vector<16xi32>
    %xor3A_234 = arith.xori %iota3A_208, %xor3A_233 : vector<16xi32>
    %gather3A_235 = tpu.vector_load_idx %arg33[%xor3A_234] : memref<16xf32, #tpu.memory_space<vmem>>[vector<16xi32>], vector<16xf32>,
    %add3A_236 = arith.addf %add3A_229, %gather3A_235 : vector<16xf32>
    %iota3A_237 = tpu.iota {dimensions = array<i32: 0>} : vector<16xi32>
    %swap3A_238 = arith.constant 0 : index
    %swap3A_239 = tpu.vector_load %arg33[%swap3A_238] {strides = array<i32>} : memref<16xf32, #tpu.memory_space<vmem>>, vector<16xf32>,
    tpu.vector_store %arg33[%swap3A_238], %scan3A_93#5 {strides = array<i32>} : memref<16xf32, #tpu.memory_space<vmem>>, vector<16xf32>,
    %xor3A_240 = arith.constant 8 : i32
    %xor3A_241 = vector.broadcast %xor3A_240 : i32 to vector<16xi32>
    %xor3A_242 = arith.xori %iota3A_237, %xor3A_241 : vector<16xi32>
    %gather3A_243 = tpu.vector_load_idx %arg33[%xor3A_242] : memref<16xf32, #tpu.memory_space<vmem>>[vector<16xi32>], vector<16xf32>,
    %add3A_244 = arith.addf %scan3A_93#5, %gather3A_243 : vector<16xf32>
    %swap3A_245 = arith.constant 0 : index
    %swap3A_246 = tpu.vector_load %arg33[%swap3A_245] {strides = array<i32>} : memref<16xf32, #tpu.memory_space<vmem>>, vector<16xf32>,
    tpu.vector_store %arg33[%swap3A_245], %add3A_244 {strides = array<i32>} : memref<16xf32, #tpu.memory_space<vmem>>, vector<16xf32>,
    %xor3A_247 = arith.constant 4 : i32
    %xor3A_248 = vector.broadcast %xor3A_247 : i32 to vector<16xi32>
    %xor3A_249 = arith.xori %iota3A_237, %xor3A_248 : vector<16xi32>
    %gather3A_250 = tpu.vector_load_idx %arg33[%xor3A_249] : memref<16xf32, #tpu.memory_space<vmem>>[vector<16xi32>], vector<16xf32>,
    %add3A_251 = arith.addf %add3A_244, %gather3A_250 : vector<16xf32>
    %swap3A_252 = arith.constant 0 : index
    %swap3A_253 = tpu.vector_load %arg33[%swap3A_252] {strides = array<i32>} : memref<16xf32, #tpu.memory_space<vmem>>, vector<16xf32>,
    tpu.vector_store %arg33[%swap3A_252], %add3A_251 {strides = array<i32>} : memref<16xf32, #tpu.memory_space<vmem>>, vector<16xf32>,
    %xor3A_254 = arith.constant 2 : i32
    %xor3A_255 = vector.broadcast %xor3A_254 : i32 to vector<16xi32>
    %xor3A_256 = arith.xori %iota3A_237, %xor3A_255 : vector<16xi32>
    %gather3A_257 = tpu.vector_load_idx %arg33[%xor3A_256] : memref<16xf32, #tpu.memory_space<vmem>>[vector<16xi32>], vector<16xf32>,
    %add3A_258 = arith.addf %add3A_251, %gather3A_257 : vector<16xf32>
    %swap3A_259 = arith.constant 0 : index
    %swap3A_260 = tpu.vector_load %arg33[%swap3A_259] {strides = array<i32>} : memref<16xf32, #tpu.memory_space<vmem>>, vector<16xf32>,
    tpu.vector_store %arg33[%swap3A_259], %add3A_258 {strides = array<i32>} : memref<16xf32, #tpu.memory_space<vmem>>, vector<16xf32>,
    %xor3A_261 = arith.constant 1 : i32
    %xor3A_262 = vector.broadcast %xor3A_261 : i32 to vector<16xi32>
    %xor3A_263 = arith.xori %iota3A_237, %xor3A_262 : vector<16xi32>
    %gather3A_264 = tpu.vector_load_idx %arg33[%xor3A_263] : memref<16xf32, #tpu.memory_space<vmem>>[vector<16xi32>], vector<16xf32>,
    %add3A_265 = arith.addf %add3A_258, %gather3A_264 : vector<16xf32>
    %iota3A_266 = tpu.iota {dimensions = array<i32: 0>} : vector<16xi32>
    %swap3A_267 = arith.constant 0 : index
    %swap3A_268 = tpu.vector_load %arg33[%swap3A_267] {strides = array<i32>} : memref<16xf32, #tpu.memory_space<vmem>>, vector<16xf32>,
    tpu.vector_store %arg33[%swap3A_267], %scan3A_93#6 {strides = array<i32>} : memref<16xf32, #tpu.memory_space<vmem>>, vector<16xf32>,
    %xor3A_269 = arith.constant 8 : i32
    %xor3A_270 = vector.broadcast %xor3A_269 : i32 to vector<16xi32>
    %xor3A_271 = arith.xori %iota3A_266, %xor3A_270 : vector<16xi32>
    %gather3A_272 = tpu.vector_load_idx %arg33[%xor3A_271] : memref<16xf32, #tpu.memory_space<vmem>>[vector<16xi32>], vector<16xf32>,
    %add3A_273 = arith.addf %scan3A_93#6, %gather3A_272 : vector<16xf32>
    %swap3A_274 = arith.constant 0 : index
    %swap3A_275 = tpu.vector_load %arg33[%swap3A_274] {strides = array<i32>} : memref<16xf32, #tpu.memory_space<vmem>>, vector<16xf32>,
    tpu.vector_store %arg33[%swap3A_274], %add3A_273 {strides = array<i32>} : memref<16xf32, #tpu.memory_space<vmem>>, vector<16xf32>,
    %xor3A_276 = arith.constant 4 : i32
    %xor3A_277 = vector.broadcast %xor3A_276 : i32 to vector<16xi32>
    %xor3A_278 = arith.xori %iota3A_266, %xor3A_277 : vector<16xi32>
    %gather3A_279 = tpu.vector_load_idx %arg33[%xor3A_278] : memref<16xf32, #tpu.memory_space<vmem>>[vector<16xi32>], vector<16xf32>,
    %add3A_280 = arith.addf %add3A_273, %gather3A_279 : vector<16xf32>
    %swap3A_281 = arith.constant 0 : index
    %swap3A_282 = tpu.vector_load %arg33[%swap3A_281] {strides = array<i32>} : memref<16xf32, #tpu.memory_space<vmem>>, vector<16xf32>,
    tpu.vector_store %arg33[%swap3A_281], %add3A_280 {strides = array<i32>} : memref<16xf32, #tpu.memory_space<vmem>>, vector<16xf32>,
    %xor3A_283 = arith.constant 2 : i32
    %xor3A_284 = vector.broadcast %xor3A_283 : i32 to vector<16xi32>
    %xor3A_285 = arith.xori %iota3A_266, %xor3A_284 : vector<16xi32>
    %gather3A_286 = tpu.vector_load_idx %arg33[%xor3A_285] : memref<16xf32, #tpu.memory_space<vmem>>[vector<16xi32>], vector<16xf32>,
    %add3A_287 = arith.addf %add3A_280, %gather3A_286 : vector<16xf32>
    %swap3A_288 = arith.constant 0 : index
    %swap3A_289 = tpu.vector_load %arg33[%swap3A_288] {strides = array<i32>} : memref<16xf32, #tpu.memory_space<vmem>>, vector<16xf32>,
    tpu.vector_store %arg33[%swap3A_288], %add3A_287 {strides = array<i32>} : memref<16xf32, #tpu.memory_space<vmem>>, vector<16xf32>,
    %xor3A_290 = arith.constant 1 : i32
    %xor3A_291 = vector.broadcast %xor3A_290 : i32 to vector<16xi32>
    %xor3A_292 = arith.xori %iota3A_266, %xor3A_291 : vector<16xi32>
    %gather3A_293 = tpu.vector_load_idx %arg33[%xor3A_292] : memref<16xf32, #tpu.memory_space<vmem>>[vector<16xi32>], vector<16xf32>,
    %add3A_294 = arith.addf %add3A_287, %gather3A_293 : vector<16xf32>
    %iota3A_295 = tpu.iota {dimensions = array<i32: 0>} : vector<16xi32>
    %swap3A_296 = arith.constant 0 : index
    %swap3A_297 = tpu.vector_load %arg33[%swap3A_296] {strides = array<i32>} : memref<16xf32, #tpu.memory_space<vmem>>, vector<16xf32>,
    tpu.vector_store %arg33[%swap3A_296], %scan3A_93#7 {strides = array<i32>} : memref<16xf32, #tpu.memory_space<vmem>>, vector<16xf32>,
    %xor3A_298 = arith.constant 8 : i32
    %xor3A_299 = vector.broadcast %xor3A_298 : i32 to vector<16xi32>
    %xor3A_300 = arith.xori %iota3A_295, %xor3A_299 : vector<16xi32>
    %gather3A_301 = tpu.vector_load_idx %arg33[%xor3A_300] : memref<16xf32, #tpu.memory_space<vmem>>[vector<16xi32>], vector<16xf32>,
    %add3A_302 = arith.addf %scan3A_93#7, %gather3A_301 : vector<16xf32>
    %swap3A_303 = arith.constant 0 : index
    %swap3A_304 = tpu.vector_load %arg33[%swap3A_303] {strides = array<i32>} : memref<16xf32, #tpu.memory_space<vmem>>, vector<16xf32>,
    tpu.vector_store %arg33[%swap3A_303], %add3A_302 {strides = array<i32>} : memref<16xf32, #tpu.memory_space<vmem>>, vector<16xf32>,
    %xor3A_305 = arith.constant 4 : i32
    %xor3A_306 = vector.broadcast %xor3A_305 : i32 to vector<16xi32>
    %xor3A_307 = arith.xori %iota3A_295, %xor3A_306 : vector<16xi32>
    %gather3A_308 = tpu.vector_load_idx %arg33[%xor3A_307] : memref<16xf32, #tpu.memory_space<vmem>>[vector<16xi32>], vector<16xf32>,
    %add3A_309 = arith.addf %add3A_302, %gather3A_308 : vector<16xf32>
    %swap3A_310 = arith.constant 0 : index
    %swap3A_311 = tpu.vector_load %arg33[%swap3A_310] {strides = array<i32>} : memref<16xf32, #tpu.memory_space<vmem>>, vector<16xf32>,
    tpu.vector_store %arg33[%swap3A_310], %add3A_309 {strides = array<i32>} : memref<16xf32, #tpu.memory_space<vmem>>, vector<16xf32>,
    %xor3A_312 = arith.constant 2 : i32
    %xor3A_313 = vector.broadcast %xor3A_312 : i32 to vector<16xi32>
    %xor3A_314 = arith.xori %iota3A_295, %xor3A_313 : vector<16xi32>
    %gather3A_315 = tpu.vector_load_idx %arg33[%xor3A_314] : memref<16xf32, #tpu.memory_space<vmem>>[vector<16xi32>], vector<16xf32>,
    %add3A_316 = arith.addf %add3A_309, %gather3A_315 : vector<16xf32>
    %swap3A_317 = arith.constant 0 : index
    %swap3A_318 = tpu.vector_load %arg33[%swap3A_317] {strides = array<i32>} : memref<16xf32, #tpu.memory_space<vmem>>, vector<16xf32>,
    tpu.vector_store %arg33[%swap3A_317], %add3A_316 {strides = array<i32>} : memref<16xf32, #tpu.memory_space<vmem>>, vector<16xf32>,
    %xor3A_319 = arith.constant 1 : i32
    %xor3A_320 = vector.broadcast %xor3A_319 : i32 to vector<16xi32>
    %xor3A_321 = arith.xori %iota3A_295, %xor3A_320 : vector<16xi32>
    %gather3A_322 = tpu.vector_load_idx %arg33[%xor3A_321] : memref<16xf32, #tpu.memory_space<vmem>>[vector<16xi32>], vector<16xf32>,
    %add3A_323 = arith.addf %add3A_316, %gather3A_322 : vector<16xf32>
    %iota3A_324 = tpu.iota {dimensions = array<i32: 0>} : vector<16xi32>
    %swap3A_325 = arith.constant 0 : index
    %swap3A_326 = tpu.vector_load %arg33[%swap3A_325] {strides = array<i32>} : memref<16xf32, #tpu.memory_space<vmem>>, vector<16xf32>,
    tpu.vector_store %arg33[%swap3A_325], %scan3A_93#8 {strides = array<i32>} : memref<16xf32, #tpu.memory_space<vmem>>, vector<16xf32>,
    %xor3A_327 = arith.constant 8 : i32
    %xor3A_328 = vector.broadcast %xor3A_327 : i32 to vector<16xi32>
    %xor3A_329 = arith.xori %iota3A_324, %xor3A_328 : vector<16xi32>
    %gather3A_330 = tpu.vector_load_idx %arg33[%xor3A_329] : memref<16xf32, #tpu.memory_space<vmem>>[vector<16xi32>], vector<16xf32>,
    %add3A_331 = arith.addf %scan3A_93#8, %gather3A_330 : vector<16xf32>
    %swap3A_332 = arith.constant 0 : index
    %swap3A_333 = tpu.vector_load %arg33[%swap3A_332] {strides = array<i32>} : memref<16xf32, #tpu.memory_space<vmem>>, vector<16xf32>,
    tpu.vector_store %arg33[%swap3A_332], %add3A_331 {strides = array<i32>} : memref<16xf32, #tpu.memory_space<vmem>>, vector<16xf32>,
    %xor3A_334 = arith.constant 4 : i32
    %xor3A_335 = vector.broadcast %xor3A_334 : i32 to vector<16xi32>
    %xor3A_336 = arith.xori %iota3A_324, %xor3A_335 : vector<16xi32>
    %gather3A_337 = tpu.vector_load_idx %arg33[%xor3A_336] : memref<16xf32, #tpu.memory_space<vmem>>[vector<16xi32>], vector<16xf32>,
    %add3A_338 = arith.addf %add3A_331, %gather3A_337 : vector<16xf32>
    %swap3A_339 = arith.constant 0 : index
    %swap3A_340 = tpu.vector_load %arg33[%swap3A_339] {strides = array<i32>} : memref<16xf32, #tpu.memory_space<vmem>>, vector<16xf32>,
    tpu.vector_store %arg33[%swap3A_339], %add3A_338 {strides = array<i32>} : memref<16xf32, #tpu.memory_space<vmem>>, vector<16xf32>,
    %xor3A_341 = arith.constant 2 : i32
    %xor3A_342 = vector.broadcast %xor3A_341 : i32 to vector<16xi32>
    %xor3A_343 = arith.xori %iota3A_324, %xor3A_342 : vector<16xi32>
    %gather3A_344 = tpu.vector_load_idx %arg33[%xor3A_343] : memref<16xf32, #tpu.memory_space<vmem>>[vector<16xi32>], vector<16xf32>,
    %add3A_345 = arith.addf %add3A_338, %gather3A_344 : vector<16xf32>
    %swap3A_346 = arith.constant 0 : index
    %swap3A_347 = tpu.vector_load %arg33[%swap3A_346] {strides = array<i32>} : memref<16xf32, #tpu.memory_space<vmem>>, vector<16xf32>,
    tpu.vector_store %arg33[%swap3A_346], %add3A_345 {strides = array<i32>} : memref<16xf32, #tpu.memory_space<vmem>>, vector<16xf32>,
    %xor3A_348 = arith.constant 1 : i32
    %xor3A_349 = vector.broadcast %xor3A_348 : i32 to vector<16xi32>
    %xor3A_350 = arith.xori %iota3A_324, %xor3A_349 : vector<16xi32>
    %gather3A_351 = tpu.vector_load_idx %arg33[%xor3A_350] : memref<16xf32, #tpu.memory_space<vmem>>[vector<16xi32>], vector<16xf32>,
    %add3A_352 = arith.addf %add3A_345, %gather3A_351 : vector<16xf32>
    %iota3A_353 = tpu.iota {dimensions = array<i32: 0>} : vector<16xi32>
    %swap3A_354 = arith.constant 0 : index
    %swap3A_355 = tpu.vector_load %arg33[%swap3A_354] {strides = array<i32>} : memref<16xf32, #tpu.memory_space<vmem>>, vector<16xf32>,
    tpu.vector_store %arg33[%swap3A_354], %scan3A_93#9 {strides = array<i32>} : memref<16xf32, #tpu.memory_space<vmem>>, vector<16xf32>,
    %xor3A_356 = arith.constant 8 : i32
    %xor3A_357 = vector.broadcast %xor3A_356 : i32 to vector<16xi32>
    %xor3A_358 = arith.xori %iota3A_353, %xor3A_357 : vector<16xi32>
    %gather3A_359 = tpu.vector_load_idx %arg33[%xor3A_358] : memref<16xf32, #tpu.memory_space<vmem>>[vector<16xi32>], vector<16xf32>,
    %add3A_360 = arith.addf %scan3A_93#9, %gather3A_359 : vector<16xf32>
    %swap3A_361 = arith.constant 0 : index
    %swap3A_362 = tpu.vector_load %arg33[%swap3A_361] {strides = array<i32>} : memref<16xf32, #tpu.memory_space<vmem>>, vector<16xf32>,
    tpu.vector_store %arg33[%swap3A_361], %add3A_360 {strides = array<i32>} : memref<16xf32, #tpu.memory_space<vmem>>, vector<16xf32>,
    %xor3A_363 = arith.constant 4 : i32
    %xor3A_364 = vector.broadcast %xor3A_363 : i32 to vector<16xi32>
    %xor3A_365 = arith.xori %iota3A_353, %xor3A_364 : vector<16xi32>
    %gather3A_366 = tpu.vector_load_idx %arg33[%xor3A_365] : memref<16xf32, #tpu.memory_space<vmem>>[vector<16xi32>], vector<16xf32>,
    %add3A_367 = arith.addf %add3A_360, %gather3A_366 : vector<16xf32>
    %swap3A_368 = arith.constant 0 : index
    %swap3A_369 = tpu.vector_load %arg33[%swap3A_368] {strides = array<i32>} : memref<16xf32, #tpu.memory_space<vmem>>, vector<16xf32>,
    tpu.vector_store %arg33[%swap3A_368], %add3A_367 {strides = array<i32>} : memref<16xf32, #tpu.memory_space<vmem>>, vector<16xf32>,
    %xor3A_370 = arith.constant 2 : i32
    %xor3A_371 = vector.broadcast %xor3A_370 : i32 to vector<16xi32>
    %xor3A_372 = arith.xori %iota3A_353, %xor3A_371 : vector<16xi32>
    %gather3A_373 = tpu.vector_load_idx %arg33[%xor3A_372] : memref<16xf32, #tpu.memory_space<vmem>>[vector<16xi32>], vector<16xf32>,
    %add3A_374 = arith.addf %add3A_367, %gather3A_373 : vector<16xf32>
    %swap3A_375 = arith.constant 0 : index
    %swap3A_376 = tpu.vector_load %arg33[%swap3A_375] {strides = array<i32>} : memref<16xf32, #tpu.memory_space<vmem>>, vector<16xf32>,
    tpu.vector_store %arg33[%swap3A_375], %add3A_374 {strides = array<i32>} : memref<16xf32, #tpu.memory_space<vmem>>, vector<16xf32>,
    %xor3A_377 = arith.constant 1 : i32
    %xor3A_378 = vector.broadcast %xor3A_377 : i32 to vector<16xi32>
    %xor3A_379 = arith.xori %iota3A_353, %xor3A_378 : vector<16xi32>
    %gather3A_380 = tpu.vector_load_idx %arg33[%xor3A_379] : memref<16xf32, #tpu.memory_space<vmem>>[vector<16xi32>], vector<16xf32>,
    %add3A_381 = arith.addf %add3A_374, %gather3A_380 : vector<16xf32>
    %iota3A_382 = tpu.iota {dimensions = array<i32: 0>} : vector<16xi32>
    %swap3A_383 = arith.constant 0 : index
    %swap3A_384 = tpu.vector_load %arg33[%swap3A_383] {strides = array<i32>} : memref<16xf32, #tpu.memory_space<vmem>>, vector<16xf32>,
    tpu.vector_store %arg33[%swap3A_383], %scan3A_93#10 {strides = array<i32>} : memref<16xf32, #tpu.memory_space<vmem>>, vector<16xf32>,
    %xor3A_385 = arith.constant 8 : i32
    %xor3A_386 = vector.broadcast %xor3A_385 : i32 to vector<16xi32>
    %xor3A_387 = arith.xori %iota3A_382, %xor3A_386 : vector<16xi32>
    %gather3A_388 = tpu.vector_load_idx %arg33[%xor3A_387] : memref<16xf32, #tpu.memory_space<vmem>>[vector<16xi32>], vector<16xf32>,
    %add3A_389 = arith.addf %scan3A_93#10, %gather3A_388 : vector<16xf32>
    %swap3A_390 = arith.constant 0 : index
    %swap3A_391 = tpu.vector_load %arg33[%swap3A_390] {strides = array<i32>} : memref<16xf32, #tpu.memory_space<vmem>>, vector<16xf32>,
    tpu.vector_store %arg33[%swap3A_390], %add3A_389 {strides = array<i32>} : memref<16xf32, #tpu.memory_space<vmem>>, vector<16xf32>,
    %xor3A_392 = arith.constant 4 : i32
    %xor3A_393 = vector.broadcast %xor3A_392 : i32 to vector<16xi32>
    %xor3A_394 = arith.xori %iota3A_382, %xor3A_393 : vector<16xi32>
    %gather3A_395 = tpu.vector_load_idx %arg33[%xor3A_394] : memref<16xf32, #tpu.memory_space<vmem>>[vector<16xi32>], vector<16xf32>,
    %add3A_396 = arith.addf %add3A_389, %gather3A_395 : vector<16xf32>
    %swap3A_397 = arith.constant 0 : index
    %swap3A_398 = tpu.vector_load %arg33[%swap3A_397] {strides = array<i32>} : memref<16xf32, #tpu.memory_space<vmem>>, vector<16xf32>,
    tpu.vector_store %arg33[%swap3A_397], %add3A_396 {strides = array<i32>} : memref<16xf32, #tpu.memory_space<vmem>>, vector<16xf32>,
    %xor3A_399 = arith.constant 2 : i32
    %xor3A_400 = vector.broadcast %xor3A_399 : i32 to vector<16xi32>
    %xor3A_401 = arith.xori %iota3A_382, %xor3A_400 : vector<16xi32>
    %gather3A_402 = tpu.vector_load_idx %arg33[%xor3A_401] : memref<16xf32, #tpu.memory_space<vmem>>[vector<16xi32>], vector<16xf32>,
    %add3A_403 = arith.addf %add3A_396, %gather3A_402 : vector<16xf32>
    %swap3A_404 = arith.constant 0 : index
    %swap3A_405 = tpu.vector_load %arg33[%swap3A_404] {strides = array<i32>} : memref<16xf32, #tpu.memory_space<vmem>>, vector<16xf32>,
    tpu.vector_store %arg33[%swap3A_404], %add3A_403 {strides = array<i32>} : memref<16xf32, #tpu.memory_space<vmem>>, vector<16xf32>,
    %xor3A_406 = arith.constant 1 : i32
    %xor3A_407 = vector.broadcast %xor3A_406 : i32 to vector<16xi32>
    %xor3A_408 = arith.xori %iota3A_382, %xor3A_407 : vector<16xi32>
    %gather3A_409 = tpu.vector_load_idx %arg33[%xor3A_408] : memref<16xf32, #tpu.memory_space<vmem>>[vector<16xi32>], vector<16xf32>,
    %add3A_410 = arith.addf %add3A_403, %gather3A_409 : vector<16xf32>
    %iota3A_411 = tpu.iota {dimensions = array<i32: 0>} : vector<16xi32>
    %swap3A_412 = arith.constant 0 : index
    %swap3A_413 = tpu.vector_load %arg33[%swap3A_412] {strides = array<i32>} : memref<16xf32, #tpu.memory_space<vmem>>, vector<16xf32>,
    tpu.vector_store %arg33[%swap3A_412], %scan3A_93#11 {strides = array<i32>} : memref<16xf32, #tpu.memory_space<vmem>>, vector<16xf32>,
    %xor3A_414 = arith.constant 8 : i32
    %xor3A_415 = vector.broadcast %xor3A_414 : i32 to vector<16xi32>
    %xor3A_416 = arith.xori %iota3A_411, %xor3A_415 : vector<16xi32>
    %gather3A_417 = tpu.vector_load_idx %arg33[%xor3A_416] : memref<16xf32, #tpu.memory_space<vmem>>[vector<16xi32>], vector<16xf32>,
    %add3A_418 = arith.addf %scan3A_93#11, %gather3A_417 : vector<16xf32>
    %swap3A_419 = arith.constant 0 : index
    %swap3A_420 = tpu.vector_load %arg33[%swap3A_419] {strides = array<i32>} : memref<16xf32, #tpu.memory_space<vmem>>, vector<16xf32>,
    tpu.vector_store %arg33[%swap3A_419], %add3A_418 {strides = array<i32>} : memref<16xf32, #tpu.memory_space<vmem>>, vector<16xf32>,
    %xor3A_421 = arith.constant 4 : i32
    %xor3A_422 = vector.broadcast %xor3A_421 : i32 to vector<16xi32>
    %xor3A_423 = arith.xori %iota3A_411, %xor3A_422 : vector<16xi32>
    %gather3A_424 = tpu.vector_load_idx %arg33[%xor3A_423] : memref<16xf32, #tpu.memory_space<vmem>>[vector<16xi32>], vector<16xf32>,
    %add3A_425 = arith.addf %add3A_418, %gather3A_424 : vector<16xf32>
    %swap3A_426 = arith.constant 0 : index
    %swap3A_427 = tpu.vector_load %arg33[%swap3A_426] {strides = array<i32>} : memref<16xf32, #tpu.memory_space<vmem>>, vector<16xf32>,
    tpu.vector_store %arg33[%swap3A_426], %add3A_425 {strides = array<i32>} : memref<16xf32, #tpu.memory_space<vmem>>, vector<16xf32>,
    %xor3A_428 = arith.constant 2 : i32
    %xor3A_429 = vector.broadcast %xor3A_428 : i32 to vector<16xi32>
    %xor3A_430 = arith.xori %iota3A_411, %xor3A_429 : vector<16xi32>
    %gather3A_431 = tpu.vector_load_idx %arg33[%xor3A_430] : memref<16xf32, #tpu.memory_space<vmem>>[vector<16xi32>], vector<16xf32>,
    %add3A_432 = arith.addf %add3A_425, %gather3A_431 : vector<16xf32>
    %swap3A_433 = arith.constant 0 : index
    %swap3A_434 = tpu.vector_load %arg33[%swap3A_433] {strides = array<i32>} : memref<16xf32, #tpu.memory_space<vmem>>, vector<16xf32>,
    tpu.vector_store %arg33[%swap3A_433], %add3A_432 {strides = array<i32>} : memref<16xf32, #tpu.memory_space<vmem>>, vector<16xf32>,
    %xor3A_435 = arith.constant 1 : i32
    %xor3A_436 = vector.broadcast %xor3A_435 : i32 to vector<16xi32>
    %xor3A_437 = arith.xori %iota3A_411, %xor3A_436 : vector<16xi32>
    %gather3A_438 = tpu.vector_load_idx %arg33[%xor3A_437] : memref<16xf32, #tpu.memory_space<vmem>>[vector<16xi32>], vector<16xf32>,
    %add3A_439 = arith.addf %add3A_432, %gather3A_438 : vector<16xf32>
    %iota3A_440 = tpu.iota {dimensions = array<i32: 0>} : vector<16xi32>
    %swap3A_441 = arith.constant 0 : index
    %swap3A_442 = tpu.vector_load %arg33[%swap3A_441] {strides = array<i32>} : memref<16xf32, #tpu.memory_space<vmem>>, vector<16xf32>,
    tpu.vector_store %arg33[%swap3A_441], %scan3A_93#12 {strides = array<i32>} : memref<16xf32, #tpu.memory_space<vmem>>, vector<16xf32>,
    %xor3A_443 = arith.constant 8 : i32
    %xor3A_444 = vector.broadcast %xor3A_443 : i32 to vector<16xi32>
    %xor3A_445 = arith.xori %iota3A_440, %xor3A_444 : vector<16xi32>
    %gather3A_446 = tpu.vector_load_idx %arg33[%xor3A_445] : memref<16xf32, #tpu.memory_space<vmem>>[vector<16xi32>], vector<16xf32>,
    %add3A_447 = arith.addf %scan3A_93#12, %gather3A_446 : vector<16xf32>
    %swap3A_448 = arith.constant 0 : index
    %swap3A_449 = tpu.vector_load %arg33[%swap3A_448] {strides = array<i32>} : memref<16xf32, #tpu.memory_space<vmem>>, vector<16xf32>,
    tpu.vector_store %arg33[%swap3A_448], %add3A_447 {strides = array<i32>} : memref<16xf32, #tpu.memory_space<vmem>>, vector<16xf32>,
    %xor3A_450 = arith.constant 4 : i32
    %xor3A_451 = vector.broadcast %xor3A_450 : i32 to vector<16xi32>
    %xor3A_452 = arith.xori %iota3A_440, %xor3A_451 : vector<16xi32>
    %gather3A_453 = tpu.vector_load_idx %arg33[%xor3A_452] : memref<16xf32, #tpu.memory_space<vmem>>[vector<16xi32>], vector<16xf32>,
    %add3A_454 = arith.addf %add3A_447, %gather3A_453 : vector<16xf32>
    %swap3A_455 = arith.constant 0 : index
    %swap3A_456 = tpu.vector_load %arg33[%swap3A_455] {strides = array<i32>} : memref<16xf32, #tpu.memory_space<vmem>>, vector<16xf32>,
    tpu.vector_store %arg33[%swap3A_455], %add3A_454 {strides = array<i32>} : memref<16xf32, #tpu.memory_space<vmem>>, vector<16xf32>,
    %xor3A_457 = arith.constant 2 : i32
    %xor3A_458 = vector.broadcast %xor3A_457 : i32 to vector<16xi32>
    %xor3A_459 = arith.xori %iota3A_440, %xor3A_458 : vector<16xi32>
    %gather3A_460 = tpu.vector_load_idx %arg33[%xor3A_459] : memref<16xf32, #tpu.memory_space<vmem>>[vector<16xi32>], vector<16xf32>,
    %add3A_461 = arith.addf %add3A_454, %gather3A_460 : vector<16xf32>
    %swap3A_462 = arith.constant 0 : index
    %swap3A_463 = tpu.vector_load %arg33[%swap3A_462] {strides = array<i32>} : memref<16xf32, #tpu.memory_space<vmem>>, vector<16xf32>,
    tpu.vector_store %arg33[%swap3A_462], %add3A_461 {strides = array<i32>} : memref<16xf32, #tpu.memory_space<vmem>>, vector<16xf32>,
    %xor3A_464 = arith.constant 1 : i32
    %xor3A_465 = vector.broadcast %xor3A_464 : i32 to vector<16xi32>
    %xor3A_466 = arith.xori %iota3A_440, %xor3A_465 : vector<16xi32>
    %gather3A_467 = tpu.vector_load_idx %arg33[%xor3A_466] : memref<16xf32, #tpu.memory_space<vmem>>[vector<16xi32>], vector<16xf32>,
    %add3A_468 = arith.addf %add3A_461, %gather3A_467 : vector<16xf32>
    %iota3A_469 = tpu.iota {dimensions = array<i32: 0>} : vector<16xi32>
    %swap3A_470 = arith.constant 0 : index
    %swap3A_471 = tpu.vector_load %arg33[%swap3A_470] {strides = array<i32>} : memref<16xf32, #tpu.memory_space<vmem>>, vector<16xf32>,
    tpu.vector_store %arg33[%swap3A_470], %scan3A_93#13 {strides = array<i32>} : memref<16xf32, #tpu.memory_space<vmem>>, vector<16xf32>,
    %xor3A_472 = arith.constant 8 : i32
    %xor3A_473 = vector.broadcast %xor3A_472 : i32 to vector<16xi32>
    %xor3A_474 = arith.xori %iota3A_469, %xor3A_473 : vector<16xi32>
    %gather3A_475 = tpu.vector_load_idx %arg33[%xor3A_474] : memref<16xf32, #tpu.memory_space<vmem>>[vector<16xi32>], vector<16xf32>,
    %add3A_476 = arith.addf %scan3A_93#13, %gather3A_475 : vector<16xf32>
    %swap3A_477 = arith.constant 0 : index
    %swap3A_478 = tpu.vector_load %arg33[%swap3A_477] {strides = array<i32>} : memref<16xf32, #tpu.memory_space<vmem>>, vector<16xf32>,
    tpu.vector_store %arg33[%swap3A_477], %add3A_476 {strides = array<i32>} : memref<16xf32, #tpu.memory_space<vmem>>, vector<16xf32>,
    %xor3A_479 = arith.constant 4 : i32
    %xor3A_480 = vector.broadcast %xor3A_479 : i32 to vector<16xi32>
    %xor3A_481 = arith.xori %iota3A_469, %xor3A_480 : vector<16xi32>
    %gather3A_482 = tpu.vector_load_idx %arg33[%xor3A_481] : memref<16xf32, #tpu.memory_space<vmem>>[vector<16xi32>], vector<16xf32>,
    %add3A_483 = arith.addf %add3A_476, %gather3A_482 : vector<16xf32>
    %swap3A_484 = arith.constant 0 : index
    %swap3A_485 = tpu.vector_load %arg33[%swap3A_484] {strides = array<i32>} : memref<16xf32, #tpu.memory_space<vmem>>, vector<16xf32>,
    tpu.vector_store %arg33[%swap3A_484], %add3A_483 {strides = array<i32>} : memref<16xf32, #tpu.memory_space<vmem>>, vector<16xf32>,
    %xor3A_486 = arith.constant 2 : i32
    %xor3A_487 = vector.broadcast %xor3A_486 : i32 to vector<16xi32>
    %xor3A_488 = arith.xori %iota3A_469, %xor3A_487 : vector<16xi32>
    %gather3A_489 = tpu.vector_load_idx %arg33[%xor3A_488] : memref<16xf32, #tpu.memory_space<vmem>>[vector<16xi32>], vector<16xf32>,
    %add3A_490 = arith.addf %add3A_483, %gather3A_489 : vector<16xf32>
    %swap3A_491 = arith.constant 0 : index
    %swap3A_492 = tpu.vector_load %arg33[%swap3A_491] {strides = array<i32>} : memref<16xf32, #tpu.memory_space<vmem>>, vector<16xf32>,
    tpu.vector_store %arg33[%swap3A_491], %add3A_490 {strides = array<i32>} : memref<16xf32, #tpu.memory_space<vmem>>, vector<16xf32>,
    %xor3A_493 = arith.constant 1 : i32
    %xor3A_494 = vector.broadcast %xor3A_493 : i32 to vector<16xi32>
    %xor3A_495 = arith.xori %iota3A_469, %xor3A_494 : vector<16xi32>
    %gather3A_496 = tpu.vector_load_idx %arg33[%xor3A_495] : memref<16xf32, #tpu.memory_space<vmem>>[vector<16xi32>], vector<16xf32>,
    %add3A_497 = arith.addf %add3A_490, %gather3A_496 : vector<16xf32>
    %iota3A_498 = tpu.iota {dimensions = array<i32: 0>} : vector<16xi32>
    %swap3A_499 = arith.constant 0 : index
    %swap3A_500 = tpu.vector_load %arg33[%swap3A_499] {strides = array<i32>} : memref<16xf32, #tpu.memory_space<vmem>>, vector<16xf32>,
    tpu.vector_store %arg33[%swap3A_499], %scan3A_93#14 {strides = array<i32>} : memref<16xf32, #tpu.memory_space<vmem>>, vector<16xf32>,
    %xor3A_501 = arith.constant 8 : i32
    %xor3A_502 = vector.broadcast %xor3A_501 : i32 to vector<16xi32>
    %xor3A_503 = arith.xori %iota3A_498, %xor3A_502 : vector<16xi32>
    %gather3A_504 = tpu.vector_load_idx %arg33[%xor3A_503] : memref<16xf32, #tpu.memory_space<vmem>>[vector<16xi32>], vector<16xf32>,
    %add3A_505 = arith.addf %scan3A_93#14, %gather3A_504 : vector<16xf32>
    %swap3A_506 = arith.constant 0 : index
    %swap3A_507 = tpu.vector_load %arg33[%swap3A_506] {strides = array<i32>} : memref<16xf32, #tpu.memory_space<vmem>>, vector<16xf32>,
    tpu.vector_store %arg33[%swap3A_506], %add3A_505 {strides = array<i32>} : memref<16xf32, #tpu.memory_space<vmem>>, vector<16xf32>,
    %xor3A_508 = arith.constant 4 : i32
    %xor3A_509 = vector.broadcast %xor3A_508 : i32 to vector<16xi32>
    %xor3A_510 = arith.xori %iota3A_498, %xor3A_509 : vector<16xi32>
    %gather3A_511 = tpu.vector_load_idx %arg33[%xor3A_510] : memref<16xf32, #tpu.memory_space<vmem>>[vector<16xi32>], vector<16xf32>,
    %add3A_512 = arith.addf %add3A_505, %gather3A_511 : vector<16xf32>
    %swap3A_513 = arith.constant 0 : index
    %swap3A_514 = tpu.vector_load %arg33[%swap3A_513] {strides = array<i32>} : memref<16xf32, #tpu.memory_space<vmem>>, vector<16xf32>,
    tpu.vector_store %arg33[%swap3A_513], %add3A_512 {strides = array<i32>} : memref<16xf32, #tpu.memory_space<vmem>>, vector<16xf32>,
    %xor3A_515 = arith.constant 2 : i32
    %xor3A_516 = vector.broadcast %xor3A_515 : i32 to vector<16xi32>
    %xor3A_517 = arith.xori %iota3A_498, %xor3A_516 : vector<16xi32>
    %gather3A_518 = tpu.vector_load_idx %arg33[%xor3A_517] : memref<16xf32, #tpu.memory_space<vmem>>[vector<16xi32>], vector<16xf32>,
    %add3A_519 = arith.addf %add3A_512, %gather3A_518 : vector<16xf32>
    %swap3A_520 = arith.constant 0 : index
    %swap3A_521 = tpu.vector_load %arg33[%swap3A_520] {strides = array<i32>} : memref<16xf32, #tpu.memory_space<vmem>>, vector<16xf32>,
    tpu.vector_store %arg33[%swap3A_520], %add3A_519 {strides = array<i32>} : memref<16xf32, #tpu.memory_space<vmem>>, vector<16xf32>,
    %xor3A_522 = arith.constant 1 : i32
    %xor3A_523 = vector.broadcast %xor3A_522 : i32 to vector<16xi32>
    %xor3A_524 = arith.xori %iota3A_498, %xor3A_523 : vector<16xi32>
    %gather3A_525 = tpu.vector_load_idx %arg33[%xor3A_524] : memref<16xf32, #tpu.memory_space<vmem>>[vector<16xi32>], vector<16xf32>,
    %add3A_526 = arith.addf %add3A_519, %gather3A_525 : vector<16xf32>
    %iota3A_527 = tpu.iota {dimensions = array<i32: 0>} : vector<16xi32>
    %swap3A_528 = arith.constant 0 : index
    %swap3A_529 = tpu.vector_load %arg33[%swap3A_528] {strides = array<i32>} : memref<16xf32, #tpu.memory_space<vmem>>, vector<16xf32>,
    tpu.vector_store %arg33[%swap3A_528], %scan3A_93#15 {strides = array<i32>} : memref<16xf32, #tpu.memory_space<vmem>>, vector<16xf32>,
    %xor3A_530 = arith.constant 8 : i32
    %xor3A_531 = vector.broadcast %xor3A_530 : i32 to vector<16xi32>
    %xor3A_532 = arith.xori %iota3A_527, %xor3A_531 : vector<16xi32>
    %gather3A_533 = tpu.vector_load_idx %arg33[%xor3A_532] : memref<16xf32, #tpu.memory_space<vmem>>[vector<16xi32>], vector<16xf32>,
    %add3A_534 = arith.addf %scan3A_93#15, %gather3A_533 : vector<16xf32>
    %swap3A_535 = arith.constant 0 : index
    %swap3A_536 = tpu.vector_load %arg33[%swap3A_535] {strides = array<i32>} : memref<16xf32, #tpu.memory_space<vmem>>, vector<16xf32>,
    tpu.vector_store %arg33[%swap3A_535], %add3A_534 {strides = array<i32>} : memref<16xf32, #tpu.memory_space<vmem>>, vector<16xf32>,
    %xor3A_537 = arith.constant 4 : i32
    %xor3A_538 = vector.broadcast %xor3A_537 : i32 to vector<16xi32>
    %xor3A_539 = arith.xori %iota3A_527, %xor3A_538 : vector<16xi32>
    %gather3A_540 = tpu.vector_load_idx %arg33[%xor3A_539] : memref<16xf32, #tpu.memory_space<vmem>>[vector<16xi32>], vector<16xf32>,
    %add3A_541 = arith.addf %add3A_534, %gather3A_540 : vector<16xf32>
    %swap3A_542 = arith.constant 0 : index
    %swap3A_543 = tpu.vector_load %arg33[%swap3A_542] {strides = array<i32>} : memref<16xf32, #tpu.memory_space<vmem>>, vector<16xf32>,
    tpu.vector_store %arg33[%swap3A_542], %add3A_541 {strides = array<i32>} : memref<16xf32, #tpu.memory_space<vmem>>, vector<16xf32>,
    %xor3A_544 = arith.constant 2 : i32
    %xor3A_545 = vector.broadcast %xor3A_544 : i32 to vector<16xi32>
    %xor3A_546 = arith.xori %iota3A_527, %xor3A_545 : vector<16xi32>
    %gather3A_547 = tpu.vector_load_idx %arg33[%xor3A_546] : memref<16xf32, #tpu.memory_space<vmem>>[vector<16xi32>], vector<16xf32>,
    %add3A_548 = arith.addf %add3A_541, %gather3A_547 : vector<16xf32>
    %swap3A_549 = arith.constant 0 : index
    %swap3A_550 = tpu.vector_load %arg33[%swap3A_549] {strides = array<i32>} : memref<16xf32, #tpu.memory_space<vmem>>, vector<16xf32>,
    tpu.vector_store %arg33[%swap3A_549], %add3A_548 {strides = array<i32>} : memref<16xf32, #tpu.memory_space<vmem>>, vector<16xf32>,
    %xor3A_551 = arith.constant 1 : i32
    %xor3A_552 = vector.broadcast %xor3A_551 : i32 to vector<16xi32>
    %xor3A_553 = arith.xori %iota3A_527, %xor3A_552 : vector<16xi32>
    %gather3A_554 = tpu.vector_load_idx %arg33[%xor3A_553] : memref<16xf32, #tpu.memory_space<vmem>>[vector<16xi32>], vector<16xf32>,
    %add3A_555 = arith.addf %add3A_548, %gather3A_554 : vector<16xf32>
    %iota3A_556 = tpu.iota {dimensions = array<i32: 0>} : vector<16xi32>
    %swap3A_557 = arith.constant 0 : index
    %swap3A_558 = tpu.vector_load %arg33[%swap3A_557] {strides = array<i32>} : memref<16xf32, #tpu.memory_space<vmem>>, vector<16xf32>,
    tpu.vector_store %arg33[%swap3A_557], %scan3A_93#16 {strides = array<i32>} : memref<16xf32, #tpu.memory_space<vmem>>, vector<16xf32>,
    %xor3A_559 = arith.constant 8 : i32
    %xor3A_560 = vector.broadcast %xor3A_559 : i32 to vector<16xi32>
    %xor3A_561 = arith.xori %iota3A_556, %xor3A_560 : vector<16xi32>
    %gather3A_562 = tpu.vector_load_idx %arg33[%xor3A_561] : memref<16xf32, #tpu.memory_space<vmem>>[vector<16xi32>], vector<16xf32>,
    %add3A_563 = arith.addf %scan3A_93#16, %gather3A_562 : vector<16xf32>
    %swap3A_564 = arith.constant 0 : index
    %swap3A_565 = tpu.vector_load %arg33[%swap3A_564] {strides = array<i32>} : memref<16xf32, #tpu.memory_space<vmem>>, vector<16xf32>,
    tpu.vector_store %arg33[%swap3A_564], %add3A_563 {strides = array<i32>} : memref<16xf32, #tpu.memory_space<vmem>>, vector<16xf32>,
    %xor3A_566 = arith.constant 4 : i32
    %xor3A_567 = vector.broadcast %xor3A_566 : i32 to vector<16xi32>
    %xor3A_568 = arith.xori %iota3A_556, %xor3A_567 : vector<16xi32>
    %gather3A_569 = tpu.vector_load_idx %arg33[%xor3A_568] : memref<16xf32, #tpu.memory_space<vmem>>[vector<16xi32>], vector<16xf32>,
    %add3A_570 = arith.addf %add3A_563, %gather3A_569 : vector<16xf32>
    %swap3A_571 = arith.constant 0 : index
    %swap3A_572 = tpu.vector_load %arg33[%swap3A_571] {strides = array<i32>} : memref<16xf32, #tpu.memory_space<vmem>>, vector<16xf32>,
    tpu.vector_store %arg33[%swap3A_571], %add3A_570 {strides = array<i32>} : memref<16xf32, #tpu.memory_space<vmem>>, vector<16xf32>,
    %xor3A_573 = arith.constant 2 : i32
    %xor3A_574 = vector.broadcast %xor3A_573 : i32 to vector<16xi32>
    %xor3A_575 = arith.xori %iota3A_556, %xor3A_574 : vector<16xi32>
    %gather3A_576 = tpu.vector_load_idx %arg33[%xor3A_575] : memref<16xf32, #tpu.memory_space<vmem>>[vector<16xi32>], vector<16xf32>,
    %add3A_577 = arith.addf %add3A_570, %gather3A_576 : vector<16xf32>
    %swap3A_578 = arith.constant 0 : index
    %swap3A_579 = tpu.vector_load %arg33[%swap3A_578] {strides = array<i32>} : memref<16xf32, #tpu.memory_space<vmem>>, vector<16xf32>,
    tpu.vector_store %arg33[%swap3A_578], %add3A_577 {strides = array<i32>} : memref<16xf32, #tpu.memory_space<vmem>>, vector<16xf32>,
    %xor3A_580 = arith.constant 1 : i32
    %xor3A_581 = vector.broadcast %xor3A_580 : i32 to vector<16xi32>
    %xor3A_582 = arith.xori %iota3A_556, %xor3A_581 : vector<16xi32>
    %gather3A_583 = tpu.vector_load_idx %arg33[%xor3A_582] : memref<16xf32, #tpu.memory_space<vmem>>[vector<16xi32>], vector<16xf32>,
    %add3A_584 = arith.addf %add3A_577, %gather3A_583 : vector<16xf32>
    %iota3A_585 = tpu.iota {dimensions = array<i32: 0>} : vector<16xi32>
    %swap3A_586 = arith.constant 0 : index
    %swap3A_587 = tpu.vector_load %arg33[%swap3A_586] {strides = array<i32>} : memref<16xf32, #tpu.memory_space<vmem>>, vector<16xf32>,
    tpu.vector_store %arg33[%swap3A_586], %scan3A_93#17 {strides = array<i32>} : memref<16xf32, #tpu.memory_space<vmem>>, vector<16xf32>,
    %xor3A_588 = arith.constant 8 : i32
    %xor3A_589 = vector.broadcast %xor3A_588 : i32 to vector<16xi32>
    %xor3A_590 = arith.xori %iota3A_585, %xor3A_589 : vector<16xi32>
    %gather3A_591 = tpu.vector_load_idx %arg33[%xor3A_590] : memref<16xf32, #tpu.memory_space<vmem>>[vector<16xi32>], vector<16xf32>,
    %add3A_592 = arith.addf %scan3A_93#17, %gather3A_591 : vector<16xf32>
    %swap3A_593 = arith.constant 0 : index
    %swap3A_594 = tpu.vector_load %arg33[%swap3A_593] {strides = array<i32>} : memref<16xf32, #tpu.memory_space<vmem>>, vector<16xf32>,
    tpu.vector_store %arg33[%swap3A_593], %add3A_592 {strides = array<i32>} : memref<16xf32, #tpu.memory_space<vmem>>, vector<16xf32>,
    %xor3A_595 = arith.constant 4 : i32
    %xor3A_596 = vector.broadcast %xor3A_595 : i32 to vector<16xi32>
    %xor3A_597 = arith.xori %iota3A_585, %xor3A_596 : vector<16xi32>
    %gather3A_598 = tpu.vector_load_idx %arg33[%xor3A_597] : memref<16xf32, #tpu.memory_space<vmem>>[vector<16xi32>], vector<16xf32>,
    %add3A_599 = arith.addf %add3A_592, %gather3A_598 : vector<16xf32>
    %swap3A_600 = arith.constant 0 : index
    %swap3A_601 = tpu.vector_load %arg33[%swap3A_600] {strides = array<i32>} : memref<16xf32, #tpu.memory_space<vmem>>, vector<16xf32>,
    tpu.vector_store %arg33[%swap3A_600], %add3A_599 {strides = array<i32>} : memref<16xf32, #tpu.memory_space<vmem>>, vector<16xf32>,
    %xor3A_602 = arith.constant 2 : i32
    %xor3A_603 = vector.broadcast %xor3A_602 : i32 to vector<16xi32>
    %xor3A_604 = arith.xori %iota3A_585, %xor3A_603 : vector<16xi32>
    %gather3A_605 = tpu.vector_load_idx %arg33[%xor3A_604] : memref<16xf32, #tpu.memory_space<vmem>>[vector<16xi32>], vector<16xf32>,
    %add3A_606 = arith.addf %add3A_599, %gather3A_605 : vector<16xf32>
    %swap3A_607 = arith.constant 0 : index
    %swap3A_608 = tpu.vector_load %arg33[%swap3A_607] {strides = array<i32>} : memref<16xf32, #tpu.memory_space<vmem>>, vector<16xf32>,
    tpu.vector_store %arg33[%swap3A_607], %add3A_606 {strides = array<i32>} : memref<16xf32, #tpu.memory_space<vmem>>, vector<16xf32>,
    %xor3A_609 = arith.constant 1 : i32
    %xor3A_610 = vector.broadcast %xor3A_609 : i32 to vector<16xi32>
    %xor3A_611 = arith.xori %iota3A_585, %xor3A_610 : vector<16xi32>
    %gather3A_612 = tpu.vector_load_idx %arg33[%xor3A_611] : memref<16xf32, #tpu.memory_space<vmem>>[vector<16xi32>], vector<16xf32>,
    %add3A_613 = arith.addf %add3A_606, %gather3A_612 : vector<16xf32>
    %iota3A_614 = tpu.iota {dimensions = array<i32: 0>} : vector<16xi32>
    %swap3A_615 = arith.constant 0 : index
    %swap3A_616 = tpu.vector_load %arg33[%swap3A_615] {strides = array<i32>} : memref<16xf32, #tpu.memory_space<vmem>>, vector<16xf32>,
    tpu.vector_store %arg33[%swap3A_615], %scan3A_93#18 {strides = array<i32>} : memref<16xf32, #tpu.memory_space<vmem>>, vector<16xf32>,
    %xor3A_617 = arith.constant 8 : i32
    %xor3A_618 = vector.broadcast %xor3A_617 : i32 to vector<16xi32>
    %xor3A_619 = arith.xori %iota3A_614, %xor3A_618 : vector<16xi32>
    %gather3A_620 = tpu.vector_load_idx %arg33[%xor3A_619] : memref<16xf32, #tpu.memory_space<vmem>>[vector<16xi32>], vector<16xf32>,
    %add3A_621 = arith.addf %scan3A_93#18, %gather3A_620 : vector<16xf32>
    %swap3A_622 = arith.constant 0 : index
    %swap3A_623 = tpu.vector_load %arg33[%swap3A_622] {strides = array<i32>} : memref<16xf32, #tpu.memory_space<vmem>>, vector<16xf32>,
    tpu.vector_store %arg33[%swap3A_622], %add3A_621 {strides = array<i32>} : memref<16xf32, #tpu.memory_space<vmem>>, vector<16xf32>,
    %xor3A_624 = arith.constant 4 : i32
    %xor3A_625 = vector.broadcast %xor3A_624 : i32 to vector<16xi32>
    %xor3A_626 = arith.xori %iota3A_614, %xor3A_625 : vector<16xi32>
    %gather3A_627 = tpu.vector_load_idx %arg33[%xor3A_626] : memref<16xf32, #tpu.memory_space<vmem>>[vector<16xi32>], vector<16xf32>,
    %add3A_628 = arith.addf %add3A_621, %gather3A_627 : vector<16xf32>
    %swap3A_629 = arith.constant 0 : index
    %swap3A_630 = tpu.vector_load %arg33[%swap3A_629] {strides = array<i32>} : memref<16xf32, #tpu.memory_space<vmem>>, vector<16xf32>,
    tpu.vector_store %arg33[%swap3A_629], %add3A_628 {strides = array<i32>} : memref<16xf32, #tpu.memory_space<vmem>>, vector<16xf32>,
    %xor3A_631 = arith.constant 2 : i32
    %xor3A_632 = vector.broadcast %xor3A_631 : i32 to vector<16xi32>
    %xor3A_633 = arith.xori %iota3A_614, %xor3A_632 : vector<16xi32>
    %gather3A_634 = tpu.vector_load_idx %arg33[%xor3A_633] : memref<16xf32, #tpu.memory_space<vmem>>[vector<16xi32>], vector<16xf32>,
    %add3A_635 = arith.addf %add3A_628, %gather3A_634 : vector<16xf32>
    %swap3A_636 = arith.constant 0 : index
    %swap3A_637 = tpu.vector_load %arg33[%swap3A_636] {strides = array<i32>} : memref<16xf32, #tpu.memory_space<vmem>>, vector<16xf32>,
    tpu.vector_store %arg33[%swap3A_636], %add3A_635 {strides = array<i32>} : memref<16xf32, #tpu.memory_space<vmem>>, vector<16xf32>,
    %xor3A_638 = arith.constant 1 : i32
    %xor3A_639 = vector.broadcast %xor3A_638 : i32 to vector<16xi32>
    %xor3A_640 = arith.xori %iota3A_614, %xor3A_639 : vector<16xi32>
    %gather3A_641 = tpu.vector_load_idx %arg33[%xor3A_640] : memref<16xf32, #tpu.memory_space<vmem>>[vector<16xi32>], vector<16xf32>,
    %add3A_642 = arith.addf %add3A_635, %gather3A_641 : vector<16xf32>
    %iota3A_643 = tpu.iota {dimensions = array<i32: 0>} : vector<16xi32>
    %swap3A_644 = arith.constant 0 : index
    %swap3A_645 = tpu.vector_load %arg33[%swap3A_644] {strides = array<i32>} : memref<16xf32, #tpu.memory_space<vmem>>, vector<16xf32>,
    tpu.vector_store %arg33[%swap3A_644], %scan3A_93#19 {strides = array<i32>} : memref<16xf32, #tpu.memory_space<vmem>>, vector<16xf32>,
    %xor3A_646 = arith.constant 8 : i32
    %xor3A_647 = vector.broadcast %xor3A_646 : i32 to vector<16xi32>
    %xor3A_648 = arith.xori %iota3A_643, %xor3A_647 : vector<16xi32>
    %gather3A_649 = tpu.vector_load_idx %arg33[%xor3A_648] : memref<16xf32, #tpu.memory_space<vmem>>[vector<16xi32>], vector<16xf32>,
    %add3A_650 = arith.addf %scan3A_93#19, %gather3A_649 : vector<16xf32>
    %swap3A_651 = arith.constant 0 : index
    %swap3A_652 = tpu.vector_load %arg33[%swap3A_651] {strides = array<i32>} : memref<16xf32, #tpu.memory_space<vmem>>, vector<16xf32>,
    tpu.vector_store %arg33[%swap3A_651], %add3A_650 {strides = array<i32>} : memref<16xf32, #tpu.memory_space<vmem>>, vector<16xf32>,
    %xor3A_653 = arith.constant 4 : i32
    %xor3A_654 = vector.broadcast %xor3A_653 : i32 to vector<16xi32>
    %xor3A_655 = arith.xori %iota3A_643, %xor3A_654 : vector<16xi32>
    %gather3A_656 = tpu.vector_load_idx %arg33[%xor3A_655] : memref<16xf32, #tpu.memory_space<vmem>>[vector<16xi32>], vector<16xf32>,
    %add3A_657 = arith.addf %add3A_650, %gather3A_656 : vector<16xf32>
    %swap3A_658 = arith.constant 0 : index
    %swap3A_659 = tpu.vector_load %arg33[%swap3A_658] {strides = array<i32>} : memref<16xf32, #tpu.memory_space<vmem>>, vector<16xf32>,
    tpu.vector_store %arg33[%swap3A_658], %add3A_657 {strides = array<i32>} : memref<16xf32, #tpu.memory_space<vmem>>, vector<16xf32>,
    %xor3A_660 = arith.constant 2 : i32
    %xor3A_661 = vector.broadcast %xor3A_660 : i32 to vector<16xi32>
    %xor3A_662 = arith.xori %iota3A_643, %xor3A_661 : vector<16xi32>
    %gather3A_663 = tpu.vector_load_idx %arg33[%xor3A_662] : memref<16xf32, #tpu.memory_space<vmem>>[vector<16xi32>], vector<16xf32>,
    %add3A_664 = arith.addf %add3A_657, %gather3A_663 : vector<16xf32>
    %swap3A_665 = arith.constant 0 : index
    %swap3A_666 = tpu.vector_load %arg33[%swap3A_665] {strides = array<i32>} : memref<16xf32, #tpu.memory_space<vmem>>, vector<16xf32>,
    tpu.vector_store %arg33[%swap3A_665], %add3A_664 {strides = array<i32>} : memref<16xf32, #tpu.memory_space<vmem>>, vector<16xf32>,
    %xor3A_667 = arith.constant 1 : i32
    %xor3A_668 = vector.broadcast %xor3A_667 : i32 to vector<16xi32>
    %xor3A_669 = arith.xori %iota3A_643, %xor3A_668 : vector<16xi32>
    %gather3A_670 = tpu.vector_load_idx %arg33[%xor3A_669] : memref<16xf32, #tpu.memory_space<vmem>>[vector<16xi32>], vector<16xf32>,
    %add3A_671 = arith.addf %add3A_664, %gather3A_670 : vector<16xf32>
    %iota3A_672 = tpu.iota {dimensions = array<i32: 0>} : vector<16xi32>
    %swap3A_673 = arith.constant 0 : index
    %swap3A_674 = tpu.vector_load %arg33[%swap3A_673] {strides = array<i32>} : memref<16xf32, #tpu.memory_space<vmem>>, vector<16xf32>,
    tpu.vector_store %arg33[%swap3A_673], %scan3A_93#20 {strides = array<i32>} : memref<16xf32, #tpu.memory_space<vmem>>, vector<16xf32>,
    %xor3A_675 = arith.constant 8 : i32
    %xor3A_676 = vector.broadcast %xor3A_675 : i32 to vector<16xi32>
    %xor3A_677 = arith.xori %iota3A_672, %xor3A_676 : vector<16xi32>
    %gather3A_678 = tpu.vector_load_idx %arg33[%xor3A_677] : memref<16xf32, #tpu.memory_space<vmem>>[vector<16xi32>], vector<16xf32>,
    %add3A_679 = arith.addf %scan3A_93#20, %gather3A_678 : vector<16xf32>
    %swap3A_680 = arith.constant 0 : index
    %swap3A_681 = tpu.vector_load %arg33[%swap3A_680] {strides = array<i32>} : memref<16xf32, #tpu.memory_space<vmem>>, vector<16xf32>,
    tpu.vector_store %arg33[%swap3A_680], %add3A_679 {strides = array<i32>} : memref<16xf32, #tpu.memory_space<vmem>>, vector<16xf32>,
    %xor3A_682 = arith.constant 4 : i32
    %xor3A_683 = vector.broadcast %xor3A_682 : i32 to vector<16xi32>
    %xor3A_684 = arith.xori %iota3A_672, %xor3A_683 : vector<16xi32>
    %gather3A_685 = tpu.vector_load_idx %arg33[%xor3A_684] : memref<16xf32, #tpu.memory_space<vmem>>[vector<16xi32>], vector<16xf32>,
    %add3A_686 = arith.addf %add3A_679, %gather3A_685 : vector<16xf32>
    %swap3A_687 = arith.constant 0 : index
    %swap3A_688 = tpu.vector_load %arg33[%swap3A_687] {strides = array<i32>} : memref<16xf32, #tpu.memory_space<vmem>>, vector<16xf32>,
    tpu.vector_store %arg33[%swap3A_687], %add3A_686 {strides = array<i32>} : memref<16xf32, #tpu.memory_space<vmem>>, vector<16xf32>,
    %xor3A_689 = arith.constant 2 : i32
    %xor3A_690 = vector.broadcast %xor3A_689 : i32 to vector<16xi32>
    %xor3A_691 = arith.xori %iota3A_672, %xor3A_690 : vector<16xi32>
    %gather3A_692 = tpu.vector_load_idx %arg33[%xor3A_691] : memref<16xf32, #tpu.memory_space<vmem>>[vector<16xi32>], vector<16xf32>,
    %add3A_693 = arith.addf %add3A_686, %gather3A_692 : vector<16xf32>
    %swap3A_694 = arith.constant 0 : index
    %swap3A_695 = tpu.vector_load %arg33[%swap3A_694] {strides = array<i32>} : memref<16xf32, #tpu.memory_space<vmem>>, vector<16xf32>,
    tpu.vector_store %arg33[%swap3A_694], %add3A_693 {strides = array<i32>} : memref<16xf32, #tpu.memory_space<vmem>>, vector<16xf32>,
    %xor3A_696 = arith.constant 1 : i32
    %xor3A_697 = vector.broadcast %xor3A_696 : i32 to vector<16xi32>
    %xor3A_698 = arith.xori %iota3A_672, %xor3A_697 : vector<16xi32>
    %gather3A_699 = tpu.vector_load_idx %arg33[%xor3A_698] : memref<16xf32, #tpu.memory_space<vmem>>[vector<16xi32>], vector<16xf32>,
    %add3A_700 = arith.addf %add3A_693, %gather3A_699 : vector<16xf32>
    %iota3A_701 = tpu.iota {dimensions = array<i32: 0>} : vector<16xi32>
    %swap3A_702 = arith.constant 0 : index
    %swap3A_703 = tpu.vector_load %arg33[%swap3A_702] {strides = array<i32>} : memref<16xf32, #tpu.memory_space<vmem>>, vector<16xf32>,
    tpu.vector_store %arg33[%swap3A_702], %scan3A_93#21 {strides = array<i32>} : memref<16xf32, #tpu.memory_space<vmem>>, vector<16xf32>,
    %xor3A_704 = arith.constant 8 : i32
    %xor3A_705 = vector.broadcast %xor3A_704 : i32 to vector<16xi32>
    %xor3A_706 = arith.xori %iota3A_701, %xor3A_705 : vector<16xi32>
    %gather3A_707 = tpu.vector_load_idx %arg33[%xor3A_706] : memref<16xf32, #tpu.memory_space<vmem>>[vector<16xi32>], vector<16xf32>,
    %add3A_708 = arith.addf %scan3A_93#21, %gather3A_707 : vector<16xf32>
    %swap3A_709 = arith.constant 0 : index
    %swap3A_710 = tpu.vector_load %arg33[%swap3A_709] {strides = array<i32>} : memref<16xf32, #tpu.memory_space<vmem>>, vector<16xf32>,
    tpu.vector_store %arg33[%swap3A_709], %add3A_708 {strides = array<i32>} : memref<16xf32, #tpu.memory_space<vmem>>, vector<16xf32>,
    %xor3A_711 = arith.constant 4 : i32
    %xor3A_712 = vector.broadcast %xor3A_711 : i32 to vector<16xi32>
    %xor3A_713 = arith.xori %iota3A_701, %xor3A_712 : vector<16xi32>
    %gather3A_714 = tpu.vector_load_idx %arg33[%xor3A_713] : memref<16xf32, #tpu.memory_space<vmem>>[vector<16xi32>], vector<16xf32>,
    %add3A_715 = arith.addf %add3A_708, %gather3A_714 : vector<16xf32>
    %swap3A_716 = arith.constant 0 : index
    %swap3A_717 = tpu.vector_load %arg33[%swap3A_716] {strides = array<i32>} : memref<16xf32, #tpu.memory_space<vmem>>, vector<16xf32>,
    tpu.vector_store %arg33[%swap3A_716], %add3A_715 {strides = array<i32>} : memref<16xf32, #tpu.memory_space<vmem>>, vector<16xf32>,
    %xor3A_718 = arith.constant 2 : i32
    %xor3A_719 = vector.broadcast %xor3A_718 : i32 to vector<16xi32>
    %xor3A_720 = arith.xori %iota3A_701, %xor3A_719 : vector<16xi32>
    %gather3A_721 = tpu.vector_load_idx %arg33[%xor3A_720] : memref<16xf32, #tpu.memory_space<vmem>>[vector<16xi32>], vector<16xf32>,
    %add3A_722 = arith.addf %add3A_715, %gather3A_721 : vector<16xf32>
    %swap3A_723 = arith.constant 0 : index
    %swap3A_724 = tpu.vector_load %arg33[%swap3A_723] {strides = array<i32>} : memref<16xf32, #tpu.memory_space<vmem>>, vector<16xf32>,
    tpu.vector_store %arg33[%swap3A_723], %add3A_722 {strides = array<i32>} : memref<16xf32, #tpu.memory_space<vmem>>, vector<16xf32>,
    %xor3A_725 = arith.constant 1 : i32
    %xor3A_726 = vector.broadcast %xor3A_725 : i32 to vector<16xi32>
    %xor3A_727 = arith.xori %iota3A_701, %xor3A_726 : vector<16xi32>
    %gather3A_728 = tpu.vector_load_idx %arg33[%xor3A_727] : memref<16xf32, #tpu.memory_space<vmem>>[vector<16xi32>], vector<16xf32>,
    %add3A_729 = arith.addf %add3A_722, %gather3A_728 : vector<16xf32>
    %iota3A_730 = tpu.iota {dimensions = array<i32: 0>} : vector<16xi32>
    %swap3A_731 = arith.constant 0 : index
    %swap3A_732 = tpu.vector_load %arg33[%swap3A_731] {strides = array<i32>} : memref<16xf32, #tpu.memory_space<vmem>>, vector<16xf32>,
    tpu.vector_store %arg33[%swap3A_731], %scan3A_93#22 {strides = array<i32>} : memref<16xf32, #tpu.memory_space<vmem>>, vector<16xf32>,
    %xor3A_733 = arith.constant 8 : i32
    %xor3A_734 = vector.broadcast %xor3A_733 : i32 to vector<16xi32>
    %xor3A_735 = arith.xori %iota3A_730, %xor3A_734 : vector<16xi32>
    %gather3A_736 = tpu.vector_load_idx %arg33[%xor3A_735] : memref<16xf32, #tpu.memory_space<vmem>>[vector<16xi32>], vector<16xf32>,
    %add3A_737 = arith.addf %scan3A_93#22, %gather3A_736 : vector<16xf32>
    %swap3A_738 = arith.constant 0 : index
    %swap3A_739 = tpu.vector_load %arg33[%swap3A_738] {strides = array<i32>} : memref<16xf32, #tpu.memory_space<vmem>>, vector<16xf32>,
    tpu.vector_store %arg33[%swap3A_738], %add3A_737 {strides = array<i32>} : memref<16xf32, #tpu.memory_space<vmem>>, vector<16xf32>,
    %xor3A_740 = arith.constant 4 : i32
    %xor3A_741 = vector.broadcast %xor3A_740 : i32 to vector<16xi32>
    %xor3A_742 = arith.xori %iota3A_730, %xor3A_741 : vector<16xi32>
    %gather3A_743 = tpu.vector_load_idx %arg33[%xor3A_742] : memref<16xf32, #tpu.memory_space<vmem>>[vector<16xi32>], vector<16xf32>,
    %add3A_744 = arith.addf %add3A_737, %gather3A_743 : vector<16xf32>
    %swap3A_745 = arith.constant 0 : index
    %swap3A_746 = tpu.vector_load %arg33[%swap3A_745] {strides = array<i32>} : memref<16xf32, #tpu.memory_space<vmem>>, vector<16xf32>,
    tpu.vector_store %arg33[%swap3A_745], %add3A_744 {strides = array<i32>} : memref<16xf32, #tpu.memory_space<vmem>>, vector<16xf32>,
    %xor3A_747 = arith.constant 2 : i32
    %xor3A_748 = vector.broadcast %xor3A_747 : i32 to vector<16xi32>
    %xor3A_749 = arith.xori %iota3A_730, %xor3A_748 : vector<16xi32>
    %gather3A_750 = tpu.vector_load_idx %arg33[%xor3A_749] : memref<16xf32, #tpu.memory_space<vmem>>[vector<16xi32>], vector<16xf32>,
    %add3A_751 = arith.addf %add3A_744, %gather3A_750 : vector<16xf32>
    %swap3A_752 = arith.constant 0 : index
    %swap3A_753 = tpu.vector_load %arg33[%swap3A_752] {strides = array<i32>} : memref<16xf32, #tpu.memory_space<vmem>>, vector<16xf32>,
    tpu.vector_store %arg33[%swap3A_752], %add3A_751 {strides = array<i32>} : memref<16xf32, #tpu.memory_space<vmem>>, vector<16xf32>,
    %xor3A_754 = arith.constant 1 : i32
    %xor3A_755 = vector.broadcast %xor3A_754 : i32 to vector<16xi32>
    %xor3A_756 = arith.xori %iota3A_730, %xor3A_755 : vector<16xi32>
    %gather3A_757 = tpu.vector_load_idx %arg33[%xor3A_756] : memref<16xf32, #tpu.memory_space<vmem>>[vector<16xi32>], vector<16xf32>,
    %add3A_758 = arith.addf %add3A_751, %gather3A_757 : vector<16xf32>
    %iota3A_759 = tpu.iota {dimensions = array<i32: 0>} : vector<16xi32>
    %swap3A_760 = arith.constant 0 : index
    %swap3A_761 = tpu.vector_load %arg33[%swap3A_760] {strides = array<i32>} : memref<16xf32, #tpu.memory_space<vmem>>, vector<16xf32>,
    tpu.vector_store %arg33[%swap3A_760], %scan3A_93#23 {strides = array<i32>} : memref<16xf32, #tpu.memory_space<vmem>>, vector<16xf32>,
    %xor3A_762 = arith.constant 8 : i32
    %xor3A_763 = vector.broadcast %xor3A_762 : i32 to vector<16xi32>
    %xor3A_764 = arith.xori %iota3A_759, %xor3A_763 : vector<16xi32>
    %gather3A_765 = tpu.vector_load_idx %arg33[%xor3A_764] : memref<16xf32, #tpu.memory_space<vmem>>[vector<16xi32>], vector<16xf32>,
    %add3A_766 = arith.addf %scan3A_93#23, %gather3A_765 : vector<16xf32>
    %swap3A_767 = arith.constant 0 : index
    %swap3A_768 = tpu.vector_load %arg33[%swap3A_767] {strides = array<i32>} : memref<16xf32, #tpu.memory_space<vmem>>, vector<16xf32>,
    tpu.vector_store %arg33[%swap3A_767], %add3A_766 {strides = array<i32>} : memref<16xf32, #tpu.memory_space<vmem>>, vector<16xf32>,
    %xor3A_769 = arith.constant 4 : i32
    %xor3A_770 = vector.broadcast %xor3A_769 : i32 to vector<16xi32>
    %xor3A_771 = arith.xori %iota3A_759, %xor3A_770 : vector<16xi32>
    %gather3A_772 = tpu.vector_load_idx %arg33[%xor3A_771] : memref<16xf32, #tpu.memory_space<vmem>>[vector<16xi32>], vector<16xf32>,
    %add3A_773 = arith.addf %add3A_766, %gather3A_772 : vector<16xf32>
    %swap3A_774 = arith.constant 0 : index
    %swap3A_775 = tpu.vector_load %arg33[%swap3A_774] {strides = array<i32>} : memref<16xf32, #tpu.memory_space<vmem>>, vector<16xf32>,
    tpu.vector_store %arg33[%swap3A_774], %add3A_773 {strides = array<i32>} : memref<16xf32, #tpu.memory_space<vmem>>, vector<16xf32>,
    %xor3A_776 = arith.constant 2 : i32
    %xor3A_777 = vector.broadcast %xor3A_776 : i32 to vector<16xi32>
    %xor3A_778 = arith.xori %iota3A_759, %xor3A_777 : vector<16xi32>
    %gather3A_779 = tpu.vector_load_idx %arg33[%xor3A_778] : memref<16xf32, #tpu.memory_space<vmem>>[vector<16xi32>], vector<16xf32>,
    %add3A_780 = arith.addf %add3A_773, %gather3A_779 : vector<16xf32>
    %swap3A_781 = arith.constant 0 : index
    %swap3A_782 = tpu.vector_load %arg33[%swap3A_781] {strides = array<i32>} : memref<16xf32, #tpu.memory_space<vmem>>, vector<16xf32>,
    tpu.vector_store %arg33[%swap3A_781], %add3A_780 {strides = array<i32>} : memref<16xf32, #tpu.memory_space<vmem>>, vector<16xf32>,
    %xor3A_783 = arith.constant 1 : i32
    %xor3A_784 = vector.broadcast %xor3A_783 : i32 to vector<16xi32>
    %xor3A_785 = arith.xori %iota3A_759, %xor3A_784 : vector<16xi32>
    %gather3A_786 = tpu.vector_load_idx %arg33[%xor3A_785] : memref<16xf32, #tpu.memory_space<vmem>>[vector<16xi32>], vector<16xf32>,
    %add3A_787 = arith.addf %add3A_780, %gather3A_786 : vector<16xf32>
    %iota3A_788 = tpu.iota {dimensions = array<i32: 0>} : vector<16xi32>
    %swap3A_789 = arith.constant 0 : index
    %swap3A_790 = tpu.vector_load %arg33[%swap3A_789] {strides = array<i32>} : memref<16xf32, #tpu.memory_space<vmem>>, vector<16xf32>,
    tpu.vector_store %arg33[%swap3A_789], %scan3A_93#24 {strides = array<i32>} : memref<16xf32, #tpu.memory_space<vmem>>, vector<16xf32>,
    %xor3A_791 = arith.constant 8 : i32
    %xor3A_792 = vector.broadcast %xor3A_791 : i32 to vector<16xi32>
    %xor3A_793 = arith.xori %iota3A_788, %xor3A_792 : vector<16xi32>
    %gather3A_794 = tpu.vector_load_idx %arg33[%xor3A_793] : memref<16xf32, #tpu.memory_space<vmem>>[vector<16xi32>], vector<16xf32>,
    %add3A_795 = arith.addf %scan3A_93#24, %gather3A_794 : vector<16xf32>
    %swap3A_796 = arith.constant 0 : index
    %swap3A_797 = tpu.vector_load %arg33[%swap3A_796] {strides = array<i32>} : memref<16xf32, #tpu.memory_space<vmem>>, vector<16xf32>,
    tpu.vector_store %arg33[%swap3A_796], %add3A_795 {strides = array<i32>} : memref<16xf32, #tpu.memory_space<vmem>>, vector<16xf32>,
    %xor3A_798 = arith.constant 4 : i32
    %xor3A_799 = vector.broadcast %xor3A_798 : i32 to vector<16xi32>
    %xor3A_800 = arith.xori %iota3A_788, %xor3A_799 : vector<16xi32>
    %gather3A_801 = tpu.vector_load_idx %arg33[%xor3A_800] : memref<16xf32, #tpu.memory_space<vmem>>[vector<16xi32>], vector<16xf32>,
    %add3A_802 = arith.addf %add3A_795, %gather3A_801 : vector<16xf32>
    %swap3A_803 = arith.constant 0 : index
    %swap3A_804 = tpu.vector_load %arg33[%swap3A_803] {strides = array<i32>} : memref<16xf32, #tpu.memory_space<vmem>>, vector<16xf32>,
    tpu.vector_store %arg33[%swap3A_803], %add3A_802 {strides = array<i32>} : memref<16xf32, #tpu.memory_space<vmem>>, vector<16xf32>,
    %xor3A_805 = arith.constant 2 : i32
    %xor3A_806 = vector.broadcast %xor3A_805 : i32 to vector<16xi32>
    %xor3A_807 = arith.xori %iota3A_788, %xor3A_806 : vector<16xi32>
    %gather3A_808 = tpu.vector_load_idx %arg33[%xor3A_807] : memref<16xf32, #tpu.memory_space<vmem>>[vector<16xi32>], vector<16xf32>,
    %add3A_809 = arith.addf %add3A_802, %gather3A_808 : vector<16xf32>
    %swap3A_810 = arith.constant 0 : index
    %swap3A_811 = tpu.vector_load %arg33[%swap3A_810] {strides = array<i32>} : memref<16xf32, #tpu.memory_space<vmem>>, vector<16xf32>,
    tpu.vector_store %arg33[%swap3A_810], %add3A_809 {strides = array<i32>} : memref<16xf32, #tpu.memory_space<vmem>>, vector<16xf32>,
    %xor3A_812 = arith.constant 1 : i32
    %xor3A_813 = vector.broadcast %xor3A_812 : i32 to vector<16xi32>
    %xor3A_814 = arith.xori %iota3A_788, %xor3A_813 : vector<16xi32>
    %gather3A_815 = tpu.vector_load_idx %arg33[%xor3A_814] : memref<16xf32, #tpu.memory_space<vmem>>[vector<16xi32>], vector<16xf32>,
    %add3A_816 = arith.addf %add3A_809, %gather3A_815 : vector<16xf32>
    %iota3A_817 = tpu.iota {dimensions = array<i32: 0>} : vector<16xi32>
    %swap3A_818 = arith.constant 0 : index
    %swap3A_819 = tpu.vector_load %arg33[%swap3A_818] {strides = array<i32>} : memref<16xf32, #tpu.memory_space<vmem>>, vector<16xf32>,
    tpu.vector_store %arg33[%swap3A_818], %scan3A_93#25 {strides = array<i32>} : memref<16xf32, #tpu.memory_space<vmem>>, vector<16xf32>,
    %xor3A_820 = arith.constant 8 : i32
    %xor3A_821 = vector.broadcast %xor3A_820 : i32 to vector<16xi32>
    %xor3A_822 = arith.xori %iota3A_817, %xor3A_821 : vector<16xi32>
    %gather3A_823 = tpu.vector_load_idx %arg33[%xor3A_822] : memref<16xf32, #tpu.memory_space<vmem>>[vector<16xi32>], vector<16xf32>,
    %add3A_824 = arith.addf %scan3A_93#25, %gather3A_823 : vector<16xf32>
    %swap3A_825 = arith.constant 0 : index
    %swap3A_826 = tpu.vector_load %arg33[%swap3A_825] {strides = array<i32>} : memref<16xf32, #tpu.memory_space<vmem>>, vector<16xf32>,
    tpu.vector_store %arg33[%swap3A_825], %add3A_824 {strides = array<i32>} : memref<16xf32, #tpu.memory_space<vmem>>, vector<16xf32>,
    %xor3A_827 = arith.constant 4 : i32
    %xor3A_828 = vector.broadcast %xor3A_827 : i32 to vector<16xi32>
    %xor3A_829 = arith.xori %iota3A_817, %xor3A_828 : vector<16xi32>
    %gather3A_830 = tpu.vector_load_idx %arg33[%xor3A_829] : memref<16xf32, #tpu.memory_space<vmem>>[vector<16xi32>], vector<16xf32>,
    %add3A_831 = arith.addf %add3A_824, %gather3A_830 : vector<16xf32>
    %swap3A_832 = arith.constant 0 : index
    %swap3A_833 = tpu.vector_load %arg33[%swap3A_832] {strides = array<i32>} : memref<16xf32, #tpu.memory_space<vmem>>, vector<16xf32>,
    tpu.vector_store %arg33[%swap3A_832], %add3A_831 {strides = array<i32>} : memref<16xf32, #tpu.memory_space<vmem>>, vector<16xf32>,
    %xor3A_834 = arith.constant 2 : i32
    %xor3A_835 = vector.broadcast %xor3A_834 : i32 to vector<16xi32>
    %xor3A_836 = arith.xori %iota3A_817, %xor3A_835 : vector<16xi32>
    %gather3A_837 = tpu.vector_load_idx %arg33[%xor3A_836] : memref<16xf32, #tpu.memory_space<vmem>>[vector<16xi32>], vector<16xf32>,
    %add3A_838 = arith.addf %add3A_831, %gather3A_837 : vector<16xf32>
    %swap3A_839 = arith.constant 0 : index
    %swap3A_840 = tpu.vector_load %arg33[%swap3A_839] {strides = array<i32>} : memref<16xf32, #tpu.memory_space<vmem>>, vector<16xf32>,
    tpu.vector_store %arg33[%swap3A_839], %add3A_838 {strides = array<i32>} : memref<16xf32, #tpu.memory_space<vmem>>, vector<16xf32>,
    %xor3A_841 = arith.constant 1 : i32
    %xor3A_842 = vector.broadcast %xor3A_841 : i32 to vector<16xi32>
    %xor3A_843 = arith.xori %iota3A_817, %xor3A_842 : vector<16xi32>
    %gather3A_844 = tpu.vector_load_idx %arg33[%xor3A_843] : memref<16xf32, #tpu.memory_space<vmem>>[vector<16xi32>], vector<16xf32>,
    %add3A_845 = arith.addf %add3A_838, %gather3A_844 : vector<16xf32>
    %iota3A_846 = tpu.iota {dimensions = array<i32: 0>} : vector<16xi32>
    %swap3A_847 = arith.constant 0 : index
    %swap3A_848 = tpu.vector_load %arg33[%swap3A_847] {strides = array<i32>} : memref<16xf32, #tpu.memory_space<vmem>>, vector<16xf32>,
    tpu.vector_store %arg33[%swap3A_847], %scan3A_93#26 {strides = array<i32>} : memref<16xf32, #tpu.memory_space<vmem>>, vector<16xf32>,
    %xor3A_849 = arith.constant 8 : i32
    %xor3A_850 = vector.broadcast %xor3A_849 : i32 to vector<16xi32>
    %xor3A_851 = arith.xori %iota3A_846, %xor3A_850 : vector<16xi32>
    %gather3A_852 = tpu.vector_load_idx %arg33[%xor3A_851] : memref<16xf32, #tpu.memory_space<vmem>>[vector<16xi32>], vector<16xf32>,
    %add3A_853 = arith.addf %scan3A_93#26, %gather3A_852 : vector<16xf32>
    %swap3A_854 = arith.constant 0 : index
    %swap3A_855 = tpu.vector_load %arg33[%swap3A_854] {strides = array<i32>} : memref<16xf32, #tpu.memory_space<vmem>>, vector<16xf32>,
    tpu.vector_store %arg33[%swap3A_854], %add3A_853 {strides = array<i32>} : memref<16xf32, #tpu.memory_space<vmem>>, vector<16xf32>,
    %xor3A_856 = arith.constant 4 : i32
    %xor3A_857 = vector.broadcast %xor3A_856 : i32 to vector<16xi32>
    %xor3A_858 = arith.xori %iota3A_846, %xor3A_857 : vector<16xi32>
    %gather3A_859 = tpu.vector_load_idx %arg33[%xor3A_858] : memref<16xf32, #tpu.memory_space<vmem>>[vector<16xi32>], vector<16xf32>,
    %add3A_860 = arith.addf %add3A_853, %gather3A_859 : vector<16xf32>
    %swap3A_861 = arith.constant 0 : index
    %swap3A_862 = tpu.vector_load %arg33[%swap3A_861] {strides = array<i32>} : memref<16xf32, #tpu.memory_space<vmem>>, vector<16xf32>,
    tpu.vector_store %arg33[%swap3A_861], %add3A_860 {strides = array<i32>} : memref<16xf32, #tpu.memory_space<vmem>>, vector<16xf32>,
    %xor3A_863 = arith.constant 2 : i32
    %xor3A_864 = vector.broadcast %xor3A_863 : i32 to vector<16xi32>
    %xor3A_865 = arith.xori %iota3A_846, %xor3A_864 : vector<16xi32>
    %gather3A_866 = tpu.vector_load_idx %arg33[%xor3A_865] : memref<16xf32, #tpu.memory_space<vmem>>[vector<16xi32>], vector<16xf32>,
    %add3A_867 = arith.addf %add3A_860, %gather3A_866 : vector<16xf32>
    %swap3A_868 = arith.constant 0 : index
    %swap3A_869 = tpu.vector_load %arg33[%swap3A_868] {strides = array<i32>} : memref<16xf32, #tpu.memory_space<vmem>>, vector<16xf32>,
    tpu.vector_store %arg33[%swap3A_868], %add3A_867 {strides = array<i32>} : memref<16xf32, #tpu.memory_space<vmem>>, vector<16xf32>,
    %xor3A_870 = arith.constant 1 : i32
    %xor3A_871 = vector.broadcast %xor3A_870 : i32 to vector<16xi32>
    %xor3A_872 = arith.xori %iota3A_846, %xor3A_871 : vector<16xi32>
    %gather3A_873 = tpu.vector_load_idx %arg33[%xor3A_872] : memref<16xf32, #tpu.memory_space<vmem>>[vector<16xi32>], vector<16xf32>,
    %add3A_874 = arith.addf %add3A_867, %gather3A_873 : vector<16xf32>
    %iota3A_875 = tpu.iota {dimensions = array<i32: 0>} : vector<16xi32>
    %swap3A_876 = arith.constant 0 : index
    %swap3A_877 = tpu.vector_load %arg33[%swap3A_876] {strides = array<i32>} : memref<16xf32, #tpu.memory_space<vmem>>, vector<16xf32>,
    tpu.vector_store %arg33[%swap3A_876], %scan3A_93#27 {strides = array<i32>} : memref<16xf32, #tpu.memory_space<vmem>>, vector<16xf32>,
    %xor3A_878 = arith.constant 8 : i32
    %xor3A_879 = vector.broadcast %xor3A_878 : i32 to vector<16xi32>
    %xor3A_880 = arith.xori %iota3A_875, %xor3A_879 : vector<16xi32>
    %gather3A_881 = tpu.vector_load_idx %arg33[%xor3A_880] : memref<16xf32, #tpu.memory_space<vmem>>[vector<16xi32>], vector<16xf32>,
    %add3A_882 = arith.addf %scan3A_93#27, %gather3A_881 : vector<16xf32>
    %swap3A_883 = arith.constant 0 : index
    %swap3A_884 = tpu.vector_load %arg33[%swap3A_883] {strides = array<i32>} : memref<16xf32, #tpu.memory_space<vmem>>, vector<16xf32>,
    tpu.vector_store %arg33[%swap3A_883], %add3A_882 {strides = array<i32>} : memref<16xf32, #tpu.memory_space<vmem>>, vector<16xf32>,
    %xor3A_885 = arith.constant 4 : i32
    %xor3A_886 = vector.broadcast %xor3A_885 : i32 to vector<16xi32>
    %xor3A_887 = arith.xori %iota3A_875, %xor3A_886 : vector<16xi32>
    %gather3A_888 = tpu.vector_load_idx %arg33[%xor3A_887] : memref<16xf32, #tpu.memory_space<vmem>>[vector<16xi32>], vector<16xf32>,
    %add3A_889 = arith.addf %add3A_882, %gather3A_888 : vector<16xf32>
    %swap3A_890 = arith.constant 0 : index
    %swap3A_891 = tpu.vector_load %arg33[%swap3A_890] {strides = array<i32>} : memref<16xf32, #tpu.memory_space<vmem>>, vector<16xf32>,
    tpu.vector_store %arg33[%swap3A_890], %add3A_889 {strides = array<i32>} : memref<16xf32, #tpu.memory_space<vmem>>, vector<16xf32>,
    %xor3A_892 = arith.constant 2 : i32
    %xor3A_893 = vector.broadcast %xor3A_892 : i32 to vector<16xi32>
    %xor3A_894 = arith.xori %iota3A_875, %xor3A_893 : vector<16xi32>
    %gather3A_895 = tpu.vector_load_idx %arg33[%xor3A_894] : memref<16xf32, #tpu.memory_space<vmem>>[vector<16xi32>], vector<16xf32>,
    %add3A_896 = arith.addf %add3A_889, %gather3A_895 : vector<16xf32>
    %swap3A_897 = arith.constant 0 : index
    %swap3A_898 = tpu.vector_load %arg33[%swap3A_897] {strides = array<i32>} : memref<16xf32, #tpu.memory_space<vmem>>, vector<16xf32>,
    tpu.vector_store %arg33[%swap3A_897], %add3A_896 {strides = array<i32>} : memref<16xf32, #tpu.memory_space<vmem>>, vector<16xf32>,
    %xor3A_899 = arith.constant 1 : i32
    %xor3A_900 = vector.broadcast %xor3A_899 : i32 to vector<16xi32>
    %xor3A_901 = arith.xori %iota3A_875, %xor3A_900 : vector<16xi32>
    %gather3A_902 = tpu.vector_load_idx %arg33[%xor3A_901] : memref<16xf32, #tpu.memory_space<vmem>>[vector<16xi32>], vector<16xf32>,
    %add3A_903 = arith.addf %add3A_896, %gather3A_902 : vector<16xf32>
    %iota3A_904 = tpu.iota {dimensions = array<i32: 0>} : vector<16xi32>
    %swap3A_905 = arith.constant 0 : index
    %swap3A_906 = tpu.vector_load %arg33[%swap3A_905] {strides = array<i32>} : memref<16xf32, #tpu.memory_space<vmem>>, vector<16xf32>,
    tpu.vector_store %arg33[%swap3A_905], %scan3A_93#28 {strides = array<i32>} : memref<16xf32, #tpu.memory_space<vmem>>, vector<16xf32>,
    %xor3A_907 = arith.constant 8 : i32
    %xor3A_908 = vector.broadcast %xor3A_907 : i32 to vector<16xi32>
    %xor3A_909 = arith.xori %iota3A_904, %xor3A_908 : vector<16xi32>
    %gather3A_910 = tpu.vector_load_idx %arg33[%xor3A_909] : memref<16xf32, #tpu.memory_space<vmem>>[vector<16xi32>], vector<16xf32>,
    %add3A_911 = arith.addf %scan3A_93#28, %gather3A_910 : vector<16xf32>
    %swap3A_912 = arith.constant 0 : index
    %swap3A_913 = tpu.vector_load %arg33[%swap3A_912] {strides = array<i32>} : memref<16xf32, #tpu.memory_space<vmem>>, vector<16xf32>,
    tpu.vector_store %arg33[%swap3A_912], %add3A_911 {strides = array<i32>} : memref<16xf32, #tpu.memory_space<vmem>>, vector<16xf32>,
    %xor3A_914 = arith.constant 4 : i32
    %xor3A_915 = vector.broadcast %xor3A_914 : i32 to vector<16xi32>
    %xor3A_916 = arith.xori %iota3A_904, %xor3A_915 : vector<16xi32>
    %gather3A_917 = tpu.vector_load_idx %arg33[%xor3A_916] : memref<16xf32, #tpu.memory_space<vmem>>[vector<16xi32>], vector<16xf32>,
    %add3A_918 = arith.addf %add3A_911, %gather3A_917 : vector<16xf32>
    %swap3A_919 = arith.constant 0 : index
    %swap3A_920 = tpu.vector_load %arg33[%swap3A_919] {strides = array<i32>} : memref<16xf32, #tpu.memory_space<vmem>>, vector<16xf32>,
    tpu.vector_store %arg33[%swap3A_919], %add3A_918 {strides = array<i32>} : memref<16xf32, #tpu.memory_space<vmem>>, vector<16xf32>,
    %xor3A_921 = arith.constant 2 : i32
    %xor3A_922 = vector.broadcast %xor3A_921 : i32 to vector<16xi32>
    %xor3A_923 = arith.xori %iota3A_904, %xor3A_922 : vector<16xi32>
    %gather3A_924 = tpu.vector_load_idx %arg33[%xor3A_923] : memref<16xf32, #tpu.memory_space<vmem>>[vector<16xi32>], vector<16xf32>,
    %add3A_925 = arith.addf %add3A_918, %gather3A_924 : vector<16xf32>
    %swap3A_926 = arith.constant 0 : index
    %swap3A_927 = tpu.vector_load %arg33[%swap3A_926] {strides = array<i32>} : memref<16xf32, #tpu.memory_space<vmem>>, vector<16xf32>,
    tpu.vector_store %arg33[%swap3A_926], %add3A_925 {strides = array<i32>} : memref<16xf32, #tpu.memory_space<vmem>>, vector<16xf32>,
    %xor3A_928 = arith.constant 1 : i32
    %xor3A_929 = vector.broadcast %xor3A_928 : i32 to vector<16xi32>
    %xor3A_930 = arith.xori %iota3A_904, %xor3A_929 : vector<16xi32>
    %gather3A_931 = tpu.vector_load_idx %arg33[%xor3A_930] : memref<16xf32, #tpu.memory_space<vmem>>[vector<16xi32>], vector<16xf32>,
    %add3A_932 = arith.addf %add3A_925, %gather3A_931 : vector<16xf32>
    %broadcast_in_dim3A_933 = arith.constant 8.192000e+03 : f32
    %broadcast_in_dim3A_934 = vector.broadcast %broadcast_in_dim3A_933 : f32 to vector<16xf32>
    %add3A_935 = arith.constant 0.000000e+00 : f32
    %add3A_936 = vector.broadcast %add3A_935 : f32 to vector<16xf32>
    %add3A_937 = arith.addf %add3A_936, %add3A_120 : vector<16xf32>
    %add3A_938 = arith.addf %add3A_937, %add3A_149 : vector<16xf32>
    %add3A_939 = arith.addf %add3A_938, %add3A_178 : vector<16xf32>
    %add3A_940 = arith.addf %add3A_939, %add3A_207 : vector<16xf32>
    %sub3A = arith.subf %broadcast_in_dim3A_934, %add3A_940 : vector<16xf32>
    %add3A_941 = arith.constant 0.000000e+00 : f32
    %add3A_942 = vector.broadcast %add3A_941 : f32 to vector<16xf32>
    %add3A_943 = arith.addf %add3A_942, %add3A_236 : vector<16xf32>
    %add3A_944 = arith.addf %add3A_943, %add3A_381 : vector<16xf32>
    %add3A_945 = arith.addf %add3A_944, %add3A_526 : vector<16xf32>
    %add3A_946 = arith.addf %add3A_945, %add3A_671 : vector<16xf32>
    %sub3A_947 = arith.subf %add3A_816, %add3A_946 : vector<16xf32>
    %add3A_948 = arith.constant 0.000000e+00 : f32
    %add3A_949 = vector.broadcast %add3A_948 : f32 to vector<16xf32>
    %add3A_950 = arith.addf %add3A_949, %add3A_265 : vector<16xf32>
    %add3A_951 = arith.addf %add3A_950, %add3A_410 : vector<16xf32>
    %add3A_952 = arith.addf %add3A_951, %add3A_555 : vector<16xf32>
    %add3A_953 = arith.addf %add3A_952, %add3A_700 : vector<16xf32>
    %sub3A_954 = arith.subf %add3A_845, %add3A_953 : vector<16xf32>
    %add3A_955 = arith.constant 0.000000e+00 : f32
    %add3A_956 = vector.broadcast %add3A_955 : f32 to vector<16xf32>
    %add3A_957 = arith.addf %add3A_956, %add3A_294 : vector<16xf32>
    %add3A_958 = arith.addf %add3A_957, %add3A_439 : vector<16xf32>
    %add3A_959 = arith.addf %add3A_958, %add3A_584 : vector<16xf32>
    %add3A_960 = arith.addf %add3A_959, %add3A_729 : vector<16xf32>
    %sub3A_961 = arith.subf %add3A_874, %add3A_960 : vector<16xf32>
    %add3A_962 = arith.constant 0.000000e+00 : f32
    %add3A_963 = vector.broadcast %add3A_962 : f32 to vector<16xf32>
    %add3A_964 = arith.addf %add3A_963, %add3A_323 : vector<16xf32>
    %add3A_965 = arith.addf %add3A_964, %add3A_468 : vector<16xf32>
    %add3A_966 = arith.addf %add3A_965, %add3A_613 : vector<16xf32>
    %add3A_967 = arith.addf %add3A_966, %add3A_758 : vector<16xf32>
    %sub3A_968 = arith.subf %add3A_903, %add3A_967 : vector<16xf32>
    %add3A_969 = arith.constant 0.000000e+00 : f32
    %add3A_970 = vector.broadcast %add3A_969 : f32 to vector<16xf32>
    %add3A_971 = arith.addf %add3A_970, %add3A_352 : vector<16xf32>
    %add3A_972 = arith.addf %add3A_971, %add3A_497 : vector<16xf32>
    %add3A_973 = arith.addf %add3A_972, %add3A_642 : vector<16xf32>
    %add3A_974 = arith.addf %add3A_973, %add3A_787 : vector<16xf32>
    %sub3A_975 = arith.subf %add3A_932, %add3A_974 : vector<16xf32>
    %broadcast_in_dim3A_976 = arith.constant 0.000000e+00 : f32
    %broadcast_in_dim3A_977 = vector.broadcast %broadcast_in_dim3A_976 : f32 to vector<16xf32>
    %scan3A_978 = arith.constant 0 : i32
    %scan3A_979 = arith.constant 512 : i32
    %scan3A_980 = arith.addi %scan3A_978, %scan3A_979 : i32
    %scan3A_981 = arith.constant 1 : i32
    %scan3A_982:5 = scf.for %scan3A_1740 = %scan3A_978 to %scan3A_980 step %scan3A_981 iter_args(%scan3A_1741 = %broadcast_in_dim3A_977, %scan3A_1742 = %broadcast_in_dim3A_977, %scan3A_1743 = %broadcast_in_dim3A_977, %scan3A_1744 = %broadcast_in_dim3A_977, %scan3A_1745 = %broadcast_in_dim3A_977) -> (vector<16xf32>, vector<16xf32>, vector<16xf32>, vector<16xf32>, vector<16xf32>)  : i32 {
      %mul3A_1746 = arith.constant 16 : i32
      %mul3A_1747 = arith.muli %scan3A_1740, %mul3A_1746 : i32
      %get3A = arith.index_cast %mul3A_1747 : i32 to index
      %get3A_1748 = tpu.vector_load %arg15[%get3A] {strides = array<i32>} : memref<8192xi32, #tpu.memory_space<vmem>>, vector<16xi32>,
      %get3A_1749 = arith.index_cast %mul3A_1747 : i32 to index
      %get3A_1750 = tpu.vector_load %arg12[%get3A_1749] {strides = array<i32>} : memref<8192xf32, #tpu.memory_space<vmem>>, vector<16xf32>,
      %get3A_1751 = arith.index_cast %mul3A_1747 : i32 to index
      %get3A_1752 = tpu.vector_load %arg13[%get3A_1751] {strides = array<i32>} : memref<8192xf32, #tpu.memory_space<vmem>>, vector<16xf32>,
      %add3A_1753 = arith.addf %scan3A_1744, %get3A_1750 : vector<16xf32>
      %add3A_1754 = arith.addf %scan3A_1745, %get3A_1752 : vector<16xf32>
      %eq3A_1755 = arith.constant 1 : i32
      %eq3A_1756 = vector.broadcast %eq3A_1755 : i32 to vector<16xi32>
      %eq3A_1757 = arith.cmpi eq, %get3A_1748, %eq3A_1756 : vector<16xi32>
      %jit3A_1758 = arith.constant 1.000000e+00 : f32
      %jit3A_1759 = arith.constant 0.000000e+00 : f32
      %broadcast_in_dim3A_1760 = vector.broadcast %jit3A_1758 : f32 to vector<16xf32>
      %broadcast_in_dim3A_1761 = vector.broadcast %jit3A_1759 : f32 to vector<16xf32>
      %select_n3A_1762 = arith.select %eq3A_1757, %broadcast_in_dim3A_1760, %broadcast_in_dim3A_1761 : vector<16xi1>, vector<16xf32>
      %add3A_1763 = arith.addf %scan3A_1741, %select_n3A_1762 : vector<16xf32>
      %jit3A_1764 = arith.constant 0.000000e+00 : f32
      %broadcast_in_dim3A_1765 = vector.broadcast %jit3A_1764 : f32 to vector<16xf32>
      %select_n3A_1766 = arith.select %eq3A_1757, %get3A_1750, %broadcast_in_dim3A_1765 : vector<16xi1>, vector<16xf32>
      %add3A_1767 = arith.addf %scan3A_1742, %select_n3A_1766 : vector<16xf32>
      %jit3A_1768 = arith.constant 0.000000e+00 : f32
      %broadcast_in_dim3A_1769 = vector.broadcast %jit3A_1768 : f32 to vector<16xf32>
      %select_n3A_1770 = arith.select %eq3A_1757, %get3A_1752, %broadcast_in_dim3A_1769 : vector<16xi1>, vector<16xf32>
      %add3A_1771 = arith.addf %scan3A_1743, %select_n3A_1770 : vector<16xf32>
      scf.yield %add3A_1763, %add3A_1767, %add3A_1771, %add3A_1753, %add3A_1754 : vector<16xf32>, vector<16xf32>, vector<16xf32>, vector<16xf32>, vector<16xf32>
    }
    %scan3A_983 = arith.constant 512 : i32
    %iota3A_984 = tpu.iota {dimensions = array<i32: 0>} : vector<16xi32>
    %swap3A_985 = arith.constant 0 : index
    %swap3A_986 = tpu.vector_load %arg33[%swap3A_985] {strides = array<i32>} : memref<16xf32, #tpu.memory_space<vmem>>, vector<16xf32>,
    tpu.vector_store %arg33[%swap3A_985], %scan3A_982#0 {strides = array<i32>} : memref<16xf32, #tpu.memory_space<vmem>>, vector<16xf32>,
    %xor3A_987 = arith.constant 8 : i32
    %xor3A_988 = vector.broadcast %xor3A_987 : i32 to vector<16xi32>
    %xor3A_989 = arith.xori %iota3A_984, %xor3A_988 : vector<16xi32>
    %gather3A_990 = tpu.vector_load_idx %arg33[%xor3A_989] : memref<16xf32, #tpu.memory_space<vmem>>[vector<16xi32>], vector<16xf32>,
    %add3A_991 = arith.addf %scan3A_982#0, %gather3A_990 : vector<16xf32>
    %swap3A_992 = arith.constant 0 : index
    %swap3A_993 = tpu.vector_load %arg33[%swap3A_992] {strides = array<i32>} : memref<16xf32, #tpu.memory_space<vmem>>, vector<16xf32>,
    tpu.vector_store %arg33[%swap3A_992], %add3A_991 {strides = array<i32>} : memref<16xf32, #tpu.memory_space<vmem>>, vector<16xf32>,
    %xor3A_994 = arith.constant 4 : i32
    %xor3A_995 = vector.broadcast %xor3A_994 : i32 to vector<16xi32>
    %xor3A_996 = arith.xori %iota3A_984, %xor3A_995 : vector<16xi32>
    %gather3A_997 = tpu.vector_load_idx %arg33[%xor3A_996] : memref<16xf32, #tpu.memory_space<vmem>>[vector<16xi32>], vector<16xf32>,
    %add3A_998 = arith.addf %add3A_991, %gather3A_997 : vector<16xf32>
    %swap3A_999 = arith.constant 0 : index
    %swap3A_1000 = tpu.vector_load %arg33[%swap3A_999] {strides = array<i32>} : memref<16xf32, #tpu.memory_space<vmem>>, vector<16xf32>,
    tpu.vector_store %arg33[%swap3A_999], %add3A_998 {strides = array<i32>} : memref<16xf32, #tpu.memory_space<vmem>>, vector<16xf32>,
    %xor3A_1001 = arith.constant 2 : i32
    %xor3A_1002 = vector.broadcast %xor3A_1001 : i32 to vector<16xi32>
    %xor3A_1003 = arith.xori %iota3A_984, %xor3A_1002 : vector<16xi32>
    %gather3A_1004 = tpu.vector_load_idx %arg33[%xor3A_1003] : memref<16xf32, #tpu.memory_space<vmem>>[vector<16xi32>], vector<16xf32>,
    %add3A_1005 = arith.addf %add3A_998, %gather3A_1004 : vector<16xf32>
    %swap3A_1006 = arith.constant 0 : index
    %swap3A_1007 = tpu.vector_load %arg33[%swap3A_1006] {strides = array<i32>} : memref<16xf32, #tpu.memory_space<vmem>>, vector<16xf32>,
    tpu.vector_store %arg33[%swap3A_1006], %add3A_1005 {strides = array<i32>} : memref<16xf32, #tpu.memory_space<vmem>>, vector<16xf32>,
    %xor3A_1008 = arith.constant 1 : i32
    %xor3A_1009 = vector.broadcast %xor3A_1008 : i32 to vector<16xi32>
    %xor3A_1010 = arith.xori %iota3A_984, %xor3A_1009 : vector<16xi32>
    %gather3A_1011 = tpu.vector_load_idx %arg33[%xor3A_1010] : memref<16xf32, #tpu.memory_space<vmem>>[vector<16xi32>], vector<16xf32>,
    %add3A_1012 = arith.addf %add3A_1005, %gather3A_1011 : vector<16xf32>
    %iota3A_1013 = tpu.iota {dimensions = array<i32: 0>} : vector<16xi32>
    %swap3A_1014 = arith.constant 0 : index
    %swap3A_1015 = tpu.vector_load %arg33[%swap3A_1014] {strides = array<i32>} : memref<16xf32, #tpu.memory_space<vmem>>, vector<16xf32>,
    tpu.vector_store %arg33[%swap3A_1014], %scan3A_982#1 {strides = array<i32>} : memref<16xf32, #tpu.memory_space<vmem>>, vector<16xf32>,
    %xor3A_1016 = arith.constant 8 : i32
    %xor3A_1017 = vector.broadcast %xor3A_1016 : i32 to vector<16xi32>
    %xor3A_1018 = arith.xori %iota3A_1013, %xor3A_1017 : vector<16xi32>
    %gather3A_1019 = tpu.vector_load_idx %arg33[%xor3A_1018] : memref<16xf32, #tpu.memory_space<vmem>>[vector<16xi32>], vector<16xf32>,
    %add3A_1020 = arith.addf %scan3A_982#1, %gather3A_1019 : vector<16xf32>
    %swap3A_1021 = arith.constant 0 : index
    %swap3A_1022 = tpu.vector_load %arg33[%swap3A_1021] {strides = array<i32>} : memref<16xf32, #tpu.memory_space<vmem>>, vector<16xf32>,
    tpu.vector_store %arg33[%swap3A_1021], %add3A_1020 {strides = array<i32>} : memref<16xf32, #tpu.memory_space<vmem>>, vector<16xf32>,
    %xor3A_1023 = arith.constant 4 : i32
    %xor3A_1024 = vector.broadcast %xor3A_1023 : i32 to vector<16xi32>
    %xor3A_1025 = arith.xori %iota3A_1013, %xor3A_1024 : vector<16xi32>
    %gather3A_1026 = tpu.vector_load_idx %arg33[%xor3A_1025] : memref<16xf32, #tpu.memory_space<vmem>>[vector<16xi32>], vector<16xf32>,
    %add3A_1027 = arith.addf %add3A_1020, %gather3A_1026 : vector<16xf32>
    %swap3A_1028 = arith.constant 0 : index
    %swap3A_1029 = tpu.vector_load %arg33[%swap3A_1028] {strides = array<i32>} : memref<16xf32, #tpu.memory_space<vmem>>, vector<16xf32>,
    tpu.vector_store %arg33[%swap3A_1028], %add3A_1027 {strides = array<i32>} : memref<16xf32, #tpu.memory_space<vmem>>, vector<16xf32>,
    %xor3A_1030 = arith.constant 2 : i32
    %xor3A_1031 = vector.broadcast %xor3A_1030 : i32 to vector<16xi32>
    %xor3A_1032 = arith.xori %iota3A_1013, %xor3A_1031 : vector<16xi32>
    %gather3A_1033 = tpu.vector_load_idx %arg33[%xor3A_1032] : memref<16xf32, #tpu.memory_space<vmem>>[vector<16xi32>], vector<16xf32>,
    %add3A_1034 = arith.addf %add3A_1027, %gather3A_1033 : vector<16xf32>
    %swap3A_1035 = arith.constant 0 : index
    %swap3A_1036 = tpu.vector_load %arg33[%swap3A_1035] {strides = array<i32>} : memref<16xf32, #tpu.memory_space<vmem>>, vector<16xf32>,
    tpu.vector_store %arg33[%swap3A_1035], %add3A_1034 {strides = array<i32>} : memref<16xf32, #tpu.memory_space<vmem>>, vector<16xf32>,
    %xor3A_1037 = arith.constant 1 : i32
    %xor3A_1038 = vector.broadcast %xor3A_1037 : i32 to vector<16xi32>
    %xor3A_1039 = arith.xori %iota3A_1013, %xor3A_1038 : vector<16xi32>
    %gather3A_1040 = tpu.vector_load_idx %arg33[%xor3A_1039] : memref<16xf32, #tpu.memory_space<vmem>>[vector<16xi32>], vector<16xf32>,
    %add3A_1041 = arith.addf %add3A_1034, %gather3A_1040 : vector<16xf32>
    %iota3A_1042 = tpu.iota {dimensions = array<i32: 0>} : vector<16xi32>
    %swap3A_1043 = arith.constant 0 : index
    %swap3A_1044 = tpu.vector_load %arg33[%swap3A_1043] {strides = array<i32>} : memref<16xf32, #tpu.memory_space<vmem>>, vector<16xf32>,
    tpu.vector_store %arg33[%swap3A_1043], %scan3A_982#2 {strides = array<i32>} : memref<16xf32, #tpu.memory_space<vmem>>, vector<16xf32>,
    %xor3A_1045 = arith.constant 8 : i32
    %xor3A_1046 = vector.broadcast %xor3A_1045 : i32 to vector<16xi32>
    %xor3A_1047 = arith.xori %iota3A_1042, %xor3A_1046 : vector<16xi32>
    %gather3A_1048 = tpu.vector_load_idx %arg33[%xor3A_1047] : memref<16xf32, #tpu.memory_space<vmem>>[vector<16xi32>], vector<16xf32>,
    %add3A_1049 = arith.addf %scan3A_982#2, %gather3A_1048 : vector<16xf32>
    %swap3A_1050 = arith.constant 0 : index
    %swap3A_1051 = tpu.vector_load %arg33[%swap3A_1050] {strides = array<i32>} : memref<16xf32, #tpu.memory_space<vmem>>, vector<16xf32>,
    tpu.vector_store %arg33[%swap3A_1050], %add3A_1049 {strides = array<i32>} : memref<16xf32, #tpu.memory_space<vmem>>, vector<16xf32>,
    %xor3A_1052 = arith.constant 4 : i32
    %xor3A_1053 = vector.broadcast %xor3A_1052 : i32 to vector<16xi32>
    %xor3A_1054 = arith.xori %iota3A_1042, %xor3A_1053 : vector<16xi32>
    %gather3A_1055 = tpu.vector_load_idx %arg33[%xor3A_1054] : memref<16xf32, #tpu.memory_space<vmem>>[vector<16xi32>], vector<16xf32>,
    %add3A_1056 = arith.addf %add3A_1049, %gather3A_1055 : vector<16xf32>
    %swap3A_1057 = arith.constant 0 : index
    %swap3A_1058 = tpu.vector_load %arg33[%swap3A_1057] {strides = array<i32>} : memref<16xf32, #tpu.memory_space<vmem>>, vector<16xf32>,
    tpu.vector_store %arg33[%swap3A_1057], %add3A_1056 {strides = array<i32>} : memref<16xf32, #tpu.memory_space<vmem>>, vector<16xf32>,
    %xor3A_1059 = arith.constant 2 : i32
    %xor3A_1060 = vector.broadcast %xor3A_1059 : i32 to vector<16xi32>
    %xor3A_1061 = arith.xori %iota3A_1042, %xor3A_1060 : vector<16xi32>
    %gather3A_1062 = tpu.vector_load_idx %arg33[%xor3A_1061] : memref<16xf32, #tpu.memory_space<vmem>>[vector<16xi32>], vector<16xf32>,
    %add3A_1063 = arith.addf %add3A_1056, %gather3A_1062 : vector<16xf32>
    %swap3A_1064 = arith.constant 0 : index
    %swap3A_1065 = tpu.vector_load %arg33[%swap3A_1064] {strides = array<i32>} : memref<16xf32, #tpu.memory_space<vmem>>, vector<16xf32>,
    tpu.vector_store %arg33[%swap3A_1064], %add3A_1063 {strides = array<i32>} : memref<16xf32, #tpu.memory_space<vmem>>, vector<16xf32>,
    %xor3A_1066 = arith.constant 1 : i32
    %xor3A_1067 = vector.broadcast %xor3A_1066 : i32 to vector<16xi32>
    %xor3A_1068 = arith.xori %iota3A_1042, %xor3A_1067 : vector<16xi32>
    %gather3A_1069 = tpu.vector_load_idx %arg33[%xor3A_1068] : memref<16xf32, #tpu.memory_space<vmem>>[vector<16xi32>], vector<16xf32>,
    %add3A_1070 = arith.addf %add3A_1063, %gather3A_1069 : vector<16xf32>
    %iota3A_1071 = tpu.iota {dimensions = array<i32: 0>} : vector<16xi32>
    %swap3A_1072 = arith.constant 0 : index
    %swap3A_1073 = tpu.vector_load %arg33[%swap3A_1072] {strides = array<i32>} : memref<16xf32, #tpu.memory_space<vmem>>, vector<16xf32>,
    tpu.vector_store %arg33[%swap3A_1072], %scan3A_982#3 {strides = array<i32>} : memref<16xf32, #tpu.memory_space<vmem>>, vector<16xf32>,
    %xor3A_1074 = arith.constant 8 : i32
    %xor3A_1075 = vector.broadcast %xor3A_1074 : i32 to vector<16xi32>
    %xor3A_1076 = arith.xori %iota3A_1071, %xor3A_1075 : vector<16xi32>
    %gather3A_1077 = tpu.vector_load_idx %arg33[%xor3A_1076] : memref<16xf32, #tpu.memory_space<vmem>>[vector<16xi32>], vector<16xf32>,
    %add3A_1078 = arith.addf %scan3A_982#3, %gather3A_1077 : vector<16xf32>
    %swap3A_1079 = arith.constant 0 : index
    %swap3A_1080 = tpu.vector_load %arg33[%swap3A_1079] {strides = array<i32>} : memref<16xf32, #tpu.memory_space<vmem>>, vector<16xf32>,
    tpu.vector_store %arg33[%swap3A_1079], %add3A_1078 {strides = array<i32>} : memref<16xf32, #tpu.memory_space<vmem>>, vector<16xf32>,
    %xor3A_1081 = arith.constant 4 : i32
    %xor3A_1082 = vector.broadcast %xor3A_1081 : i32 to vector<16xi32>
    %xor3A_1083 = arith.xori %iota3A_1071, %xor3A_1082 : vector<16xi32>
    %gather3A_1084 = tpu.vector_load_idx %arg33[%xor3A_1083] : memref<16xf32, #tpu.memory_space<vmem>>[vector<16xi32>], vector<16xf32>,
    %add3A_1085 = arith.addf %add3A_1078, %gather3A_1084 : vector<16xf32>
    %swap3A_1086 = arith.constant 0 : index
    %swap3A_1087 = tpu.vector_load %arg33[%swap3A_1086] {strides = array<i32>} : memref<16xf32, #tpu.memory_space<vmem>>, vector<16xf32>,
    tpu.vector_store %arg33[%swap3A_1086], %add3A_1085 {strides = array<i32>} : memref<16xf32, #tpu.memory_space<vmem>>, vector<16xf32>,
    %xor3A_1088 = arith.constant 2 : i32
    %xor3A_1089 = vector.broadcast %xor3A_1088 : i32 to vector<16xi32>
    %xor3A_1090 = arith.xori %iota3A_1071, %xor3A_1089 : vector<16xi32>
    %gather3A_1091 = tpu.vector_load_idx %arg33[%xor3A_1090] : memref<16xf32, #tpu.memory_space<vmem>>[vector<16xi32>], vector<16xf32>,
    %add3A_1092 = arith.addf %add3A_1085, %gather3A_1091 : vector<16xf32>
    %swap3A_1093 = arith.constant 0 : index
    %swap3A_1094 = tpu.vector_load %arg33[%swap3A_1093] {strides = array<i32>} : memref<16xf32, #tpu.memory_space<vmem>>, vector<16xf32>,
    tpu.vector_store %arg33[%swap3A_1093], %add3A_1092 {strides = array<i32>} : memref<16xf32, #tpu.memory_space<vmem>>, vector<16xf32>,
    %xor3A_1095 = arith.constant 1 : i32
    %xor3A_1096 = vector.broadcast %xor3A_1095 : i32 to vector<16xi32>
    %xor3A_1097 = arith.xori %iota3A_1071, %xor3A_1096 : vector<16xi32>
    %gather3A_1098 = tpu.vector_load_idx %arg33[%xor3A_1097] : memref<16xf32, #tpu.memory_space<vmem>>[vector<16xi32>], vector<16xf32>,
    %add3A_1099 = arith.addf %add3A_1092, %gather3A_1098 : vector<16xf32>
    %iota3A_1100 = tpu.iota {dimensions = array<i32: 0>} : vector<16xi32>
    %swap3A_1101 = arith.constant 0 : index
    %swap3A_1102 = tpu.vector_load %arg33[%swap3A_1101] {strides = array<i32>} : memref<16xf32, #tpu.memory_space<vmem>>, vector<16xf32>,
    tpu.vector_store %arg33[%swap3A_1101], %scan3A_982#4 {strides = array<i32>} : memref<16xf32, #tpu.memory_space<vmem>>, vector<16xf32>,
    %xor3A_1103 = arith.constant 8 : i32
    %xor3A_1104 = vector.broadcast %xor3A_1103 : i32 to vector<16xi32>
    %xor3A_1105 = arith.xori %iota3A_1100, %xor3A_1104 : vector<16xi32>
    %gather3A_1106 = tpu.vector_load_idx %arg33[%xor3A_1105] : memref<16xf32, #tpu.memory_space<vmem>>[vector<16xi32>], vector<16xf32>,
    %add3A_1107 = arith.addf %scan3A_982#4, %gather3A_1106 : vector<16xf32>
    %swap3A_1108 = arith.constant 0 : index
    %swap3A_1109 = tpu.vector_load %arg33[%swap3A_1108] {strides = array<i32>} : memref<16xf32, #tpu.memory_space<vmem>>, vector<16xf32>,
    tpu.vector_store %arg33[%swap3A_1108], %add3A_1107 {strides = array<i32>} : memref<16xf32, #tpu.memory_space<vmem>>, vector<16xf32>,
    %xor3A_1110 = arith.constant 4 : i32
    %xor3A_1111 = vector.broadcast %xor3A_1110 : i32 to vector<16xi32>
    %xor3A_1112 = arith.xori %iota3A_1100, %xor3A_1111 : vector<16xi32>
    %gather3A_1113 = tpu.vector_load_idx %arg33[%xor3A_1112] : memref<16xf32, #tpu.memory_space<vmem>>[vector<16xi32>], vector<16xf32>,
    %add3A_1114 = arith.addf %add3A_1107, %gather3A_1113 : vector<16xf32>
    %swap3A_1115 = arith.constant 0 : index
    %swap3A_1116 = tpu.vector_load %arg33[%swap3A_1115] {strides = array<i32>} : memref<16xf32, #tpu.memory_space<vmem>>, vector<16xf32>,
    tpu.vector_store %arg33[%swap3A_1115], %add3A_1114 {strides = array<i32>} : memref<16xf32, #tpu.memory_space<vmem>>, vector<16xf32>,
    %xor3A_1117 = arith.constant 2 : i32
    %xor3A_1118 = vector.broadcast %xor3A_1117 : i32 to vector<16xi32>
    %xor3A_1119 = arith.xori %iota3A_1100, %xor3A_1118 : vector<16xi32>
    %gather3A_1120 = tpu.vector_load_idx %arg33[%xor3A_1119] : memref<16xf32, #tpu.memory_space<vmem>>[vector<16xi32>], vector<16xf32>,
    %add3A_1121 = arith.addf %add3A_1114, %gather3A_1120 : vector<16xf32>
    %swap3A_1122 = arith.constant 0 : index
    %swap3A_1123 = tpu.vector_load %arg33[%swap3A_1122] {strides = array<i32>} : memref<16xf32, #tpu.memory_space<vmem>>, vector<16xf32>,
    tpu.vector_store %arg33[%swap3A_1122], %add3A_1121 {strides = array<i32>} : memref<16xf32, #tpu.memory_space<vmem>>, vector<16xf32>,
    %xor3A_1124 = arith.constant 1 : i32
    %xor3A_1125 = vector.broadcast %xor3A_1124 : i32 to vector<16xi32>
    %xor3A_1126 = arith.xori %iota3A_1100, %xor3A_1125 : vector<16xi32>
    %gather3A_1127 = tpu.vector_load_idx %arg33[%xor3A_1126] : memref<16xf32, #tpu.memory_space<vmem>>[vector<16xi32>], vector<16xf32>,
    %add3A_1128 = arith.addf %add3A_1121, %gather3A_1127 : vector<16xf32>
    %broadcast_in_dim3A_1129 = arith.constant 8.192000e+03 : f32
    %broadcast_in_dim3A_1130 = vector.broadcast %broadcast_in_dim3A_1129 : f32 to vector<16xf32>
    %add3A_1131 = arith.constant 0.000000e+00 : f32
    %add3A_1132 = vector.broadcast %add3A_1131 : f32 to vector<16xf32>
    %add3A_1133 = arith.addf %add3A_1132, %add3A_1012 : vector<16xf32>
    %sub3A_1134 = arith.subf %broadcast_in_dim3A_1130, %add3A_1133 : vector<16xf32>
    %add3A_1135 = arith.constant 0.000000e+00 : f32
    %add3A_1136 = vector.broadcast %add3A_1135 : f32 to vector<16xf32>
    %add3A_1137 = arith.addf %add3A_1136, %add3A_1041 : vector<16xf32>
    %sub3A_1138 = arith.subf %add3A_1099, %add3A_1137 : vector<16xf32>
    %add3A_1139 = arith.constant 0.000000e+00 : f32
    %add3A_1140 = vector.broadcast %add3A_1139 : f32 to vector<16xf32>
    %add3A_1141 = arith.addf %add3A_1140, %add3A_1070 : vector<16xf32>
    %sub3A_1142 = arith.subf %add3A_1128, %add3A_1141 : vector<16xf32>
    %iota3A_1143 = tpu.iota {dimensions = array<i32: 0>} : vector<16xi32>
    %broadcast_in_dim3A_1144 = arith.constant 0.000000e+00 : f32
    %broadcast_in_dim3A_1145 = vector.broadcast %broadcast_in_dim3A_1144 : f32 to vector<16xf32>
    %eq3A = arith.constant 0 : i32
    %eq3A_1146 = vector.broadcast %eq3A : i32 to vector<16xi32>
    %eq3A_1147 = arith.cmpi eq, %iota3A_1143, %eq3A_1146 : vector<16xi32>
    %select_n3A = arith.select %eq3A_1147, %sub3A_947, %broadcast_in_dim3A_1145 : vector<16xi1>, vector<16xf32>
    %eq3A_1148 = arith.constant 1 : i32
    %eq3A_1149 = vector.broadcast %eq3A_1148 : i32 to vector<16xi32>
    %eq3A_1150 = arith.cmpi eq, %iota3A_1143, %eq3A_1149 : vector<16xi32>
    %select_n3A_1151 = arith.select %eq3A_1150, %sub3A_954, %select_n3A : vector<16xi1>, vector<16xf32>
    %eq3A_1152 = arith.constant 2 : i32
    %eq3A_1153 = vector.broadcast %eq3A_1152 : i32 to vector<16xi32>
    %eq3A_1154 = arith.cmpi eq, %iota3A_1143, %eq3A_1153 : vector<16xi32>
    %select_n3A_1155 = arith.select %eq3A_1154, %sub3A_961, %select_n3A_1151 : vector<16xi1>, vector<16xf32>
    %eq3A_1156 = arith.constant 3 : i32
    %eq3A_1157 = vector.broadcast %eq3A_1156 : i32 to vector<16xi32>
    %eq3A_1158 = arith.cmpi eq, %iota3A_1143, %eq3A_1157 : vector<16xi32>
    %select_n3A_1159 = arith.select %eq3A_1158, %sub3A_968, %select_n3A_1155 : vector<16xi1>, vector<16xf32>
    %eq3A_1160 = arith.constant 4 : i32
    %eq3A_1161 = vector.broadcast %eq3A_1160 : i32 to vector<16xi32>
    %eq3A_1162 = arith.cmpi eq, %iota3A_1143, %eq3A_1161 : vector<16xi32>
    %select_n3A_1163 = arith.select %eq3A_1162, %sub3A_975, %select_n3A_1159 : vector<16xi1>, vector<16xf32>
    %eq3A_1164 = arith.constant 5 : i32
    %eq3A_1165 = vector.broadcast %eq3A_1164 : i32 to vector<16xi32>
    %eq3A_1166 = arith.cmpi eq, %iota3A_1143, %eq3A_1165 : vector<16xi32>
    %select_n3A_1167 = arith.select %eq3A_1166, %add3A_236, %select_n3A_1163 : vector<16xi1>, vector<16xf32>
    %eq3A_1168 = arith.constant 6 : i32
    %eq3A_1169 = vector.broadcast %eq3A_1168 : i32 to vector<16xi32>
    %eq3A_1170 = arith.cmpi eq, %iota3A_1143, %eq3A_1169 : vector<16xi32>
    %select_n3A_1171 = arith.select %eq3A_1170, %add3A_265, %select_n3A_1167 : vector<16xi1>, vector<16xf32>
    %eq3A_1172 = arith.constant 7 : i32
    %eq3A_1173 = vector.broadcast %eq3A_1172 : i32 to vector<16xi32>
    %eq3A_1174 = arith.cmpi eq, %iota3A_1143, %eq3A_1173 : vector<16xi32>
    %select_n3A_1175 = arith.select %eq3A_1174, %add3A_294, %select_n3A_1171 : vector<16xi1>, vector<16xf32>
    %eq3A_1176 = arith.constant 8 : i32
    %eq3A_1177 = vector.broadcast %eq3A_1176 : i32 to vector<16xi32>
    %eq3A_1178 = arith.cmpi eq, %iota3A_1143, %eq3A_1177 : vector<16xi32>
    %select_n3A_1179 = arith.select %eq3A_1178, %add3A_323, %select_n3A_1175 : vector<16xi1>, vector<16xf32>
    %eq3A_1180 = arith.constant 9 : i32
    %eq3A_1181 = vector.broadcast %eq3A_1180 : i32 to vector<16xi32>
    %eq3A_1182 = arith.cmpi eq, %iota3A_1143, %eq3A_1181 : vector<16xi32>
    %select_n3A_1183 = arith.select %eq3A_1182, %add3A_352, %select_n3A_1179 : vector<16xi1>, vector<16xf32>
    %eq3A_1184 = arith.constant 10 : i32
    %eq3A_1185 = vector.broadcast %eq3A_1184 : i32 to vector<16xi32>
    %eq3A_1186 = arith.cmpi eq, %iota3A_1143, %eq3A_1185 : vector<16xi32>
    %select_n3A_1187 = arith.select %eq3A_1186, %add3A_381, %select_n3A_1183 : vector<16xi1>, vector<16xf32>
    %eq3A_1188 = arith.constant 11 : i32
    %eq3A_1189 = vector.broadcast %eq3A_1188 : i32 to vector<16xi32>
    %eq3A_1190 = arith.cmpi eq, %iota3A_1143, %eq3A_1189 : vector<16xi32>
    %select_n3A_1191 = arith.select %eq3A_1190, %add3A_410, %select_n3A_1187 : vector<16xi1>, vector<16xf32>
    %eq3A_1192 = arith.constant 12 : i32
    %eq3A_1193 = vector.broadcast %eq3A_1192 : i32 to vector<16xi32>
    %eq3A_1194 = arith.cmpi eq, %iota3A_1143, %eq3A_1193 : vector<16xi32>
    %select_n3A_1195 = arith.select %eq3A_1194, %add3A_439, %select_n3A_1191 : vector<16xi1>, vector<16xf32>
    %eq3A_1196 = arith.constant 13 : i32
    %eq3A_1197 = vector.broadcast %eq3A_1196 : i32 to vector<16xi32>
    %eq3A_1198 = arith.cmpi eq, %iota3A_1143, %eq3A_1197 : vector<16xi32>
    %select_n3A_1199 = arith.select %eq3A_1198, %add3A_468, %select_n3A_1195 : vector<16xi1>, vector<16xf32>
    %eq3A_1200 = arith.constant 14 : i32
    %eq3A_1201 = vector.broadcast %eq3A_1200 : i32 to vector<16xi32>
    %eq3A_1202 = arith.cmpi eq, %iota3A_1143, %eq3A_1201 : vector<16xi32>
    %select_n3A_1203 = arith.select %eq3A_1202, %add3A_497, %select_n3A_1199 : vector<16xi1>, vector<16xf32>
    %eq3A_1204 = arith.constant 15 : i32
    %eq3A_1205 = vector.broadcast %eq3A_1204 : i32 to vector<16xi32>
    %eq3A_1206 = arith.cmpi eq, %iota3A_1143, %eq3A_1205 : vector<16xi32>
    %select_n3A_1207 = arith.select %eq3A_1206, %add3A_526, %select_n3A_1203 : vector<16xi1>, vector<16xf32>
    %swap3A_1208 = arith.constant 0 : index
    %swap3A_1209 = tpu.vector_load %arg16[%swap3A_1208] {strides = array<i32>} : memref<48xf32, #tpu.memory_space<vmem>>, vector<16xf32>,
    tpu.vector_store %arg16[%swap3A_1208], %select_n3A_1207 {strides = array<i32>} : memref<48xf32, #tpu.memory_space<vmem>>, vector<16xf32>,
    %iota3A_1210 = tpu.iota {dimensions = array<i32: 0>} : vector<16xi32>
    %broadcast_in_dim3A_1211 = arith.constant 0.000000e+00 : f32
    %broadcast_in_dim3A_1212 = vector.broadcast %broadcast_in_dim3A_1211 : f32 to vector<16xf32>
    %eq3A_1213 = arith.constant 0 : i32
    %eq3A_1214 = vector.broadcast %eq3A_1213 : i32 to vector<16xi32>
    %eq3A_1215 = arith.cmpi eq, %iota3A_1210, %eq3A_1214 : vector<16xi32>
    %select_n3A_1216 = arith.select %eq3A_1215, %add3A_555, %broadcast_in_dim3A_1212 : vector<16xi1>, vector<16xf32>
    %eq3A_1217 = arith.constant 1 : i32
    %eq3A_1218 = vector.broadcast %eq3A_1217 : i32 to vector<16xi32>
    %eq3A_1219 = arith.cmpi eq, %iota3A_1210, %eq3A_1218 : vector<16xi32>
    %select_n3A_1220 = arith.select %eq3A_1219, %add3A_584, %select_n3A_1216 : vector<16xi1>, vector<16xf32>
    %eq3A_1221 = arith.constant 2 : i32
    %eq3A_1222 = vector.broadcast %eq3A_1221 : i32 to vector<16xi32>
    %eq3A_1223 = arith.cmpi eq, %iota3A_1210, %eq3A_1222 : vector<16xi32>
    %select_n3A_1224 = arith.select %eq3A_1223, %add3A_613, %select_n3A_1220 : vector<16xi1>, vector<16xf32>
    %eq3A_1225 = arith.constant 3 : i32
    %eq3A_1226 = vector.broadcast %eq3A_1225 : i32 to vector<16xi32>
    %eq3A_1227 = arith.cmpi eq, %iota3A_1210, %eq3A_1226 : vector<16xi32>
    %select_n3A_1228 = arith.select %eq3A_1227, %add3A_642, %select_n3A_1224 : vector<16xi1>, vector<16xf32>
    %eq3A_1229 = arith.constant 4 : i32
    %eq3A_1230 = vector.broadcast %eq3A_1229 : i32 to vector<16xi32>
    %eq3A_1231 = arith.cmpi eq, %iota3A_1210, %eq3A_1230 : vector<16xi32>
    %select_n3A_1232 = arith.select %eq3A_1231, %add3A_671, %select_n3A_1228 : vector<16xi1>, vector<16xf32>
    %eq3A_1233 = arith.constant 5 : i32
    %eq3A_1234 = vector.broadcast %eq3A_1233 : i32 to vector<16xi32>
    %eq3A_1235 = arith.cmpi eq, %iota3A_1210, %eq3A_1234 : vector<16xi32>
    %select_n3A_1236 = arith.select %eq3A_1235, %add3A_700, %select_n3A_1232 : vector<16xi1>, vector<16xf32>
    %eq3A_1237 = arith.constant 6 : i32
    %eq3A_1238 = vector.broadcast %eq3A_1237 : i32 to vector<16xi32>
    %eq3A_1239 = arith.cmpi eq, %iota3A_1210, %eq3A_1238 : vector<16xi32>
    %select_n3A_1240 = arith.select %eq3A_1239, %add3A_729, %select_n3A_1236 : vector<16xi1>, vector<16xf32>
    %eq3A_1241 = arith.constant 7 : i32
    %eq3A_1242 = vector.broadcast %eq3A_1241 : i32 to vector<16xi32>
    %eq3A_1243 = arith.cmpi eq, %iota3A_1210, %eq3A_1242 : vector<16xi32>
    %select_n3A_1244 = arith.select %eq3A_1243, %add3A_758, %select_n3A_1240 : vector<16xi1>, vector<16xf32>
    %eq3A_1245 = arith.constant 8 : i32
    %eq3A_1246 = vector.broadcast %eq3A_1245 : i32 to vector<16xi32>
    %eq3A_1247 = arith.cmpi eq, %iota3A_1210, %eq3A_1246 : vector<16xi32>
    %select_n3A_1248 = arith.select %eq3A_1247, %add3A_787, %select_n3A_1244 : vector<16xi1>, vector<16xf32>
    %eq3A_1249 = arith.constant 9 : i32
    %eq3A_1250 = vector.broadcast %eq3A_1249 : i32 to vector<16xi32>
    %eq3A_1251 = arith.cmpi eq, %iota3A_1210, %eq3A_1250 : vector<16xi32>
    %select_n3A_1252 = arith.select %eq3A_1251, %sub3A, %select_n3A_1248 : vector<16xi1>, vector<16xf32>
    %eq3A_1253 = arith.constant 10 : i32
    %eq3A_1254 = vector.broadcast %eq3A_1253 : i32 to vector<16xi32>
    %eq3A_1255 = arith.cmpi eq, %iota3A_1210, %eq3A_1254 : vector<16xi32>
    %select_n3A_1256 = arith.select %eq3A_1255, %add3A_120, %select_n3A_1252 : vector<16xi1>, vector<16xf32>
    %eq3A_1257 = arith.constant 11 : i32
    %eq3A_1258 = vector.broadcast %eq3A_1257 : i32 to vector<16xi32>
    %eq3A_1259 = arith.cmpi eq, %iota3A_1210, %eq3A_1258 : vector<16xi32>
    %select_n3A_1260 = arith.select %eq3A_1259, %add3A_149, %select_n3A_1256 : vector<16xi1>, vector<16xf32>
    %eq3A_1261 = arith.constant 12 : i32
    %eq3A_1262 = vector.broadcast %eq3A_1261 : i32 to vector<16xi32>
    %eq3A_1263 = arith.cmpi eq, %iota3A_1210, %eq3A_1262 : vector<16xi32>
    %select_n3A_1264 = arith.select %eq3A_1263, %add3A_178, %select_n3A_1260 : vector<16xi1>, vector<16xf32>
    %eq3A_1265 = arith.constant 13 : i32
    %eq3A_1266 = vector.broadcast %eq3A_1265 : i32 to vector<16xi32>
    %eq3A_1267 = arith.cmpi eq, %iota3A_1210, %eq3A_1266 : vector<16xi32>
    %select_n3A_1268 = arith.select %eq3A_1267, %add3A_207, %select_n3A_1264 : vector<16xi1>, vector<16xf32>
    %swap3A_1269 = arith.constant 16 : index
    %swap3A_1270 = tpu.vector_load %arg16[%swap3A_1269] {strides = array<i32>} : memref<48xf32, #tpu.memory_space<vmem>>, vector<16xf32>,
    tpu.vector_store %arg16[%swap3A_1269], %select_n3A_1268 {strides = array<i32>} : memref<48xf32, #tpu.memory_space<vmem>>, vector<16xf32>,
    %iota3A_1271 = tpu.iota {dimensions = array<i32: 0>} : vector<16xi32>
    %broadcast_in_dim3A_1272 = arith.constant 0.000000e+00 : f32
    %broadcast_in_dim3A_1273 = vector.broadcast %broadcast_in_dim3A_1272 : f32 to vector<16xf32>
    %eq3A_1274 = arith.constant 0 : i32
    %eq3A_1275 = vector.broadcast %eq3A_1274 : i32 to vector<16xi32>
    %eq3A_1276 = arith.cmpi eq, %iota3A_1271, %eq3A_1275 : vector<16xi32>
    %select_n3A_1277 = arith.select %eq3A_1276, %sub3A_1138, %broadcast_in_dim3A_1273 : vector<16xi1>, vector<16xf32>
    %eq3A_1278 = arith.constant 1 : i32
    %eq3A_1279 = vector.broadcast %eq3A_1278 : i32 to vector<16xi32>
    %eq3A_1280 = arith.cmpi eq, %iota3A_1271, %eq3A_1279 : vector<16xi32>
    %select_n3A_1281 = arith.select %eq3A_1280, %sub3A_1142, %select_n3A_1277 : vector<16xi1>, vector<16xf32>
    %eq3A_1282 = arith.constant 2 : i32
    %eq3A_1283 = vector.broadcast %eq3A_1282 : i32 to vector<16xi32>
    %eq3A_1284 = arith.cmpi eq, %iota3A_1271, %eq3A_1283 : vector<16xi32>
    %select_n3A_1285 = arith.select %eq3A_1284, %add3A_1041, %select_n3A_1281 : vector<16xi1>, vector<16xf32>
    %eq3A_1286 = arith.constant 3 : i32
    %eq3A_1287 = vector.broadcast %eq3A_1286 : i32 to vector<16xi32>
    %eq3A_1288 = arith.cmpi eq, %iota3A_1271, %eq3A_1287 : vector<16xi32>
    %select_n3A_1289 = arith.select %eq3A_1288, %add3A_1070, %select_n3A_1285 : vector<16xi1>, vector<16xf32>
    %eq3A_1290 = arith.constant 4 : i32
    %eq3A_1291 = vector.broadcast %eq3A_1290 : i32 to vector<16xi32>
    %eq3A_1292 = arith.cmpi eq, %iota3A_1271, %eq3A_1291 : vector<16xi32>
    %select_n3A_1293 = arith.select %eq3A_1292, %sub3A_1134, %select_n3A_1289 : vector<16xi1>, vector<16xf32>
    %eq3A_1294 = arith.constant 5 : i32
    %eq3A_1295 = vector.broadcast %eq3A_1294 : i32 to vector<16xi32>
    %eq3A_1296 = arith.cmpi eq, %iota3A_1271, %eq3A_1295 : vector<16xi32>
    %select_n3A_1297 = arith.select %eq3A_1296, %add3A_1012, %select_n3A_1293 : vector<16xi1>, vector<16xf32>
    %swap3A_1298 = arith.constant 32 : index
    %swap3A_1299 = tpu.vector_load %arg16[%swap3A_1298] {strides = array<i32>} : memref<48xf32, #tpu.memory_space<vmem>>, vector<16xf32>,
    tpu.vector_store %arg16[%swap3A_1298], %select_n3A_1297 {strides = array<i32>} : memref<48xf32, #tpu.memory_space<vmem>>, vector<16xf32>,
    %mul3A_1300 = arith.constant 48 : i32
    %mul3A_1301 = arith.muli %arg1, %mul3A_1300 : i32
    "tpu.region"() ({
      %run_scoped3A = tpu.sem_alloc : memref<!tpu.dma_semaphore, #tpu.memory_space<semaphore_mem>>
      %dma_start3A_1740 = tpu.memref_slice %arg35[%mul3A_1301] : memref<768xf32, #tpu.memory_space<vmem_shared>> -> memref<48xf32, #tpu.memory_space<vmem_shared>>
      %dma_start3A_1741 = tpu.memref_slice %arg35[%mul3A_1301] : memref<768xf32, #tpu.memory_space<vmem_shared>> -> memref<48xf32, #tpu.memory_space<vmem_shared>>
      tpu.enqueue_dma source(%arg16 : memref<48xf32, #tpu.memory_space<vmem>>) target(%dma_start3A_1741 : memref<48xf32, #tpu.memory_space<vmem_shared>>) target_semaphore(%run_scoped3A : memref<!tpu.dma_semaphore, #tpu.memory_space<semaphore_mem>>)
      %dma_wait3A_1742 = tpu.memref_slice %arg35[%mul3A_1301] : memref<768xf32, #tpu.memory_space<vmem_shared>> -> memref<48xf32, #tpu.memory_space<vmem_shared>>
      %dma_wait3A_1743 = tpu.memref_slice %arg35[%mul3A_1301] : memref<768xf32, #tpu.memory_space<vmem_shared>> -> memref<48xf32, #tpu.memory_space<vmem_shared>>
      tpu.wait_dma2 semaphore(%run_scoped3A : memref<!tpu.dma_semaphore, #tpu.memory_space<semaphore_mem>>) src(%arg16 : memref<48xf32, #tpu.memory_space<vmem>>) dst(%dma_wait3A_1743 : memref<48xf32, #tpu.memory_space<vmem_shared>>)
      tpu.yield
    }) : () -> ()
    %barrier3A = arith.constant 0 : index
    tpu.barrier barrier_id(%barrier3A)
    "tpu.region"() ({
      %run_scoped3A = tpu.sem_alloc : memref<!tpu.dma_semaphore, #tpu.memory_space<semaphore_mem>>
      tpu.enqueue_dma source(%arg35 : memref<768xf32, #tpu.memory_space<vmem_shared>>) target(%arg17 : memref<768xf32, #tpu.memory_space<vmem>>) target_semaphore(%run_scoped3A : memref<!tpu.dma_semaphore, #tpu.memory_space<semaphore_mem>>)
      tpu.wait_dma2 semaphore(%run_scoped3A : memref<!tpu.dma_semaphore, #tpu.memory_space<semaphore_mem>>) src(%arg35 : memref<768xf32, #tpu.memory_space<vmem_shared>>) dst(%arg17 : memref<768xf32, #tpu.memory_space<vmem>>)
      tpu.yield
    }) : () -> ()
    %broadcast_in_dim3A_1302 = arith.constant 0.000000e+00 : f32
    %broadcast_in_dim3A_1303 = vector.broadcast %broadcast_in_dim3A_1302 : f32 to vector<16xf32>
    %scan3A_1304 = arith.constant 0 : i32
    %scan3A_1305 = arith.constant 16 : i32
    %scan3A_1306 = arith.addi %scan3A_1304, %scan3A_1305 : i32
    %scan3A_1307 = arith.constant 1 : i32
    %scan3A_1308:3 = scf.for %scan3A_1740 = %scan3A_1304 to %scan3A_1306 step %scan3A_1307 iter_args(%scan3A_1741 = %broadcast_in_dim3A_1303, %scan3A_1742 = %broadcast_in_dim3A_1303, %scan3A_1743 = %broadcast_in_dim3A_1303) -> (vector<16xf32>, vector<16xf32>, vector<16xf32>)  : i32 {
      %mul3A_1744 = arith.constant 48 : i32
      %mul3A_1745 = arith.muli %scan3A_1740, %mul3A_1744 : i32
      %get3A = arith.index_cast %mul3A_1745 : i32 to index
      %get3A_1746 = tpu.vector_load %arg17[%get3A] {strides = array<i32>} : memref<768xf32, #tpu.memory_space<vmem>>, vector<16xf32>,
      %add3A_1747 = arith.addf %scan3A_1741, %get3A_1746 : vector<16xf32>
      %mul3A_1748 = arith.constant 48 : i32
      %mul3A_1749 = arith.muli %scan3A_1740, %mul3A_1748 : i32
      %add3A_1750 = arith.constant 16 : i32
      %add3A_1751 = arith.addi %mul3A_1749, %add3A_1750 : i32
      %get3A_1752 = arith.index_cast %add3A_1751 : i32 to index
      %get3A_1753 = tpu.vector_load %arg17[%get3A_1752] {strides = array<i32>} : memref<768xf32, #tpu.memory_space<vmem>>, vector<16xf32>,
      %add3A_1754 = arith.addf %scan3A_1742, %get3A_1753 : vector<16xf32>
      %mul3A_1755 = arith.constant 48 : i32
      %mul3A_1756 = arith.muli %scan3A_1740, %mul3A_1755 : i32
      %add3A_1757 = arith.constant 32 : i32
      %add3A_1758 = arith.addi %mul3A_1756, %add3A_1757 : i32
      %get3A_1759 = arith.index_cast %add3A_1758 : i32 to index
      %get3A_1760 = tpu.vector_load %arg17[%get3A_1759] {strides = array<i32>} : memref<768xf32, #tpu.memory_space<vmem>>, vector<16xf32>,
      %add3A_1761 = arith.addf %scan3A_1743, %get3A_1760 : vector<16xf32>
      scf.yield %add3A_1747, %add3A_1754, %add3A_1761 : vector<16xf32>, vector<16xf32>, vector<16xf32>
    }
    %scan3A_1309 = arith.constant 16 : i32
    %swap3A_1310 = arith.constant 0 : index
    %swap3A_1311 = tpu.vector_load %arg18[%swap3A_1310] {strides = array<i32>} : memref<48xf32, #tpu.memory_space<vmem>>, vector<16xf32>,
    tpu.vector_store %arg18[%swap3A_1310], %scan3A_1308#0 {strides = array<i32>} : memref<48xf32, #tpu.memory_space<vmem>>, vector<16xf32>,
    %swap3A_1312 = arith.constant 16 : index
    %swap3A_1313 = tpu.vector_load %arg18[%swap3A_1312] {strides = array<i32>} : memref<48xf32, #tpu.memory_space<vmem>>, vector<16xf32>,
    tpu.vector_store %arg18[%swap3A_1312], %scan3A_1308#1 {strides = array<i32>} : memref<48xf32, #tpu.memory_space<vmem>>, vector<16xf32>,
    %swap3A_1314 = arith.constant 32 : index
    %swap3A_1315 = tpu.vector_load %arg18[%swap3A_1314] {strides = array<i32>} : memref<48xf32, #tpu.memory_space<vmem>>, vector<16xf32>,
    tpu.vector_store %arg18[%swap3A_1314], %scan3A_1308#2 {strides = array<i32>} : memref<48xf32, #tpu.memory_space<vmem>>, vector<16xf32>,
    %jit3A = arith.constant 5 : i32
    %div3A = vector.broadcast %jit3A : i32 to vector<16xi32>
    %div3A_1316 = arith.divsi %iota3A, %div3A : vector<16xi32>
    %sign3A = arith.constant 0 : i32
    %sign3A_1317 = vector.broadcast %sign3A : i32 to vector<16xi32>
    %sign3A_1318 = arith.cmpi sgt, %iota3A, %sign3A_1317 : vector<16xi32>
    %sign3A_1319 = arith.extui %sign3A_1318 : vector<16xi1> to vector<16xi32>
    %sign3A_1320 = arith.constant 0 : i32
    %sign3A_1321 = vector.broadcast %sign3A_1320 : i32 to vector<16xi32>
    %sign3A_1322 = arith.cmpi slt, %iota3A, %sign3A_1321 : vector<16xi32>
    %sign3A_1323 = arith.extui %sign3A_1322 : vector<16xi1> to vector<16xi32>
    %sign3A_1324 = arith.subi %sign3A_1319, %sign3A_1323 : vector<16xi32>
    %sign3A_1325 = arith.constant 0 : i32
    %sign3A_1326 = arith.cmpi sgt, %jit3A, %sign3A_1325 : i32
    %sign3A_1327 = arith.extui %sign3A_1326 : i1 to i32
    %sign3A_1328 = arith.constant 0 : i32
    %sign3A_1329 = arith.cmpi slt, %jit3A, %sign3A_1328 : i32
    %sign3A_1330 = arith.extui %sign3A_1329 : i1 to i32
    %sign3A_1331 = arith.subi %sign3A_1327, %sign3A_1330 : i32
    %ne3A = vector.broadcast %sign3A_1331 : i32 to vector<16xi32>
    %ne3A_1332 = arith.cmpi ne, %sign3A_1324, %ne3A : vector<16xi32>
    %rem3A = vector.broadcast %jit3A : i32 to vector<16xi32>
    %rem3A_1333 = arith.remsi %iota3A, %rem3A : vector<16xi32>
    %ne3A_1334 = arith.constant 0 : i32
    %ne3A_1335 = vector.broadcast %ne3A_1334 : i32 to vector<16xi32>
    %ne3A_1336 = arith.cmpi ne, %rem3A_1333, %ne3A_1335 : vector<16xi32>
    %and3A = arith.andi %ne3A_1332, %ne3A_1336 : vector<16xi1>
    %sub3A_1337 = arith.constant 1 : i32
    %sub3A_1338 = vector.broadcast %sub3A_1337 : i32 to vector<16xi32>
    %sub3A_1339 = arith.subi %div3A_1316, %sub3A_1338 : vector<16xi32>
    %select_n3A_1340 = arith.select %and3A, %sub3A_1339, %div3A_1316 : vector<16xi1>, vector<16xi32>
    %add3A_1341 = arith.constant 25 : i32
    %add3A_1342 = vector.broadcast %add3A_1341 : i32 to vector<16xi32>
    %add3A_1343 = arith.addi %select_n3A_1340, %add3A_1342 : vector<16xi32>
    %gather3A_1344 = tpu.vector_load_idx %arg18[%add3A_1343] : memref<48xf32, #tpu.memory_space<vmem>>[vector<16xi32>], vector<16xf32>,
    %bitcast_convert_type3A = tpu.bitcast %gather3A_1344 : vector<16xf32> -> vector<16xi32>
    %sub3A_1345 = arith.constant 2129859011 : i32
    %sub3A_1346 = vector.broadcast %sub3A_1345 : i32 to vector<16xi32>
    %sub3A_1347 = arith.subi %sub3A_1346, %bitcast_convert_type3A : vector<16xi32>
    %bitcast_convert_type3A_1348 = tpu.bitcast %sub3A_1347 : vector<16xi32> -> vector<16xf32>
    %mul3A_1349 = arith.mulf %gather3A_1344, %bitcast_convert_type3A_1348 : vector<16xf32>
    %sub3A_1350 = arith.constant 2.000000e+00 : f32
    %sub3A_1351 = vector.broadcast %sub3A_1350 : f32 to vector<16xf32>
    %sub3A_1352 = arith.subf %sub3A_1351, %mul3A_1349 : vector<16xf32>
    %mul3A_1353 = arith.mulf %bitcast_convert_type3A_1348, %sub3A_1352 : vector<16xf32>
    %mul3A_1354 = arith.mulf %gather3A_1344, %mul3A_1353 : vector<16xf32>
    %sub3A_1355 = arith.constant 2.000000e+00 : f32
    %sub3A_1356 = vector.broadcast %sub3A_1355 : f32 to vector<16xf32>
    %sub3A_1357 = arith.subf %sub3A_1356, %mul3A_1354 : vector<16xf32>
    %mul3A_1358 = arith.mulf %mul3A_1353, %sub3A_1357 : vector<16xf32>
    %mul3A_1359 = arith.mulf %gather3A_1344, %mul3A_1358 : vector<16xf32>
    %sub3A_1360 = arith.constant 2.000000e+00 : f32
    %sub3A_1361 = vector.broadcast %sub3A_1360 : f32 to vector<16xf32>
    %sub3A_1362 = arith.subf %sub3A_1361, %mul3A_1359 : vector<16xf32>
    %mul3A_1363 = arith.mulf %mul3A_1358, %sub3A_1362 : vector<16xf32>
    %mul3A_1364 = arith.mulf %gather3A_1344, %mul3A_1363 : vector<16xf32>
    %sub3A_1365 = arith.constant 2.000000e+00 : f32
    %sub3A_1366 = vector.broadcast %sub3A_1365 : f32 to vector<16xf32>
    %sub3A_1367 = arith.subf %sub3A_1366, %mul3A_1364 : vector<16xf32>
    %mul3A_1368 = arith.mulf %mul3A_1363, %sub3A_1367 : vector<16xf32>
    %mul3A_1369 = arith.mulf %scan3A_1308#0, %mul3A_1368 : vector<16xf32>
    %swap3A_1370 = arith.constant 0 : index
    %swap3A_1371 = tpu.vector_load %arg19[%swap3A_1370] {strides = array<i32>} : memref<32xf32, #tpu.memory_space<vmem>>, vector<16xf32>,
    tpu.vector_store %arg19[%swap3A_1370], %mul3A_1369 {strides = array<i32>} : memref<32xf32, #tpu.memory_space<vmem>>, vector<16xf32>,
    %add3A_1372 = arith.constant 16 : i32
    %add3A_1373 = vector.broadcast %add3A_1372 : i32 to vector<16xi32>
    %add3A_1374 = arith.addi %iota3A, %add3A_1373 : vector<16xi32>
    %jit3A_1375 = arith.constant 5 : i32
    %div3A_1376 = vector.broadcast %jit3A_1375 : i32 to vector<16xi32>
    %div3A_1377 = arith.divsi %add3A_1374, %div3A_1376 : vector<16xi32>
    %sign3A_1378 = arith.constant 0 : i32
    %sign3A_1379 = vector.broadcast %sign3A_1378 : i32 to vector<16xi32>
    %sign3A_1380 = arith.cmpi sgt, %add3A_1374, %sign3A_1379 : vector<16xi32>
    %sign3A_1381 = arith.extui %sign3A_1380 : vector<16xi1> to vector<16xi32>
    %sign3A_1382 = arith.constant 0 : i32
    %sign3A_1383 = vector.broadcast %sign3A_1382 : i32 to vector<16xi32>
    %sign3A_1384 = arith.cmpi slt, %add3A_1374, %sign3A_1383 : vector<16xi32>
    %sign3A_1385 = arith.extui %sign3A_1384 : vector<16xi1> to vector<16xi32>
    %sign3A_1386 = arith.subi %sign3A_1381, %sign3A_1385 : vector<16xi32>
    %sign3A_1387 = arith.constant 0 : i32
    %sign3A_1388 = arith.cmpi sgt, %jit3A_1375, %sign3A_1387 : i32
    %sign3A_1389 = arith.extui %sign3A_1388 : i1 to i32
    %sign3A_1390 = arith.constant 0 : i32
    %sign3A_1391 = arith.cmpi slt, %jit3A_1375, %sign3A_1390 : i32
    %sign3A_1392 = arith.extui %sign3A_1391 : i1 to i32
    %sign3A_1393 = arith.subi %sign3A_1389, %sign3A_1392 : i32
    %ne3A_1394 = vector.broadcast %sign3A_1393 : i32 to vector<16xi32>
    %ne3A_1395 = arith.cmpi ne, %sign3A_1386, %ne3A_1394 : vector<16xi32>
    %rem3A_1396 = vector.broadcast %jit3A_1375 : i32 to vector<16xi32>
    %rem3A_1397 = arith.remsi %add3A_1374, %rem3A_1396 : vector<16xi32>
    %ne3A_1398 = arith.constant 0 : i32
    %ne3A_1399 = vector.broadcast %ne3A_1398 : i32 to vector<16xi32>
    %ne3A_1400 = arith.cmpi ne, %rem3A_1397, %ne3A_1399 : vector<16xi32>
    %and3A_1401 = arith.andi %ne3A_1395, %ne3A_1400 : vector<16xi1>
    %sub3A_1402 = arith.constant 1 : i32
    %sub3A_1403 = vector.broadcast %sub3A_1402 : i32 to vector<16xi32>
    %sub3A_1404 = arith.subi %div3A_1377, %sub3A_1403 : vector<16xi32>
    %select_n3A_1405 = arith.select %and3A_1401, %sub3A_1404, %div3A_1377 : vector<16xi1>, vector<16xi32>
    %add3A_1406 = arith.constant 25 : i32
    %add3A_1407 = vector.broadcast %add3A_1406 : i32 to vector<16xi32>
    %add3A_1408 = arith.addi %select_n3A_1405, %add3A_1407 : vector<16xi32>
    %gather3A_1409 = tpu.vector_load_idx %arg18[%add3A_1408] : memref<48xf32, #tpu.memory_space<vmem>>[vector<16xi32>], vector<16xf32>,
    %bitcast_convert_type3A_1410 = tpu.bitcast %gather3A_1409 : vector<16xf32> -> vector<16xi32>
    %sub3A_1411 = arith.constant 2129859011 : i32
    %sub3A_1412 = vector.broadcast %sub3A_1411 : i32 to vector<16xi32>
    %sub3A_1413 = arith.subi %sub3A_1412, %bitcast_convert_type3A_1410 : vector<16xi32>
    %bitcast_convert_type3A_1414 = tpu.bitcast %sub3A_1413 : vector<16xi32> -> vector<16xf32>
    %mul3A_1415 = arith.mulf %gather3A_1409, %bitcast_convert_type3A_1414 : vector<16xf32>
    %sub3A_1416 = arith.constant 2.000000e+00 : f32
    %sub3A_1417 = vector.broadcast %sub3A_1416 : f32 to vector<16xf32>
    %sub3A_1418 = arith.subf %sub3A_1417, %mul3A_1415 : vector<16xf32>
    %mul3A_1419 = arith.mulf %bitcast_convert_type3A_1414, %sub3A_1418 : vector<16xf32>
    %mul3A_1420 = arith.mulf %gather3A_1409, %mul3A_1419 : vector<16xf32>
    %sub3A_1421 = arith.constant 2.000000e+00 : f32
    %sub3A_1422 = vector.broadcast %sub3A_1421 : f32 to vector<16xf32>
    %sub3A_1423 = arith.subf %sub3A_1422, %mul3A_1420 : vector<16xf32>
    %mul3A_1424 = arith.mulf %mul3A_1419, %sub3A_1423 : vector<16xf32>
    %mul3A_1425 = arith.mulf %gather3A_1409, %mul3A_1424 : vector<16xf32>
    %sub3A_1426 = arith.constant 2.000000e+00 : f32
    %sub3A_1427 = vector.broadcast %sub3A_1426 : f32 to vector<16xf32>
    %sub3A_1428 = arith.subf %sub3A_1427, %mul3A_1425 : vector<16xf32>
    %mul3A_1429 = arith.mulf %mul3A_1424, %sub3A_1428 : vector<16xf32>
    %mul3A_1430 = arith.mulf %gather3A_1409, %mul3A_1429 : vector<16xf32>
    %sub3A_1431 = arith.constant 2.000000e+00 : f32
    %sub3A_1432 = vector.broadcast %sub3A_1431 : f32 to vector<16xf32>
    %sub3A_1433 = arith.subf %sub3A_1432, %mul3A_1430 : vector<16xf32>
    %mul3A_1434 = arith.mulf %mul3A_1429, %sub3A_1433 : vector<16xf32>
    %mul3A_1435 = arith.mulf %scan3A_1308#1, %mul3A_1434 : vector<16xf32>
    %swap3A_1436 = arith.constant 16 : index
    %swap3A_1437 = tpu.vector_load %arg19[%swap3A_1436] {strides = array<i32>} : memref<32xf32, #tpu.memory_space<vmem>>, vector<16xf32>,
    tpu.vector_store %arg19[%swap3A_1436], %mul3A_1435 {strides = array<i32>} : memref<32xf32, #tpu.memory_space<vmem>>, vector<16xf32>,
    %jit3A_1438 = arith.constant 2 : i32
    %div3A_1439 = vector.broadcast %jit3A_1438 : i32 to vector<16xi32>
    %div3A_1440 = arith.divsi %iota3A, %div3A_1439 : vector<16xi32>
    %sign3A_1441 = arith.constant 0 : i32
    %sign3A_1442 = vector.broadcast %sign3A_1441 : i32 to vector<16xi32>
    %sign3A_1443 = arith.cmpi sgt, %iota3A, %sign3A_1442 : vector<16xi32>
    %sign3A_1444 = arith.extui %sign3A_1443 : vector<16xi1> to vector<16xi32>
    %sign3A_1445 = arith.constant 0 : i32
    %sign3A_1446 = vector.broadcast %sign3A_1445 : i32 to vector<16xi32>
    %sign3A_1447 = arith.cmpi slt, %iota3A, %sign3A_1446 : vector<16xi32>
    %sign3A_1448 = arith.extui %sign3A_1447 : vector<16xi1> to vector<16xi32>
    %sign3A_1449 = arith.subi %sign3A_1444, %sign3A_1448 : vector<16xi32>
    %sign3A_1450 = arith.constant 0 : i32
    %sign3A_1451 = arith.cmpi sgt, %jit3A_1438, %sign3A_1450 : i32
    %sign3A_1452 = arith.extui %sign3A_1451 : i1 to i32
    %sign3A_1453 = arith.constant 0 : i32
    %sign3A_1454 = arith.cmpi slt, %jit3A_1438, %sign3A_1453 : i32
    %sign3A_1455 = arith.extui %sign3A_1454 : i1 to i32
    %sign3A_1456 = arith.subi %sign3A_1452, %sign3A_1455 : i32
    %ne3A_1457 = vector.broadcast %sign3A_1456 : i32 to vector<16xi32>
    %ne3A_1458 = arith.cmpi ne, %sign3A_1449, %ne3A_1457 : vector<16xi32>
    %rem3A_1459 = vector.broadcast %jit3A_1438 : i32 to vector<16xi32>
    %rem3A_1460 = arith.remsi %iota3A, %rem3A_1459 : vector<16xi32>
    %ne3A_1461 = arith.constant 0 : i32
    %ne3A_1462 = vector.broadcast %ne3A_1461 : i32 to vector<16xi32>
    %ne3A_1463 = arith.cmpi ne, %rem3A_1460, %ne3A_1462 : vector<16xi32>
    %and3A_1464 = arith.andi %ne3A_1458, %ne3A_1463 : vector<16xi1>
    %sub3A_1465 = arith.constant 1 : i32
    %sub3A_1466 = vector.broadcast %sub3A_1465 : i32 to vector<16xi32>
    %sub3A_1467 = arith.subi %div3A_1440, %sub3A_1466 : vector<16xi32>
    %select_n3A_1468 = arith.select %and3A_1464, %sub3A_1467, %div3A_1440 : vector<16xi1>, vector<16xi32>
    %min3A = arith.constant 9 : i32
    %min3A_1469 = vector.broadcast %min3A : i32 to vector<16xi32>
    %min3A_1470 = arith.minsi %select_n3A_1468, %min3A_1469 : vector<16xi32>
    %add3A_1471 = arith.constant 36 : i32
    %add3A_1472 = vector.broadcast %add3A_1471 : i32 to vector<16xi32>
    %add3A_1473 = arith.addi %min3A_1470, %add3A_1472 : vector<16xi32>
    %gather3A_1474 = tpu.vector_load_idx %arg18[%add3A_1473] : memref<48xf32, #tpu.memory_space<vmem>>[vector<16xi32>], vector<16xf32>,
    %bitcast_convert_type3A_1475 = tpu.bitcast %gather3A_1474 : vector<16xf32> -> vector<16xi32>
    %sub3A_1476 = arith.constant 2129859011 : i32
    %sub3A_1477 = vector.broadcast %sub3A_1476 : i32 to vector<16xi32>
    %sub3A_1478 = arith.subi %sub3A_1477, %bitcast_convert_type3A_1475 : vector<16xi32>
    %bitcast_convert_type3A_1479 = tpu.bitcast %sub3A_1478 : vector<16xi32> -> vector<16xf32>
    %mul3A_1480 = arith.mulf %gather3A_1474, %bitcast_convert_type3A_1479 : vector<16xf32>
    %sub3A_1481 = arith.constant 2.000000e+00 : f32
    %sub3A_1482 = vector.broadcast %sub3A_1481 : f32 to vector<16xf32>
    %sub3A_1483 = arith.subf %sub3A_1482, %mul3A_1480 : vector<16xf32>
    %mul3A_1484 = arith.mulf %bitcast_convert_type3A_1479, %sub3A_1483 : vector<16xf32>
    %mul3A_1485 = arith.mulf %gather3A_1474, %mul3A_1484 : vector<16xf32>
    %sub3A_1486 = arith.constant 2.000000e+00 : f32
    %sub3A_1487 = vector.broadcast %sub3A_1486 : f32 to vector<16xf32>
    %sub3A_1488 = arith.subf %sub3A_1487, %mul3A_1485 : vector<16xf32>
    %mul3A_1489 = arith.mulf %mul3A_1484, %sub3A_1488 : vector<16xf32>
    %mul3A_1490 = arith.mulf %gather3A_1474, %mul3A_1489 : vector<16xf32>
    %sub3A_1491 = arith.constant 2.000000e+00 : f32
    %sub3A_1492 = vector.broadcast %sub3A_1491 : f32 to vector<16xf32>
    %sub3A_1493 = arith.subf %sub3A_1492, %mul3A_1490 : vector<16xf32>
    %mul3A_1494 = arith.mulf %mul3A_1489, %sub3A_1493 : vector<16xf32>
    %mul3A_1495 = arith.mulf %gather3A_1474, %mul3A_1494 : vector<16xf32>
    %sub3A_1496 = arith.constant 2.000000e+00 : f32
    %sub3A_1497 = vector.broadcast %sub3A_1496 : f32 to vector<16xf32>
    %sub3A_1498 = arith.subf %sub3A_1497, %mul3A_1495 : vector<16xf32>
    %mul3A_1499 = arith.mulf %mul3A_1494, %sub3A_1498 : vector<16xf32>
    %mul3A_1500 = arith.mulf %scan3A_1308#2, %mul3A_1499 : vector<16xf32>
    %swap3A_1501 = arith.constant 0 : index
    %swap3A_1502 = tpu.vector_load %arg20[%swap3A_1501] {strides = array<i32>} : memref<16xf32, #tpu.memory_space<vmem>>, vector<16xf32>,
    tpu.vector_store %arg20[%swap3A_1501], %mul3A_1500 {strides = array<i32>} : memref<16xf32, #tpu.memory_space<vmem>>, vector<16xf32>,
    %min3A_1503 = arith.constant 6 : i32
    %min3A_1504 = vector.broadcast %min3A_1503 : i32 to vector<16xi32>
    %min3A_1505 = arith.minsi %iota3A, %min3A_1504 : vector<16xi32>
    %add3A_1506 = arith.constant 25 : i32
    %add3A_1507 = vector.broadcast %add3A_1506 : i32 to vector<16xi32>
    %add3A_1508 = arith.addi %min3A_1505, %add3A_1507 : vector<16xi32>
    %gather3A_1509 = tpu.vector_load_idx %arg18[%add3A_1508] : memref<48xf32, #tpu.memory_space<vmem>>[vector<16xi32>], vector<16xf32>,
    %bitcast_convert_type3A_1510 = tpu.bitcast %gather3A_1509 : vector<16xf32> -> vector<16xi32>
    %sub3A_1511 = arith.constant 2129859011 : i32
    %sub3A_1512 = vector.broadcast %sub3A_1511 : i32 to vector<16xi32>
    %sub3A_1513 = arith.subi %sub3A_1512, %bitcast_convert_type3A_1510 : vector<16xi32>
    %bitcast_convert_type3A_1514 = tpu.bitcast %sub3A_1513 : vector<16xi32> -> vector<16xf32>
    %mul3A_1515 = arith.mulf %gather3A_1509, %bitcast_convert_type3A_1514 : vector<16xf32>
    %sub3A_1516 = arith.constant 2.000000e+00 : f32
    %sub3A_1517 = vector.broadcast %sub3A_1516 : f32 to vector<16xf32>
    %sub3A_1518 = arith.subf %sub3A_1517, %mul3A_1515 : vector<16xf32>
    %mul3A_1519 = arith.mulf %bitcast_convert_type3A_1514, %sub3A_1518 : vector<16xf32>
    %mul3A_1520 = arith.mulf %gather3A_1509, %mul3A_1519 : vector<16xf32>
    %sub3A_1521 = arith.constant 2.000000e+00 : f32
    %sub3A_1522 = vector.broadcast %sub3A_1521 : f32 to vector<16xf32>
    %sub3A_1523 = arith.subf %sub3A_1522, %mul3A_1520 : vector<16xf32>
    %mul3A_1524 = arith.mulf %mul3A_1519, %sub3A_1523 : vector<16xf32>
    %mul3A_1525 = arith.mulf %gather3A_1509, %mul3A_1524 : vector<16xf32>
    %sub3A_1526 = arith.constant 2.000000e+00 : f32
    %sub3A_1527 = vector.broadcast %sub3A_1526 : f32 to vector<16xf32>
    %sub3A_1528 = arith.subf %sub3A_1527, %mul3A_1525 : vector<16xf32>
    %mul3A_1529 = arith.mulf %mul3A_1524, %sub3A_1528 : vector<16xf32>
    %mul3A_1530 = arith.mulf %gather3A_1509, %mul3A_1529 : vector<16xf32>
    %sub3A_1531 = arith.constant 2.000000e+00 : f32
    %sub3A_1532 = vector.broadcast %sub3A_1531 : f32 to vector<16xf32>
    %sub3A_1533 = arith.subf %sub3A_1532, %mul3A_1530 : vector<16xf32>
    %mul3A_1534 = arith.mulf %mul3A_1529, %sub3A_1533 : vector<16xf32>
    %swap3A_1535 = arith.constant 0 : index
    %swap3A_1536 = tpu.vector_load %arg21[%swap3A_1535] {strides = array<i32>} : memref<16xf32, #tpu.memory_space<vmem>>, vector<16xf32>,
    tpu.vector_store %arg21[%swap3A_1535], %mul3A_1534 {strides = array<i32>} : memref<16xf32, #tpu.memory_space<vmem>>, vector<16xf32>,
    %min3A_1537 = arith.constant 9 : i32
    %min3A_1538 = vector.broadcast %min3A_1537 : i32 to vector<16xi32>
    %min3A_1539 = arith.minsi %iota3A, %min3A_1538 : vector<16xi32>
    %add3A_1540 = arith.constant 36 : i32
    %add3A_1541 = vector.broadcast %add3A_1540 : i32 to vector<16xi32>
    %add3A_1542 = arith.addi %min3A_1539, %add3A_1541 : vector<16xi32>
    %gather3A_1543 = tpu.vector_load_idx %arg18[%add3A_1542] : memref<48xf32, #tpu.memory_space<vmem>>[vector<16xi32>], vector<16xf32>,
    %bitcast_convert_type3A_1544 = tpu.bitcast %gather3A_1543 : vector<16xf32> -> vector<16xi32>
    %sub3A_1545 = arith.constant 2129859011 : i32
    %sub3A_1546 = vector.broadcast %sub3A_1545 : i32 to vector<16xi32>
    %sub3A_1547 = arith.subi %sub3A_1546, %bitcast_convert_type3A_1544 : vector<16xi32>
    %bitcast_convert_type3A_1548 = tpu.bitcast %sub3A_1547 : vector<16xi32> -> vector<16xf32>
    %mul3A_1549 = arith.mulf %gather3A_1543, %bitcast_convert_type3A_1548 : vector<16xf32>
    %sub3A_1550 = arith.constant 2.000000e+00 : f32
    %sub3A_1551 = vector.broadcast %sub3A_1550 : f32 to vector<16xf32>
    %sub3A_1552 = arith.subf %sub3A_1551, %mul3A_1549 : vector<16xf32>
    %mul3A_1553 = arith.mulf %bitcast_convert_type3A_1548, %sub3A_1552 : vector<16xf32>
    %mul3A_1554 = arith.mulf %gather3A_1543, %mul3A_1553 : vector<16xf32>
    %sub3A_1555 = arith.constant 2.000000e+00 : f32
    %sub3A_1556 = vector.broadcast %sub3A_1555 : f32 to vector<16xf32>
    %sub3A_1557 = arith.subf %sub3A_1556, %mul3A_1554 : vector<16xf32>
    %mul3A_1558 = arith.mulf %mul3A_1553, %sub3A_1557 : vector<16xf32>
    %mul3A_1559 = arith.mulf %gather3A_1543, %mul3A_1558 : vector<16xf32>
    %sub3A_1560 = arith.constant 2.000000e+00 : f32
    %sub3A_1561 = vector.broadcast %sub3A_1560 : f32 to vector<16xf32>
    %sub3A_1562 = arith.subf %sub3A_1561, %mul3A_1559 : vector<16xf32>
    %mul3A_1563 = arith.mulf %mul3A_1558, %sub3A_1562 : vector<16xf32>
    %mul3A_1564 = arith.mulf %gather3A_1543, %mul3A_1563 : vector<16xf32>
    %sub3A_1565 = arith.constant 2.000000e+00 : f32
    %sub3A_1566 = vector.broadcast %sub3A_1565 : f32 to vector<16xf32>
    %sub3A_1567 = arith.subf %sub3A_1566, %mul3A_1564 : vector<16xf32>
    %mul3A_1568 = arith.mulf %mul3A_1563, %sub3A_1567 : vector<16xf32>
    %swap3A_1569 = arith.constant 0 : index
    %swap3A_1570 = tpu.vector_load %arg22[%swap3A_1569] {strides = array<i32>} : memref<16xf32, #tpu.memory_space<vmem>>, vector<16xf32>,
    tpu.vector_store %arg22[%swap3A_1569], %mul3A_1568 {strides = array<i32>} : memref<16xf32, #tpu.memory_space<vmem>>, vector<16xf32>,
    %min3A_1571 = arith.constant 4 : i32
    %min3A_1572 = vector.broadcast %min3A_1571 : i32 to vector<16xi32>
    %min3A_1573 = arith.minsi %iota3A, %min3A_1572 : vector<16xi32>
    %mul3A_1574 = arith.constant 5 : i32
    %mul3A_1575 = vector.broadcast %mul3A_1574 : i32 to vector<16xi32>
    %mul3A_1576 = arith.muli %min3A_1573, %mul3A_1575 : vector<16xi32>
    %add3A_1577 = arith.constant 0 : i32
    %add3A_1578 = vector.broadcast %add3A_1577 : i32 to vector<16xi32>
    %add3A_1579 = arith.addi %mul3A_1576, %add3A_1578 : vector<16xi32>
    %gather3A_1580 = tpu.vector_load_idx %arg19[%add3A_1579] : memref<32xf32, #tpu.memory_space<vmem>>[vector<16xi32>], vector<16xf32>,
    %swap3A_1581 = arith.constant 0 : index
    %swap3A_1582 = tpu.vector_load %arg23[%swap3A_1581] {strides = array<i32>} : memref<16xf32, #tpu.memory_space<vmem>>, vector<16xf32>,
    tpu.vector_store %arg23[%swap3A_1581], %gather3A_1580 {strides = array<i32>} : memref<16xf32, #tpu.memory_space<vmem>>, vector<16xf32>,
    %min3A_1583 = arith.constant 4 : i32
    %min3A_1584 = vector.broadcast %min3A_1583 : i32 to vector<16xi32>
    %min3A_1585 = arith.minsi %iota3A, %min3A_1584 : vector<16xi32>
    %mul3A_1586 = arith.constant 5 : i32
    %mul3A_1587 = vector.broadcast %mul3A_1586 : i32 to vector<16xi32>
    %mul3A_1588 = arith.muli %min3A_1585, %mul3A_1587 : vector<16xi32>
    %add3A_1589 = arith.constant 1 : i32
    %add3A_1590 = vector.broadcast %add3A_1589 : i32 to vector<16xi32>
    %add3A_1591 = arith.addi %mul3A_1588, %add3A_1590 : vector<16xi32>
    %gather3A_1592 = tpu.vector_load_idx %arg19[%add3A_1591] : memref<32xf32, #tpu.memory_space<vmem>>[vector<16xi32>], vector<16xf32>,
    %swap3A_1593 = arith.constant 0 : index
    %swap3A_1594 = tpu.vector_load %arg24[%swap3A_1593] {strides = array<i32>} : memref<16xf32, #tpu.memory_space<vmem>>, vector<16xf32>,
    tpu.vector_store %arg24[%swap3A_1593], %gather3A_1592 {strides = array<i32>} : memref<16xf32, #tpu.memory_space<vmem>>, vector<16xf32>,
    %min3A_1595 = arith.constant 4 : i32
    %min3A_1596 = vector.broadcast %min3A_1595 : i32 to vector<16xi32>
    %min3A_1597 = arith.minsi %iota3A, %min3A_1596 : vector<16xi32>
    %mul3A_1598 = arith.constant 5 : i32
    %mul3A_1599 = vector.broadcast %mul3A_1598 : i32 to vector<16xi32>
    %mul3A_1600 = arith.muli %min3A_1597, %mul3A_1599 : vector<16xi32>
    %add3A_1601 = arith.constant 2 : i32
    %add3A_1602 = vector.broadcast %add3A_1601 : i32 to vector<16xi32>
    %add3A_1603 = arith.addi %mul3A_1600, %add3A_1602 : vector<16xi32>
    %gather3A_1604 = tpu.vector_load_idx %arg19[%add3A_1603] : memref<32xf32, #tpu.memory_space<vmem>>[vector<16xi32>], vector<16xf32>,
    %swap3A_1605 = arith.constant 0 : index
    %swap3A_1606 = tpu.vector_load %arg25[%swap3A_1605] {strides = array<i32>} : memref<16xf32, #tpu.memory_space<vmem>>, vector<16xf32>,
    tpu.vector_store %arg25[%swap3A_1605], %gather3A_1604 {strides = array<i32>} : memref<16xf32, #tpu.memory_space<vmem>>, vector<16xf32>,
    %min3A_1607 = arith.constant 4 : i32
    %min3A_1608 = vector.broadcast %min3A_1607 : i32 to vector<16xi32>
    %min3A_1609 = arith.minsi %iota3A, %min3A_1608 : vector<16xi32>
    %mul3A_1610 = arith.constant 5 : i32
    %mul3A_1611 = vector.broadcast %mul3A_1610 : i32 to vector<16xi32>
    %mul3A_1612 = arith.muli %min3A_1609, %mul3A_1611 : vector<16xi32>
    %add3A_1613 = arith.constant 3 : i32
    %add3A_1614 = vector.broadcast %add3A_1613 : i32 to vector<16xi32>
    %add3A_1615 = arith.addi %mul3A_1612, %add3A_1614 : vector<16xi32>
    %gather3A_1616 = tpu.vector_load_idx %arg19[%add3A_1615] : memref<32xf32, #tpu.memory_space<vmem>>[vector<16xi32>], vector<16xf32>,
    %swap3A_1617 = arith.constant 0 : index
    %swap3A_1618 = tpu.vector_load %arg26[%swap3A_1617] {strides = array<i32>} : memref<16xf32, #tpu.memory_space<vmem>>, vector<16xf32>,
    tpu.vector_store %arg26[%swap3A_1617], %gather3A_1616 {strides = array<i32>} : memref<16xf32, #tpu.memory_space<vmem>>, vector<16xf32>,
    %min3A_1619 = arith.constant 4 : i32
    %min3A_1620 = vector.broadcast %min3A_1619 : i32 to vector<16xi32>
    %min3A_1621 = arith.minsi %iota3A, %min3A_1620 : vector<16xi32>
    %mul3A_1622 = arith.constant 5 : i32
    %mul3A_1623 = vector.broadcast %mul3A_1622 : i32 to vector<16xi32>
    %mul3A_1624 = arith.muli %min3A_1621, %mul3A_1623 : vector<16xi32>
    %add3A_1625 = arith.constant 4 : i32
    %add3A_1626 = vector.broadcast %add3A_1625 : i32 to vector<16xi32>
    %add3A_1627 = arith.addi %mul3A_1624, %add3A_1626 : vector<16xi32>
    %gather3A_1628 = tpu.vector_load_idx %arg19[%add3A_1627] : memref<32xf32, #tpu.memory_space<vmem>>[vector<16xi32>], vector<16xf32>,
    %swap3A_1629 = arith.constant 0 : index
    %swap3A_1630 = tpu.vector_load %arg27[%swap3A_1629] {strides = array<i32>} : memref<16xf32, #tpu.memory_space<vmem>>, vector<16xf32>,
    tpu.vector_store %arg27[%swap3A_1629], %gather3A_1628 {strides = array<i32>} : memref<16xf32, #tpu.memory_space<vmem>>, vector<16xf32>,
    %min3A_1631 = arith.constant 1 : i32
    %min3A_1632 = vector.broadcast %min3A_1631 : i32 to vector<16xi32>
    %min3A_1633 = arith.minsi %iota3A, %min3A_1632 : vector<16xi32>
    %mul3A_1634 = arith.constant 2 : i32
    %mul3A_1635 = vector.broadcast %mul3A_1634 : i32 to vector<16xi32>
    %mul3A_1636 = arith.muli %min3A_1633, %mul3A_1635 : vector<16xi32>
    %add3A_1637 = arith.constant 0 : i32
    %add3A_1638 = vector.broadcast %add3A_1637 : i32 to vector<16xi32>
    %add3A_1639 = arith.addi %mul3A_1636, %add3A_1638 : vector<16xi32>
    %gather3A_1640 = tpu.vector_load_idx %arg20[%add3A_1639] : memref<16xf32, #tpu.memory_space<vmem>>[vector<16xi32>], vector<16xf32>,
    %swap3A_1641 = arith.constant 0 : index
    %swap3A_1642 = tpu.vector_load %arg28[%swap3A_1641] {strides = array<i32>} : memref<16xf32, #tpu.memory_space<vmem>>, vector<16xf32>,
    tpu.vector_store %arg28[%swap3A_1641], %gather3A_1640 {strides = array<i32>} : memref<16xf32, #tpu.memory_space<vmem>>, vector<16xf32>,
    %min3A_1643 = arith.constant 1 : i32
    %min3A_1644 = vector.broadcast %min3A_1643 : i32 to vector<16xi32>
    %min3A_1645 = arith.minsi %iota3A, %min3A_1644 : vector<16xi32>
    %mul3A_1646 = arith.constant 2 : i32
    %mul3A_1647 = vector.broadcast %mul3A_1646 : i32 to vector<16xi32>
    %mul3A_1648 = arith.muli %min3A_1645, %mul3A_1647 : vector<16xi32>
    %add3A_1649 = arith.constant 1 : i32
    %add3A_1650 = vector.broadcast %add3A_1649 : i32 to vector<16xi32>
    %add3A_1651 = arith.addi %mul3A_1648, %add3A_1650 : vector<16xi32>
    %gather3A_1652 = tpu.vector_load_idx %arg20[%add3A_1651] : memref<16xf32, #tpu.memory_space<vmem>>[vector<16xi32>], vector<16xf32>,
    %swap3A_1653 = arith.constant 0 : index
    %swap3A_1654 = tpu.vector_load %arg29[%swap3A_1653] {strides = array<i32>} : memref<16xf32, #tpu.memory_space<vmem>>, vector<16xf32>,
    tpu.vector_store %arg29[%swap3A_1653], %gather3A_1652 {strides = array<i32>} : memref<16xf32, #tpu.memory_space<vmem>>, vector<16xf32>,
    %broadcast_in_dim3A_1655 = arith.constant 0.000000e+00 : f32
    %broadcast_in_dim3A_1656 = vector.broadcast %broadcast_in_dim3A_1655 : f32 to vector<16xf32>
    %scan3A_1657 = arith.constant 0 : i32
    %scan3A_1658 = arith.constant 512 : i32
    %scan3A_1659 = arith.addi %scan3A_1657, %scan3A_1658 : i32
    %scan3A_1660 = arith.constant 1 : i32
    %scan3A_1661:2 = scf.for %scan3A_1740 = %scan3A_1657 to %scan3A_1659 step %scan3A_1660 iter_args(%scan3A_1741 = %broadcast_in_dim3A_1656, %scan3A_1742 = %broadcast_in_dim3A_1656) -> (vector<16xf32>, vector<16xf32>)  : i32 {
      %mul3A_1743 = arith.constant 16 : i32
      %mul3A_1744 = arith.muli %scan3A_1740, %mul3A_1743 : i32
      %get3A = arith.index_cast %mul3A_1744 : i32 to index
      %get3A_1745 = tpu.vector_load %arg14[%get3A] {strides = array<i32>} : memref<8192xi32, #tpu.memory_space<vmem>>, vector<16xi32>,
      %broadcast_in_dim3A_1746 = arith.constant 0.000000e+00 : f32
      %broadcast_in_dim3A_1747 = vector.broadcast %broadcast_in_dim3A_1746 : f32 to vector<16xf32>
      %gather3A_1748 = tpu.vector_load_idx %arg23[%get3A_1745] : memref<16xf32, #tpu.memory_space<vmem>>[vector<16xi32>], vector<16xf32>,
      %get3A_1749 = arith.index_cast %mul3A_1744 : i32 to index
      %get3A_1750 = tpu.vector_load %arg7[%get3A_1749] {strides = array<i32>} : memref<8192xf32, #tpu.memory_space<vmem>>, vector<16xf32>,
      %sub3A_1751 = arith.subf %get3A_1750, %gather3A_1748 : vector<16xf32>
      %mul3A_1752 = arith.mulf %sub3A_1751, %sub3A_1751 : vector<16xf32>
      %add3A_1753 = arith.addf %broadcast_in_dim3A_1747, %mul3A_1752 : vector<16xf32>
      %gather3A_1754 = tpu.vector_load_idx %arg24[%get3A_1745] : memref<16xf32, #tpu.memory_space<vmem>>[vector<16xi32>], vector<16xf32>,
      %get3A_1755 = arith.index_cast %mul3A_1744 : i32 to index
      %get3A_1756 = tpu.vector_load %arg8[%get3A_1755] {strides = array<i32>} : memref<8192xf32, #tpu.memory_space<vmem>>, vector<16xf32>,
      %sub3A_1757 = arith.subf %get3A_1756, %gather3A_1754 : vector<16xf32>
      %mul3A_1758 = arith.mulf %sub3A_1757, %sub3A_1757 : vector<16xf32>
      %add3A_1759 = arith.addf %add3A_1753, %mul3A_1758 : vector<16xf32>
      %gather3A_1760 = tpu.vector_load_idx %arg25[%get3A_1745] : memref<16xf32, #tpu.memory_space<vmem>>[vector<16xi32>], vector<16xf32>,
      %get3A_1761 = arith.index_cast %mul3A_1744 : i32 to index
      %get3A_1762 = tpu.vector_load %arg9[%get3A_1761] {strides = array<i32>} : memref<8192xf32, #tpu.memory_space<vmem>>, vector<16xf32>,
      %sub3A_1763 = arith.subf %get3A_1762, %gather3A_1760 : vector<16xf32>
      %mul3A_1764 = arith.mulf %sub3A_1763, %sub3A_1763 : vector<16xf32>
      %add3A_1765 = arith.addf %add3A_1759, %mul3A_1764 : vector<16xf32>
      %gather3A_1766 = tpu.vector_load_idx %arg26[%get3A_1745] : memref<16xf32, #tpu.memory_space<vmem>>[vector<16xi32>], vector<16xf32>,
      %get3A_1767 = arith.index_cast %mul3A_1744 : i32 to index
      %get3A_1768 = tpu.vector_load %arg10[%get3A_1767] {strides = array<i32>} : memref<8192xf32, #tpu.memory_space<vmem>>, vector<16xf32>,
      %sub3A_1769 = arith.subf %get3A_1768, %gather3A_1766 : vector<16xf32>
      %mul3A_1770 = arith.mulf %sub3A_1769, %sub3A_1769 : vector<16xf32>
      %add3A_1771 = arith.addf %add3A_1765, %mul3A_1770 : vector<16xf32>
      %gather3A_1772 = tpu.vector_load_idx %arg27[%get3A_1745] : memref<16xf32, #tpu.memory_space<vmem>>[vector<16xi32>], vector<16xf32>,
      %get3A_1773 = arith.index_cast %mul3A_1744 : i32 to index
      %get3A_1774 = tpu.vector_load %arg11[%get3A_1773] {strides = array<i32>} : memref<8192xf32, #tpu.memory_space<vmem>>, vector<16xf32>,
      %sub3A_1775 = arith.subf %get3A_1774, %gather3A_1772 : vector<16xf32>
      %mul3A_1776 = arith.mulf %sub3A_1775, %sub3A_1775 : vector<16xf32>
      %add3A_1777 = arith.addf %add3A_1771, %mul3A_1776 : vector<16xf32>
      %bitcast_convert_type3A_1778 = tpu.bitcast %add3A_1777 : vector<16xf32> -> vector<16xi32>
      %shift_right_logical3A = arith.constant 1 : i32
      %shift_right_logical3A_1779 = vector.broadcast %shift_right_logical3A : i32 to vector<16xi32>
      %shift_right_logical3A_1780 = arith.shrui %bitcast_convert_type3A_1778, %shift_right_logical3A_1779 : vector<16xi32>
      %sub3A_1781 = arith.constant 1597463007 : i32
      %sub3A_1782 = vector.broadcast %sub3A_1781 : i32 to vector<16xi32>
      %sub3A_1783 = arith.subi %sub3A_1782, %shift_right_logical3A_1780 : vector<16xi32>
      %bitcast_convert_type3A_1784 = tpu.bitcast %sub3A_1783 : vector<16xi32> -> vector<16xf32>
      %mul3A_1785 = arith.constant 5.000000e-01 : f32
      %mul3A_1786 = vector.broadcast %mul3A_1785 : f32 to vector<16xf32>
      %mul3A_1787 = arith.mulf %add3A_1777, %mul3A_1786 : vector<16xf32>
      %mul3A_1788 = arith.mulf %mul3A_1787, %bitcast_convert_type3A_1784 : vector<16xf32>
      %mul3A_1789 = arith.mulf %mul3A_1788, %bitcast_convert_type3A_1784 : vector<16xf32>
      %sub3A_1790 = arith.constant 1.500000e+00 : f32
      %sub3A_1791 = vector.broadcast %sub3A_1790 : f32 to vector<16xf32>
      %sub3A_1792 = arith.subf %sub3A_1791, %mul3A_1789 : vector<16xf32>
      %mul3A_1793 = arith.mulf %bitcast_convert_type3A_1784, %sub3A_1792 : vector<16xf32>
      %mul3A_1794 = arith.mulf %mul3A_1787, %mul3A_1793 : vector<16xf32>
      %mul3A_1795 = arith.mulf %mul3A_1794, %mul3A_1793 : vector<16xf32>
      %sub3A_1796 = arith.constant 1.500000e+00 : f32
      %sub3A_1797 = vector.broadcast %sub3A_1796 : f32 to vector<16xf32>
      %sub3A_1798 = arith.subf %sub3A_1797, %mul3A_1795 : vector<16xf32>
      %mul3A_1799 = arith.mulf %mul3A_1793, %sub3A_1798 : vector<16xf32>
      %mul3A_1800 = arith.mulf %add3A_1777, %mul3A_1799 : vector<16xf32>
      %sub3A_1801 = arith.constant 5.000000e-01 : f32
      %sub3A_1802 = vector.broadcast %sub3A_1801 : f32 to vector<16xf32>
      %sub3A_1803 = arith.subf %mul3A_1800, %sub3A_1802 : vector<16xf32>
      %max3A = arith.constant 0.000000e+00 : f32
      %max3A_1804 = vector.broadcast %max3A : f32 to vector<16xf32>
      %max3A_1805 = arith.maximumf %sub3A_1803, %max3A_1804 : vector<16xf32>
      %mul3A_1806 = arith.mulf %max3A_1805, %max3A_1805 : vector<16xf32>
      %gather3A_1807 = tpu.vector_load_idx %arg21[%get3A_1745] : memref<16xf32, #tpu.memory_space<vmem>>[vector<16xi32>], vector<16xf32>,
      %mul3A_1808 = arith.mulf %mul3A_1806, %gather3A_1807 : vector<16xf32>
      %add3A_1809 = arith.addf %scan3A_1741, %mul3A_1808 : vector<16xf32>
      %get3A_1810 = arith.index_cast %mul3A_1744 : i32 to index
      %get3A_1811 = tpu.vector_load %arg15[%get3A_1810] {strides = array<i32>} : memref<8192xi32, #tpu.memory_space<vmem>>, vector<16xi32>,
      %broadcast_in_dim3A_1812 = arith.constant 0.000000e+00 : f32
      %broadcast_in_dim3A_1813 = vector.broadcast %broadcast_in_dim3A_1812 : f32 to vector<16xf32>
      %gather3A_1814 = tpu.vector_load_idx %arg28[%get3A_1811] : memref<16xf32, #tpu.memory_space<vmem>>[vector<16xi32>], vector<16xf32>,
      %get3A_1815 = arith.index_cast %mul3A_1744 : i32 to index
      %get3A_1816 = tpu.vector_load %arg12[%get3A_1815] {strides = array<i32>} : memref<8192xf32, #tpu.memory_space<vmem>>, vector<16xf32>,
      %sub3A_1817 = arith.subf %get3A_1816, %gather3A_1814 : vector<16xf32>
      %mul3A_1818 = arith.mulf %sub3A_1817, %sub3A_1817 : vector<16xf32>
      %add3A_1819 = arith.addf %broadcast_in_dim3A_1813, %mul3A_1818 : vector<16xf32>
      %gather3A_1820 = tpu.vector_load_idx %arg29[%get3A_1811] : memref<16xf32, #tpu.memory_space<vmem>>[vector<16xi32>], vector<16xf32>,
      %get3A_1821 = arith.index_cast %mul3A_1744 : i32 to index
      %get3A_1822 = tpu.vector_load %arg13[%get3A_1821] {strides = array<i32>} : memref<8192xf32, #tpu.memory_space<vmem>>, vector<16xf32>,
      %sub3A_1823 = arith.subf %get3A_1822, %gather3A_1820 : vector<16xf32>
      %mul3A_1824 = arith.mulf %sub3A_1823, %sub3A_1823 : vector<16xf32>
      %add3A_1825 = arith.addf %add3A_1819, %mul3A_1824 : vector<16xf32>
      %bitcast_convert_type3A_1826 = tpu.bitcast %add3A_1825 : vector<16xf32> -> vector<16xi32>
      %shift_right_logical3A_1827 = arith.constant 1 : i32
      %shift_right_logical3A_1828 = vector.broadcast %shift_right_logical3A_1827 : i32 to vector<16xi32>
      %shift_right_logical3A_1829 = arith.shrui %bitcast_convert_type3A_1826, %shift_right_logical3A_1828 : vector<16xi32>
      %sub3A_1830 = arith.constant 1597463007 : i32
      %sub3A_1831 = vector.broadcast %sub3A_1830 : i32 to vector<16xi32>
      %sub3A_1832 = arith.subi %sub3A_1831, %shift_right_logical3A_1829 : vector<16xi32>
      %bitcast_convert_type3A_1833 = tpu.bitcast %sub3A_1832 : vector<16xi32> -> vector<16xf32>
      %mul3A_1834 = arith.constant 5.000000e-01 : f32
      %mul3A_1835 = vector.broadcast %mul3A_1834 : f32 to vector<16xf32>
      %mul3A_1836 = arith.mulf %add3A_1825, %mul3A_1835 : vector<16xf32>
      %mul3A_1837 = arith.mulf %mul3A_1836, %bitcast_convert_type3A_1833 : vector<16xf32>
      %mul3A_1838 = arith.mulf %mul3A_1837, %bitcast_convert_type3A_1833 : vector<16xf32>
      %sub3A_1839 = arith.constant 1.500000e+00 : f32
      %sub3A_1840 = vector.broadcast %sub3A_1839 : f32 to vector<16xf32>
      %sub3A_1841 = arith.subf %sub3A_1840, %mul3A_1838 : vector<16xf32>
      %mul3A_1842 = arith.mulf %bitcast_convert_type3A_1833, %sub3A_1841 : vector<16xf32>
      %mul3A_1843 = arith.mulf %mul3A_1836, %mul3A_1842 : vector<16xf32>
      %mul3A_1844 = arith.mulf %mul3A_1843, %mul3A_1842 : vector<16xf32>
      %sub3A_1845 = arith.constant 1.500000e+00 : f32
      %sub3A_1846 = vector.broadcast %sub3A_1845 : f32 to vector<16xf32>
      %sub3A_1847 = arith.subf %sub3A_1846, %mul3A_1844 : vector<16xf32>
      %mul3A_1848 = arith.mulf %mul3A_1842, %sub3A_1847 : vector<16xf32>
      %mul3A_1849 = arith.mulf %add3A_1825, %mul3A_1848 : vector<16xf32>
      %sub3A_1850 = arith.constant 5.000000e-01 : f32
      %sub3A_1851 = vector.broadcast %sub3A_1850 : f32 to vector<16xf32>
      %sub3A_1852 = arith.subf %mul3A_1849, %sub3A_1851 : vector<16xf32>
      %max3A_1853 = arith.constant 0.000000e+00 : f32
      %max3A_1854 = vector.broadcast %max3A_1853 : f32 to vector<16xf32>
      %max3A_1855 = arith.maximumf %sub3A_1852, %max3A_1854 : vector<16xf32>
      %mul3A_1856 = arith.mulf %max3A_1855, %max3A_1855 : vector<16xf32>
      %gather3A_1857 = tpu.vector_load_idx %arg22[%get3A_1811] : memref<16xf32, #tpu.memory_space<vmem>>[vector<16xi32>], vector<16xf32>,
      %mul3A_1858 = arith.mulf %mul3A_1856, %gather3A_1857 : vector<16xf32>
      %add3A_1859 = arith.addf %scan3A_1742, %mul3A_1858 : vector<16xf32>
      scf.yield %add3A_1809, %add3A_1859 : vector<16xf32>, vector<16xf32>
    }
    %scan3A_1662 = arith.constant 512 : i32
    %iota3A_1663 = tpu.iota {dimensions = array<i32: 0>} : vector<16xi32>
    %swap3A_1664 = arith.constant 0 : index
    %swap3A_1665 = tpu.vector_load %arg33[%swap3A_1664] {strides = array<i32>} : memref<16xf32, #tpu.memory_space<vmem>>, vector<16xf32>,
    tpu.vector_store %arg33[%swap3A_1664], %scan3A_1661#0 {strides = array<i32>} : memref<16xf32, #tpu.memory_space<vmem>>, vector<16xf32>,
    %xor3A_1666 = arith.constant 8 : i32
    %xor3A_1667 = vector.broadcast %xor3A_1666 : i32 to vector<16xi32>
    %xor3A_1668 = arith.xori %iota3A_1663, %xor3A_1667 : vector<16xi32>
    %gather3A_1669 = tpu.vector_load_idx %arg33[%xor3A_1668] : memref<16xf32, #tpu.memory_space<vmem>>[vector<16xi32>], vector<16xf32>,
    %add3A_1670 = arith.addf %scan3A_1661#0, %gather3A_1669 : vector<16xf32>
    %swap3A_1671 = arith.constant 0 : index
    %swap3A_1672 = tpu.vector_load %arg33[%swap3A_1671] {strides = array<i32>} : memref<16xf32, #tpu.memory_space<vmem>>, vector<16xf32>,
    tpu.vector_store %arg33[%swap3A_1671], %add3A_1670 {strides = array<i32>} : memref<16xf32, #tpu.memory_space<vmem>>, vector<16xf32>,
    %xor3A_1673 = arith.constant 4 : i32
    %xor3A_1674 = vector.broadcast %xor3A_1673 : i32 to vector<16xi32>
    %xor3A_1675 = arith.xori %iota3A_1663, %xor3A_1674 : vector<16xi32>
    %gather3A_1676 = tpu.vector_load_idx %arg33[%xor3A_1675] : memref<16xf32, #tpu.memory_space<vmem>>[vector<16xi32>], vector<16xf32>,
    %add3A_1677 = arith.addf %add3A_1670, %gather3A_1676 : vector<16xf32>
    %swap3A_1678 = arith.constant 0 : index
    %swap3A_1679 = tpu.vector_load %arg33[%swap3A_1678] {strides = array<i32>} : memref<16xf32, #tpu.memory_space<vmem>>, vector<16xf32>,
    tpu.vector_store %arg33[%swap3A_1678], %add3A_1677 {strides = array<i32>} : memref<16xf32, #tpu.memory_space<vmem>>, vector<16xf32>,
    %xor3A_1680 = arith.constant 2 : i32
    %xor3A_1681 = vector.broadcast %xor3A_1680 : i32 to vector<16xi32>
    %xor3A_1682 = arith.xori %iota3A_1663, %xor3A_1681 : vector<16xi32>
    %gather3A_1683 = tpu.vector_load_idx %arg33[%xor3A_1682] : memref<16xf32, #tpu.memory_space<vmem>>[vector<16xi32>], vector<16xf32>,
    %add3A_1684 = arith.addf %add3A_1677, %gather3A_1683 : vector<16xf32>
    %swap3A_1685 = arith.constant 0 : index
    %swap3A_1686 = tpu.vector_load %arg33[%swap3A_1685] {strides = array<i32>} : memref<16xf32, #tpu.memory_space<vmem>>, vector<16xf32>,
    tpu.vector_store %arg33[%swap3A_1685], %add3A_1684 {strides = array<i32>} : memref<16xf32, #tpu.memory_space<vmem>>, vector<16xf32>,
    %xor3A_1687 = arith.constant 1 : i32
    %xor3A_1688 = vector.broadcast %xor3A_1687 : i32 to vector<16xi32>
    %xor3A_1689 = arith.xori %iota3A_1663, %xor3A_1688 : vector<16xi32>
    %gather3A_1690 = tpu.vector_load_idx %arg33[%xor3A_1689] : memref<16xf32, #tpu.memory_space<vmem>>[vector<16xi32>], vector<16xf32>,
    %add3A_1691 = arith.addf %add3A_1684, %gather3A_1690 : vector<16xf32>
    %iota3A_1692 = tpu.iota {dimensions = array<i32: 0>} : vector<16xi32>
    %swap3A_1693 = arith.constant 0 : index
    %swap3A_1694 = tpu.vector_load %arg33[%swap3A_1693] {strides = array<i32>} : memref<16xf32, #tpu.memory_space<vmem>>, vector<16xf32>,
    tpu.vector_store %arg33[%swap3A_1693], %scan3A_1661#1 {strides = array<i32>} : memref<16xf32, #tpu.memory_space<vmem>>, vector<16xf32>,
    %xor3A_1695 = arith.constant 8 : i32
    %xor3A_1696 = vector.broadcast %xor3A_1695 : i32 to vector<16xi32>
    %xor3A_1697 = arith.xori %iota3A_1692, %xor3A_1696 : vector<16xi32>
    %gather3A_1698 = tpu.vector_load_idx %arg33[%xor3A_1697] : memref<16xf32, #tpu.memory_space<vmem>>[vector<16xi32>], vector<16xf32>,
    %add3A_1699 = arith.addf %scan3A_1661#1, %gather3A_1698 : vector<16xf32>
    %swap3A_1700 = arith.constant 0 : index
    %swap3A_1701 = tpu.vector_load %arg33[%swap3A_1700] {strides = array<i32>} : memref<16xf32, #tpu.memory_space<vmem>>, vector<16xf32>,
    tpu.vector_store %arg33[%swap3A_1700], %add3A_1699 {strides = array<i32>} : memref<16xf32, #tpu.memory_space<vmem>>, vector<16xf32>,
    %xor3A_1702 = arith.constant 4 : i32
    %xor3A_1703 = vector.broadcast %xor3A_1702 : i32 to vector<16xi32>
    %xor3A_1704 = arith.xori %iota3A_1692, %xor3A_1703 : vector<16xi32>
    %gather3A_1705 = tpu.vector_load_idx %arg33[%xor3A_1704] : memref<16xf32, #tpu.memory_space<vmem>>[vector<16xi32>], vector<16xf32>,
    %add3A_1706 = arith.addf %add3A_1699, %gather3A_1705 : vector<16xf32>
    %swap3A_1707 = arith.constant 0 : index
    %swap3A_1708 = tpu.vector_load %arg33[%swap3A_1707] {strides = array<i32>} : memref<16xf32, #tpu.memory_space<vmem>>, vector<16xf32>,
    tpu.vector_store %arg33[%swap3A_1707], %add3A_1706 {strides = array<i32>} : memref<16xf32, #tpu.memory_space<vmem>>, vector<16xf32>,
    %xor3A_1709 = arith.constant 2 : i32
    %xor3A_1710 = vector.broadcast %xor3A_1709 : i32 to vector<16xi32>
    %xor3A_1711 = arith.xori %iota3A_1692, %xor3A_1710 : vector<16xi32>
    %gather3A_1712 = tpu.vector_load_idx %arg33[%xor3A_1711] : memref<16xf32, #tpu.memory_space<vmem>>[vector<16xi32>], vector<16xf32>,
    %add3A_1713 = arith.addf %add3A_1706, %gather3A_1712 : vector<16xf32>
    %swap3A_1714 = arith.constant 0 : index
    %swap3A_1715 = tpu.vector_load %arg33[%swap3A_1714] {strides = array<i32>} : memref<16xf32, #tpu.memory_space<vmem>>, vector<16xf32>,
    tpu.vector_store %arg33[%swap3A_1714], %add3A_1713 {strides = array<i32>} : memref<16xf32, #tpu.memory_space<vmem>>, vector<16xf32>,
    %xor3A_1716 = arith.constant 1 : i32
    %xor3A_1717 = vector.broadcast %xor3A_1716 : i32 to vector<16xi32>
    %xor3A_1718 = arith.xori %iota3A_1692, %xor3A_1717 : vector<16xi32>
    %gather3A_1719 = tpu.vector_load_idx %arg33[%xor3A_1718] : memref<16xf32, #tpu.memory_space<vmem>>[vector<16xi32>], vector<16xf32>,
    %add3A_1720 = arith.addf %add3A_1713, %gather3A_1719 : vector<16xf32>
    %iota3A_1721 = tpu.iota {dimensions = array<i32: 0>} : vector<16xi32>
    %broadcast_in_dim3A_1722 = arith.constant 0.000000e+00 : f32
    %broadcast_in_dim3A_1723 = vector.broadcast %broadcast_in_dim3A_1722 : f32 to vector<16xf32>
    %eq3A_1724 = arith.constant 0 : i32
    %eq3A_1725 = vector.broadcast %eq3A_1724 : i32 to vector<16xi32>
    %eq3A_1726 = arith.cmpi eq, %iota3A_1721, %eq3A_1725 : vector<16xi32>
    %select_n3A_1727 = arith.select %eq3A_1726, %add3A_1691, %broadcast_in_dim3A_1723 : vector<16xi1>, vector<16xf32>
    %eq3A_1728 = arith.constant 1 : i32
    %eq3A_1729 = vector.broadcast %eq3A_1728 : i32 to vector<16xi32>
    %eq3A_1730 = arith.cmpi eq, %iota3A_1721, %eq3A_1729 : vector<16xi32>
    %select_n3A_1731 = arith.select %eq3A_1730, %add3A_1720, %select_n3A_1727 : vector<16xi1>, vector<16xf32>
    %swap3A_1732 = arith.constant 0 : index
    %swap3A_1733 = tpu.vector_load %arg30[%swap3A_1732] {strides = array<i32>} : memref<16xf32, #tpu.memory_space<vmem>>, vector<16xf32>,
    tpu.vector_store %arg30[%swap3A_1732], %select_n3A_1731 {strides = array<i32>} : memref<16xf32, #tpu.memory_space<vmem>>, vector<16xf32>,
    %mul3A_1734 = arith.constant 16 : i32
    %mul3A_1735 = arith.muli %arg1, %mul3A_1734 : i32
    "tpu.region"() ({
      %run_scoped3A = tpu.sem_alloc : memref<!tpu.dma_semaphore, #tpu.memory_space<semaphore_mem>>
      %dma_start3A_1740 = tpu.memref_slice %arg36[%mul3A_1735] : memref<256xf32, #tpu.memory_space<vmem_shared>> -> memref<16xf32, #tpu.memory_space<vmem_shared>>
      %dma_start3A_1741 = tpu.memref_slice %arg36[%mul3A_1735] : memref<256xf32, #tpu.memory_space<vmem_shared>> -> memref<16xf32, #tpu.memory_space<vmem_shared>>
      tpu.enqueue_dma source(%arg30 : memref<16xf32, #tpu.memory_space<vmem>>) target(%dma_start3A_1741 : memref<16xf32, #tpu.memory_space<vmem_shared>>) target_semaphore(%run_scoped3A : memref<!tpu.dma_semaphore, #tpu.memory_space<semaphore_mem>>)
      %dma_wait3A_1742 = tpu.memref_slice %arg36[%mul3A_1735] : memref<256xf32, #tpu.memory_space<vmem_shared>> -> memref<16xf32, #tpu.memory_space<vmem_shared>>
      %dma_wait3A_1743 = tpu.memref_slice %arg36[%mul3A_1735] : memref<256xf32, #tpu.memory_space<vmem_shared>> -> memref<16xf32, #tpu.memory_space<vmem_shared>>
      tpu.wait_dma2 semaphore(%run_scoped3A : memref<!tpu.dma_semaphore, #tpu.memory_space<semaphore_mem>>) src(%arg30 : memref<16xf32, #tpu.memory_space<vmem>>) dst(%dma_wait3A_1743 : memref<16xf32, #tpu.memory_space<vmem_shared>>)
      tpu.yield
    }) : () -> ()
    %barrier3A_1736 = arith.constant 0 : index
    tpu.barrier barrier_id(%barrier3A_1736)
    %eq3A_1737 = arith.constant 0 : i32
    %eq3A_1738 = arith.cmpi eq, %arg1, %eq3A_1737 : i32
    %convert_element_type3A = arith.extui %eq3A_1738 : i1 to i32
    %cond3A = arith.constant 0 : i32
    %cond3A_1739 = arith.cmpi ne, %convert_element_type3A, %cond3A : i32
    scf.if %cond3A_1739 {
      "tpu.region"() ({
        %run_scoped3A = tpu.sem_alloc : memref<!tpu.dma_semaphore, #tpu.memory_space<semaphore_mem>>
        tpu.enqueue_dma source(%arg36 : memref<256xf32, #tpu.memory_space<vmem_shared>>) target(%arg31 : memref<256xf32, #tpu.memory_space<vmem>>) target_semaphore(%run_scoped3A : memref<!tpu.dma_semaphore, #tpu.memory_space<semaphore_mem>>)
        tpu.wait_dma2 semaphore(%run_scoped3A : memref<!tpu.dma_semaphore, #tpu.memory_space<semaphore_mem>>) src(%arg36 : memref<256xf32, #tpu.memory_space<vmem_shared>>) dst(%arg31 : memref<256xf32, #tpu.memory_space<vmem>>)
        tpu.yield
      }) : () -> ()
      %broadcast_in_dim3A_1740 = arith.constant 0.000000e+00 : f32
      %broadcast_in_dim3A_1741 = vector.broadcast %broadcast_in_dim3A_1740 : f32 to vector<16xf32>
      %scan3A_1742 = arith.constant 0 : i32
      %scan3A_1743 = arith.constant 16 : i32
      %scan3A_1744 = arith.addi %scan3A_1742, %scan3A_1743 : i32
      %scan3A_1745 = arith.constant 1 : i32
      %scan3A_1746 = scf.for %scan3A_2549 = %scan3A_1742 to %scan3A_1744 step %scan3A_1745 iter_args(%scan3A_2550 = %broadcast_in_dim3A_1741) -> (vector<16xf32>)  : i32 {
        %mul3A_2551 = arith.constant 16 : i32
        %mul3A_2552 = arith.muli %scan3A_2549, %mul3A_2551 : i32
        %get3A = arith.index_cast %mul3A_2552 : i32 to index
        %get3A_2553 = tpu.vector_load %arg31[%get3A] {strides = array<i32>} : memref<256xf32, #tpu.memory_space<vmem>>, vector<16xf32>,
        %add3A_2554 = arith.addf %scan3A_2550, %get3A_2553 : vector<16xf32>
        scf.yield %add3A_2554 : vector<16xf32>
      }
      %scan3A_1747 = arith.constant 16 : i32
      %eq3A_1748 = arith.constant 0 : i32
      %eq3A_1749 = vector.broadcast %eq3A_1748 : i32 to vector<16xi32>
      %eq3A_1750 = arith.cmpi eq, %iota3A, %eq3A_1749 : vector<16xi32>
      %jit3A_1751 = arith.constant 0.000000e+00 : f32
      %broadcast_in_dim3A_1752 = vector.broadcast %jit3A_1751 : f32 to vector<16xf32>
      %select_n3A_1753 = arith.select %eq3A_1750, %scan3A_1746, %broadcast_in_dim3A_1752 : vector<16xi1>, vector<16xf32>
      %iota3A_1754 = tpu.iota {dimensions = array<i32: 0>} : vector<16xi32>
      %swap3A_1755 = arith.constant 0 : index
      %swap3A_1756 = tpu.vector_load %arg33[%swap3A_1755] {strides = array<i32>} : memref<16xf32, #tpu.memory_space<vmem>>, vector<16xf32>,
      tpu.vector_store %arg33[%swap3A_1755], %select_n3A_1753 {strides = array<i32>} : memref<16xf32, #tpu.memory_space<vmem>>, vector<16xf32>,
      %xor3A_1757 = arith.constant 8 : i32
      %xor3A_1758 = vector.broadcast %xor3A_1757 : i32 to vector<16xi32>
      %xor3A_1759 = arith.xori %iota3A_1754, %xor3A_1758 : vector<16xi32>
      %gather3A_1760 = tpu.vector_load_idx %arg33[%xor3A_1759] : memref<16xf32, #tpu.memory_space<vmem>>[vector<16xi32>], vector<16xf32>,
      %add3A_1761 = arith.addf %select_n3A_1753, %gather3A_1760 : vector<16xf32>
      %swap3A_1762 = arith.constant 0 : index
      %swap3A_1763 = tpu.vector_load %arg33[%swap3A_1762] {strides = array<i32>} : memref<16xf32, #tpu.memory_space<vmem>>, vector<16xf32>,
      tpu.vector_store %arg33[%swap3A_1762], %add3A_1761 {strides = array<i32>} : memref<16xf32, #tpu.memory_space<vmem>>, vector<16xf32>,
      %xor3A_1764 = arith.constant 4 : i32
      %xor3A_1765 = vector.broadcast %xor3A_1764 : i32 to vector<16xi32>
      %xor3A_1766 = arith.xori %iota3A_1754, %xor3A_1765 : vector<16xi32>
      %gather3A_1767 = tpu.vector_load_idx %arg33[%xor3A_1766] : memref<16xf32, #tpu.memory_space<vmem>>[vector<16xi32>], vector<16xf32>,
      %add3A_1768 = arith.addf %add3A_1761, %gather3A_1767 : vector<16xf32>
      %swap3A_1769 = arith.constant 0 : index
      %swap3A_1770 = tpu.vector_load %arg33[%swap3A_1769] {strides = array<i32>} : memref<16xf32, #tpu.memory_space<vmem>>, vector<16xf32>,
      tpu.vector_store %arg33[%swap3A_1769], %add3A_1768 {strides = array<i32>} : memref<16xf32, #tpu.memory_space<vmem>>, vector<16xf32>,
      %xor3A_1771 = arith.constant 2 : i32
      %xor3A_1772 = vector.broadcast %xor3A_1771 : i32 to vector<16xi32>
      %xor3A_1773 = arith.xori %iota3A_1754, %xor3A_1772 : vector<16xi32>
      %gather3A_1774 = tpu.vector_load_idx %arg33[%xor3A_1773] : memref<16xf32, #tpu.memory_space<vmem>>[vector<16xi32>], vector<16xf32>,
      %add3A_1775 = arith.addf %add3A_1768, %gather3A_1774 : vector<16xf32>
      %swap3A_1776 = arith.constant 0 : index
      %swap3A_1777 = tpu.vector_load %arg33[%swap3A_1776] {strides = array<i32>} : memref<16xf32, #tpu.memory_space<vmem>>, vector<16xf32>,
      tpu.vector_store %arg33[%swap3A_1776], %add3A_1775 {strides = array<i32>} : memref<16xf32, #tpu.memory_space<vmem>>, vector<16xf32>,
      %xor3A_1778 = arith.constant 1 : i32
      %xor3A_1779 = vector.broadcast %xor3A_1778 : i32 to vector<16xi32>
      %xor3A_1780 = arith.xori %iota3A_1754, %xor3A_1779 : vector<16xi32>
      %gather3A_1781 = tpu.vector_load_idx %arg33[%xor3A_1780] : memref<16xf32, #tpu.memory_space<vmem>>[vector<16xi32>], vector<16xf32>,
      %add3A_1782 = arith.addf %add3A_1775, %gather3A_1781 : vector<16xf32>
      %eq3A_1783 = arith.constant 1 : i32
      %eq3A_1784 = vector.broadcast %eq3A_1783 : i32 to vector<16xi32>
      %eq3A_1785 = arith.cmpi eq, %iota3A, %eq3A_1784 : vector<16xi32>
      %jit3A_1786 = arith.constant 0.000000e+00 : f32
      %broadcast_in_dim3A_1787 = vector.broadcast %jit3A_1786 : f32 to vector<16xf32>
      %select_n3A_1788 = arith.select %eq3A_1785, %scan3A_1746, %broadcast_in_dim3A_1787 : vector<16xi1>, vector<16xf32>
      %iota3A_1789 = tpu.iota {dimensions = array<i32: 0>} : vector<16xi32>
      %swap3A_1790 = arith.constant 0 : index
      %swap3A_1791 = tpu.vector_load %arg33[%swap3A_1790] {strides = array<i32>} : memref<16xf32, #tpu.memory_space<vmem>>, vector<16xf32>,
      tpu.vector_store %arg33[%swap3A_1790], %select_n3A_1788 {strides = array<i32>} : memref<16xf32, #tpu.memory_space<vmem>>, vector<16xf32>,
      %xor3A_1792 = arith.constant 8 : i32
      %xor3A_1793 = vector.broadcast %xor3A_1792 : i32 to vector<16xi32>
      %xor3A_1794 = arith.xori %iota3A_1789, %xor3A_1793 : vector<16xi32>
      %gather3A_1795 = tpu.vector_load_idx %arg33[%xor3A_1794] : memref<16xf32, #tpu.memory_space<vmem>>[vector<16xi32>], vector<16xf32>,
      %add3A_1796 = arith.addf %select_n3A_1788, %gather3A_1795 : vector<16xf32>
      %swap3A_1797 = arith.constant 0 : index
      %swap3A_1798 = tpu.vector_load %arg33[%swap3A_1797] {strides = array<i32>} : memref<16xf32, #tpu.memory_space<vmem>>, vector<16xf32>,
      tpu.vector_store %arg33[%swap3A_1797], %add3A_1796 {strides = array<i32>} : memref<16xf32, #tpu.memory_space<vmem>>, vector<16xf32>,
      %xor3A_1799 = arith.constant 4 : i32
      %xor3A_1800 = vector.broadcast %xor3A_1799 : i32 to vector<16xi32>
      %xor3A_1801 = arith.xori %iota3A_1789, %xor3A_1800 : vector<16xi32>
      %gather3A_1802 = tpu.vector_load_idx %arg33[%xor3A_1801] : memref<16xf32, #tpu.memory_space<vmem>>[vector<16xi32>], vector<16xf32>,
      %add3A_1803 = arith.addf %add3A_1796, %gather3A_1802 : vector<16xf32>
      %swap3A_1804 = arith.constant 0 : index
      %swap3A_1805 = tpu.vector_load %arg33[%swap3A_1804] {strides = array<i32>} : memref<16xf32, #tpu.memory_space<vmem>>, vector<16xf32>,
      tpu.vector_store %arg33[%swap3A_1804], %add3A_1803 {strides = array<i32>} : memref<16xf32, #tpu.memory_space<vmem>>, vector<16xf32>,
      %xor3A_1806 = arith.constant 2 : i32
      %xor3A_1807 = vector.broadcast %xor3A_1806 : i32 to vector<16xi32>
      %xor3A_1808 = arith.xori %iota3A_1789, %xor3A_1807 : vector<16xi32>
      %gather3A_1809 = tpu.vector_load_idx %arg33[%xor3A_1808] : memref<16xf32, #tpu.memory_space<vmem>>[vector<16xi32>], vector<16xf32>,
      %add3A_1810 = arith.addf %add3A_1803, %gather3A_1809 : vector<16xf32>
      %swap3A_1811 = arith.constant 0 : index
      %swap3A_1812 = tpu.vector_load %arg33[%swap3A_1811] {strides = array<i32>} : memref<16xf32, #tpu.memory_space<vmem>>, vector<16xf32>,
      tpu.vector_store %arg33[%swap3A_1811], %add3A_1810 {strides = array<i32>} : memref<16xf32, #tpu.memory_space<vmem>>, vector<16xf32>,
      %xor3A_1813 = arith.constant 1 : i32
      %xor3A_1814 = vector.broadcast %xor3A_1813 : i32 to vector<16xi32>
      %xor3A_1815 = arith.xori %iota3A_1789, %xor3A_1814 : vector<16xi32>
      %gather3A_1816 = tpu.vector_load_idx %arg33[%xor3A_1815] : memref<16xf32, #tpu.memory_space<vmem>>[vector<16xi32>], vector<16xf32>,
      %add3A_1817 = arith.addf %add3A_1810, %gather3A_1816 : vector<16xf32>
      %add3A_1818 = arith.constant 0 : i32
      %add3A_1819 = vector.broadcast %add3A_1818 : i32 to vector<16xi32>
      %add3A_1820 = arith.addi %iota3A, %add3A_1819 : vector<16xi32>
      %min3A_1821 = arith.constant 19 : i32
      %min3A_1822 = vector.broadcast %min3A_1821 : i32 to vector<16xi32>
      %min3A_1823 = arith.minsi %add3A_1820, %min3A_1822 : vector<16xi32>
      %jit3A_1824 = arith.constant 4 : i32
      %div3A_1825 = vector.broadcast %jit3A_1824 : i32 to vector<16xi32>
      %div3A_1826 = arith.divsi %min3A_1823, %div3A_1825 : vector<16xi32>
      %sign3A_1827 = arith.constant 0 : i32
      %sign3A_1828 = vector.broadcast %sign3A_1827 : i32 to vector<16xi32>
      %sign3A_1829 = arith.cmpi sgt, %min3A_1823, %sign3A_1828 : vector<16xi32>
      %sign3A_1830 = arith.extui %sign3A_1829 : vector<16xi1> to vector<16xi32>
      %sign3A_1831 = arith.constant 0 : i32
      %sign3A_1832 = vector.broadcast %sign3A_1831 : i32 to vector<16xi32>
      %sign3A_1833 = arith.cmpi slt, %min3A_1823, %sign3A_1832 : vector<16xi32>
      %sign3A_1834 = arith.extui %sign3A_1833 : vector<16xi1> to vector<16xi32>
      %sign3A_1835 = arith.subi %sign3A_1830, %sign3A_1834 : vector<16xi32>
      %sign3A_1836 = arith.constant 0 : i32
      %sign3A_1837 = arith.cmpi sgt, %jit3A_1824, %sign3A_1836 : i32
      %sign3A_1838 = arith.extui %sign3A_1837 : i1 to i32
      %sign3A_1839 = arith.constant 0 : i32
      %sign3A_1840 = arith.cmpi slt, %jit3A_1824, %sign3A_1839 : i32
      %sign3A_1841 = arith.extui %sign3A_1840 : i1 to i32
      %sign3A_1842 = arith.subi %sign3A_1838, %sign3A_1841 : i32
      %ne3A_1843 = vector.broadcast %sign3A_1842 : i32 to vector<16xi32>
      %ne3A_1844 = arith.cmpi ne, %sign3A_1835, %ne3A_1843 : vector<16xi32>
      %rem3A_1845 = vector.broadcast %jit3A_1824 : i32 to vector<16xi32>
      %rem3A_1846 = arith.remsi %min3A_1823, %rem3A_1845 : vector<16xi32>
      %ne3A_1847 = arith.constant 0 : i32
      %ne3A_1848 = vector.broadcast %ne3A_1847 : i32 to vector<16xi32>
      %ne3A_1849 = arith.cmpi ne, %rem3A_1846, %ne3A_1848 : vector<16xi32>
      %and3A_1850 = arith.andi %ne3A_1844, %ne3A_1849 : vector<16xi1>
      %sub3A_1851 = arith.constant 1 : i32
      %sub3A_1852 = vector.broadcast %sub3A_1851 : i32 to vector<16xi32>
      %sub3A_1853 = arith.subi %div3A_1826, %sub3A_1852 : vector<16xi32>
      %select_n3A_1854 = arith.select %and3A_1850, %sub3A_1853, %div3A_1826 : vector<16xi1>, vector<16xi32>
      %mul3A_1855 = arith.constant 4 : i32
      %mul3A_1856 = vector.broadcast %mul3A_1855 : i32 to vector<16xi32>
      %mul3A_1857 = arith.muli %mul3A_1856, %select_n3A_1854 : vector<16xi32>
      %sub3A_1858 = arith.subi %min3A_1823, %mul3A_1857 : vector<16xi32>
      %ge3A = arith.cmpi sge, %sub3A_1858, %select_n3A_1854 : vector<16xi32>
      %convert_element_type3A_1859 = arith.extui %ge3A : vector<16xi1> to vector<16xi32>
      %add3A_1860 = arith.addi %sub3A_1858, %convert_element_type3A_1859 : vector<16xi32>
      %broadcast_in_dim3A_1861 = arith.constant 0.000000e+00 : f32
      %broadcast_in_dim3A_1862 = vector.broadcast %broadcast_in_dim3A_1861 : f32 to vector<16xf32>
      %mul3A_1863 = arith.constant 5 : i32
      %mul3A_1864 = vector.broadcast %mul3A_1863 : i32 to vector<16xi32>
      %mul3A_1865 = arith.muli %select_n3A_1854, %mul3A_1864 : vector<16xi32>
      %add3A_1866 = arith.constant 0 : i32
      %add3A_1867 = vector.broadcast %add3A_1866 : i32 to vector<16xi32>
      %add3A_1868 = arith.addi %mul3A_1865, %add3A_1867 : vector<16xi32>
      %gather3A_1869 = tpu.vector_load_idx %arg19[%add3A_1868] : memref<32xf32, #tpu.memory_space<vmem>>[vector<16xi32>], vector<16xf32>,
      %mul3A_1870 = arith.constant 5 : i32
      %mul3A_1871 = vector.broadcast %mul3A_1870 : i32 to vector<16xi32>
      %mul3A_1872 = arith.muli %add3A_1860, %mul3A_1871 : vector<16xi32>
      %add3A_1873 = arith.constant 0 : i32
      %add3A_1874 = vector.broadcast %add3A_1873 : i32 to vector<16xi32>
      %add3A_1875 = arith.addi %mul3A_1872, %add3A_1874 : vector<16xi32>
      %gather3A_1876 = tpu.vector_load_idx %arg19[%add3A_1875] : memref<32xf32, #tpu.memory_space<vmem>>[vector<16xi32>], vector<16xf32>,
      %sub3A_1877 = arith.subf %gather3A_1869, %gather3A_1876 : vector<16xf32>
      %mul3A_1878 = arith.mulf %sub3A_1877, %sub3A_1877 : vector<16xf32>
      %add3A_1879 = arith.addf %broadcast_in_dim3A_1862, %mul3A_1878 : vector<16xf32>
      %mul3A_1880 = arith.constant 5 : i32
      %mul3A_1881 = vector.broadcast %mul3A_1880 : i32 to vector<16xi32>
      %mul3A_1882 = arith.muli %select_n3A_1854, %mul3A_1881 : vector<16xi32>
      %add3A_1883 = arith.constant 1 : i32
      %add3A_1884 = vector.broadcast %add3A_1883 : i32 to vector<16xi32>
      %add3A_1885 = arith.addi %mul3A_1882, %add3A_1884 : vector<16xi32>
      %gather3A_1886 = tpu.vector_load_idx %arg19[%add3A_1885] : memref<32xf32, #tpu.memory_space<vmem>>[vector<16xi32>], vector<16xf32>,
      %mul3A_1887 = arith.constant 5 : i32
      %mul3A_1888 = vector.broadcast %mul3A_1887 : i32 to vector<16xi32>
      %mul3A_1889 = arith.muli %add3A_1860, %mul3A_1888 : vector<16xi32>
      %add3A_1890 = arith.constant 1 : i32
      %add3A_1891 = vector.broadcast %add3A_1890 : i32 to vector<16xi32>
      %add3A_1892 = arith.addi %mul3A_1889, %add3A_1891 : vector<16xi32>
      %gather3A_1893 = tpu.vector_load_idx %arg19[%add3A_1892] : memref<32xf32, #tpu.memory_space<vmem>>[vector<16xi32>], vector<16xf32>,
      %sub3A_1894 = arith.subf %gather3A_1886, %gather3A_1893 : vector<16xf32>
      %mul3A_1895 = arith.mulf %sub3A_1894, %sub3A_1894 : vector<16xf32>
      %add3A_1896 = arith.addf %add3A_1879, %mul3A_1895 : vector<16xf32>
      %mul3A_1897 = arith.constant 5 : i32
      %mul3A_1898 = vector.broadcast %mul3A_1897 : i32 to vector<16xi32>
      %mul3A_1899 = arith.muli %select_n3A_1854, %mul3A_1898 : vector<16xi32>
      %add3A_1900 = arith.constant 2 : i32
      %add3A_1901 = vector.broadcast %add3A_1900 : i32 to vector<16xi32>
      %add3A_1902 = arith.addi %mul3A_1899, %add3A_1901 : vector<16xi32>
      %gather3A_1903 = tpu.vector_load_idx %arg19[%add3A_1902] : memref<32xf32, #tpu.memory_space<vmem>>[vector<16xi32>], vector<16xf32>,
      %mul3A_1904 = arith.constant 5 : i32
      %mul3A_1905 = vector.broadcast %mul3A_1904 : i32 to vector<16xi32>
      %mul3A_1906 = arith.muli %add3A_1860, %mul3A_1905 : vector<16xi32>
      %add3A_1907 = arith.constant 2 : i32
      %add3A_1908 = vector.broadcast %add3A_1907 : i32 to vector<16xi32>
      %add3A_1909 = arith.addi %mul3A_1906, %add3A_1908 : vector<16xi32>
      %gather3A_1910 = tpu.vector_load_idx %arg19[%add3A_1909] : memref<32xf32, #tpu.memory_space<vmem>>[vector<16xi32>], vector<16xf32>,
      %sub3A_1911 = arith.subf %gather3A_1903, %gather3A_1910 : vector<16xf32>
      %mul3A_1912 = arith.mulf %sub3A_1911, %sub3A_1911 : vector<16xf32>
      %add3A_1913 = arith.addf %add3A_1896, %mul3A_1912 : vector<16xf32>
      %mul3A_1914 = arith.constant 5 : i32
      %mul3A_1915 = vector.broadcast %mul3A_1914 : i32 to vector<16xi32>
      %mul3A_1916 = arith.muli %select_n3A_1854, %mul3A_1915 : vector<16xi32>
      %add3A_1917 = arith.constant 3 : i32
      %add3A_1918 = vector.broadcast %add3A_1917 : i32 to vector<16xi32>
      %add3A_1919 = arith.addi %mul3A_1916, %add3A_1918 : vector<16xi32>
      %gather3A_1920 = tpu.vector_load_idx %arg19[%add3A_1919] : memref<32xf32, #tpu.memory_space<vmem>>[vector<16xi32>], vector<16xf32>,
      %mul3A_1921 = arith.constant 5 : i32
      %mul3A_1922 = vector.broadcast %mul3A_1921 : i32 to vector<16xi32>
      %mul3A_1923 = arith.muli %add3A_1860, %mul3A_1922 : vector<16xi32>
      %add3A_1924 = arith.constant 3 : i32
      %add3A_1925 = vector.broadcast %add3A_1924 : i32 to vector<16xi32>
      %add3A_1926 = arith.addi %mul3A_1923, %add3A_1925 : vector<16xi32>
      %gather3A_1927 = tpu.vector_load_idx %arg19[%add3A_1926] : memref<32xf32, #tpu.memory_space<vmem>>[vector<16xi32>], vector<16xf32>,
      %sub3A_1928 = arith.subf %gather3A_1920, %gather3A_1927 : vector<16xf32>
      %mul3A_1929 = arith.mulf %sub3A_1928, %sub3A_1928 : vector<16xf32>
      %add3A_1930 = arith.addf %add3A_1913, %mul3A_1929 : vector<16xf32>
      %mul3A_1931 = arith.constant 5 : i32
      %mul3A_1932 = vector.broadcast %mul3A_1931 : i32 to vector<16xi32>
      %mul3A_1933 = arith.muli %select_n3A_1854, %mul3A_1932 : vector<16xi32>
      %add3A_1934 = arith.constant 4 : i32
      %add3A_1935 = vector.broadcast %add3A_1934 : i32 to vector<16xi32>
      %add3A_1936 = arith.addi %mul3A_1933, %add3A_1935 : vector<16xi32>
      %gather3A_1937 = tpu.vector_load_idx %arg19[%add3A_1936] : memref<32xf32, #tpu.memory_space<vmem>>[vector<16xi32>], vector<16xf32>,
      %mul3A_1938 = arith.constant 5 : i32
      %mul3A_1939 = vector.broadcast %mul3A_1938 : i32 to vector<16xi32>
      %mul3A_1940 = arith.muli %add3A_1860, %mul3A_1939 : vector<16xi32>
      %add3A_1941 = arith.constant 4 : i32
      %add3A_1942 = vector.broadcast %add3A_1941 : i32 to vector<16xi32>
      %add3A_1943 = arith.addi %mul3A_1940, %add3A_1942 : vector<16xi32>
      %gather3A_1944 = tpu.vector_load_idx %arg19[%add3A_1943] : memref<32xf32, #tpu.memory_space<vmem>>[vector<16xi32>], vector<16xf32>,
      %sub3A_1945 = arith.subf %gather3A_1937, %gather3A_1944 : vector<16xf32>
      %mul3A_1946 = arith.mulf %sub3A_1945, %sub3A_1945 : vector<16xf32>
      %add3A_1947 = arith.addf %add3A_1930, %mul3A_1946 : vector<16xf32>
      %bitcast_convert_type3A_1948 = tpu.bitcast %add3A_1947 : vector<16xf32> -> vector<16xi32>
      %shift_right_logical3A = arith.constant 1 : i32
      %shift_right_logical3A_1949 = vector.broadcast %shift_right_logical3A : i32 to vector<16xi32>
      %shift_right_logical3A_1950 = arith.shrui %bitcast_convert_type3A_1948, %shift_right_logical3A_1949 : vector<16xi32>
      %sub3A_1951 = arith.constant 1597463007 : i32
      %sub3A_1952 = vector.broadcast %sub3A_1951 : i32 to vector<16xi32>
      %sub3A_1953 = arith.subi %sub3A_1952, %shift_right_logical3A_1950 : vector<16xi32>
      %bitcast_convert_type3A_1954 = tpu.bitcast %sub3A_1953 : vector<16xi32> -> vector<16xf32>
      %mul3A_1955 = arith.constant 5.000000e-01 : f32
      %mul3A_1956 = vector.broadcast %mul3A_1955 : f32 to vector<16xf32>
      %mul3A_1957 = arith.mulf %add3A_1947, %mul3A_1956 : vector<16xf32>
      %mul3A_1958 = arith.mulf %mul3A_1957, %bitcast_convert_type3A_1954 : vector<16xf32>
      %mul3A_1959 = arith.mulf %mul3A_1958, %bitcast_convert_type3A_1954 : vector<16xf32>
      %sub3A_1960 = arith.constant 1.500000e+00 : f32
      %sub3A_1961 = vector.broadcast %sub3A_1960 : f32 to vector<16xf32>
      %sub3A_1962 = arith.subf %sub3A_1961, %mul3A_1959 : vector<16xf32>
      %mul3A_1963 = arith.mulf %bitcast_convert_type3A_1954, %sub3A_1962 : vector<16xf32>
      %mul3A_1964 = arith.mulf %mul3A_1957, %mul3A_1963 : vector<16xf32>
      %mul3A_1965 = arith.mulf %mul3A_1964, %mul3A_1963 : vector<16xf32>
      %sub3A_1966 = arith.constant 1.500000e+00 : f32
      %sub3A_1967 = vector.broadcast %sub3A_1966 : f32 to vector<16xf32>
      %sub3A_1968 = arith.subf %sub3A_1967, %mul3A_1965 : vector<16xf32>
      %mul3A_1969 = arith.mulf %mul3A_1963, %sub3A_1968 : vector<16xf32>
      %mul3A_1970 = arith.mulf %mul3A_1957, %mul3A_1969 : vector<16xf32>
      %mul3A_1971 = arith.mulf %mul3A_1970, %mul3A_1969 : vector<16xf32>
      %sub3A_1972 = arith.constant 1.500000e+00 : f32
      %sub3A_1973 = vector.broadcast %sub3A_1972 : f32 to vector<16xf32>
      %sub3A_1974 = arith.subf %sub3A_1973, %mul3A_1971 : vector<16xf32>
      %mul3A_1975 = arith.mulf %mul3A_1969, %sub3A_1974 : vector<16xf32>
      %mul3A_1976 = arith.mulf %add3A_1947, %mul3A_1975 : vector<16xf32>
      %sub3A_1977 = arith.constant 6.000000e+00 : f32
      %sub3A_1978 = vector.broadcast %sub3A_1977 : f32 to vector<16xf32>
      %sub3A_1979 = arith.subf %sub3A_1978, %mul3A_1976 : vector<16xf32>
      %max3A = arith.constant 0.000000e+00 : f32
      %max3A_1980 = vector.broadcast %max3A : f32 to vector<16xf32>
      %max3A_1981 = arith.maximumf %sub3A_1979, %max3A_1980 : vector<16xf32>
      %lt3A = arith.constant 16 : i32
      %lt3A_1982 = vector.broadcast %lt3A : i32 to vector<16xi32>
      %lt3A_1983 = arith.cmpi slt, %iota3A, %lt3A_1982 : vector<16xi32>
      %mul3A_1984 = arith.mulf %max3A_1981, %max3A_1981 : vector<16xf32>
      %jit3A_1985 = arith.constant 0.000000e+00 : f32
      %broadcast_in_dim3A_1986 = vector.broadcast %jit3A_1985 : f32 to vector<16xf32>
      %select_n3A_1987 = arith.select %lt3A_1983, %mul3A_1984, %broadcast_in_dim3A_1986 : vector<16xi1>, vector<16xf32>
      %iota3A_1988 = tpu.iota {dimensions = array<i32: 0>} : vector<16xi32>
      %swap3A_1989 = arith.constant 0 : index
      %swap3A_1990 = tpu.vector_load %arg33[%swap3A_1989] {strides = array<i32>} : memref<16xf32, #tpu.memory_space<vmem>>, vector<16xf32>,
      tpu.vector_store %arg33[%swap3A_1989], %select_n3A_1987 {strides = array<i32>} : memref<16xf32, #tpu.memory_space<vmem>>, vector<16xf32>,
      %xor3A_1991 = arith.constant 8 : i32
      %xor3A_1992 = vector.broadcast %xor3A_1991 : i32 to vector<16xi32>
      %xor3A_1993 = arith.xori %iota3A_1988, %xor3A_1992 : vector<16xi32>
      %gather3A_1994 = tpu.vector_load_idx %arg33[%xor3A_1993] : memref<16xf32, #tpu.memory_space<vmem>>[vector<16xi32>], vector<16xf32>,
      %add3A_1995 = arith.addf %select_n3A_1987, %gather3A_1994 : vector<16xf32>
      %swap3A_1996 = arith.constant 0 : index
      %swap3A_1997 = tpu.vector_load %arg33[%swap3A_1996] {strides = array<i32>} : memref<16xf32, #tpu.memory_space<vmem>>, vector<16xf32>,
      tpu.vector_store %arg33[%swap3A_1996], %add3A_1995 {strides = array<i32>} : memref<16xf32, #tpu.memory_space<vmem>>, vector<16xf32>,
      %xor3A_1998 = arith.constant 4 : i32
      %xor3A_1999 = vector.broadcast %xor3A_1998 : i32 to vector<16xi32>
      %xor3A_2000 = arith.xori %iota3A_1988, %xor3A_1999 : vector<16xi32>
      %gather3A_2001 = tpu.vector_load_idx %arg33[%xor3A_2000] : memref<16xf32, #tpu.memory_space<vmem>>[vector<16xi32>], vector<16xf32>,
      %add3A_2002 = arith.addf %add3A_1995, %gather3A_2001 : vector<16xf32>
      %swap3A_2003 = arith.constant 0 : index
      %swap3A_2004 = tpu.vector_load %arg33[%swap3A_2003] {strides = array<i32>} : memref<16xf32, #tpu.memory_space<vmem>>, vector<16xf32>,
      tpu.vector_store %arg33[%swap3A_2003], %add3A_2002 {strides = array<i32>} : memref<16xf32, #tpu.memory_space<vmem>>, vector<16xf32>,
      %xor3A_2005 = arith.constant 2 : i32
      %xor3A_2006 = vector.broadcast %xor3A_2005 : i32 to vector<16xi32>
      %xor3A_2007 = arith.xori %iota3A_1988, %xor3A_2006 : vector<16xi32>
      %gather3A_2008 = tpu.vector_load_idx %arg33[%xor3A_2007] : memref<16xf32, #tpu.memory_space<vmem>>[vector<16xi32>], vector<16xf32>,
      %add3A_2009 = arith.addf %add3A_2002, %gather3A_2008 : vector<16xf32>
      %swap3A_2010 = arith.constant 0 : index
      %swap3A_2011 = tpu.vector_load %arg33[%swap3A_2010] {strides = array<i32>} : memref<16xf32, #tpu.memory_space<vmem>>, vector<16xf32>,
      tpu.vector_store %arg33[%swap3A_2010], %add3A_2009 {strides = array<i32>} : memref<16xf32, #tpu.memory_space<vmem>>, vector<16xf32>,
      %xor3A_2012 = arith.constant 1 : i32
      %xor3A_2013 = vector.broadcast %xor3A_2012 : i32 to vector<16xi32>
      %xor3A_2014 = arith.xori %iota3A_1988, %xor3A_2013 : vector<16xi32>
      %gather3A_2015 = tpu.vector_load_idx %arg33[%xor3A_2014] : memref<16xf32, #tpu.memory_space<vmem>>[vector<16xi32>], vector<16xf32>,
      %add3A_2016 = arith.addf %add3A_2009, %gather3A_2015 : vector<16xf32>
      %add3A_2017 = arith.constant 16 : i32
      %add3A_2018 = vector.broadcast %add3A_2017 : i32 to vector<16xi32>
      %add3A_2019 = arith.addi %iota3A, %add3A_2018 : vector<16xi32>
      %min3A_2020 = arith.constant 19 : i32
      %min3A_2021 = vector.broadcast %min3A_2020 : i32 to vector<16xi32>
      %min3A_2022 = arith.minsi %add3A_2019, %min3A_2021 : vector<16xi32>
      %jit3A_2023 = arith.constant 4 : i32
      %div3A_2024 = vector.broadcast %jit3A_2023 : i32 to vector<16xi32>
      %div3A_2025 = arith.divsi %min3A_2022, %div3A_2024 : vector<16xi32>
      %sign3A_2026 = arith.constant 0 : i32
      %sign3A_2027 = vector.broadcast %sign3A_2026 : i32 to vector<16xi32>
      %sign3A_2028 = arith.cmpi sgt, %min3A_2022, %sign3A_2027 : vector<16xi32>
      %sign3A_2029 = arith.extui %sign3A_2028 : vector<16xi1> to vector<16xi32>
      %sign3A_2030 = arith.constant 0 : i32
      %sign3A_2031 = vector.broadcast %sign3A_2030 : i32 to vector<16xi32>
      %sign3A_2032 = arith.cmpi slt, %min3A_2022, %sign3A_2031 : vector<16xi32>
      %sign3A_2033 = arith.extui %sign3A_2032 : vector<16xi1> to vector<16xi32>
      %sign3A_2034 = arith.subi %sign3A_2029, %sign3A_2033 : vector<16xi32>
      %sign3A_2035 = arith.constant 0 : i32
      %sign3A_2036 = arith.cmpi sgt, %jit3A_2023, %sign3A_2035 : i32
      %sign3A_2037 = arith.extui %sign3A_2036 : i1 to i32
      %sign3A_2038 = arith.constant 0 : i32
      %sign3A_2039 = arith.cmpi slt, %jit3A_2023, %sign3A_2038 : i32
      %sign3A_2040 = arith.extui %sign3A_2039 : i1 to i32
      %sign3A_2041 = arith.subi %sign3A_2037, %sign3A_2040 : i32
      %ne3A_2042 = vector.broadcast %sign3A_2041 : i32 to vector<16xi32>
      %ne3A_2043 = arith.cmpi ne, %sign3A_2034, %ne3A_2042 : vector<16xi32>
      %rem3A_2044 = vector.broadcast %jit3A_2023 : i32 to vector<16xi32>
      %rem3A_2045 = arith.remsi %min3A_2022, %rem3A_2044 : vector<16xi32>
      %ne3A_2046 = arith.constant 0 : i32
      %ne3A_2047 = vector.broadcast %ne3A_2046 : i32 to vector<16xi32>
      %ne3A_2048 = arith.cmpi ne, %rem3A_2045, %ne3A_2047 : vector<16xi32>
      %and3A_2049 = arith.andi %ne3A_2043, %ne3A_2048 : vector<16xi1>
      %sub3A_2050 = arith.constant 1 : i32
      %sub3A_2051 = vector.broadcast %sub3A_2050 : i32 to vector<16xi32>
      %sub3A_2052 = arith.subi %div3A_2025, %sub3A_2051 : vector<16xi32>
      %select_n3A_2053 = arith.select %and3A_2049, %sub3A_2052, %div3A_2025 : vector<16xi1>, vector<16xi32>
      %mul3A_2054 = arith.constant 4 : i32
      %mul3A_2055 = vector.broadcast %mul3A_2054 : i32 to vector<16xi32>
      %mul3A_2056 = arith.muli %mul3A_2055, %select_n3A_2053 : vector<16xi32>
      %sub3A_2057 = arith.subi %min3A_2022, %mul3A_2056 : vector<16xi32>
      %ge3A_2058 = arith.cmpi sge, %sub3A_2057, %select_n3A_2053 : vector<16xi32>
      %convert_element_type3A_2059 = arith.extui %ge3A_2058 : vector<16xi1> to vector<16xi32>
      %add3A_2060 = arith.addi %sub3A_2057, %convert_element_type3A_2059 : vector<16xi32>
      %broadcast_in_dim3A_2061 = arith.constant 0.000000e+00 : f32
      %broadcast_in_dim3A_2062 = vector.broadcast %broadcast_in_dim3A_2061 : f32 to vector<16xf32>
      %mul3A_2063 = arith.constant 5 : i32
      %mul3A_2064 = vector.broadcast %mul3A_2063 : i32 to vector<16xi32>
      %mul3A_2065 = arith.muli %select_n3A_2053, %mul3A_2064 : vector<16xi32>
      %add3A_2066 = arith.constant 0 : i32
      %add3A_2067 = vector.broadcast %add3A_2066 : i32 to vector<16xi32>
      %add3A_2068 = arith.addi %mul3A_2065, %add3A_2067 : vector<16xi32>
      %gather3A_2069 = tpu.vector_load_idx %arg19[%add3A_2068] : memref<32xf32, #tpu.memory_space<vmem>>[vector<16xi32>], vector<16xf32>,
      %mul3A_2070 = arith.constant 5 : i32
      %mul3A_2071 = vector.broadcast %mul3A_2070 : i32 to vector<16xi32>
      %mul3A_2072 = arith.muli %add3A_2060, %mul3A_2071 : vector<16xi32>
      %add3A_2073 = arith.constant 0 : i32
      %add3A_2074 = vector.broadcast %add3A_2073 : i32 to vector<16xi32>
      %add3A_2075 = arith.addi %mul3A_2072, %add3A_2074 : vector<16xi32>
      %gather3A_2076 = tpu.vector_load_idx %arg19[%add3A_2075] : memref<32xf32, #tpu.memory_space<vmem>>[vector<16xi32>], vector<16xf32>,
      %sub3A_2077 = arith.subf %gather3A_2069, %gather3A_2076 : vector<16xf32>
      %mul3A_2078 = arith.mulf %sub3A_2077, %sub3A_2077 : vector<16xf32>
      %add3A_2079 = arith.addf %broadcast_in_dim3A_2062, %mul3A_2078 : vector<16xf32>
      %mul3A_2080 = arith.constant 5 : i32
      %mul3A_2081 = vector.broadcast %mul3A_2080 : i32 to vector<16xi32>
      %mul3A_2082 = arith.muli %select_n3A_2053, %mul3A_2081 : vector<16xi32>
      %add3A_2083 = arith.constant 1 : i32
      %add3A_2084 = vector.broadcast %add3A_2083 : i32 to vector<16xi32>
      %add3A_2085 = arith.addi %mul3A_2082, %add3A_2084 : vector<16xi32>
      %gather3A_2086 = tpu.vector_load_idx %arg19[%add3A_2085] : memref<32xf32, #tpu.memory_space<vmem>>[vector<16xi32>], vector<16xf32>,
      %mul3A_2087 = arith.constant 5 : i32
      %mul3A_2088 = vector.broadcast %mul3A_2087 : i32 to vector<16xi32>
      %mul3A_2089 = arith.muli %add3A_2060, %mul3A_2088 : vector<16xi32>
      %add3A_2090 = arith.constant 1 : i32
      %add3A_2091 = vector.broadcast %add3A_2090 : i32 to vector<16xi32>
      %add3A_2092 = arith.addi %mul3A_2089, %add3A_2091 : vector<16xi32>
      %gather3A_2093 = tpu.vector_load_idx %arg19[%add3A_2092] : memref<32xf32, #tpu.memory_space<vmem>>[vector<16xi32>], vector<16xf32>,
      %sub3A_2094 = arith.subf %gather3A_2086, %gather3A_2093 : vector<16xf32>
      %mul3A_2095 = arith.mulf %sub3A_2094, %sub3A_2094 : vector<16xf32>
      %add3A_2096 = arith.addf %add3A_2079, %mul3A_2095 : vector<16xf32>
      %mul3A_2097 = arith.constant 5 : i32
      %mul3A_2098 = vector.broadcast %mul3A_2097 : i32 to vector<16xi32>
      %mul3A_2099 = arith.muli %select_n3A_2053, %mul3A_2098 : vector<16xi32>
      %add3A_2100 = arith.constant 2 : i32
      %add3A_2101 = vector.broadcast %add3A_2100 : i32 to vector<16xi32>
      %add3A_2102 = arith.addi %mul3A_2099, %add3A_2101 : vector<16xi32>
      %gather3A_2103 = tpu.vector_load_idx %arg19[%add3A_2102] : memref<32xf32, #tpu.memory_space<vmem>>[vector<16xi32>], vector<16xf32>,
      %mul3A_2104 = arith.constant 5 : i32
      %mul3A_2105 = vector.broadcast %mul3A_2104 : i32 to vector<16xi32>
      %mul3A_2106 = arith.muli %add3A_2060, %mul3A_2105 : vector<16xi32>
      %add3A_2107 = arith.constant 2 : i32
      %add3A_2108 = vector.broadcast %add3A_2107 : i32 to vector<16xi32>
      %add3A_2109 = arith.addi %mul3A_2106, %add3A_2108 : vector<16xi32>
      %gather3A_2110 = tpu.vector_load_idx %arg19[%add3A_2109] : memref<32xf32, #tpu.memory_space<vmem>>[vector<16xi32>], vector<16xf32>,
      %sub3A_2111 = arith.subf %gather3A_2103, %gather3A_2110 : vector<16xf32>
      %mul3A_2112 = arith.mulf %sub3A_2111, %sub3A_2111 : vector<16xf32>
      %add3A_2113 = arith.addf %add3A_2096, %mul3A_2112 : vector<16xf32>
      %mul3A_2114 = arith.constant 5 : i32
      %mul3A_2115 = vector.broadcast %mul3A_2114 : i32 to vector<16xi32>
      %mul3A_2116 = arith.muli %select_n3A_2053, %mul3A_2115 : vector<16xi32>
      %add3A_2117 = arith.constant 3 : i32
      %add3A_2118 = vector.broadcast %add3A_2117 : i32 to vector<16xi32>
      %add3A_2119 = arith.addi %mul3A_2116, %add3A_2118 : vector<16xi32>
      %gather3A_2120 = tpu.vector_load_idx %arg19[%add3A_2119] : memref<32xf32, #tpu.memory_space<vmem>>[vector<16xi32>], vector<16xf32>,
      %mul3A_2121 = arith.constant 5 : i32
      %mul3A_2122 = vector.broadcast %mul3A_2121 : i32 to vector<16xi32>
      %mul3A_2123 = arith.muli %add3A_2060, %mul3A_2122 : vector<16xi32>
      %add3A_2124 = arith.constant 3 : i32
      %add3A_2125 = vector.broadcast %add3A_2124 : i32 to vector<16xi32>
      %add3A_2126 = arith.addi %mul3A_2123, %add3A_2125 : vector<16xi32>
      %gather3A_2127 = tpu.vector_load_idx %arg19[%add3A_2126] : memref<32xf32, #tpu.memory_space<vmem>>[vector<16xi32>], vector<16xf32>,
      %sub3A_2128 = arith.subf %gather3A_2120, %gather3A_2127 : vector<16xf32>
      %mul3A_2129 = arith.mulf %sub3A_2128, %sub3A_2128 : vector<16xf32>
      %add3A_2130 = arith.addf %add3A_2113, %mul3A_2129 : vector<16xf32>
      %mul3A_2131 = arith.constant 5 : i32
      %mul3A_2132 = vector.broadcast %mul3A_2131 : i32 to vector<16xi32>
      %mul3A_2133 = arith.muli %select_n3A_2053, %mul3A_2132 : vector<16xi32>
      %add3A_2134 = arith.constant 4 : i32
      %add3A_2135 = vector.broadcast %add3A_2134 : i32 to vector<16xi32>
      %add3A_2136 = arith.addi %mul3A_2133, %add3A_2135 : vector<16xi32>
      %gather3A_2137 = tpu.vector_load_idx %arg19[%add3A_2136] : memref<32xf32, #tpu.memory_space<vmem>>[vector<16xi32>], vector<16xf32>,
      %mul3A_2138 = arith.constant 5 : i32
      %mul3A_2139 = vector.broadcast %mul3A_2138 : i32 to vector<16xi32>
      %mul3A_2140 = arith.muli %add3A_2060, %mul3A_2139 : vector<16xi32>
      %add3A_2141 = arith.constant 4 : i32
      %add3A_2142 = vector.broadcast %add3A_2141 : i32 to vector<16xi32>
      %add3A_2143 = arith.addi %mul3A_2140, %add3A_2142 : vector<16xi32>
      %gather3A_2144 = tpu.vector_load_idx %arg19[%add3A_2143] : memref<32xf32, #tpu.memory_space<vmem>>[vector<16xi32>], vector<16xf32>,
      %sub3A_2145 = arith.subf %gather3A_2137, %gather3A_2144 : vector<16xf32>
      %mul3A_2146 = arith.mulf %sub3A_2145, %sub3A_2145 : vector<16xf32>
      %add3A_2147 = arith.addf %add3A_2130, %mul3A_2146 : vector<16xf32>
      %bitcast_convert_type3A_2148 = tpu.bitcast %add3A_2147 : vector<16xf32> -> vector<16xi32>
      %shift_right_logical3A_2149 = arith.constant 1 : i32
      %shift_right_logical3A_2150 = vector.broadcast %shift_right_logical3A_2149 : i32 to vector<16xi32>
      %shift_right_logical3A_2151 = arith.shrui %bitcast_convert_type3A_2148, %shift_right_logical3A_2150 : vector<16xi32>
      %sub3A_2152 = arith.constant 1597463007 : i32
      %sub3A_2153 = vector.broadcast %sub3A_2152 : i32 to vector<16xi32>
      %sub3A_2154 = arith.subi %sub3A_2153, %shift_right_logical3A_2151 : vector<16xi32>
      %bitcast_convert_type3A_2155 = tpu.bitcast %sub3A_2154 : vector<16xi32> -> vector<16xf32>
      %mul3A_2156 = arith.constant 5.000000e-01 : f32
      %mul3A_2157 = vector.broadcast %mul3A_2156 : f32 to vector<16xf32>
      %mul3A_2158 = arith.mulf %add3A_2147, %mul3A_2157 : vector<16xf32>
      %mul3A_2159 = arith.mulf %mul3A_2158, %bitcast_convert_type3A_2155 : vector<16xf32>
      %mul3A_2160 = arith.mulf %mul3A_2159, %bitcast_convert_type3A_2155 : vector<16xf32>
      %sub3A_2161 = arith.constant 1.500000e+00 : f32
      %sub3A_2162 = vector.broadcast %sub3A_2161 : f32 to vector<16xf32>
      %sub3A_2163 = arith.subf %sub3A_2162, %mul3A_2160 : vector<16xf32>
      %mul3A_2164 = arith.mulf %bitcast_convert_type3A_2155, %sub3A_2163 : vector<16xf32>
      %mul3A_2165 = arith.mulf %mul3A_2158, %mul3A_2164 : vector<16xf32>
      %mul3A_2166 = arith.mulf %mul3A_2165, %mul3A_2164 : vector<16xf32>
      %sub3A_2167 = arith.constant 1.500000e+00 : f32
      %sub3A_2168 = vector.broadcast %sub3A_2167 : f32 to vector<16xf32>
      %sub3A_2169 = arith.subf %sub3A_2168, %mul3A_2166 : vector<16xf32>
      %mul3A_2170 = arith.mulf %mul3A_2164, %sub3A_2169 : vector<16xf32>
      %mul3A_2171 = arith.mulf %mul3A_2158, %mul3A_2170 : vector<16xf32>
      %mul3A_2172 = arith.mulf %mul3A_2171, %mul3A_2170 : vector<16xf32>
      %sub3A_2173 = arith.constant 1.500000e+00 : f32
      %sub3A_2174 = vector.broadcast %sub3A_2173 : f32 to vector<16xf32>
      %sub3A_2175 = arith.subf %sub3A_2174, %mul3A_2172 : vector<16xf32>
      %mul3A_2176 = arith.mulf %mul3A_2170, %sub3A_2175 : vector<16xf32>
      %mul3A_2177 = arith.mulf %add3A_2147, %mul3A_2176 : vector<16xf32>
      %sub3A_2178 = arith.constant 6.000000e+00 : f32
      %sub3A_2179 = vector.broadcast %sub3A_2178 : f32 to vector<16xf32>
      %sub3A_2180 = arith.subf %sub3A_2179, %mul3A_2177 : vector<16xf32>
      %max3A_2181 = arith.constant 0.000000e+00 : f32
      %max3A_2182 = vector.broadcast %max3A_2181 : f32 to vector<16xf32>
      %max3A_2183 = arith.maximumf %sub3A_2180, %max3A_2182 : vector<16xf32>
      %lt3A_2184 = arith.constant 4 : i32
      %lt3A_2185 = vector.broadcast %lt3A_2184 : i32 to vector<16xi32>
      %lt3A_2186 = arith.cmpi slt, %iota3A, %lt3A_2185 : vector<16xi32>
      %mul3A_2187 = arith.mulf %max3A_2183, %max3A_2183 : vector<16xf32>
      %jit3A_2188 = arith.constant 0.000000e+00 : f32
      %broadcast_in_dim3A_2189 = vector.broadcast %jit3A_2188 : f32 to vector<16xf32>
      %select_n3A_2190 = arith.select %lt3A_2186, %mul3A_2187, %broadcast_in_dim3A_2189 : vector<16xi1>, vector<16xf32>
      %iota3A_2191 = tpu.iota {dimensions = array<i32: 0>} : vector<16xi32>
      %swap3A_2192 = arith.constant 0 : index
      %swap3A_2193 = tpu.vector_load %arg33[%swap3A_2192] {strides = array<i32>} : memref<16xf32, #tpu.memory_space<vmem>>, vector<16xf32>,
      tpu.vector_store %arg33[%swap3A_2192], %select_n3A_2190 {strides = array<i32>} : memref<16xf32, #tpu.memory_space<vmem>>, vector<16xf32>,
      %xor3A_2194 = arith.constant 8 : i32
      %xor3A_2195 = vector.broadcast %xor3A_2194 : i32 to vector<16xi32>
      %xor3A_2196 = arith.xori %iota3A_2191, %xor3A_2195 : vector<16xi32>
      %gather3A_2197 = tpu.vector_load_idx %arg33[%xor3A_2196] : memref<16xf32, #tpu.memory_space<vmem>>[vector<16xi32>], vector<16xf32>,
      %add3A_2198 = arith.addf %select_n3A_2190, %gather3A_2197 : vector<16xf32>
      %swap3A_2199 = arith.constant 0 : index
      %swap3A_2200 = tpu.vector_load %arg33[%swap3A_2199] {strides = array<i32>} : memref<16xf32, #tpu.memory_space<vmem>>, vector<16xf32>,
      tpu.vector_store %arg33[%swap3A_2199], %add3A_2198 {strides = array<i32>} : memref<16xf32, #tpu.memory_space<vmem>>, vector<16xf32>,
      %xor3A_2201 = arith.constant 4 : i32
      %xor3A_2202 = vector.broadcast %xor3A_2201 : i32 to vector<16xi32>
      %xor3A_2203 = arith.xori %iota3A_2191, %xor3A_2202 : vector<16xi32>
      %gather3A_2204 = tpu.vector_load_idx %arg33[%xor3A_2203] : memref<16xf32, #tpu.memory_space<vmem>>[vector<16xi32>], vector<16xf32>,
      %add3A_2205 = arith.addf %add3A_2198, %gather3A_2204 : vector<16xf32>
      %swap3A_2206 = arith.constant 0 : index
      %swap3A_2207 = tpu.vector_load %arg33[%swap3A_2206] {strides = array<i32>} : memref<16xf32, #tpu.memory_space<vmem>>, vector<16xf32>,
      tpu.vector_store %arg33[%swap3A_2206], %add3A_2205 {strides = array<i32>} : memref<16xf32, #tpu.memory_space<vmem>>, vector<16xf32>,
      %xor3A_2208 = arith.constant 2 : i32
      %xor3A_2209 = vector.broadcast %xor3A_2208 : i32 to vector<16xi32>
      %xor3A_2210 = arith.xori %iota3A_2191, %xor3A_2209 : vector<16xi32>
      %gather3A_2211 = tpu.vector_load_idx %arg33[%xor3A_2210] : memref<16xf32, #tpu.memory_space<vmem>>[vector<16xi32>], vector<16xf32>,
      %add3A_2212 = arith.addf %add3A_2205, %gather3A_2211 : vector<16xf32>
      %swap3A_2213 = arith.constant 0 : index
      %swap3A_2214 = tpu.vector_load %arg33[%swap3A_2213] {strides = array<i32>} : memref<16xf32, #tpu.memory_space<vmem>>, vector<16xf32>,
      tpu.vector_store %arg33[%swap3A_2213], %add3A_2212 {strides = array<i32>} : memref<16xf32, #tpu.memory_space<vmem>>, vector<16xf32>,
      %xor3A_2215 = arith.constant 1 : i32
      %xor3A_2216 = vector.broadcast %xor3A_2215 : i32 to vector<16xi32>
      %xor3A_2217 = arith.xori %iota3A_2191, %xor3A_2216 : vector<16xi32>
      %gather3A_2218 = tpu.vector_load_idx %arg33[%xor3A_2217] : memref<16xf32, #tpu.memory_space<vmem>>[vector<16xi32>], vector<16xf32>,
      %add3A_2219 = arith.addf %add3A_2212, %gather3A_2218 : vector<16xf32>
      %add3A_2220 = arith.addf %add3A_2016, %add3A_2219 : vector<16xf32>
      %mul3A_2221 = arith.constant 5.000000e-02 : f32
      %mul3A_2222 = vector.broadcast %mul3A_2221 : f32 to vector<16xf32>
      %mul3A_2223 = arith.mulf %add3A_2220, %mul3A_2222 : vector<16xf32>
      %min3A_2224 = arith.constant 1 : i32
      %min3A_2225 = vector.broadcast %min3A_2224 : i32 to vector<16xi32>
      %min3A_2226 = arith.minsi %iota3A, %min3A_2225 : vector<16xi32>
      %gather3A_2227 = tpu.vector_load_idx %arg20[%min3A_2226] : memref<16xf32, #tpu.memory_space<vmem>>[vector<16xi32>], vector<16xf32>,
      %min3A_2228 = arith.constant 1 : i32
      %min3A_2229 = vector.broadcast %min3A_2228 : i32 to vector<16xi32>
      %min3A_2230 = arith.minsi %iota3A, %min3A_2229 : vector<16xi32>
      %add3A_2231 = arith.constant 2 : i32
      %add3A_2232 = vector.broadcast %add3A_2231 : i32 to vector<16xi32>
      %add3A_2233 = arith.addi %min3A_2230, %add3A_2232 : vector<16xi32>
      %gather3A_2234 = tpu.vector_load_idx %arg20[%add3A_2233] : memref<16xf32, #tpu.memory_space<vmem>>[vector<16xi32>], vector<16xf32>,
      %sub3A_2235 = arith.subf %gather3A_2227, %gather3A_2234 : vector<16xf32>
      %lt3A_2236 = arith.constant 2 : i32
      %lt3A_2237 = vector.broadcast %lt3A_2236 : i32 to vector<16xi32>
      %lt3A_2238 = arith.cmpi slt, %iota3A, %lt3A_2237 : vector<16xi32>
      %mul3A_2239 = arith.mulf %sub3A_2235, %sub3A_2235 : vector<16xf32>
      %jit3A_2240 = arith.constant 0.000000e+00 : f32
      %broadcast_in_dim3A_2241 = vector.broadcast %jit3A_2240 : f32 to vector<16xf32>
      %select_n3A_2242 = arith.select %lt3A_2238, %mul3A_2239, %broadcast_in_dim3A_2241 : vector<16xi1>, vector<16xf32>
      %iota3A_2243 = tpu.iota {dimensions = array<i32: 0>} : vector<16xi32>
      %swap3A_2244 = arith.constant 0 : index
      %swap3A_2245 = tpu.vector_load %arg33[%swap3A_2244] {strides = array<i32>} : memref<16xf32, #tpu.memory_space<vmem>>, vector<16xf32>,
      tpu.vector_store %arg33[%swap3A_2244], %select_n3A_2242 {strides = array<i32>} : memref<16xf32, #tpu.memory_space<vmem>>, vector<16xf32>,
      %xor3A_2246 = arith.constant 8 : i32
      %xor3A_2247 = vector.broadcast %xor3A_2246 : i32 to vector<16xi32>
      %xor3A_2248 = arith.xori %iota3A_2243, %xor3A_2247 : vector<16xi32>
      %gather3A_2249 = tpu.vector_load_idx %arg33[%xor3A_2248] : memref<16xf32, #tpu.memory_space<vmem>>[vector<16xi32>], vector<16xf32>,
      %add3A_2250 = arith.addf %select_n3A_2242, %gather3A_2249 : vector<16xf32>
      %swap3A_2251 = arith.constant 0 : index
      %swap3A_2252 = tpu.vector_load %arg33[%swap3A_2251] {strides = array<i32>} : memref<16xf32, #tpu.memory_space<vmem>>, vector<16xf32>,
      tpu.vector_store %arg33[%swap3A_2251], %add3A_2250 {strides = array<i32>} : memref<16xf32, #tpu.memory_space<vmem>>, vector<16xf32>,
      %xor3A_2253 = arith.constant 4 : i32
      %xor3A_2254 = vector.broadcast %xor3A_2253 : i32 to vector<16xi32>
      %xor3A_2255 = arith.xori %iota3A_2243, %xor3A_2254 : vector<16xi32>
      %gather3A_2256 = tpu.vector_load_idx %arg33[%xor3A_2255] : memref<16xf32, #tpu.memory_space<vmem>>[vector<16xi32>], vector<16xf32>,
      %add3A_2257 = arith.addf %add3A_2250, %gather3A_2256 : vector<16xf32>
      %swap3A_2258 = arith.constant 0 : index
      %swap3A_2259 = tpu.vector_load %arg33[%swap3A_2258] {strides = array<i32>} : memref<16xf32, #tpu.memory_space<vmem>>, vector<16xf32>,
      tpu.vector_store %arg33[%swap3A_2258], %add3A_2257 {strides = array<i32>} : memref<16xf32, #tpu.memory_space<vmem>>, vector<16xf32>,
      %xor3A_2260 = arith.constant 2 : i32
      %xor3A_2261 = vector.broadcast %xor3A_2260 : i32 to vector<16xi32>
      %xor3A_2262 = arith.xori %iota3A_2243, %xor3A_2261 : vector<16xi32>
      %gather3A_2263 = tpu.vector_load_idx %arg33[%xor3A_2262] : memref<16xf32, #tpu.memory_space<vmem>>[vector<16xi32>], vector<16xf32>,
      %add3A_2264 = arith.addf %add3A_2257, %gather3A_2263 : vector<16xf32>
      %swap3A_2265 = arith.constant 0 : index
      %swap3A_2266 = tpu.vector_load %arg33[%swap3A_2265] {strides = array<i32>} : memref<16xf32, #tpu.memory_space<vmem>>, vector<16xf32>,
      tpu.vector_store %arg33[%swap3A_2265], %add3A_2264 {strides = array<i32>} : memref<16xf32, #tpu.memory_space<vmem>>, vector<16xf32>,
      %xor3A_2267 = arith.constant 1 : i32
      %xor3A_2268 = vector.broadcast %xor3A_2267 : i32 to vector<16xi32>
      %xor3A_2269 = arith.xori %iota3A_2243, %xor3A_2268 : vector<16xi32>
      %gather3A_2270 = tpu.vector_load_idx %arg33[%xor3A_2269] : memref<16xf32, #tpu.memory_space<vmem>>[vector<16xi32>], vector<16xf32>,
      %add3A_2271 = arith.addf %add3A_2264, %gather3A_2270 : vector<16xf32>
      %bitcast_convert_type3A_2272 = tpu.bitcast %add3A_2271 : vector<16xf32> -> vector<16xi32>
      %shift_right_logical3A_2273 = arith.constant 1 : i32
      %shift_right_logical3A_2274 = vector.broadcast %shift_right_logical3A_2273 : i32 to vector<16xi32>
      %shift_right_logical3A_2275 = arith.shrui %bitcast_convert_type3A_2272, %shift_right_logical3A_2274 : vector<16xi32>
      %sub3A_2276 = arith.constant 1597463007 : i32
      %sub3A_2277 = vector.broadcast %sub3A_2276 : i32 to vector<16xi32>
      %sub3A_2278 = arith.subi %sub3A_2277, %shift_right_logical3A_2275 : vector<16xi32>
      %bitcast_convert_type3A_2279 = tpu.bitcast %sub3A_2278 : vector<16xi32> -> vector<16xf32>
      %mul3A_2280 = arith.constant 5.000000e-01 : f32
      %mul3A_2281 = vector.broadcast %mul3A_2280 : f32 to vector<16xf32>
      %mul3A_2282 = arith.mulf %add3A_2271, %mul3A_2281 : vector<16xf32>
      %mul3A_2283 = arith.mulf %mul3A_2282, %bitcast_convert_type3A_2279 : vector<16xf32>
      %mul3A_2284 = arith.mulf %mul3A_2283, %bitcast_convert_type3A_2279 : vector<16xf32>
      %sub3A_2285 = arith.constant 1.500000e+00 : f32
      %sub3A_2286 = vector.broadcast %sub3A_2285 : f32 to vector<16xf32>
      %sub3A_2287 = arith.subf %sub3A_2286, %mul3A_2284 : vector<16xf32>
      %mul3A_2288 = arith.mulf %bitcast_convert_type3A_2279, %sub3A_2287 : vector<16xf32>
      %mul3A_2289 = arith.mulf %mul3A_2282, %mul3A_2288 : vector<16xf32>
      %mul3A_2290 = arith.mulf %mul3A_2289, %mul3A_2288 : vector<16xf32>
      %sub3A_2291 = arith.constant 1.500000e+00 : f32
      %sub3A_2292 = vector.broadcast %sub3A_2291 : f32 to vector<16xf32>
      %sub3A_2293 = arith.subf %sub3A_2292, %mul3A_2290 : vector<16xf32>
      %mul3A_2294 = arith.mulf %mul3A_2288, %sub3A_2293 : vector<16xf32>
      %mul3A_2295 = arith.mulf %mul3A_2282, %mul3A_2294 : vector<16xf32>
      %mul3A_2296 = arith.mulf %mul3A_2295, %mul3A_2294 : vector<16xf32>
      %sub3A_2297 = arith.constant 1.500000e+00 : f32
      %sub3A_2298 = vector.broadcast %sub3A_2297 : f32 to vector<16xf32>
      %sub3A_2299 = arith.subf %sub3A_2298, %mul3A_2296 : vector<16xf32>
      %mul3A_2300 = arith.mulf %mul3A_2294, %sub3A_2299 : vector<16xf32>
      %mul3A_2301 = arith.mulf %add3A_2271, %mul3A_2300 : vector<16xf32>
      %sub3A_2302 = arith.constant 6.000000e+00 : f32
      %sub3A_2303 = vector.broadcast %sub3A_2302 : f32 to vector<16xf32>
      %sub3A_2304 = arith.subf %sub3A_2303, %mul3A_2301 : vector<16xf32>
      %max3A_2305 = arith.constant 0.000000e+00 : f32
      %max3A_2306 = vector.broadcast %max3A_2305 : f32 to vector<16xf32>
      %max3A_2307 = arith.maximumf %sub3A_2304, %max3A_2306 : vector<16xf32>
      %mul3A_2308 = arith.mulf %max3A_2307, %max3A_2307 : vector<16xf32>
      %min3A_2309 = arith.constant 4 : i32
      %min3A_2310 = vector.broadcast %min3A_2309 : i32 to vector<16xi32>
      %min3A_2311 = arith.minsi %iota3A, %min3A_2310 : vector<16xi32>
      %broadcast_in_dim3A_2312 = arith.constant 0.000000e+00 : f32
      %broadcast_in_dim3A_2313 = vector.broadcast %broadcast_in_dim3A_2312 : f32 to vector<16xf32>
      %mul3A_2314 = arith.constant 5 : i32
      %mul3A_2315 = vector.broadcast %mul3A_2314 : i32 to vector<16xi32>
      %mul3A_2316 = arith.muli %min3A_2311, %mul3A_2315 : vector<16xi32>
      %add3A_2317 = arith.constant 0 : i32
      %add3A_2318 = vector.broadcast %add3A_2317 : i32 to vector<16xi32>
      %add3A_2319 = arith.addi %mul3A_2316, %add3A_2318 : vector<16xi32>
      %gather3A_2320 = tpu.vector_load_idx %arg19[%add3A_2319] : memref<32xf32, #tpu.memory_space<vmem>>[vector<16xi32>], vector<16xf32>,
      %mul3A_2321 = arith.mulf %gather3A_2320, %gather3A_2320 : vector<16xf32>
      %add3A_2322 = arith.addf %broadcast_in_dim3A_2313, %mul3A_2321 : vector<16xf32>
      %mul3A_2323 = arith.constant 5 : i32
      %mul3A_2324 = vector.broadcast %mul3A_2323 : i32 to vector<16xi32>
      %mul3A_2325 = arith.muli %min3A_2311, %mul3A_2324 : vector<16xi32>
      %add3A_2326 = arith.constant 1 : i32
      %add3A_2327 = vector.broadcast %add3A_2326 : i32 to vector<16xi32>
      %add3A_2328 = arith.addi %mul3A_2325, %add3A_2327 : vector<16xi32>
      %gather3A_2329 = tpu.vector_load_idx %arg19[%add3A_2328] : memref<32xf32, #tpu.memory_space<vmem>>[vector<16xi32>], vector<16xf32>,
      %mul3A_2330 = arith.mulf %gather3A_2329, %gather3A_2329 : vector<16xf32>
      %add3A_2331 = arith.addf %add3A_2322, %mul3A_2330 : vector<16xf32>
      %mul3A_2332 = arith.constant 5 : i32
      %mul3A_2333 = vector.broadcast %mul3A_2332 : i32 to vector<16xi32>
      %mul3A_2334 = arith.muli %min3A_2311, %mul3A_2333 : vector<16xi32>
      %add3A_2335 = arith.constant 2 : i32
      %add3A_2336 = vector.broadcast %add3A_2335 : i32 to vector<16xi32>
      %add3A_2337 = arith.addi %mul3A_2334, %add3A_2336 : vector<16xi32>
      %gather3A_2338 = tpu.vector_load_idx %arg19[%add3A_2337] : memref<32xf32, #tpu.memory_space<vmem>>[vector<16xi32>], vector<16xf32>,
      %mul3A_2339 = arith.mulf %gather3A_2338, %gather3A_2338 : vector<16xf32>
      %add3A_2340 = arith.addf %add3A_2331, %mul3A_2339 : vector<16xf32>
      %mul3A_2341 = arith.constant 5 : i32
      %mul3A_2342 = vector.broadcast %mul3A_2341 : i32 to vector<16xi32>
      %mul3A_2343 = arith.muli %min3A_2311, %mul3A_2342 : vector<16xi32>
      %add3A_2344 = arith.constant 3 : i32
      %add3A_2345 = vector.broadcast %add3A_2344 : i32 to vector<16xi32>
      %add3A_2346 = arith.addi %mul3A_2343, %add3A_2345 : vector<16xi32>
      %gather3A_2347 = tpu.vector_load_idx %arg19[%add3A_2346] : memref<32xf32, #tpu.memory_space<vmem>>[vector<16xi32>], vector<16xf32>,
      %mul3A_2348 = arith.mulf %gather3A_2347, %gather3A_2347 : vector<16xf32>
      %add3A_2349 = arith.addf %add3A_2340, %mul3A_2348 : vector<16xf32>
      %mul3A_2350 = arith.constant 5 : i32
      %mul3A_2351 = vector.broadcast %mul3A_2350 : i32 to vector<16xi32>
      %mul3A_2352 = arith.muli %min3A_2311, %mul3A_2351 : vector<16xi32>
      %add3A_2353 = arith.constant 4 : i32
      %add3A_2354 = vector.broadcast %add3A_2353 : i32 to vector<16xi32>
      %add3A_2355 = arith.addi %mul3A_2352, %add3A_2354 : vector<16xi32>
      %gather3A_2356 = tpu.vector_load_idx %arg19[%add3A_2355] : memref<32xf32, #tpu.memory_space<vmem>>[vector<16xi32>], vector<16xf32>,
      %mul3A_2357 = arith.mulf %gather3A_2356, %gather3A_2356 : vector<16xf32>
      %add3A_2358 = arith.addf %add3A_2349, %mul3A_2357 : vector<16xf32>
      %lt3A_2359 = arith.constant 5 : i32
      %lt3A_2360 = vector.broadcast %lt3A_2359 : i32 to vector<16xi32>
      %lt3A_2361 = arith.cmpi slt, %iota3A, %lt3A_2360 : vector<16xi32>
      %bitcast_convert_type3A_2362 = tpu.bitcast %add3A_2358 : vector<16xf32> -> vector<16xi32>
      %shift_right_logical3A_2363 = arith.constant 1 : i32
      %shift_right_logical3A_2364 = vector.broadcast %shift_right_logical3A_2363 : i32 to vector<16xi32>
      %shift_right_logical3A_2365 = arith.shrui %bitcast_convert_type3A_2362, %shift_right_logical3A_2364 : vector<16xi32>
      %sub3A_2366 = arith.constant 1597463007 : i32
      %sub3A_2367 = vector.broadcast %sub3A_2366 : i32 to vector<16xi32>
      %sub3A_2368 = arith.subi %sub3A_2367, %shift_right_logical3A_2365 : vector<16xi32>
      %bitcast_convert_type3A_2369 = tpu.bitcast %sub3A_2368 : vector<16xi32> -> vector<16xf32>
      %mul3A_2370 = arith.constant 5.000000e-01 : f32
      %mul3A_2371 = vector.broadcast %mul3A_2370 : f32 to vector<16xf32>
      %mul3A_2372 = arith.mulf %add3A_2358, %mul3A_2371 : vector<16xf32>
      %mul3A_2373 = arith.mulf %mul3A_2372, %bitcast_convert_type3A_2369 : vector<16xf32>
      %mul3A_2374 = arith.mulf %mul3A_2373, %bitcast_convert_type3A_2369 : vector<16xf32>
      %sub3A_2375 = arith.constant 1.500000e+00 : f32
      %sub3A_2376 = vector.broadcast %sub3A_2375 : f32 to vector<16xf32>
      %sub3A_2377 = arith.subf %sub3A_2376, %mul3A_2374 : vector<16xf32>
      %mul3A_2378 = arith.mulf %bitcast_convert_type3A_2369, %sub3A_2377 : vector<16xf32>
      %mul3A_2379 = arith.mulf %mul3A_2372, %mul3A_2378 : vector<16xf32>
      %mul3A_2380 = arith.mulf %mul3A_2379, %mul3A_2378 : vector<16xf32>
      %sub3A_2381 = arith.constant 1.500000e+00 : f32
      %sub3A_2382 = vector.broadcast %sub3A_2381 : f32 to vector<16xf32>
      %sub3A_2383 = arith.subf %sub3A_2382, %mul3A_2380 : vector<16xf32>
      %mul3A_2384 = arith.mulf %mul3A_2378, %sub3A_2383 : vector<16xf32>
      %mul3A_2385 = arith.mulf %mul3A_2372, %mul3A_2384 : vector<16xf32>
      %mul3A_2386 = arith.mulf %mul3A_2385, %mul3A_2384 : vector<16xf32>
      %sub3A_2387 = arith.constant 1.500000e+00 : f32
      %sub3A_2388 = vector.broadcast %sub3A_2387 : f32 to vector<16xf32>
      %sub3A_2389 = arith.subf %sub3A_2388, %mul3A_2386 : vector<16xf32>
      %mul3A_2390 = arith.mulf %mul3A_2384, %sub3A_2389 : vector<16xf32>
      %mul3A_2391 = arith.mulf %add3A_2358, %mul3A_2390 : vector<16xf32>
      %jit3A_2392 = arith.constant 0.000000e+00 : f32
      %broadcast_in_dim3A_2393 = vector.broadcast %jit3A_2392 : f32 to vector<16xf32>
      %select_n3A_2394 = arith.select %lt3A_2361, %mul3A_2391, %broadcast_in_dim3A_2393 : vector<16xi1>, vector<16xf32>
      %iota3A_2395 = tpu.iota {dimensions = array<i32: 0>} : vector<16xi32>
      %swap3A_2396 = arith.constant 0 : index
      %swap3A_2397 = tpu.vector_load %arg33[%swap3A_2396] {strides = array<i32>} : memref<16xf32, #tpu.memory_space<vmem>>, vector<16xf32>,
      tpu.vector_store %arg33[%swap3A_2396], %select_n3A_2394 {strides = array<i32>} : memref<16xf32, #tpu.memory_space<vmem>>, vector<16xf32>,
      %xor3A_2398 = arith.constant 8 : i32
      %xor3A_2399 = vector.broadcast %xor3A_2398 : i32 to vector<16xi32>
      %xor3A_2400 = arith.xori %iota3A_2395, %xor3A_2399 : vector<16xi32>
      %gather3A_2401 = tpu.vector_load_idx %arg33[%xor3A_2400] : memref<16xf32, #tpu.memory_space<vmem>>[vector<16xi32>], vector<16xf32>,
      %add3A_2402 = arith.addf %select_n3A_2394, %gather3A_2401 : vector<16xf32>
      %swap3A_2403 = arith.constant 0 : index
      %swap3A_2404 = tpu.vector_load %arg33[%swap3A_2403] {strides = array<i32>} : memref<16xf32, #tpu.memory_space<vmem>>, vector<16xf32>,
      tpu.vector_store %arg33[%swap3A_2403], %add3A_2402 {strides = array<i32>} : memref<16xf32, #tpu.memory_space<vmem>>, vector<16xf32>,
      %xor3A_2405 = arith.constant 4 : i32
      %xor3A_2406 = vector.broadcast %xor3A_2405 : i32 to vector<16xi32>
      %xor3A_2407 = arith.xori %iota3A_2395, %xor3A_2406 : vector<16xi32>
      %gather3A_2408 = tpu.vector_load_idx %arg33[%xor3A_2407] : memref<16xf32, #tpu.memory_space<vmem>>[vector<16xi32>], vector<16xf32>,
      %add3A_2409 = arith.addf %add3A_2402, %gather3A_2408 : vector<16xf32>
      %swap3A_2410 = arith.constant 0 : index
      %swap3A_2411 = tpu.vector_load %arg33[%swap3A_2410] {strides = array<i32>} : memref<16xf32, #tpu.memory_space<vmem>>, vector<16xf32>,
      tpu.vector_store %arg33[%swap3A_2410], %add3A_2409 {strides = array<i32>} : memref<16xf32, #tpu.memory_space<vmem>>, vector<16xf32>,
      %xor3A_2412 = arith.constant 2 : i32
      %xor3A_2413 = vector.broadcast %xor3A_2412 : i32 to vector<16xi32>
      %xor3A_2414 = arith.xori %iota3A_2395, %xor3A_2413 : vector<16xi32>
      %gather3A_2415 = tpu.vector_load_idx %arg33[%xor3A_2414] : memref<16xf32, #tpu.memory_space<vmem>>[vector<16xi32>], vector<16xf32>,
      %add3A_2416 = arith.addf %add3A_2409, %gather3A_2415 : vector<16xf32>
      %swap3A_2417 = arith.constant 0 : index
      %swap3A_2418 = tpu.vector_load %arg33[%swap3A_2417] {strides = array<i32>} : memref<16xf32, #tpu.memory_space<vmem>>, vector<16xf32>,
      tpu.vector_store %arg33[%swap3A_2417], %add3A_2416 {strides = array<i32>} : memref<16xf32, #tpu.memory_space<vmem>>, vector<16xf32>,
      %xor3A_2419 = arith.constant 1 : i32
      %xor3A_2420 = vector.broadcast %xor3A_2419 : i32 to vector<16xi32>
      %xor3A_2421 = arith.xori %iota3A_2395, %xor3A_2420 : vector<16xi32>
      %gather3A_2422 = tpu.vector_load_idx %arg33[%xor3A_2421] : memref<16xf32, #tpu.memory_space<vmem>>[vector<16xi32>], vector<16xf32>,
      %add3A_2423 = arith.addf %add3A_2416, %gather3A_2422 : vector<16xf32>
      %mul3A_2424 = arith.constant 2.000000e-01 : f32
      %mul3A_2425 = vector.broadcast %mul3A_2424 : f32 to vector<16xf32>
      %mul3A_2426 = arith.mulf %add3A_2423, %mul3A_2425 : vector<16xf32>
      %min3A_2427 = arith.constant 1 : i32
      %min3A_2428 = vector.broadcast %min3A_2427 : i32 to vector<16xi32>
      %min3A_2429 = arith.minsi %iota3A, %min3A_2428 : vector<16xi32>
      %broadcast_in_dim3A_2430 = arith.constant 0.000000e+00 : f32
      %broadcast_in_dim3A_2431 = vector.broadcast %broadcast_in_dim3A_2430 : f32 to vector<16xf32>
      %mul3A_2432 = arith.constant 2 : i32
      %mul3A_2433 = vector.broadcast %mul3A_2432 : i32 to vector<16xi32>
      %mul3A_2434 = arith.muli %min3A_2429, %mul3A_2433 : vector<16xi32>
      %add3A_2435 = arith.constant 0 : i32
      %add3A_2436 = vector.broadcast %add3A_2435 : i32 to vector<16xi32>
      %add3A_2437 = arith.addi %mul3A_2434, %add3A_2436 : vector<16xi32>
      %gather3A_2438 = tpu.vector_load_idx %arg20[%add3A_2437] : memref<16xf32, #tpu.memory_space<vmem>>[vector<16xi32>], vector<16xf32>,
      %mul3A_2439 = arith.mulf %gather3A_2438, %gather3A_2438 : vector<16xf32>
      %add3A_2440 = arith.addf %broadcast_in_dim3A_2431, %mul3A_2439 : vector<16xf32>
      %mul3A_2441 = arith.constant 2 : i32
      %mul3A_2442 = vector.broadcast %mul3A_2441 : i32 to vector<16xi32>
      %mul3A_2443 = arith.muli %min3A_2429, %mul3A_2442 : vector<16xi32>
      %add3A_2444 = arith.constant 1 : i32
      %add3A_2445 = vector.broadcast %add3A_2444 : i32 to vector<16xi32>
      %add3A_2446 = arith.addi %mul3A_2443, %add3A_2445 : vector<16xi32>
      %gather3A_2447 = tpu.vector_load_idx %arg20[%add3A_2446] : memref<16xf32, #tpu.memory_space<vmem>>[vector<16xi32>], vector<16xf32>,
      %mul3A_2448 = arith.mulf %gather3A_2447, %gather3A_2447 : vector<16xf32>
      %add3A_2449 = arith.addf %add3A_2440, %mul3A_2448 : vector<16xf32>
      %lt3A_2450 = arith.constant 2 : i32
      %lt3A_2451 = vector.broadcast %lt3A_2450 : i32 to vector<16xi32>
      %lt3A_2452 = arith.cmpi slt, %iota3A, %lt3A_2451 : vector<16xi32>
      %bitcast_convert_type3A_2453 = tpu.bitcast %add3A_2449 : vector<16xf32> -> vector<16xi32>
      %shift_right_logical3A_2454 = arith.constant 1 : i32
      %shift_right_logical3A_2455 = vector.broadcast %shift_right_logical3A_2454 : i32 to vector<16xi32>
      %shift_right_logical3A_2456 = arith.shrui %bitcast_convert_type3A_2453, %shift_right_logical3A_2455 : vector<16xi32>
      %sub3A_2457 = arith.constant 1597463007 : i32
      %sub3A_2458 = vector.broadcast %sub3A_2457 : i32 to vector<16xi32>
      %sub3A_2459 = arith.subi %sub3A_2458, %shift_right_logical3A_2456 : vector<16xi32>
      %bitcast_convert_type3A_2460 = tpu.bitcast %sub3A_2459 : vector<16xi32> -> vector<16xf32>
      %mul3A_2461 = arith.constant 5.000000e-01 : f32
      %mul3A_2462 = vector.broadcast %mul3A_2461 : f32 to vector<16xf32>
      %mul3A_2463 = arith.mulf %add3A_2449, %mul3A_2462 : vector<16xf32>
      %mul3A_2464 = arith.mulf %mul3A_2463, %bitcast_convert_type3A_2460 : vector<16xf32>
      %mul3A_2465 = arith.mulf %mul3A_2464, %bitcast_convert_type3A_2460 : vector<16xf32>
      %sub3A_2466 = arith.constant 1.500000e+00 : f32
      %sub3A_2467 = vector.broadcast %sub3A_2466 : f32 to vector<16xf32>
      %sub3A_2468 = arith.subf %sub3A_2467, %mul3A_2465 : vector<16xf32>
      %mul3A_2469 = arith.mulf %bitcast_convert_type3A_2460, %sub3A_2468 : vector<16xf32>
      %mul3A_2470 = arith.mulf %mul3A_2463, %mul3A_2469 : vector<16xf32>
      %mul3A_2471 = arith.mulf %mul3A_2470, %mul3A_2469 : vector<16xf32>
      %sub3A_2472 = arith.constant 1.500000e+00 : f32
      %sub3A_2473 = vector.broadcast %sub3A_2472 : f32 to vector<16xf32>
      %sub3A_2474 = arith.subf %sub3A_2473, %mul3A_2471 : vector<16xf32>
      %mul3A_2475 = arith.mulf %mul3A_2469, %sub3A_2474 : vector<16xf32>
      %mul3A_2476 = arith.mulf %mul3A_2463, %mul3A_2475 : vector<16xf32>
      %mul3A_2477 = arith.mulf %mul3A_2476, %mul3A_2475 : vector<16xf32>
      %sub3A_2478 = arith.constant 1.500000e+00 : f32
      %sub3A_2479 = vector.broadcast %sub3A_2478 : f32 to vector<16xf32>
      %sub3A_2480 = arith.subf %sub3A_2479, %mul3A_2477 : vector<16xf32>
      %mul3A_2481 = arith.mulf %mul3A_2475, %sub3A_2480 : vector<16xf32>
      %mul3A_2482 = arith.mulf %add3A_2449, %mul3A_2481 : vector<16xf32>
      %jit3A_2483 = arith.constant 0.000000e+00 : f32
      %broadcast_in_dim3A_2484 = vector.broadcast %jit3A_2483 : f32 to vector<16xf32>
      %select_n3A_2485 = arith.select %lt3A_2452, %mul3A_2482, %broadcast_in_dim3A_2484 : vector<16xi1>, vector<16xf32>
      %iota3A_2486 = tpu.iota {dimensions = array<i32: 0>} : vector<16xi32>
      %swap3A_2487 = arith.constant 0 : index
      %swap3A_2488 = tpu.vector_load %arg33[%swap3A_2487] {strides = array<i32>} : memref<16xf32, #tpu.memory_space<vmem>>, vector<16xf32>,
      tpu.vector_store %arg33[%swap3A_2487], %select_n3A_2485 {strides = array<i32>} : memref<16xf32, #tpu.memory_space<vmem>>, vector<16xf32>,
      %xor3A_2489 = arith.constant 8 : i32
      %xor3A_2490 = vector.broadcast %xor3A_2489 : i32 to vector<16xi32>
      %xor3A_2491 = arith.xori %iota3A_2486, %xor3A_2490 : vector<16xi32>
      %gather3A_2492 = tpu.vector_load_idx %arg33[%xor3A_2491] : memref<16xf32, #tpu.memory_space<vmem>>[vector<16xi32>], vector<16xf32>,
      %add3A_2493 = arith.addf %select_n3A_2485, %gather3A_2492 : vector<16xf32>
      %swap3A_2494 = arith.constant 0 : index
      %swap3A_2495 = tpu.vector_load %arg33[%swap3A_2494] {strides = array<i32>} : memref<16xf32, #tpu.memory_space<vmem>>, vector<16xf32>,
      tpu.vector_store %arg33[%swap3A_2494], %add3A_2493 {strides = array<i32>} : memref<16xf32, #tpu.memory_space<vmem>>, vector<16xf32>,
      %xor3A_2496 = arith.constant 4 : i32
      %xor3A_2497 = vector.broadcast %xor3A_2496 : i32 to vector<16xi32>
      %xor3A_2498 = arith.xori %iota3A_2486, %xor3A_2497 : vector<16xi32>
      %gather3A_2499 = tpu.vector_load_idx %arg33[%xor3A_2498] : memref<16xf32, #tpu.memory_space<vmem>>[vector<16xi32>], vector<16xf32>,
      %add3A_2500 = arith.addf %add3A_2493, %gather3A_2499 : vector<16xf32>
      %swap3A_2501 = arith.constant 0 : index
      %swap3A_2502 = tpu.vector_load %arg33[%swap3A_2501] {strides = array<i32>} : memref<16xf32, #tpu.memory_space<vmem>>, vector<16xf32>,
      tpu.vector_store %arg33[%swap3A_2501], %add3A_2500 {strides = array<i32>} : memref<16xf32, #tpu.memory_space<vmem>>, vector<16xf32>,
      %xor3A_2503 = arith.constant 2 : i32
      %xor3A_2504 = vector.broadcast %xor3A_2503 : i32 to vector<16xi32>
      %xor3A_2505 = arith.xori %iota3A_2486, %xor3A_2504 : vector<16xi32>
      %gather3A_2506 = tpu.vector_load_idx %arg33[%xor3A_2505] : memref<16xf32, #tpu.memory_space<vmem>>[vector<16xi32>], vector<16xf32>,
      %add3A_2507 = arith.addf %add3A_2500, %gather3A_2506 : vector<16xf32>
      %swap3A_2508 = arith.constant 0 : index
      %swap3A_2509 = tpu.vector_load %arg33[%swap3A_2508] {strides = array<i32>} : memref<16xf32, #tpu.memory_space<vmem>>, vector<16xf32>,
      tpu.vector_store %arg33[%swap3A_2508], %add3A_2507 {strides = array<i32>} : memref<16xf32, #tpu.memory_space<vmem>>, vector<16xf32>,
      %xor3A_2510 = arith.constant 1 : i32
      %xor3A_2511 = vector.broadcast %xor3A_2510 : i32 to vector<16xi32>
      %xor3A_2512 = arith.xori %iota3A_2486, %xor3A_2511 : vector<16xi32>
      %gather3A_2513 = tpu.vector_load_idx %arg33[%xor3A_2512] : memref<16xf32, #tpu.memory_space<vmem>>[vector<16xi32>], vector<16xf32>,
      %add3A_2514 = arith.addf %add3A_2507, %gather3A_2513 : vector<16xf32>
      %mul3A_2515 = arith.constant 5.000000e-01 : f32
      %mul3A_2516 = vector.broadcast %mul3A_2515 : f32 to vector<16xf32>
      %mul3A_2517 = arith.mulf %add3A_2514, %mul3A_2516 : vector<16xf32>
      %mul3A_2518 = arith.constant 2.000000e-01 : f32
      %mul3A_2519 = vector.broadcast %mul3A_2518 : f32 to vector<16xf32>
      %mul3A_2520 = arith.mulf %add3A_1782, %mul3A_2519 : vector<16xf32>
      %add3A_2521 = arith.addf %mul3A_2520, %mul3A_2223 : vector<16xf32>
      %mul3A_2522 = arith.constant 1.000000e-03 : f32
      %mul3A_2523 = vector.broadcast %mul3A_2522 : f32 to vector<16xf32>
      %mul3A_2524 = arith.mulf %mul3A_2523, %mul3A_2426 : vector<16xf32>
      %add3A_2525 = arith.addf %add3A_2521, %mul3A_2524 : vector<16xf32>
      %mul3A_2526 = arith.constant 5.000000e-01 : f32
      %mul3A_2527 = vector.broadcast %mul3A_2526 : f32 to vector<16xf32>
      %mul3A_2528 = arith.mulf %add3A_1817, %mul3A_2527 : vector<16xf32>
      %add3A_2529 = arith.addf %mul3A_2528, %mul3A_2308 : vector<16xf32>
      %mul3A_2530 = arith.constant 1.000000e-03 : f32
      %mul3A_2531 = vector.broadcast %mul3A_2530 : f32 to vector<16xf32>
      %mul3A_2532 = arith.mulf %mul3A_2531, %mul3A_2517 : vector<16xf32>
      %add3A_2533 = arith.addf %add3A_2529, %mul3A_2532 : vector<16xf32>
      %iota3A_2534 = tpu.iota {dimensions = array<i32: 0>} : vector<16xi32>
      %broadcast_in_dim3A_2535 = arith.constant 0.000000e+00 : f32
      %broadcast_in_dim3A_2536 = vector.broadcast %broadcast_in_dim3A_2535 : f32 to vector<16xf32>
      %eq3A_2537 = arith.constant 0 : i32
      %eq3A_2538 = vector.broadcast %eq3A_2537 : i32 to vector<16xi32>
      %eq3A_2539 = arith.cmpi eq, %iota3A_2534, %eq3A_2538 : vector<16xi32>
      %select_n3A_2540 = arith.select %eq3A_2539, %add3A_2533, %broadcast_in_dim3A_2536 : vector<16xi1>, vector<16xf32>
      %eq3A_2541 = arith.constant 1 : i32
      %eq3A_2542 = vector.broadcast %eq3A_2541 : i32 to vector<16xi32>
      %eq3A_2543 = arith.cmpi eq, %iota3A_2534, %eq3A_2542 : vector<16xi32>
      %select_n3A_2544 = arith.select %eq3A_2543, %add3A_2525, %select_n3A_2540 : vector<16xi1>, vector<16xf32>
      %swap3A_2545 = arith.constant 0 : index
      %swap3A_2546 = tpu.vector_load %arg32[%swap3A_2545] {strides = array<i32>} : memref<16xf32, #tpu.memory_space<vmem>>, vector<16xf32>,
      tpu.vector_store %arg32[%swap3A_2545], %select_n3A_2544 {strides = array<i32>} : memref<16xf32, #tpu.memory_space<vmem>>, vector<16xf32>,
      %mul3A_2547 = arith.constant 16 : i32
      %mul3A_2548 = arith.muli %arg0, %mul3A_2547 : i32
      "tpu.region"() ({
        %run_scoped3A = tpu.sem_alloc : memref<!tpu.dma_semaphore, #tpu.memory_space<semaphore_mem>>
        %dma_start3A_2549 = tpu.memref_slice %arg6[%mul3A_2548] : memref<32xf32, #tpu.memory_space<hbm>> -> memref<16xf32, #tpu.memory_space<hbm>>
        %dma_start3A_2550 = tpu.memref_slice %arg6[%mul3A_2548] : memref<32xf32, #tpu.memory_space<hbm>> -> memref<16xf32, #tpu.memory_space<hbm>>
        tpu.enqueue_dma source(%arg32 : memref<16xf32, #tpu.memory_space<vmem>>) target(%dma_start3A_2550 : memref<16xf32, #tpu.memory_space<hbm>>) target_semaphore(%run_scoped3A : memref<!tpu.dma_semaphore, #tpu.memory_space<semaphore_mem>>)
        %dma_wait3A_2551 = tpu.memref_slice %arg6[%mul3A_2548] : memref<32xf32, #tpu.memory_space<hbm>> -> memref<16xf32, #tpu.memory_space<hbm>>
        %dma_wait3A_2552 = tpu.memref_slice %arg6[%mul3A_2548] : memref<32xf32, #tpu.memory_space<hbm>> -> memref<16xf32, #tpu.memory_space<hbm>>
        tpu.wait_dma2 semaphore(%run_scoped3A : memref<!tpu.dma_semaphore, #tpu.memory_space<semaphore_mem>>) src(%arg32 : memref<16xf32, #tpu.memory_space<vmem>>) dst(%dma_wait3A_2552 : memref<16xf32, #tpu.memory_space<hbm>>)
        tpu.yield
      }) : () -> ()
    } else {
    }
    return
  }
}

</mosaic_0001>

<sc_bundles>
// kernel: _sc_loss.3.cloned.1.call-start
scs
__scs_entry_jumppad:
0x0: {  	(pc) =	sbr.rel $0x88, $3  }
0x1: {  	(tag) =	ssettag $0x0;
	lr =	simm.s32 $0x1  }
0x2: {  	[smem:$0x3F9D] =	sst lr;
	_ =	strace $0xD0000000  }
0x3: {  	_ = 	snop  }
0x4: {  	_ = 	snop  }
0x5: {  	_ = 	snop  }
0x6: {  	_ = 	snop  }
0x7: {  	_ = 	snop  }
__scs_overlays_trampoline_lowered:
0x8: {  	[smem:$0x3FAC] =	sst s0  }
0x9: {  	[smem:$0x3FAD] =	sst s1  }
0xa: {  	[smem:$0x3FAE] =	sst s2  }
0xb: {  	[smem:$0x3FAF] =	sst s3  }
0xc: {  	[smem:$0x3FB0] =	sst s4  }
0xd: {  	[smem:$0x3FB1] =	sst s5  }
0xe: {  	[smem:$0x3FB2] =	sst s6  }
0xf: {  	[smem:$0x3FB3] =	sst s7  }
0x10: {  	[smem:$0x3FB4] =	sst s8  }
0x11: {  	[smem:$0x3FB5] =	sst s9;
	s0 =	simm.s32 @!p0 $0x0  }
0x12: {  	s1 =	sld [smem:$0x3F9B];
	s0 =	simm.s32 @p0 $0x1  }
0x13: {  	[smem:$0x3FB6] =	sst s0;
	s0 =	simm.s32 @!p1 $0x0  }
0x14: {  	s2 =	sld [smem:$0x3F9A];
	s0 =	simm.s32 @p1 $0x1  }
0x15: {  	[smem:$0x3FB7] =	sst s0;
	s0 =	simm.s32 @!p2 $0x0  }
0x16: {  	s3 =	sld [smem:$0x3FDB];
	s0 =	simm.s32 @p2 $0x1  }
0x17: {  	s4 =	simm.s32 $0x1BF5;
	[smem:$0x3FB9] =	sst s0  }
0x18: {  	s0 =	sld [smem:$0x3F9C];
	_ =	swait.ge [sflag:s4], $0x0  }
0x19: {  	s7 =	sld [smem:$0x3F9D]  }
0x1a: {  	s8 =	sadd.s32 $0xFFFFE003, lr  }
0x1b: {  	s9 =	sadd.s32 $0xFFFFFEF7, lr;
	s5 =	simm.s32 $0xFFFFFFFF;
	p2 =	slt.u32 s8, $0xFFFFF086  }
0x1c: {  	p1 =	slt.u32 s9, $0xF7A;
	s5 =	simm.s32 @!p2 $0x0  }
0x1d: {  	s5 =	simm.s32 @p1 $0x1;
	p0 =	seq.s32 s7, s2  }
0x1e: {  	s7 =	smul.u32 @!p0 $0xF7A, s2;
	p2 =	seq.s32 @!p0 s5, $0x0  }
0x1f: {  	s9 =	smul.u32 $0xF7A, s1;
	s8 =	simm.s32 @!p0 $0x1BF5;
	p2 =	por !p2, p0  }
0x20: {  	[sflag:s8] =	ssyncset.s32 @!p0 $0xFFFFF086;
	s6 =	sadd.s32 @!p0 s3, s7;
	s7 =	simm.s32 @!p0 $0x108  }
0x21: {  	s3 =	sadd.s32 s3, s9;
	s6 =	sadd.s32 @!p0 $0x88, s6;
	s7 =	simm.s32 @p2 $0x1082  }
0x22: {  	[simem:s7], [sflag:s8] =	dma.local @!p0 [hbm:s6], $0xF7A  }
0x23: {  	s9 =	sor.u32 $0xD0000000, s2;
	s6 =	simm.s32 $0x108;
	_ =	swait.ge @!p0 [sflag:s8], $0x0  }
0x24: {  	s3 =	sadd.s32 $0x88, s3;
	s6 =	simm.s32 @!p1 $0x1082;
	[sflag:s4] =	ssyncset.s32 $0xFFFFF086  }
0x25: {  	[simem:s6], [sflag:s4] =	dma.local [hbm:s3], $0xF7A  }
0x26: {  	[smem:$0x3F9D] =	sst s1;
	(tag) =	ssettag s2;
	_ =	strace s9  }
0x27: {  	s1 =	sld [smem:$0x3FAD]  }
0x28: {  	s2 =	sld [smem:$0x3FAE]  }
0x29: {  	s4 =	sld [smem:$0x3FB0]  }
0x2a: {  	p0 =	seq.s32 s5, $0x0;
	s5 =	sld [smem:$0x3FB1]  }
0x2b: {  	s6 =	sld [smem:$0x3FB2]  }
0x2c: {  	s7 =	sld [smem:$0x3FB3]  }
0x2d: {  	s3 =	simm.s32 $0x108;
	s8 =	sld [smem:$0x3FB4]  }
0x2e: {  	s3 =	simm.s32 @!p0 $0x1082;
	s9 =	sld [smem:$0x3FB5]  }
0x2f: {  	lr =	sadd.s32 s0, s3;
	s0 =	sld [smem:$0x3FAC]  }
0x30: {  	s3 =	sld [smem:$0x3FAF]  }
0x31: {  	[smem:$0x3FB8] =	sst s10  }
0x32: {  	s10 =	sld [smem:$0x3FB6];
	_ =	sdelay $0x3  }
0x33: {  	p0 =	seq.s32 s10, $0x1;
	s10 =	sld [smem:$0x3FB8];
	_ =	sdelay $0x3  }
0x34: {  	[smem:$0x3FB8] =	sst s10  }
0x35: {  	s10 =	sld [smem:$0x3FB7];
	_ =	sdelay $0x3  }
0x36: {  	p1 =	seq.s32 s10, $0x1;
	s10 =	sld [smem:$0x3FB8];
	_ =	sdelay $0x3  }
0x37: {  	[smem:$0x3FB8] =	sst s10  }
0x38: {  	s10 =	sld [smem:$0x3FB9]  }
0x39: {  	_ = 	snop;
	(pc) =	sbr.ind lr, $3  }
0x3a: {  	_ = 	snop  }
0x3b: {  	_ = 	snop  }
0x3c: {  	p2 =	seq.s32 s10, $0x1;
	s10 =	sld [smem:$0x3FB8]  }
0x3d: {  	_ =	shalt  }
0x3e: {  	_ =	shalt  }
0x3f: {  	_ =	shalt  }
0x40: {  	_ =	shalt  }
0x41: {  	_ =	shalt  }
0x42: {  	_ =	shalt  }
0x43: {  	_ =	shalt  }
0x44: {  	_ =	shalt  }
0x45: {  	_ =	shalt  }
0x46: {  	_ =	shalt  }
0x47: {  	_ =	shalt  }
0x48: {  	_ =	shalt  }
0x49: {  	_ =	shalt  }
0x4a: {  	_ =	shalt  }
0x4b: {  	_ =	shalt  }
0x4c: {  	_ =	shalt  }
0x4d: {  	_ =	shalt  }
0x4e: {  	_ =	shalt  }
0x4f: {  	_ =	shalt  }
0x50: {  	_ =	shalt  }
0x51: {  	_ =	shalt  }
0x52: {  	_ =	shalt  }
0x53: {  	_ =	shalt  }
0x54: {  	_ =	shalt  }
0x55: {  	_ =	shalt  }
0x56: {  	_ =	shalt  }
0x57: {  	_ =	shalt  }
0x58: {  	_ =	shalt  }
0x59: {  	_ =	shalt  }
0x5a: {  	_ =	shalt  }
0x5b: {  	_ =	shalt  }
0x5c: {  	_ =	shalt  }
0x5d: {  	_ =	shalt  }
0x5e: {  	_ =	shalt  }
0x5f: {  	_ =	shalt  }
0x60: {  	_ =	shalt  }
0x61: {  	_ =	shalt  }
0x62: {  	_ =	shalt  }
0x63: {  	_ =	shalt  }
0x64: {  	_ =	shalt  }
0x65: {  	_ =	shalt  }
0x66: {  	_ =	shalt  }
0x67: {  	_ =	shalt  }
0x68: {  	_ =	shalt  }
0x69: {  	_ =	shalt  }
0x6a: {  	_ =	shalt  }
0x6b: {  	_ =	shalt  }
0x6c: {  	_ =	shalt  }
0x6d: {  	_ =	shalt  }
0x6e: {  	_ =	shalt  }
0x6f: {  	_ =	shalt  }
0x70: {  	_ =	shalt  }
0x71: {  	_ =	shalt  }
0x72: {  	_ =	shalt  }
0x73: {  	_ =	shalt  }
0x74: {  	_ =	shalt  }
0x75: {  	_ =	shalt  }
0x76: {  	_ =	shalt  }
0x77: {  	_ =	shalt  }
0x78: {  	_ =	shalt  }
0x79: {  	_ =	shalt  }
0x7a: {  	_ =	shalt  }
0x7b: {  	_ =	shalt  }
0x7c: {  	_ =	shalt  }
0x7d: {  	_ =	shalt  }
0x7e: {  	_ =	shalt  }
0x7f: {  	_ =	shalt  }
0x80: {  	_ =	shalt  }
0x81: {  	_ =	shalt  }
0x82: {  	_ =	shalt  }
0x83: {  	_ =	shalt  }
0x84: {  	_ =	shalt  }
0x85: {  	_ =	shalt  }
0x86: {  	_ =	shalt  }
0x87: {  	_ =	shalt  }
.Lfunc_end0:
.L_simem_size_0:
called_computation_lowered:
.L_overlay_start_0:
0x88: {  	s2 =	sld [smem:$0x3FD9]  }
0x89: {  	s3 =	sld [smem:$0x3FFE];
	_ =	sdelay $0x1  }
0x8a: {  	s1 =	srdreg.scid  }
0x8b: {  	s0 =	sand.u32 $0x1, s1  }
0x8c: {  	s17 =	sshll.u32 s0, $0xA;
	s2 =	sadd.s32 s3, s2  }
0x8d: {  	s2 =	sadd.s32 s2, s17  }
0x8e: {  	[smem:$0x3FC4] =	sst s2  }
0x8f: {  	_ = 	snop  }
0x90: {  	s2 =	sld [smem:$0x3FD0];
	(tm) =	ssettm $0x1  }
0x91: {  	s18 =	sld [smem:$0x3FFB];
	_ =	sdelay $0x3  }
0x92: {  	_ =	strace s18  }
0x93: {  	s3 =	sld [smem:$0x3FFC];
	_ =	sdelay $0x3  }
0x94: {  	_ =	strace s3  }
0x95: {  	s3 =	sld [smem:$0x3FFD];
	_ =	sdelay $0x3  }
0x96: {  	_ =	strace s3  }
0x97: {  	_ =	strace $0x8FFFFFFF  }
0x98: {  	s19 =	sld [smem:$0x3FDB];
	_ =	sdelay $0x1  }
0x99: {  	s4 =	simm.s32 $_scs_section_size  }
0x9a: {  	s5 =	simm.s32 $_size__tile_overlayer_lowered;
	s6 =	simm.s32 $_tile_overlayer_lowered  }
0x9b: {  	s22 =	simm.s32 $0x1BFF;
	s21 =	sshll.u32 s6, $0x1;
	s3 =	sadd.s32 s4, s19  }
0x9c: {  	s7 =	simm.s32 $0x0;
	s20 =	sshll.u32 s5, $0x1;
	s5 =	sadd.s32 s21, s3  }
0x9d: {  	[timem:s7], [sflag:s22] =	dma.local [hbm:s5], s20  }
0x9e: {  	_ =	swait.ge [sflag:s22], s20  }
0x9f: {  	s4 =	ssub.s32 $0x0, s20;
	[sflag:s22] =	ssyncset.done $0x0  }
0xa0: {  	[sflag:s22] =	ssyncadd.s32 s4;
	_ =	sdelay $0x1  }
0xa1: {  	s23 =	simm.s32 $0x1B8B  }
0xa2: {  	_ =	swait.ge [sflag:s23], $0x1  }
0xa3: {  	[sflag:s23] =	ssyncset.done $0x0  }
0xa4: {  	s25 =	simm.s32 $0x1B8E;
	s24 =	sld [smem:$0x3FFE];
	[sflag:s23] =	ssyncadd.s32 $0xFFFFFFFF  }
0xa5: {  	s26 =	simm.s32 $execute0_lowered;
	[smem:$0x3FD2] =	sst s25  }
0xa6: {  	s5 =	sshll.u32 s26, $0x1;
	_ =	strace $0x80000046;
	[dreg:$0x1] =	wrdreg $0xFFFFFFFF  }
0xa7: {  	s28 =	simm.s32 $_size_execute0_lowered;
	s3 =	sadd.s32 s3, s5;
	[dreg:$0x0] =	wrdreg $0x0  }
0xa8: {  	s5 =	sshll.u32 s28, $0x1;
	[dreg:$0x2] =	wrdreg s3  }
0xa9: {  	[dreg:$0x3] =	wrdreg s5  }
0xaa: {  	[dreg:$0x4] =	wrdreg $0xC0  }
0xab: {  	_ =	task [dreg:s7], $0x5FFFF  }
0xac: {  	[dreg:$0x1] =	wrdreg $0xFFFFFFFF  }
0xad: {  	[dreg:$0x0] =	wrdreg $0x60  }
0xae: {  	[dreg:$0x2] =	wrdreg s24  }
0xaf: {  	[dreg:$0x3] =	wrdreg s2  }
0xb0: {  	[dreg:$0x4] =	wrdreg $0x125500  }
0xb1: {  	[dreg:$0x5] =	wrdreg $0x125800  }
0xb2: {  	[dreg:$0x6] =	wrdreg $0x9  }
0xb3: {  	_ =	task.clear_ibuf [dreg:s7], $0x7FFFF;
	_ =	strace $0x90000046  }
0xb4: {  	s29 =	simm.s32 $0x9;
	_ =	strace $0x80000048  }
0xb5: {  	_ =	swait.ge [sflag:s29], $0x1  }
0xb6: {  	[sflag:s29] =	ssyncadd.s32 $0xFFFFFFFF  }
0xb7: {  	_ =	strace $0x90000048  }
0xb8: {  	_ =	sfence  }
0xb9: {  	s30 =	sld [smem:$0x0];
	_ =	sdelay $0x2  }
0xba: {  	s31 =	sshll.u32 s1, $0xD;
	s1 =	sshrl.u32 s1, $0x2  }
0xbb: {  	s3 =	sand.u32 $0x4000, s31;
	s1 =	sadd.s32 s1, s30  }
0xbc: {  	s0 =	sor.u32 s3, s0;
	s1 =	sshll.u32 s1, $0x11  }
0xbd: {  	s0 =	sor.u32 s1, s0  }
0xbe: {  	s0 =	sadd.s32 $0x8F2B, s0  }
0xbf: {  	[sflag:s0] =	ssyncadd.remote.s32 $0x1  }
0xc0: {  	_ =	sfence.sel $0xFFFF  }
0xc1: {  	[dreg:$0x0] =	wrdreg $0xFFFFFFFF;
	(pc) =	sbr.abs _section_cstart, $3  }
0xc2: {  	[dreg:$0x1] =	wrdreg $0xFFFFFFFF  }
0xc3: {  	_ =	task.clear_ibuf [dreg:s7], $0x2FFFF;
	_ =	strace $0x9FFFFFFF  }
0xc4: {  	(tm) =	ssettm $0x7FFFFFFF  }
0xc5: {  	_ =	shalt  }
tec
execute0_lowered:
.L_overlay_start_1:
0x0: {  	(tag) =	ssettag $0x1  }
0x1: {  	v0 =	vimm.s32 $0xFEDCBA98;
	v1 =	vimm.s32 $0x76543210;
	v2 =	vimm.s32 $0xBA98FEDC  }
0x2: {  	v3 =	vimm.s32 $0x32107654;
	v4 =	vimm.s32 $0xDCFE98BA;
	v5 =	vimm.s32 $0x54761032  }
0x3: {  	v6 =	vimm.s32 $0xEFCDAB89;
	v7 =	vimm.s32 $0x67452301;
	vm0 =	vcmask $0x1300  }
0x4: {  	vm14 =	vcmask $0xF00;
	v8 =	vimm.s32 $0x1F1F1E1D;
	v9 =	vimm.s32 $0x2B2A2928  }
0x5: {  	v41 =	vimm.s32 $0x15100B06;
	v42 =	vimm.s32 $0x15100B01;
	v43 =	vimm.s32 $0x16110C07  }
0x6: {  	v0 =	vunpack.c.l.s4.s8 v0;
	v1 =	vunpack.c.l.s4.s8 v1;
	v2 =	vunpack.c.l.s4.s8 v2  }
0x7: {  	v3 =	vunpack.c.l.s4.s8 v3;
	v4 =	vunpack.c.l.s4.s8 v4;
	v5 =	vunpack.c.l.s4.s8 v5  }
0x8: {  	v6 =	vunpack.c.l.s4.s8 v6;
	v7 =	vunpack.c.l.s4.s8 v7;
	v0 =	vunpack.c.0.s8.s32 v0  }
0x9: {  	v2 =	vunpack.c.0.s8.s32 v2;
	v3 =	vunpack.c.0.s8.s32 v3;
	v4 =	vunpack.c.0.s8.s32 v4  }
0xa: {  	v5 =	vunpack.c.0.s8.s32 v5;
	v6 =	vunpack.c.0.s8.s32 v6;
	v7 =	vunpack.c.0.s8.s32 v7  }
0xb: {  	v44 =	vimm.s32 $0x17120D08;
	v1 =	vunpack.c.0.s8.s32 v1;
	v2 =	vcombine.low v3, v2  }
0xc: {  	v3 =	vand.u32 $0xF, v0;
	v4 =	vcombine.low v5, v4;
	v5 =	vcombine.low v7, v6  }
0xd: {  	v10 =	vimm.s32 $0x16110C02;
	v11 =	vimm.s32 $0x18130E09;
	v1 =	vcombine.low v3, v1  }
0xe: {  	v3 =	vand.u32 $0xF, v4;
	v4 =	vand.u32 $0xF, v5;
	v5 =	vimm.s32 $0x1C  }
0xf: {  	v12 =	vimm.s32 $0x17120D03;
	v5 =	vsel vm0, $0x19, v5;
	vm0 =	vcmask $0x2714  }
0x10: {  	v13 =	vimm.s32 $0x18130E04;
	v5 =	vsel vm0, $0x1A, v5;
	vm0 =	vcmask $0x3B28  }
0x11: {  	v47 =	vimm.s32 $0xF0A0500;
	v6 =	vimm.s32 $0x1F;
	v5 =	vsel vm0, $0x1B, v5  }
0x12: {  	v49 =	vimm.s32 $0x100B0601;
	[tilespmem:$0x1FE90] =	vst v5;
	v5 =	vsel vm14, $0x1C, v6;
	v6 =	vimm.s32 $0x1C1B1A19  }
0x13: {  	v8 =	vunpack.c.0.s8.s32 v8;
	v7 =	vimm.s32 $0x27262524;
	v6 =	vunpack.c.0.s8.s32 v6  }
0x14: {  	v9 =	vunpack.c.0.s8.s32 v9;
	v7 =	vunpack.c.0.s8.s32 v7;
	vm0 =	vcmask $0x2310  }
0x15: {  	v5 =	vsel vm0, $0x1D, v5;
	vm0 =	vcmask $0x1F10;
	v6 =	vnsel vm14, $0x1F, v6  }
0x16: {  	v50 =	vimm.s32 $0x110C0702;
	v7 =	vnsel vm14, $0x2D, v7;
	v6 =	vsel vm0, v8, v6  }
0x17: {  	v51 =	vimm.s32 $0x120D0803;
	[tilespmem:$0x1FEA0] =	vst v6;
	v6 =	vsel vm0, v9, v7;
	vm0 =	vcmask $0x2320  }
0x18: {  	v55 =	vimm.s32 $0x15100601;
	v56 =	vimm.s32 $0x16110702;
	v6 =	vsel vm0, $0x2C, v6  }
0x19: {  	v14 =	vlaneseq.u32;
	v57 =	vimm.s32 $0x17120803;
	[tilespmem:$0x1FEB0] =	vst v6;
	v6 =	vimm.s32 $0x140F0A05  }
0x1a: {  	v11 =	vunpack.c.0.s8.s32 v11;
	v7 =	vimm.s32 $0x140F0A00;
	v6 =	vunpack.c.0.s8.s32 v6  }
0x1b: {  	v10 =	vunpack.c.0.s8.s32 v10;
	v8 =	vunpack.c.0.s8.s32 v41;
	v7 =	vunpack.c.0.s8.s32 v7  }
0x1c: {  	s4 =	rddreg [dreg:$0x0];
	v9 =	vunpack.c.0.s8.s32 v42;
	vm0 =	vcmask $0x230C;
	v6 =	vnsel vm14, $0x14, v6  }
0x1d: {  	s1 =	rddreg [dreg:$0x1];
	v13 =	vunpack.c.0.s8.s32 v13;
	v6 =	vsel vm0, v7, v6;
	v7 =	vnsel vm14, $0x15, v8  }
0x1e: {  	s14 =	rddreg [dreg:$0x2];
	v8 =	vunpack.c.0.s8.s32 v43;
	v7 =	vsel vm0, v9, v7;
	v9 =	vunpack.c.0.s8.s32 v44  }
0x1f: {  	s16 =	rddreg [dreg:$0x3];
	v12 =	vunpack.c.0.s8.s32 v12;
	v48 =	vunpack.c.0.s8.s32 v47;
	v11 =	vnsel vm14, $0x18, v11  }
0x20: {  	s2 =	simm.s32 $0x0;
	s3 =	srdreg.scid;
	s0 =	stileid.u32;
	v45 =	vsel vm0, v13, v11;
	v8 =	vnsel vm14, $0x16, v8;
	v9 =	vnsel vm14, $0x17, v9  }
0x21: {  	s29 =	simm.s32 $0x2;
	s31 =	simm.s32 $0x12330;
	[smem:$0x7FF] =	sst s2;
	v8 =	vsel vm0, v10, v8;
	v9 =	vsel vm0, v12, v9;
	vm0 =	vcmask $0x3724  }
0x22: {  	s17 =	simm.s32 $0x123D0;
	s18 =	simm.s32 $0x123E0;
	v46 =	vshrl.u32 v14, $0x1;
	_ =	strace $0x80000047;
	[tilespmem:$0x1FEE0] =	vst v48;
	v5 =	vsel vm0, $0x1E, v5  }
0x23: {  	s19 =	simm.s32 $0x123F0;
	s20 =	simm.s32 $0x12390;
	s21 =	simm.s32 $0x12400;
	[tilespmem:$0x1FEC0] =	vst v5;
	v5 =	vadd.s32 $0x24, v46  }
0x24: {  	v58 =	vimm.s32 $0x18130904;
	s28 =	simm.s32 $0x0;
	s3 =	sand.u32 $0x1, s3;
	s5 =	sshll.u32 s0, $0xD;
	v52 =	vnsel vm14, $0x14, v48;
	[tilespmem:$0x1FED0] =	vst v5;
	v5 =	vunpack.c.0.s8.s32 v51  }
0x25: {  	v59 =	vimm.s32 $0x130E0904;
	s9 =	sadd.s32 $0xA00, s4;
	s13 =	smul.u32 $0xC0, s0;
	s30 =	sshll.u32 s0, $0x4;
	[tilespmem:$0x1FEF0] =	vst v52  }
0x26: {  	v15 =	vunpack.c.0.s8.s32 v49;
	p0 =	sne.s32 s0, $0x0;
	s0 =	simm.s32 $0x123C0;
	s6 =	sshll.u32 s3, $0x12;
	v13 =	vunpack.c.0.s8.s32 v50;
	[tilespmem:$0x1FF40] =	vst v5;
	v5 =	vnsel vm14, $0x17, v5  }
0x27: {  	v14 =	vunpack.c.0.s8.s32 v58;
	v62 =	vunpack.c.0.s8.s32 v59;
	s7 =	sshll.u32 s3, $0x11;
	s8 =	smul.u32 $0xA0000, s3;
	s22 =	ssub.s32 $0x2, s3;
	[tilespmem:$0x1FF50] =	vst v5;
	v5 =	vimm.s32 $0x140F0500  }
0x28: {  	s3 =	sshll.u32 s3, $0x1;
	s6 =	sor.u32 s5, s6;
	s7 =	sor.u32 s5, s7;
	[tilespmem:$0x1FF20] =	vst v13;
	v54 =	vnsel vm14, $0x16, v13;
	v13 =	vunpack.c.0.s8.s32 v57;
	v5 =	vunpack.c.0.s8.s32 v5  }
0x29: {  	s23 =	sshrl.u32 s22, $0x1;
	v53 =	vnsel vm14, $0x15, v15;
	s13 =	sshrl.u32 s13, $0x2;
	s1 =	sadd.s32 s1, s3;
	v11 =	vunpack.c.0.s8.s32 v55;
	[tilespmem:$0x1FF00] =	vst v15;
	v12 =	vunpack.c.0.s8.s32 v56  }
0x2a: {  	s3 =	simm.s32 $0x12360;
	s6 =	sshrl.u32 s6, $0x3;
	s7 =	sshrl.u32 s7, $0x3;
	[tilespmem:$0x1FF10] =	vst v53;
	v60 =	vsel vm0, v13, v9;
	v61 =	vsel vm0, v14, v45;
	v5 =	vsel vm0, v5, v6  }
0x2b: {  	s24 =	sor.u32 s5, s8;
	s15 =	ssub.s32 s22, s23;
	s13 =	sadd.s32 s13, s14;
	[tilespmem:$0x1FFB0] =	vst v62;
	v6 =	vsel vm0, v11, v7;
	v7 =	vsel vm0, v12, v8;
	vm0 =	vcmask $0x3B38  }
0x2c: {  	s14 =	sadd.s32 s30, s16;
	s22 =	simm.s32 $0x12410;
	s23 =	simm.s32 $0x123A0;
	[tilespmem:$0x1FF30] =	vst v54;
	v5 =	vsel vm0, $0xA, v5  }
0x2d: {  	s10 =	sadd.s32 s6, s4;
	s12 =	sadd.s32 s7, s4;
	s25 =	sshrl.u32 s24, $0x3;
	[tilespmem:$0x1FF60] =	vst v5;
	v5 =	vsel vm0, $0xB, v6  }
0x2e: {  	s5 =	sadd.s32 $0x20000, s24;
	s26 =	sadd.s32 $0x40000, s24;
	s8 =	sadd.s32 $0x60000, s24;
	[tilespmem:$0x1FF70] =	vst v5;
	v5 =	vsel vm0, $0xC, v7  }
0x2f: {  	vm10 =	vcmask $0x2B38;
	vm11 =	vcmask $0x2F38;
	s7 =	sadd.s32 $0x80000, s24;
	s16 =	smax.u32 s15, $0x1;
	s15 =	simm.s32 $0x123B0;
	[tilespmem:$0x1FF80] =	vst v5;
	v5 =	vsel vm0, $0xD, v60  }
0x30: {  	vm12 =	vcmask $0x3338;
	vm13 =	vcmask $0x318;
	s4 =	sadd.s32 s9, s25;
	s5 =	sshrl.u32 s5, $0x3;
	s6 =	sshrl.u32 s26, $0x3;
	[tilespmem:$0x1FF90] =	vst v5;
	v5 =	vsel vm0, $0xE, v61  }
.Ltmp0:
0x31: {  	s8 =	sshrl.u32 s8, $0x3;
	s11 =	sshrl.u32 s7, $0x3;
	v6 =	vnsel vm14, $0x18, v62;
	vm0 =	vcmask $0x300;
	[tilespmem:$0x1FFA0] =	vst v5;
	v5 =	vimm.s32 $0x3;
	(pc) =	sbr.rel .LBB2_1-.Ltmp0, $4  }
0x32: {  	v63 =	vimm.s32 $0x2;
	vm15 =	vcmask $0x718;
	s7 =	sadd.s32 $0x28A00, s10;
	s10 =	sadd.s32 $0x2CA00, s10;
	s25 =	simm.s32 $0x1;
	[tilespmem:$0x1FFC0] =	vst v6;
	v5 =	vsel vm0, $0x1, v5  }
0x33: {  	vm1 =	vcmask $0xF18;
	s26 =	simm.s32 $0x12540;
	s5 =	sadd.s32 s9, s5;
	s6 =	sadd.s32 s9, s6;
	v6 =	vsel vm0, $0x0, v63;
	[tilespmem:$0x1FFE0] =	vst v5;
	v5 =	vimm.s32 $0x1  }
0x34: {  	vm2 =	vcmask $0x1318;
	vm3 =	vcmask $0x308;
	s8 =	sadd.s32 s9, s8;
	s9 =	sadd.s32 s9, s11;
	s11 =	sadd.s32 $0x38A00, s12;
	[tilespmem:$0x1FFD0] =	vst v6;
	v5 =	vsel vm0, $0x0, v5  }
0x35: {  	v0 =	vimm.f32 $0.0e+00;
	v2 =	vand.u32 $0xF, v2;
	s12 =	sadd.s32 $0x40A00, s12;
	[dreg:$0x5] =	wrdreg s1;
	s1 =	simm.s32 $0x12380;
	vm0 =	vcmask $0xB18;
	[tilespmem:$0x1FFF0] =	vst v5  }
.LBB2_9:
0x36: {  	s28 =	sadd.s32 $0x1, s28  }
0x37: {  	p1 =	sne.s32 s28, s16  }
.Ltmp1:
0x38: {  	_ = 	snop;
	(pc) =	sbr.rel @!p1 .LBB2_10-.Ltmp1, $1  }
0x39: {  	_ =	sdelay $0x3  }
.LBB2_1:
0x3a: {  	[tilespmem:s2], [sflag:$0x1] =	stream.linear.gather [hbm4b:s4+s2], $0x2000, $0x38;
	[tilespmem:$0x12590] =	vst v63  }
0x3b: {  	s24 =	simm.s32 $0x2000  }
0x3c: {  	[tilespmem:s24], [sflag:$0x1] =	stream.linear.gather [hbm4b:s5+s2], $0x2000, $0x38;
	[tilespmem:$0x12590] =	vst v63  }
0x3d: {  	s30 =	simm.s32 $0x4000  }
0x3e: {  	[tilespmem:s30], [sflag:$0x1] =	stream.linear.gather [hbm4b:s6+s2], $0x2000, $0x38;
	[tilespmem:$0x12590] =	vst v63  }
0x3f: {  	s30 =	simm.s32 $0x6000  }
0x40: {  	[tilespmem:s30], [sflag:$0x1] =	stream.linear.gather [hbm4b:s8+s2], $0x2000, $0x38;
	[tilespmem:$0x12590] =	vst v63  }
0x41: {  	s30 =	simm.s32 $0x8000  }
0x42: {  	[tilespmem:s30], [sflag:$0x1] =	stream.linear.gather [hbm4b:s9+s2], $0x2000, $0x38;
	[tilespmem:$0x12590] =	vst v63  }
0x43: {  	s30 =	simm.s32 $0xA000  }
0x44: {  	[tilespmem:s30], [sflag:$0x1] =	stream.linear.gather [hbm4b:s7+s2], $0x2000, $0x38;
	[tilespmem:$0x12590] =	vst v63  }
0x45: {  	s30 =	simm.s32 $0xC000  }
0x46: {  	[tilespmem:s30], [sflag:$0x1] =	stream.linear.gather [hbm4b:s10+s2], $0x2000, $0x38;
	[tilespmem:$0x12590] =	vst v63  }
0x47: {  	s30 =	simm.s32 $0xE000  }
0x48: {  	[tilespmem:s30], [sflag:$0x1] =	stream.linear.gather [hbm4b:s11+s2], $0x2000, $0x38;
	[tilespmem:$0x12590] =	vst v63  }
0x49: {  	s30 =	simm.s32 $0x10000  }
0x4a: {  	[tilespmem:s30], [sflag:$0x1] =	stream.linear.gather [hbm4b:s12+s2], $0x2000, $0x38;
	[tilespmem:$0x12590] =	vst v63  }
0x4b: {  	_ =	swait.ge [sflag:s25], $0x2000  }
0x4c: {  	[sflag:s25] =	ssyncset.done $0x0  }
0x4d: {  	[sflag:s25] =	ssyncadd.s32 $0xFFFFE000  }
0x4e: {  	_ =	swait.ge [sflag:s25], $0x2000  }
0x4f: {  	[sflag:s25] =	ssyncset.done $0x0  }
0x50: {  	[sflag:s25] =	ssyncadd.s32 $0xFFFFE000  }
0x51: {  	_ =	swait.ge [sflag:s25], $0x2000  }
0x52: {  	[sflag:s25] =	ssyncset.done $0x0  }
0x53: {  	[sflag:s25] =	ssyncadd.s32 $0xFFFFE000  }
0x54: {  	_ =	swait.ge [sflag:s25], $0x2000  }
0x55: {  	[sflag:s25] =	ssyncset.done $0x0  }
0x56: {  	[sflag:s25] =	ssyncadd.s32 $0xFFFFE000  }
0x57: {  	_ =	swait.ge [sflag:s25], $0x2000  }
0x58: {  	[sflag:s25] =	ssyncset.done $0x0  }
0x59: {  	[sflag:s25] =	ssyncadd.s32 $0xFFFFE000  }
0x5a: {  	_ =	swait.ge [sflag:s25], $0x2000  }
0x5b: {  	[sflag:s25] =	ssyncset.done $0x0  }
0x5c: {  	[sflag:s25] =	ssyncadd.s32 $0xFFFFE000  }
0x5d: {  	_ =	swait.ge [sflag:s25], $0x2000  }
0x5e: {  	[sflag:s25] =	ssyncset.done $0x0  }
0x5f: {  	[sflag:s25] =	ssyncadd.s32 $0xFFFFE000  }
0x60: {  	_ =	swait.ge [sflag:s25], $0x2000  }
0x61: {  	[sflag:s25] =	ssyncset.done $0x0  }
0x62: {  	[sflag:s25] =	ssyncadd.s32 $0xFFFFE000  }
0x63: {  	_ =	swait.ge [sflag:s25], $0x2000  }
0x64: {  	[sflag:s25] =	ssyncset.done $0x0  }
0x65: {  	s30 =	simm.s32 $0x0;
	[sflag:s25] =	ssyncadd.s32 $0xFFFFE000  }
0x66: {  	v5 =	vld [tilespmem:s30+$0x2000]  }
0x67: {  	v7 =	vld [tilespmem:s30+$0x6000]  }
0x68: {  	v6 =	vld [tilespmem:s30+$0xE000]  }
0x69: {  	v9 =	vld [tilespmem:s30+$0x4000]  }
0x6a: {  	v11 =	vld [tilespmem:s30+$0x0]  }
0x6b: {  	v12 =	vld [tilespmem:s30+$0x8000];
	_ =	sdelay $0x1  }
0x6c: {  	v60 =	vimm.f32 $0.0e+00;
	v13 =	vadd.f32 v5, v0  }
0x6d: {  	vm7 =	veq.s32 v6, $0x1;
	v15 =	vadd.f32 v9, v0;
	vm6 =	veq.s32 v6, $0x2  }
0x6e: {  	vm4 =	veq.s32 v6, $0x4;
	v16 =	vadd.f32 v11, v0;
	v21 =	vadd.f32 v7, v0  }
0x6f: {  	vm5 =	veq.s32 v6, $0x3;
	v35 =	vadd.f32 v12, v0;
	v14 =	vsel vm7, $0x3F800000, v0  }
0x70: {  	v17 =	vnsel vm7, $0x0, v5;
	v8 =	vnsel vm7, $0x0, v7;
	v18 =	vnsel vm7, $0x0, v12  }
0x71: {  	v20 =	vnsel vm6, $0x0, v11;
	v10 =	vnsel vm6, $0x0, v5;
	v23 =	vnsel vm6, $0x0, v7  }
0x72: {  	s30 =	simm.s32 $0x10;
	v19 =	vnsel vm6, $0x0, v12;
	v25 =	vsel vm5, $0x3F800000, v0;
	v27 =	vnsel vm4, $0x0, v12  }
0x73: {  	v49 =	vld [tilespmem:s30+$0x2000];
	v6 =	vnsel vm4, $0x0, v9;
	v22 =	vnsel vm5, $0x0, v5;
	v28 =	vnsel vm5, $0x0, v7  }
0x74: {  	v31 =	vld [tilespmem:s30+$0x4000];
	v29 =	vsel vm6, $0x3F800000, v0;
	v30 =	vnsel vm4, $0x0, v11;
	v24 =	vnsel vm7, $0x0, v11  }
0x75: {  	v48 =	vld [tilespmem:s30+$0xE000];
	v45 =	vnsel vm7, $0x0, v9;
	v52 =	vnsel vm4, $0x0, v7;
	v26 =	vadd.f32 v8, v0  }
0x76: {  	v50 =	vnsel vm5, $0x0, v12;
	v44 =	vadd.f32 v6, v0;
	v6 =	vadd.f32 v10, v0  }
0x77: {  	v5 =	vnsel vm4, $0x0, v5;
	v10 =	vadd.f32 v19, v0;
	v41 =	vadd.f32 v29, v0  }
0x78: {  	v57 =	vld [tilespmem:s30+$0x0];
	v7 =	vnsel vm5, $0x0, v9;
	v55 =	vadd.f32 v30, v0;
	v40 =	vadd.f32 v14, v0  }
0x79: {  	v47 =	vld [tilespmem:s30+$0x6000];
	v14 =	vnsel vm5, $0x0, v11;
	v19 =	vadd.f32 v18, v0;
	v11 =	vadd.f32 v20, v0  }
0x7a: {  	v36 =	vld [tilespmem:s30+$0x8000];
	vm7 =	veq.s32 v48, $0x1;
	v39 =	vadd.f32 v49, v13;
	v37 =	vadd.f32 v31, v15  }
0x7b: {  	v8 =	vsel vm4, $0x3F800000, v0;
	v34 =	vadd.f32 v22, v0;
	v22 =	vadd.f32 v7, v0  }
0x7c: {  	v43 =	vsel vm7, $0x3F800000, v0;
	vm4 =	veq.s32 v48, $0x4;
	v18 =	vadd.f32 v25, v0  }
0x7d: {  	v42 =	vadd.f32 v57, v16;
	v32 =	vnsel vm7, $0x0, v49;
	v46 =	vadd.f32 v27, v0  }
0x7e: {  	v7 =	vnsel vm7, $0x0, v47;
	v33 =	vadd.f32 v17, v0;
	v12 =	vadd.f32 v23, v0  }
0x7f: {  	v30 =	vnsel vm7, $0x0, v36;
	v38 =	vadd.f32 v47, v21;
	v21 =	vadd.f32 v50, v0  }
0x80: {  	vm5 =	veq.s32 v48, $0x3;
	v59 =	vadd.f32 v45, v0;
	v29 =	vadd.f32 v8, v0  }
0x81: {  	v8 =	vnsel vm6, $0x0, v9;
	v14 =	vadd.f32 v14, v0;
	vm6 =	veq.s32 v48, $0x2  }
0x82: {  	v27 =	vsel vm5, $0x3F800000, v0;
	v58 =	vnsel vm4, $0x0, v36;
	v9 =	vadd.f32 v28, v0  }
0x83: {  	v15 =	vnsel vm5, $0x0, v49;
	v23 =	vnsel vm4, $0x0, v31;
	v25 =	vnsel vm6, $0x0, v57  }
0x84: {  	v17 =	vnsel vm6, $0x0, v49;
	v13 =	vnsel vm6, $0x0, v47;
	v16 =	vnsel vm6, $0x0, v36  }
0x85: {  	v20 =	vadd.f32 v7, v26;
	v7 =	vadd.f32 v5, v0;
	v5 =	vnsel vm5, $0x0, v47  }
0x86: {  	s24 =	simm.s32 $0x80;
	v61 =	vadd.f32 v23, v44;
	v23 =	vimm.f32 $0.0e+00;
	v26 =	vimm.f32 $0.0e+00  }
.LBB2_2:
0x87: {  	s30 =	sshra.s32 s24, $0x2;
	p1 =	sne.s32 s24, $0x7FC0;
	s24 =	sadd.s32 $0x40, s24;
	v6 =	vadd.f32 v17, v6;
	v17 =	vsel vm4, $0x3F800000, v0;
	v60 =	vadd.f32 v52, v60  }
0x88: {  	v44 =	vsel vm6, $0x3F800000, v0;
	v45 =	vnsel vm4, $0x0, v57;
	v23 =	vadd.f32 v8, v23;
	v28 =	vld [tilespmem:s30+$0x2000]  }
0x89: {  	v10 =	vadd.f32 v16, v10;
	v26 =	vadd.f32 v24, v26;
	v24 =	vnsel vm7, $0x0, v57;
	v48 =	vld [tilespmem:s30+$0x6000]  }
0x8a: {  	v50 =	vnsel vm7, $0x0, v31;
	v41 =	vadd.f32 v44, v41;
	v29 =	vadd.f32 v17, v29;
	v16 =	vld [tilespmem:s30+$0x4000]  }
0x8b: {  	v35 =	vadd.f32 v36, v35;
	v8 =	vnsel vm6, $0x0, v31;
	v55 =	vadd.f32 v45, v55;
	v44 =	vld [tilespmem:s30+$0xE000]  }
0x8c: {  	v40 =	vadd.f32 v43, v40;
	v52 =	vnsel vm4, $0x0, v47;
	v17 =	vnsel vm5, $0x0, v57;
	v57 =	vld [tilespmem:s30+$0x0]  }
0x8d: {  	v19 =	vadd.f32 v30, v19;
	v11 =	vadd.f32 v25, v11;
	v45 =	vnsel vm5, $0x0, v36  }
0x8e: {  	v51 =	vnsel vm4, $0x0, v49;
	v14 =	vadd.f32 v17, v14;
	v39 =	vadd.f32 v28, v39;
	v49 =	vmovc v28;
	v36 =	vld [tilespmem:s30+$0x8000];
	v47 =	vmovc v48  }
0x8f: {  	v34 =	vadd.f32 v15, v34;
	v15 =	vnsel vm5, $0x0, v31;
	v37 =	vadd.f32 v16, v37;
	v31 =	vmovc v16  }
0x90: {  	v22 =	vadd.f32 v15, v22;
	vm7 =	veq.s32 v44, $0x1;
	vm6 =	veq.s32 v44, $0x2  }
0x91: {  	v18 =	vadd.f32 v27, v18;
	vm4 =	veq.s32 v44, $0x4;
	v43 =	vsel vm7, $0x3F800000, v0  }
0x92: {  	v46 =	vadd.f32 v58, v46;
	v42 =	vadd.f32 v57, v42;
	v15 =	vnsel vm7, $0x0, v49  }
0x93: {  	v33 =	vadd.f32 v32, v33;
	v27 =	vnsel vm7, $0x0, v47;
	v32 =	vmovc v15;
	v30 =	vnsel vm7, $0x0, v36  }
0x94: {  	v12 =	vadd.f32 v13, v12;
	v25 =	vnsel vm6, $0x0, v57;
	v17 =	vnsel vm6, $0x0, v49  }
.Ltmp2:
0x95: {  	v38 =	vadd.f32 v47, v38;
	v13 =	vnsel vm6, $0x0, v47;
	v16 =	vnsel vm6, $0x0, v36;
	(pc) =	sbr.rel @p1 .LBB2_2-.Ltmp2, $4  }
0x96: {  	v7 =	vadd.f32 v51, v7;
	vm5 =	veq.s32 v44, $0x3;
	v20 =	vadd.f32 v27, v20  }
0x97: {  	v9 =	vadd.f32 v5, v9;
	v27 =	vsel vm5, $0x3F800000, v0;
	v58 =	vnsel vm4, $0x0, v36  }
0x98: {  	v21 =	vadd.f32 v45, v21;
	v28 =	vnsel vm4, $0x0, v31;
	v15 =	vnsel vm5, $0x0, v49  }
0x99: {  	v59 =	vadd.f32 v50, v59;
	v5 =	vnsel vm5, $0x0, v47;
	v61 =	vadd.f32 v28, v61  }
0x9a: {  	_ = 	snop  }
0x9b: {  	v28 =	vadd.f32 v43, v40;
	_ =	sdelay $0x1  }
0x9c: {  	[tilespmem:$0x12540] =	vst v28  }
0x9d: {  	v50 =	vld.idx.msk [tilespmem:v1+s26+$0x0], $0xffff;
	_ =	sdelay $0x4  }
0x9e: {  	v28 =	vadd.f32 v50, v28;
	_ =	sdelay $0x1  }
0x9f: {  	[tilespmem:$0x12540] =	vst v28  }
0xa0: {  	v51 =	vld.idx.msk [tilespmem:v2+s26+$0x0], $0xffff;
	_ =	sdelay $0x4  }
0xa1: {  	v28 =	vadd.f32 v51, v28;
	_ =	sdelay $0x1  }
0xa2: {  	[tilespmem:$0x12540] =	vst v28  }
0xa3: {  	v53 =	vld.idx.msk [tilespmem:v3+s26+$0x0], $0xffff;
	_ =	sdelay $0x4  }
0xa4: {  	v40 =	vadd.f32 v53, v28;
	v28 =	vsel vm6, $0x3F800000, v0  }
0xa5: {  	v28 =	vadd.f32 v28, v41  }
0xa6: {  	[tilespmem:$0x12540] =	vst v40  }
0xa7: {  	v54 =	vld.idx.msk [tilespmem:v4+s26+$0x0], $0xffff;
	[tilespmem:$0x12540] =	vst v28  }
0xa8: {  	v56 =	vld.idx.msk [tilespmem:v1+s26+$0x0], $0xffff;
	_ =	sdelay $0x4  }
0xa9: {  	v28 =	vadd.f32 v56, v28;
	_ =	sdelay $0x1  }
0xaa: {  	[tilespmem:$0x12540] =	vst v28  }
0xab: {  	v62 =	vld.idx.msk [tilespmem:v2+s26+$0x0], $0xffff;
	_ =	sdelay $0x4  }
0xac: {  	v28 =	vadd.f32 v62, v28;
	_ =	sdelay $0x1  }
0xad: {  	[tilespmem:$0x12540] =	vst v28  }
0xae: {  	v63 =	vld.idx.msk [tilespmem:v3+s26+$0x0], $0xffff;
	_ =	sdelay $0x4  }
0xaf: {  	v43 =	vadd.f32 v63, v28;
	_ =	sdelay $0x1  }
0xb0: {  	[tilespmem:$0x12540] =	vst v43  }
0xb1: {  	v18 =	vadd.f32 v27, v18;
	v27 =	vld.idx.msk [tilespmem:v4+s26+$0x0], $0xffff;
	_ =	sdelay $0x3  }
0xb2: {  	[tilespmem:$0x12540] =	vst v18  }
0xb3: {  	[tilespmem:$0x1FE10] =	vst v27;
	v27 =	vld.idx.msk [tilespmem:v1+s26+$0x0], $0xffff;
	_ =	sdelay $0x4  }
0xb4: {  	v18 =	vadd.f32 v27, v18;
	_ =	sdelay $0x1  }
0xb5: {  	[tilespmem:$0x12540] =	vst v18  }
0xb6: {  	v27 =	vld.idx.msk [tilespmem:v2+s26+$0x0], $0xffff;
	_ =	sdelay $0x4  }
0xb7: {  	v18 =	vadd.f32 v27, v18;
	_ =	sdelay $0x1  }
0xb8: {  	[tilespmem:$0x12540] =	vst v18  }
0xb9: {  	v27 =	vld.idx.msk [tilespmem:v3+s26+$0x0], $0xffff;
	_ =	sdelay $0x4  }
0xba: {  	v45 =	vadd.f32 v27, v18;
	_ =	sdelay $0x1  }
0xbb: {  	[tilespmem:$0x12540] =	vst v45  }
0xbc: {  	v27 =	vld.idx.msk [tilespmem:v4+s26+$0x0], $0xffff  }
0xbd: {  	v18 =	vsel vm4, $0x3F800000, v0  }
0xbe: {  	v18 =	vadd.f32 v18, v29;
	_ =	sdelay $0x1  }
0xbf: {  	[tilespmem:$0x12540] =	vst v18  }
0xc0: {  	[tilespmem:$0x1FE20] =	vst v27;
	v27 =	vld.idx.msk [tilespmem:v1+s26+$0x0], $0xffff;
	_ =	sdelay $0x4  }
0xc1: {  	v18 =	vadd.f32 v27, v18;
	_ =	sdelay $0x1  }
0xc2: {  	[tilespmem:$0x12540] =	vst v18  }
0xc3: {  	v27 =	vld.idx.msk [tilespmem:v2+s26+$0x0], $0xffff;
	_ =	sdelay $0x4  }
0xc4: {  	v18 =	vadd.f32 v27, v18;
	_ =	sdelay $0x1  }
0xc5: {  	[tilespmem:$0x12540] =	vst v18  }
0xc6: {  	v27 =	vld.idx.msk [tilespmem:v3+s26+$0x0], $0xffff;
	_ =	sdelay $0x4  }
0xc7: {  	v50 =	vadd.f32 v27, v18  }
0xc8: {  	v24 =	vadd.f32 v24, v26  }
0xc9: {  	v18 =	vnsel vm7, $0x0, v57;
	[tilespmem:$0x12540] =	vst v50  }
0xca: {  	v18 =	vadd.f32 v18, v24;
	v24 =	vld.idx.msk [tilespmem:v4+s26+$0x0], $0xffff;
	_ =	sdelay $0x3  }
0xcb: {  	[tilespmem:$0x12540] =	vst v18  }
0xcc: {  	[tilespmem:$0x1FE30] =	vst v24;
	v24 =	vld.idx.msk [tilespmem:v1+s26+$0x0], $0xffff;
	_ =	sdelay $0x4  }
0xcd: {  	v18 =	vadd.f32 v24, v18;
	_ =	sdelay $0x1  }
0xce: {  	[tilespmem:$0x12540] =	vst v18  }
0xcf: {  	v24 =	vld.idx.msk [tilespmem:v2+s26+$0x0], $0xffff;
	_ =	sdelay $0x4  }
0xd0: {  	v18 =	vadd.f32 v24, v18;
	_ =	sdelay $0x1  }
0xd1: {  	[tilespmem:$0x12540] =	vst v18  }
0xd2: {  	v24 =	vld.idx.msk [tilespmem:v3+s26+$0x0], $0xffff;
	_ =	sdelay $0x4  }
0xd3: {  	v53 =	vadd.f32 v24, v18;
	_ =	sdelay $0x1  }
0xd4: {  	[tilespmem:$0x12540] =	vst v53  }
0xd5: {  	v24 =	vld.idx.msk [tilespmem:v4+s26+$0x0], $0xffff;
	_ =	sdelay $0x1  }
0xd6: {  	v18 =	vadd.f32 v32, v33;
	_ =	sdelay $0x1  }
0xd7: {  	[tilespmem:$0x12540] =	vst v18  }
0xd8: {  	[tilespmem:$0x1FE40] =	vst v24;
	v24 =	vld.idx.msk [tilespmem:v1+s26+$0x0], $0xffff;
	_ =	sdelay $0x4  }
0xd9: {  	v18 =	vadd.f32 v24, v18;
	_ =	sdelay $0x1  }
0xda: {  	[tilespmem:$0x12540] =	vst v18  }
0xdb: {  	v24 =	vld.idx.msk [tilespmem:v2+s26+$0x0], $0xffff;
	_ =	sdelay $0x4  }
0xdc: {  	v18 =	vadd.f32 v24, v18;
	_ =	sdelay $0x1  }
0xdd: {  	[tilespmem:$0x12540] =	vst v18  }
0xde: {  	v24 =	vld.idx.msk [tilespmem:v3+s26+$0x0], $0xffff;
	_ =	sdelay $0x4  }
0xdf: {  	v56 =	vadd.f32 v24, v18;
	_ =	sdelay $0x1  }
0xe0: {  	[tilespmem:$0x12540] =	vst v56  }
0xe1: {  	v24 =	vld.idx.msk [tilespmem:v4+s26+$0x0], $0xffff  }
0xe2: {  	v18 =	vnsel vm7, $0x0, v31  }
0xe3: {  	v18 =	vadd.f32 v18, v59;
	_ =	sdelay $0x1  }
0xe4: {  	[tilespmem:$0x12540] =	vst v18  }
0xe5: {  	[tilespmem:$0x1FE50] =	vst v24;
	v24 =	vld.idx.msk [tilespmem:v1+s26+$0x0], $0xffff;
	_ =	sdelay $0x4  }
0xe6: {  	v18 =	vadd.f32 v24, v18;
	_ =	sdelay $0x1  }
0xe7: {  	[tilespmem:$0x12540] =	vst v18  }
0xe8: {  	v24 =	vld.idx.msk [tilespmem:v2+s26+$0x0], $0xffff;
	_ =	sdelay $0x4  }
0xe9: {  	v18 =	vadd.f32 v24, v18;
	_ =	sdelay $0x1  }
0xea: {  	[tilespmem:$0x12540] =	vst v18  }
0xeb: {  	v24 =	vld.idx.msk [tilespmem:v3+s26+$0x0], $0xffff;
	_ =	sdelay $0x4  }
0xec: {  	v62 =	vadd.f32 v24, v18;
	_ =	sdelay $0x1  }
0xed: {  	[tilespmem:$0x12540] =	vst v62  }
0xee: {  	v18 =	vld.idx.msk [tilespmem:v4+s26+$0x0], $0xffff;
	_ =	sdelay $0x3  }
0xef: {  	[tilespmem:$0x12540] =	vst v20  }
0xf0: {  	[tilespmem:$0x1FE60] =	vst v18;
	v18 =	vld.idx.msk [tilespmem:v1+s26+$0x0], $0xffff;
	_ =	sdelay $0x4  }
0xf1: {  	v18 =	vadd.f32 v18, v20;
	_ =	sdelay $0x1  }
0xf2: {  	[tilespmem:$0x12540] =	vst v18  }
0xf3: {  	v20 =	vld.idx.msk [tilespmem:v2+s26+$0x0], $0xffff;
	_ =	sdelay $0x4  }
0xf4: {  	v18 =	vadd.f32 v20, v18;
	_ =	sdelay $0x1  }
0xf5: {  	[tilespmem:$0x12540] =	vst v18  }
0xf6: {  	v20 =	vld.idx.msk [tilespmem:v3+s26+$0x0], $0xffff;
	_ =	sdelay $0x4  }
0xf7: {  	v29 =	vadd.f32 v20, v18;
	_ =	sdelay $0x1  }
0xf8: {  	[tilespmem:$0x12540] =	vst v29  }
0xf9: {  	v18 =	vadd.f32 v30, v19;
	v19 =	vld.idx.msk [tilespmem:v4+s26+$0x0], $0xffff;
	_ =	sdelay $0x3  }
0xfa: {  	[tilespmem:$0x12540] =	vst v18  }
0xfb: {  	[tilespmem:$0x1FE70] =	vst v19;
	v19 =	vld.idx.msk [tilespmem:v1+s26+$0x0], $0xffff;
	_ =	sdelay $0x4  }
0xfc: {  	v18 =	vadd.f32 v19, v18;
	_ =	sdelay $0x1  }
0xfd: {  	[tilespmem:$0x12540] =	vst v18  }
0xfe: {  	v19 =	vld.idx.msk [tilespmem:v2+s26+$0x0], $0xffff;
	_ =	sdelay $0x4  }
0xff: {  	v18 =	vadd.f32 v19, v18;
	_ =	sdelay $0x1  }
0x100: {  	[tilespmem:$0x12540] =	vst v18  }
0x101: {  	v19 =	vld.idx.msk [tilespmem:v3+s26+$0x0], $0xffff;
	_ =	sdelay $0x4  }
0x102: {  	v32 =	vadd.f32 v19, v18;
	_ =	sdelay $0x1  }
0x103: {  	[tilespmem:$0x12540] =	vst v32  }
0x104: {  	v18 =	vld.idx.msk [tilespmem:v4+s26+$0x0], $0xffff;
	_ =	sdelay $0x1  }
0x105: {  	v11 =	vadd.f32 v25, v11;
	_ =	sdelay $0x1  }
0x106: {  	[tilespmem:$0x12540] =	vst v11  }
0x107: {  	[tilespmem:$0x1FE80] =	vst v18;
	v18 =	vld.idx.msk [tilespmem:v1+s26+$0x0], $0xffff;
	_ =	sdelay $0x4  }
0x108: {  	v11 =	vadd.f32 v18, v11;
	_ =	sdelay $0x1  }
0x109: {  	[tilespmem:$0x12540] =	vst v11  }
0x10a: {  	v18 =	vld.idx.msk [tilespmem:v2+s26+$0x0], $0xffff;
	_ =	sdelay $0x4  }
0x10b: {  	v11 =	vadd.f32 v18, v11;
	_ =	sdelay $0x1  }
0x10c: {  	[tilespmem:$0x12540] =	vst v11  }
0x10d: {  	v18 =	vld.idx.msk [tilespmem:v3+s26+$0x0], $0xffff;
	_ =	sdelay $0x4  }
0x10e: {  	v25 =	vadd.f32 v18, v11  }
0x10f: {  	v6 =	vadd.f32 v17, v6  }
0x110: {  	[tilespmem:$0x12540] =	vst v25  }
0x111: {  	v20 =	vld.idx.msk [tilespmem:v4+s26+$0x0], $0xffff;
	[tilespmem:$0x12540] =	vst v6  }
0x112: {  	v11 =	vld.idx.msk [tilespmem:v1+s26+$0x0], $0xffff;
	_ =	sdelay $0x4  }
0x113: {  	v6 =	vadd.f32 v11, v6;
	_ =	sdelay $0x1  }
0x114: {  	[tilespmem:$0x12540] =	vst v6  }
0x115: {  	v11 =	vld.idx.msk [tilespmem:v2+s26+$0x0], $0xffff;
	_ =	sdelay $0x4  }
0x116: {  	v6 =	vadd.f32 v11, v6;
	_ =	sdelay $0x1  }
0x117: {  	[tilespmem:$0x12540] =	vst v6  }
0x118: {  	v11 =	vld.idx.msk [tilespmem:v3+s26+$0x0], $0xffff;
	_ =	sdelay $0x3  }
0x119: {  	v8 =	vadd.f32 v8, v23  }
0x11a: {  	v23 =	vadd.f32 v11, v6;
	v6 =	vnsel vm6, $0x0, v31  }
0x11b: {  	v6 =	vadd.f32 v6, v8  }
0x11c: {  	[tilespmem:$0x12540] =	vst v23  }
0x11d: {  	v24 =	vld.idx.msk [tilespmem:v4+s26+$0x0], $0xffff;
	[tilespmem:$0x12540] =	vst v6  }
0x11e: {  	v8 =	vld.idx.msk [tilespmem:v1+s26+$0x0], $0xffff;
	_ =	sdelay $0x4  }
0x11f: {  	v6 =	vadd.f32 v8, v6;
	_ =	sdelay $0x1  }
0x120: {  	[tilespmem:$0x12540] =	vst v6  }
0x121: {  	v8 =	vld.idx.msk [tilespmem:v2+s26+$0x0], $0xffff;
	_ =	sdelay $0x4  }
0x122: {  	v6 =	vadd.f32 v8, v6;
	_ =	sdelay $0x1  }
0x123: {  	[tilespmem:$0x12540] =	vst v6  }
0x124: {  	v8 =	vld.idx.msk [tilespmem:v3+s26+$0x0], $0xffff;
	_ =	sdelay $0x4  }
0x125: {  	v11 =	vadd.f32 v8, v6  }
0x126: {  	v6 =	vadd.f32 v13, v12  }
0x127: {  	[tilespmem:$0x12540] =	vst v11  }
0x128: {  	v19 =	vld.idx.msk [tilespmem:v4+s26+$0x0], $0xffff;
	[tilespmem:$0x12540] =	vst v6  }
0x129: {  	v8 =	vld.idx.msk [tilespmem:v1+s26+$0x0], $0xffff;
	_ =	sdelay $0x4  }
0x12a: {  	v6 =	vadd.f32 v8, v6;
	_ =	sdelay $0x1  }
0x12b: {  	[tilespmem:$0x12540] =	vst v6  }
0x12c: {  	v8 =	vld.idx.msk [tilespmem:v2+s26+$0x0], $0xffff;
	_ =	sdelay $0x4  }
0x12d: {  	v6 =	vadd.f32 v8, v6;
	_ =	sdelay $0x1  }
0x12e: {  	[tilespmem:$0x12540] =	vst v6  }
0x12f: {  	v8 =	vld.idx.msk [tilespmem:v3+s26+$0x0], $0xffff;
	_ =	sdelay $0x4  }
0x130: {  	v6 =	vadd.f32 v8, v6  }
0x131: {  	v8 =	vadd.f32 v16, v10  }
0x132: {  	[tilespmem:$0x12540] =	vst v6  }
0x133: {  	v10 =	vld.idx.msk [tilespmem:v4+s26+$0x0], $0xffff;
	[tilespmem:$0x12540] =	vst v8  }
0x134: {  	v12 =	vld.idx.msk [tilespmem:v1+s26+$0x0], $0xffff;
	_ =	sdelay $0x4  }
0x135: {  	v8 =	vadd.f32 v12, v8;
	_ =	sdelay $0x1  }
0x136: {  	[tilespmem:$0x12540] =	vst v8  }
0x137: {  	v12 =	vld.idx.msk [tilespmem:v2+s26+$0x0], $0xffff;
	_ =	sdelay $0x4  }
0x138: {  	v8 =	vadd.f32 v12, v8;
	_ =	sdelay $0x1  }
0x139: {  	[tilespmem:$0x12540] =	vst v8  }
0x13a: {  	v12 =	vld.idx.msk [tilespmem:v3+s26+$0x0], $0xffff;
	_ =	sdelay $0x4  }
0x13b: {  	v8 =	vadd.f32 v12, v8;
	v12 =	vnsel vm5, $0x0, v57  }
0x13c: {  	v12 =	vadd.f32 v12, v14  }
0x13d: {  	[tilespmem:$0x12540] =	vst v8  }
0x13e: {  	v14 =	vld.idx.msk [tilespmem:v4+s26+$0x0], $0xffff;
	[tilespmem:$0x12540] =	vst v12  }
0x13f: {  	v13 =	vld.idx.msk [tilespmem:v1+s26+$0x0], $0xffff;
	_ =	sdelay $0x4  }
0x140: {  	v12 =	vadd.f32 v13, v12;
	_ =	sdelay $0x1  }
0x141: {  	[tilespmem:$0x12540] =	vst v12  }
0x142: {  	v13 =	vld.idx.msk [tilespmem:v2+s26+$0x0], $0xffff;
	_ =	sdelay $0x4  }
0x143: {  	v12 =	vadd.f32 v13, v12;
	_ =	sdelay $0x1  }
0x144: {  	[tilespmem:$0x12540] =	vst v12  }
0x145: {  	v13 =	vld.idx.msk [tilespmem:v3+s26+$0x0], $0xffff;
	_ =	sdelay $0x4  }
0x146: {  	v12 =	vadd.f32 v13, v12  }
0x147: {  	v13 =	vadd.f32 v15, v34  }
0x148: {  	[tilespmem:$0x12540] =	vst v12  }
0x149: {  	v34 =	vld.idx.msk [tilespmem:v4+s26+$0x0], $0xffff;
	[tilespmem:$0x12540] =	vst v13  }
0x14a: {  	v15 =	vld.idx.msk [tilespmem:v1+s26+$0x0], $0xffff;
	_ =	sdelay $0x4  }
0x14b: {  	v13 =	vadd.f32 v15, v13;
	_ =	sdelay $0x1  }
0x14c: {  	[tilespmem:$0x12540] =	vst v13  }
0x14d: {  	v15 =	vld.idx.msk [tilespmem:v2+s26+$0x0], $0xffff;
	_ =	sdelay $0x4  }
0x14e: {  	v13 =	vadd.f32 v15, v13;
	_ =	sdelay $0x1  }
0x14f: {  	[tilespmem:$0x12540] =	vst v13  }
0x150: {  	v15 =	vld.idx.msk [tilespmem:v3+s26+$0x0], $0xffff;
	_ =	sdelay $0x4  }
0x151: {  	v13 =	vadd.f32 v15, v13;
	v15 =	vnsel vm5, $0x0, v31  }
0x152: {  	v15 =	vadd.f32 v15, v22  }
0x153: {  	[tilespmem:$0x12540] =	vst v13  }
0x154: {  	v22 =	vld.idx.msk [tilespmem:v4+s26+$0x0], $0xffff;
	[tilespmem:$0x12540] =	vst v15  }
0x155: {  	v16 =	vld.idx.msk [tilespmem:v1+s26+$0x0], $0xffff;
	_ =	sdelay $0x4  }
0x156: {  	v15 =	vadd.f32 v16, v15;
	_ =	sdelay $0x1  }
0x157: {  	[tilespmem:$0x12540] =	vst v15  }
0x158: {  	v16 =	vld.idx.msk [tilespmem:v2+s26+$0x0], $0xffff;
	_ =	sdelay $0x4  }
0x159: {  	v15 =	vadd.f32 v16, v15;
	_ =	sdelay $0x1  }
0x15a: {  	[tilespmem:$0x12540] =	vst v15  }
0x15b: {  	v16 =	vld.idx.msk [tilespmem:v3+s26+$0x0], $0xffff;
	_ =	sdelay $0x4  }
0x15c: {  	v31 =	vadd.f32 v16, v15  }
0x15d: {  	v9 =	vadd.f32 v5, v9  }
0x15e: {  	[tilespmem:$0x12540] =	vst v31  }
0x15f: {  	v5 =	vld.idx.msk [tilespmem:v4+s26+$0x0], $0xffff;
	[tilespmem:$0x12540] =	vst v9  }
0x160: {  	v15 =	vld.idx.msk [tilespmem:v1+s26+$0x0], $0xffff;
	_ =	sdelay $0x4  }
0x161: {  	v9 =	vadd.f32 v15, v9;
	_ =	sdelay $0x1  }
0x162: {  	[tilespmem:$0x12540] =	vst v9  }
0x163: {  	v15 =	vld.idx.msk [tilespmem:v2+s26+$0x0], $0xffff;
	_ =	sdelay $0x4  }
0x164: {  	v9 =	vadd.f32 v15, v9;
	_ =	sdelay $0x1  }
0x165: {  	[tilespmem:$0x12540] =	vst v9  }
0x166: {  	v15 =	vld.idx.msk [tilespmem:v3+s26+$0x0], $0xffff;
	_ =	sdelay $0x4  }
0x167: {  	v9 =	vadd.f32 v15, v9;
	v15 =	vnsel vm5, $0x0, v36  }
0x168: {  	v16 =	vadd.f32 v15, v21  }
0x169: {  	[tilespmem:$0x12540] =	vst v9  }
0x16a: {  	v15 =	vld.idx.msk [tilespmem:v4+s26+$0x0], $0xffff;
	[tilespmem:$0x12540] =	vst v16  }
0x16b: {  	v17 =	vld.idx.msk [tilespmem:v1+s26+$0x0], $0xffff;
	_ =	sdelay $0x4  }
0x16c: {  	v16 =	vadd.f32 v17, v16;
	_ =	sdelay $0x1  }
0x16d: {  	[tilespmem:$0x12540] =	vst v16  }
0x16e: {  	v17 =	vld.idx.msk [tilespmem:v2+s26+$0x0], $0xffff;
	_ =	sdelay $0x4  }
0x16f: {  	v16 =	vadd.f32 v17, v16;
	_ =	sdelay $0x1  }
0x170: {  	[tilespmem:$0x12540] =	vst v16  }
0x171: {  	v17 =	vld.idx.msk [tilespmem:v3+s26+$0x0], $0xffff;
	_ =	sdelay $0x4  }
0x172: {  	v21 =	vadd.f32 v17, v16;
	v16 =	vnsel vm4, $0x0, v57  }
0x173: {  	v16 =	vadd.f32 v16, v55  }
0x174: {  	[tilespmem:$0x12540] =	vst v21  }
0x175: {  	v55 =	vld.idx.msk [tilespmem:v4+s26+$0x0], $0xffff;
	[tilespmem:$0x12540] =	vst v16  }
0x176: {  	v17 =	vld.idx.msk [tilespmem:v1+s26+$0x0], $0xffff;
	_ =	sdelay $0x4  }
0x177: {  	v16 =	vadd.f32 v17, v16;
	_ =	sdelay $0x1  }
0x178: {  	[tilespmem:$0x12540] =	vst v16  }
0x179: {  	v17 =	vld.idx.msk [tilespmem:v2+s26+$0x0], $0xffff;
	_ =	sdelay $0x4  }
0x17a: {  	v16 =	vadd.f32 v17, v16;
	_ =	sdelay $0x1  }
0x17b: {  	[tilespmem:$0x12540] =	vst v16  }
0x17c: {  	v17 =	vld.idx.msk [tilespmem:v3+s26+$0x0], $0xffff;
	_ =	sdelay $0x4  }
0x17d: {  	v57 =	vadd.f32 v17, v16;
	v16 =	vnsel vm4, $0x0, v49  }
0x17e: {  	v16 =	vadd.f32 v16, v7  }
0x17f: {  	[tilespmem:$0x12540] =	vst v57  }
0x180: {  	v7 =	vld.idx.msk [tilespmem:v4+s26+$0x0], $0xffff;
	[tilespmem:$0x12540] =	vst v16  }
0x181: {  	v17 =	vld.idx.msk [tilespmem:v1+s26+$0x0], $0xffff;
	_ =	sdelay $0x4  }
0x182: {  	v16 =	vadd.f32 v17, v16;
	_ =	sdelay $0x1  }
0x183: {  	[tilespmem:$0x12540] =	vst v16  }
0x184: {  	v17 =	vld.idx.msk [tilespmem:v2+s26+$0x0], $0xffff;
	_ =	sdelay $0x4  }
0x185: {  	v16 =	vadd.f32 v17, v16;
	_ =	sdelay $0x1  }
0x186: {  	[tilespmem:$0x12540] =	vst v16  }
0x187: {  	v17 =	vld.idx.msk [tilespmem:v3+s26+$0x0], $0xffff;
	_ =	sdelay $0x4  }
0x188: {  	v16 =	vadd.f32 v17, v16;
	_ =	sdelay $0x1  }
0x189: {  	[tilespmem:$0x12540] =	vst v16  }
0x18a: {  	v49 =	vld.idx.msk [tilespmem:v4+s26+$0x0], $0xffff;
	[tilespmem:$0x12540] =	vst v61  }
0x18b: {  	v17 =	vld.idx.msk [tilespmem:v1+s26+$0x0], $0xffff;
	_ =	sdelay $0x4  }
0x18c: {  	v17 =	vadd.f32 v17, v61;
	_ =	sdelay $0x1  }
0x18d: {  	[tilespmem:$0x12540] =	vst v17  }
0x18e: {  	v18 =	vld.idx.msk [tilespmem:v2+s26+$0x0], $0xffff;
	_ =	sdelay $0x4  }
0x18f: {  	v17 =	vadd.f32 v18, v17;
	_ =	sdelay $0x1  }
0x190: {  	[tilespmem:$0x12540] =	vst v17  }
0x191: {  	v18 =	vld.idx.msk [tilespmem:v3+s26+$0x0], $0xffff;
	_ =	sdelay $0x3  }
0x192: {  	v26 =	vadd.f32 v52, v60  }
0x193: {  	v52 =	vadd.f32 v18, v17;
	v17 =	vnsel vm4, $0x0, v47  }
0x194: {  	v17 =	vadd.f32 v17, v26  }
0x195: {  	[tilespmem:$0x12540] =	vst v52  }
0x196: {  	v47 =	vld.idx.msk [tilespmem:v4+s26+$0x0], $0xffff;
	[tilespmem:$0x12540] =	vst v17  }
0x197: {  	v18 =	vld.idx.msk [tilespmem:v1+s26+$0x0], $0xffff;
	_ =	sdelay $0x4  }
0x198: {  	v17 =	vadd.f32 v18, v17;
	_ =	sdelay $0x1  }
0x199: {  	[tilespmem:$0x12540] =	vst v17  }
0x19a: {  	v18 =	vld.idx.msk [tilespmem:v2+s26+$0x0], $0xffff;
	_ =	sdelay $0x4  }
0x19b: {  	v17 =	vadd.f32 v18, v17;
	_ =	sdelay $0x1  }
0x19c: {  	[tilespmem:$0x12540] =	vst v17  }
0x19d: {  	v18 =	vld.idx.msk [tilespmem:v3+s26+$0x0], $0xffff;
	_ =	sdelay $0x4  }
0x19e: {  	v60 =	vadd.f32 v18, v17  }
0x19f: {  	v17 =	vadd.f32 v58, v46  }
0x1a0: {  	[tilespmem:$0x12540] =	vst v60  }
0x1a1: {  	v46 =	vld.idx.msk [tilespmem:v4+s26+$0x0], $0xffff;
	[tilespmem:$0x12540] =	vst v17  }
0x1a2: {  	v18 =	vld.idx.msk [tilespmem:v1+s26+$0x0], $0xffff;
	_ =	sdelay $0x4  }
0x1a3: {  	v17 =	vadd.f32 v18, v17;
	_ =	sdelay $0x1  }
0x1a4: {  	[tilespmem:$0x12540] =	vst v17  }
0x1a5: {  	v18 =	vld.idx.msk [tilespmem:v2+s26+$0x0], $0xffff;
	_ =	sdelay $0x4  }
0x1a6: {  	v17 =	vadd.f32 v18, v17;
	_ =	sdelay $0x1  }
0x1a7: {  	[tilespmem:$0x12540] =	vst v17  }
0x1a8: {  	v18 =	vld.idx.msk [tilespmem:v3+s26+$0x0], $0xffff;
	_ =	sdelay $0x4  }
0x1a9: {  	v58 =	vadd.f32 v18, v17;
	_ =	sdelay $0x1  }
0x1aa: {  	[tilespmem:$0x12540] =	vst v58  }
0x1ab: {  	v17 =	vld.idx.msk [tilespmem:v4+s26+$0x0], $0xffff;
	[tilespmem:$0x12540] =	vst v42  }
0x1ac: {  	v18 =	vld.idx.msk [tilespmem:v1+s26+$0x0], $0xffff;
	_ =	sdelay $0x4  }
0x1ad: {  	v18 =	vadd.f32 v18, v42;
	_ =	sdelay $0x1  }
0x1ae: {  	[tilespmem:$0x12540] =	vst v18  }
0x1af: {  	v26 =	vld.idx.msk [tilespmem:v2+s26+$0x0], $0xffff;
	_ =	sdelay $0x4  }
0x1b0: {  	v18 =	vadd.f32 v26, v18;
	_ =	sdelay $0x1  }
0x1b1: {  	[tilespmem:$0x12540] =	vst v18  }
0x1b2: {  	v26 =	vld.idx.msk [tilespmem:v3+s26+$0x0], $0xffff;
	_ =	sdelay $0x4  }
0x1b3: {  	v42 =	vadd.f32 v26, v18;
	_ =	sdelay $0x1  }
0x1b4: {  	[tilespmem:$0x12540] =	vst v42  }
0x1b5: {  	v61 =	vld.idx.msk [tilespmem:v4+s26+$0x0], $0xffff;
	[tilespmem:$0x12540] =	vst v39  }
0x1b6: {  	v18 =	vld.idx.msk [tilespmem:v1+s26+$0x0], $0xffff;
	_ =	sdelay $0x4  }
0x1b7: {  	v18 =	vadd.f32 v18, v39;
	_ =	sdelay $0x1  }
0x1b8: {  	[tilespmem:$0x12540] =	vst v18  }
0x1b9: {  	v26 =	vld.idx.msk [tilespmem:v2+s26+$0x0], $0xffff;
	_ =	sdelay $0x4  }
0x1ba: {  	v18 =	vadd.f32 v26, v18;
	_ =	sdelay $0x1  }
0x1bb: {  	[tilespmem:$0x12540] =	vst v18  }
0x1bc: {  	v26 =	vld.idx.msk [tilespmem:v3+s26+$0x0], $0xffff;
	_ =	sdelay $0x4  }
0x1bd: {  	v39 =	vadd.f32 v26, v18;
	_ =	sdelay $0x1  }
0x1be: {  	[tilespmem:$0x12540] =	vst v39  }
0x1bf: {  	v18 =	vld.idx.msk [tilespmem:v4+s26+$0x0], $0xffff;
	[tilespmem:$0x12540] =	vst v37  }
0x1c0: {  	v26 =	vld.idx.msk [tilespmem:v1+s26+$0x0], $0xffff;
	_ =	sdelay $0x4  }
0x1c1: {  	v26 =	vadd.f32 v26, v37;
	_ =	sdelay $0x1  }
0x1c2: {  	[tilespmem:$0x12540] =	vst v26  }
0x1c3: {  	v27 =	vld.idx.msk [tilespmem:v2+s26+$0x0], $0xffff;
	_ =	sdelay $0x4  }
0x1c4: {  	v26 =	vadd.f32 v27, v26;
	_ =	sdelay $0x1  }
0x1c5: {  	[tilespmem:$0x12540] =	vst v26  }
0x1c6: {  	v27 =	vld.idx.msk [tilespmem:v3+s26+$0x0], $0xffff;
	_ =	sdelay $0x4  }
0x1c7: {  	v37 =	vadd.f32 v27, v26;
	_ =	sdelay $0x1  }
0x1c8: {  	[tilespmem:$0x12540] =	vst v37  }
0x1c9: {  	v26 =	vld.idx.msk [tilespmem:v4+s26+$0x0], $0xffff;
	[tilespmem:$0x12540] =	vst v38  }
0x1ca: {  	v27 =	vld.idx.msk [tilespmem:v1+s26+$0x0], $0xffff;
	_ =	sdelay $0x4  }
0x1cb: {  	v27 =	vadd.f32 v27, v38;
	_ =	sdelay $0x1  }
0x1cc: {  	[tilespmem:$0x12540] =	vst v27  }
0x1cd: {  	v28 =	vld.idx.msk [tilespmem:v2+s26+$0x0], $0xffff;
	_ =	sdelay $0x4  }
0x1ce: {  	v27 =	vadd.f32 v28, v27;
	_ =	sdelay $0x1  }
0x1cf: {  	[tilespmem:$0x12540] =	vst v27  }
0x1d0: {  	v28 =	vld.idx.msk [tilespmem:v3+s26+$0x0], $0xffff;
	_ =	sdelay $0x4  }
0x1d1: {  	v38 =	vadd.f32 v28, v27  }
0x1d2: {  	v27 =	vadd.f32 v36, v35  }
0x1d3: {  	[tilespmem:$0x12540] =	vst v38  }
0x1d4: {  	v35 =	vld.idx.msk [tilespmem:v4+s26+$0x0], $0xffff;
	[tilespmem:$0x12540] =	vst v27  }
0x1d5: {  	v28 =	vld.idx.msk [tilespmem:v1+s26+$0x0], $0xffff;
	_ =	sdelay $0x4  }
0x1d6: {  	v27 =	vadd.f32 v28, v27;
	_ =	sdelay $0x1  }
0x1d7: {  	[tilespmem:$0x12540] =	vst v27  }
0x1d8: {  	v28 =	vld.idx.msk [tilespmem:v2+s26+$0x0], $0xffff;
	_ =	sdelay $0x4  }
0x1d9: {  	v27 =	vadd.f32 v28, v27;
	_ =	sdelay $0x1  }
0x1da: {  	[tilespmem:$0x12540] =	vst v27  }
0x1db: {  	v28 =	vld.idx.msk [tilespmem:v3+s26+$0x0], $0xffff;
	_ =	sdelay $0x4  }
0x1dc: {  	v36 =	vadd.f32 v28, v27;
	_ =	sdelay $0x1  }
0x1dd: {  	[tilespmem:$0x12540] =	vst v36  }
0x1de: {  	s30 =	simm.s32 $0x0;
	v27 =	vld.idx.msk [tilespmem:v4+s26+$0x0], $0xffff  }
0x1df: {  	v63 =	vld [tilespmem:s30+$0x10000]  }
0x1e0: {  	v48 =	vimm.f32 $0.0e+00;
	v51 =	vimm.f32 $0.0e+00;
	v41 =	vld [tilespmem:s30+$0xC000]  }
0x1e1: {  	s24 =	simm.s32 $0x40;
	[tilespmem:$0x1FE00] =	vst v54;
	v54 =	vimm.f32 $0.0e+00;
	v59 =	vimm.f32 $0.0e+00;
	v28 =	vimm.f32 $0.0e+00;
	v44 =	vld [tilespmem:s30+$0xA000]  }
.LBB2_4:
0x1e2: {  	_ = 	snop  }
0x1e3: {  	p1 =	sne.s32 s24, $0x7FC0  }
.Ltmp3:
0x1e4: {  	_ = 	snop;
	(pc) =	sbr.rel @p1 .LBB2_4-.Ltmp3, $4  }
0x1e5: {  	s30 =	sshra.s32 s24, $0x2;
	vm4 =	veq.s32 v63, $0x1  }
0x1e6: {  	v63 =	vld [tilespmem:s30+$0x10000];
	v28 =	vadd.f32 v41, v28;
	v48 =	vadd.f32 v44, v48;
	v30 =	vsel vm4, $0x3F800000, v0  }
0x1e7: {  	v33 =	vnsel vm4, $0x0, v41;
	v41 =	vld [tilespmem:s30+$0xC000];
	v59 =	vadd.f32 v30, v59;
	v30 =	vnsel vm4, $0x0, v44  }
0x1e8: {  	s24 =	sadd.s32 $0x40, s24;
	v51 =	vadd.f32 v33, v51;
	v44 =	vld [tilespmem:s30+$0xA000];
	v54 =	vadd.f32 v30, v54  }
0x1e9: {  	_ =	sdelay $0x1  }
0x1ea: {  	vm4 =	veq.s32 v63, $0x1  }
0x1eb: {  	v30 =	vsel vm4, $0x3F800000, v0  }
0x1ec: {  	v30 =	vadd.f32 v30, v59;
	_ =	sdelay $0x1  }
0x1ed: {  	[tilespmem:$0x12540] =	vst v30  }
0x1ee: {  	v33 =	vld.idx.msk [tilespmem:v1+s26+$0x0], $0xffff;
	_ =	sdelay $0x4  }
0x1ef: {  	v30 =	vadd.f32 v33, v30;
	_ =	sdelay $0x1  }
0x1f0: {  	[tilespmem:$0x12540] =	vst v30  }
0x1f1: {  	v59 =	vld.idx.msk [tilespmem:v2+s26+$0x0], $0xffff;
	_ =	sdelay $0x4  }
0x1f2: {  	v30 =	vadd.f32 v59, v30;
	_ =	sdelay $0x1  }
0x1f3: {  	[tilespmem:$0x12540] =	vst v30  }
0x1f4: {  	v63 =	vld.idx.msk [tilespmem:v3+s26+$0x0], $0xffff;
	_ =	sdelay $0x4  }
0x1f5: {  	v59 =	vnsel vm4, $0x0, v44;
	v30 =	vadd.f32 v63, v30  }
0x1f6: {  	v33 =	vadd.f32 v59, v54  }
0x1f7: {  	[tilespmem:$0x12540] =	vst v30  }
0x1f8: {  	v54 =	vld.idx.msk [tilespmem:v4+s26+$0x0], $0xffff;
	[tilespmem:$0x12540] =	vst v33  }
0x1f9: {  	v63 =	vld.idx.msk [tilespmem:v1+s26+$0x0], $0xffff;
	_ =	sdelay $0x4  }
0x1fa: {  	v33 =	vadd.f32 v63, v33;
	_ =	sdelay $0x1  }
0x1fb: {  	[tilespmem:$0x12540] =	vst v33  }
0x1fc: {  	v63 =	vld.idx.msk [tilespmem:v2+s26+$0x0], $0xffff;
	_ =	sdelay $0x4  }
0x1fd: {  	v33 =	vadd.f32 v63, v33;
	_ =	sdelay $0x1  }
0x1fe: {  	[tilespmem:$0x12540] =	vst v33  }
0x1ff: {  	v63 =	vld.idx.msk [tilespmem:v3+s26+$0x0], $0xffff;
	_ =	sdelay $0x4  }
0x200: {  	v33 =	vadd.f32 v63, v33;
	v63 =	vnsel vm4, $0x0, v41  }
0x201: {  	v51 =	vadd.f32 v63, v51  }
0x202: {  	[tilespmem:$0x12540] =	vst v33  }
0x203: {  	v59 =	vld.idx.msk [tilespmem:v4+s26+$0x0], $0xffff;
	[tilespmem:$0x12540] =	vst v51  }
0x204: {  	v63 =	vld.idx.msk [tilespmem:v1+s26+$0x0], $0xffff;
	_ =	sdelay $0x4  }
0x205: {  	v51 =	vadd.f32 v63, v51;
	_ =	sdelay $0x1  }
0x206: {  	[tilespmem:$0x12540] =	vst v51  }
0x207: {  	v63 =	vld.idx.msk [tilespmem:v2+s26+$0x0], $0xffff;
	_ =	sdelay $0x4  }
0x208: {  	v51 =	vadd.f32 v63, v51;
	_ =	sdelay $0x1  }
0x209: {  	[tilespmem:$0x12540] =	vst v51  }
0x20a: {  	v63 =	vld.idx.msk [tilespmem:v3+s26+$0x0], $0xffff;
	_ =	sdelay $0x4  }
0x20b: {  	v51 =	vadd.f32 v63, v51  }
0x20c: {  	v44 =	vadd.f32 v44, v48  }
0x20d: {  	[tilespmem:$0x12540] =	vst v51  }
0x20e: {  	v48 =	vld.idx.msk [tilespmem:v4+s26+$0x0], $0xffff;
	[tilespmem:$0x12540] =	vst v44  }
0x20f: {  	v63 =	vld.idx.msk [tilespmem:v1+s26+$0x0], $0xffff;
	_ =	sdelay $0x4  }
0x210: {  	v44 =	vadd.f32 v63, v44;
	_ =	sdelay $0x1  }
0x211: {  	[tilespmem:$0x12540] =	vst v44  }
0x212: {  	v63 =	vld.idx.msk [tilespmem:v2+s26+$0x0], $0xffff;
	_ =	sdelay $0x1  }
0x213: {  	v28 =	vadd.f32 v41, v28;
	v41 =	vld [tilespmem:$0x1FE00];
	_ =	sdelay $0x2  }
0x214: {  	v44 =	vadd.f32 v63, v44;
	_ =	sdelay $0x1  }
0x215: {  	v40 =	vadd.f32 v41, v40;
	v41 =	vld [tilespmem:$0x1FE10];
	[tilespmem:$0x12540] =	vst v44  }
0x216: {  	v63 =	vld.idx.msk [tilespmem:v3+s26+$0x0], $0xffff;
	_ =	sdelay $0x3  }
0x217: {  	v41 =	vadd.f32 v41, v43;
	v43 =	vld [tilespmem:$0x1FE20]  }
0x218: {  	v44 =	vadd.f32 v63, v44;
	v63 =	vld [tilespmem:$0x1FE30];
	_ =	sdelay $0x4  }
0x219: {  	v43 =	vadd.f32 v43, v45;
	v45 =	vadd.f32 v63, v50;
	v63 =	vld [tilespmem:$0x1FE40];
	_ =	sdelay $0x4  }
0x21a: {  	v50 =	vadd.f32 v63, v53;
	v63 =	vld [tilespmem:$0x1FE50];
	_ =	sdelay $0x4  }
0x21b: {  	v53 =	vadd.f32 v63, v56;
	v63 =	vld [tilespmem:$0x1FE60];
	_ =	sdelay $0x4  }
0x21c: {  	v56 =	vadd.f32 v63, v62;
	v62 =	vld [tilespmem:$0x1FE70];
	_ =	sdelay $0x4  }
0x21d: {  	v29 =	vadd.f32 v62, v29;
	v62 =	vld [tilespmem:$0x1FE80];
	_ =	sdelay $0x3  }
0x21e: {  	v20 =	vadd.f32 v20, v25;
	[tilespmem:$0x12540] =	vst v44  }
0x21f: {  	v23 =	vadd.f32 v24, v23;
	v32 =	vadd.f32 v62, v32;
	v62 =	vld.idx.msk [tilespmem:v4+s26+$0x0], $0xffff;
	[tilespmem:$0x12540] =	vst v28  }
0x220: {  	v11 =	vadd.f32 v19, v11;
	v6 =	vadd.f32 v10, v6;
	v10 =	vld.idx.msk [tilespmem:v1+s26+$0x0], $0xffff  }
0x221: {  	v8 =	vadd.f32 v14, v8;
	v12 =	vadd.f32 v34, v12  }
0x222: {  	v9 =	vadd.f32 v15, v9;
	v15 =	vadd.f32 $0.0e+00, v50  }
0x223: {  	v13 =	vadd.f32 v22, v13;
	v5 =	vadd.f32 v5, v31  }
0x224: {  	v14 =	vadd.f32 v55, v21;
	v15 =	vadd.f32 v20, v15  }
0x225: {  	v7 =	vadd.f32 v7, v57;
	v10 =	vadd.f32 v10, v28  }
0x226: {  	v16 =	vadd.f32 v49, v16;
	v15 =	vadd.f32 v12, v15  }
0x227: {  	v22 =	vadd.f32 v61, v42;
	v25 =	vadd.f32 v26, v37;
	[tilespmem:$0x12540] =	vst v10  }
0x228: {  	v26 =	vadd.f32 $0.0e+00, v53;
	v15 =	vadd.f32 v7, v15;
	v24 =	vld.idx.msk [tilespmem:v2+s26+$0x0], $0xffff  }
0x229: {  	v19 =	vadd.f32 v47, v52;
	v21 =	vadd.f32 v46, v60  }
0x22a: {  	v15 =	vsub.f32 v22, v15;
	v22 =	vadd.f32 v23, v26  }
0x22b: {  	v17 =	vadd.f32 v17, v58;
	v26 =	vadd.f32 $0.0e+00, v56  }
0x22c: {  	v18 =	vadd.f32 v18, v39;
	v22 =	vadd.f32 v13, v22  }
0x22d: {  	v26 =	vadd.f32 v11, v26;
	v10 =	vadd.f32 v24, v10  }
0x22e: {  	v22 =	vadd.f32 v16, v22;
	v24 =	vadd.f32 $0.0e+00, v29  }
0x22f: {  	v26 =	vadd.f32 v5, v26;
	v31 =	vadd.f32 $0.0e+00, v32;
	[tilespmem:$0x12540] =	vst v10  }
0x230: {  	v18 =	vsub.f32 v18, v22;
	v24 =	vadd.f32 v6, v24;
	v58 =	vld.idx.msk [tilespmem:v3+s26+$0x0], $0xffff  }
0x231: {  	v22 =	vadd.f32 v19, v26;
	v31 =	vadd.f32 v8, v31  }
0x232: {  	v27 =	vadd.f32 v27, v36;
	vm5 =	vmmov $0x3;
	v24 =	vadd.f32 v9, v24  }
0x233: {  	vm6 =	vmmov $0x7;
	v22 =	vsub.f32 v25, v22;
	v31 =	vadd.f32 v14, v31  }
0x234: {  	vm7 =	vmmov $0xf;
	v28 =	vadd.f32 v35, v38;
	v24 =	vadd.f32 v21, v24  }
0x235: {  	vm4 =	vmmov $0x1;
	v26 =	vadd.f32 v17, v31;
	v10 =	vadd.f32 v58, v10  }
0x236: {  	vm8 =	vmmov $0x3f;
	v15 =	vsel vm4, v15, v18;
	v24 =	vsub.f32 v28, v24  }
0x237: {  	vm9 =	vcmask $0xB38;
	v15 =	vsel vm5, v15, v22;
	v25 =	vsub.f32 v27, v26;
	[tilespmem:$0x12540] =	vst v10  }
0x238: {  	v13 =	vnsel vm4, $0x0, v13;
	v18 =	vadd.f32 v59, v33;
	v15 =	vsel vm6, v15, v24;
	v22 =	vld.idx.msk [tilespmem:v4+s26+$0x0], $0xffff  }
0x239: {  	v26 =	vadd.f32 v54, v30;
	vm6 =	vmmov $0x1f;
	v15 =	vsel vm7, v15, v25  }
0x23a: {  	v27 =	vadd.f32 v48, v51;
	v24 =	vadd.f32 v41, v40;
	v15 =	vsel vm6, v15, v50  }
0x23b: {  	v25 =	vadd.f32 v62, v44;
	v15 =	vsel vm8, v15, v53;
	vm8 =	vmmov $0x7f  }
0x23c: {  	v24 =	vadd.f32 v43, v24;
	v15 =	vsel vm8, v15, v56;
	vm8 =	vmmov $0xff  }
0x23d: {  	v15 =	vsel vm8, v15, v29;
	vm8 =	vcmask $0x338;
	v10 =	vadd.f32 v22, v10  }
0x23e: {  	v22 =	vadd.f32 v45, v24;
	v5 =	vsel vm8, v13, v5;
	vm8 =	vcmask $0x738  }
0x23f: {  	v24 =	vadd.f32 $0.0e+00, v18;
	v5 =	vsel vm8, v5, v9;
	v9 =	vadd.f32 $0.0e+00, v27  }
0x240: {  	vm8 =	vmmov $0x1ff;
	v22 =	vsub.f32 $8.192000000e+03, v22;
	v5 =	vsel vm9, v5, v14  }
0x241: {  	v14 =	vsel vm8, v15, v32;
	vm8 =	vmmov $0x3ff;
	vm9 =	vcmask $0xF38  }
0x242: {  	v24 =	vsub.f32 v25, v24;
	v5 =	vsel vm9, v5, v7;
	v7 =	vsel vm8, v14, v20  }
0x243: {  	vm8 =	vmmov $0x7ff;
	vm9 =	vcmask $0x1338;
	v9 =	vsub.f32 v10, v9  }
0x244: {  	v5 =	vsel vm9, v5, v16;
	v7 =	vsel vm8, v7, v23;
	vm9 =	vcmask $0x1738  }
0x245: {  	vm8 =	vmmov $0xfff;
	v5 =	vsel vm9, v5, v19;
	vm9 =	vcmask $0x1B38  }
0x246: {  	v7 =	vsel vm8, v7, v11;
	vm8 =	vmmov $0x1fff;
	v5 =	vsel vm9, v5, v21  }
0x247: {  	v6 =	vsel vm8, v7, v6;
	vm8 =	vcmask $0x1F38;
	vm9 =	vcmask $0x2338  }
0x248: {  	v7 =	vnsel vm4, $0x0, v24;
	v5 =	vsel vm8, v5, v17;
	vm8 =	vmmov $0x3fff  }
0x249: {  	v5 =	vsel vm9, v5, v22;
	v6 =	vsel vm8, v6, v8;
	vm8 =	vcmask $0x2738  }
0x24a: {  	v13 =	vsub.f32 $8.192000000e+03, v26;
	v7 =	vsel vm13, v7, v9;
	v5 =	vsel vm8, v5, v40  }
0x24b: {  	v7 =	vsel vm15, v7, v18;
	vm8 =	vmmov $0x7fff;
	v5 =	vsel vm10, v5, v41  }
0x24c: {  	v7 =	vsel vm0, v7, v27;
	v6 =	vsel vm8, v6, v12;
	v5 =	vsel vm11, v5, v43  }
0x24d: {  	[tilespmem:$0x12000] =	vst v6;
	v6 =	vsel vm1, v7, v13;
	v5 =	vsel vm12, v5, v45  }
0x24e: {  	[tilespmem:$0x12010] =	vst v5;
	v5 =	vsel vm2, v6, v26  }
0x24f: {  	s24 =	simm.s32 $0x12000;
	[tilespmem:$0x12020] =	vst v5  }
0x250: {  	[spmem:s13] =	stream.linear.scatter [tilespmem:s24], [sflag:$0x2], $0x30, $0x38;
	[tilespmem:$0x12590] =	vst v63  }
0x251: {  	_ =	swait.ge [sflag:s29], $0x30  }
0x252: {  	[sflag:s29] =	ssyncset.done $0x0  }
0x253: {  	[sflag:s29] =	ssyncadd.s32 $0xFFFFFFD0  }
0x254: {  	[bflag:$0x0] =	sbarrier.arrive $0xFFFF  }
0x255: {  	s30 =	simm.s32 $0x12030;
	s24 =	rddreg [dreg:$0x2]  }
0x256: {  	[tilespmem:s30], [sflag:$0x2] =	stream.linear.gather [spmem:s24], $0x300, $0x38;
	[tilespmem:$0x12590] =	vst v63  }
0x257: {  	_ =	swait.ge [sflag:s29], $0x300  }
0x258: {  	[sflag:s29] =	ssyncset.done $0x0  }
0x259: {  	[sflag:s29] =	ssyncadd.s32 $0xFFFFFD00  }
0x25a: {  	v5 =	vld [tilespmem:$0x12030]  }
0x25b: {  	v6 =	vld [tilespmem:$0x12040]  }
0x25c: {  	v7 =	vld [tilespmem:$0x12050]  }
0x25d: {  	v8 =	vld [tilespmem:$0x12060]  }
0x25e: {  	v9 =	vld [tilespmem:$0x12070]  }
0x25f: {  	v10 =	vld [tilespmem:$0x12080]  }
0x260: {  	v11 =	vld [tilespmem:$0x12090]  }
0x261: {  	v12 =	vld [tilespmem:$0x120A0]  }
0x262: {  	v13 =	vld [tilespmem:$0x120B0]  }
0x263: {  	v14 =	vld [tilespmem:$0x120C0]  }
0x264: {  	v15 =	vld [tilespmem:$0x120D0]  }
0x265: {  	v16 =	vld [tilespmem:$0x120E0]  }
0x266: {  	v17 =	vld [tilespmem:$0x120F0]  }
0x267: {  	v18 =	vld [tilespmem:$0x12100]  }
0x268: {  	v19 =	vld [tilespmem:$0x12110]  }
0x269: {  	v20 =	vld [tilespmem:$0x12120]  }
0x26a: {  	v21 =	vld [tilespmem:$0x12130]  }
0x26b: {  	v22 =	vld [tilespmem:$0x12140]  }
0x26c: {  	v23 =	vld [tilespmem:$0x12150]  }
0x26d: {  	v24 =	vld [tilespmem:$0x12160]  }
0x26e: {  	v25 =	vld [tilespmem:$0x12170];
	v5 =	vadd.f32 $0.0e+00, v5;
	v7 =	vadd.f32 $0.0e+00, v7  }
0x26f: {  	v26 =	vld [tilespmem:$0x12180];
	v6 =	vadd.f32 $0.0e+00, v6  }
0x270: {  	v5 =	vadd.f32 v8, v5;
	v8 =	vld [tilespmem:$0x12190];
	v7 =	vadd.f32 v10, v7  }
0x271: {  	v6 =	vadd.f32 v9, v6;
	v9 =	vld [tilespmem:$0x121A0]  }
0x272: {  	v10 =	vld [tilespmem:$0x121B0];
	v7 =	vadd.f32 v13, v7  }
0x273: {  	v5 =	vadd.f32 v11, v5;
	v6 =	vadd.f32 v12, v6;
	v11 =	vld [tilespmem:$0x121C0]  }
0x274: {  	v12 =	vld [tilespmem:$0x121D0];
	v7 =	vadd.f32 v16, v7  }
0x275: {  	v13 =	vld [tilespmem:$0x121E0];
	v5 =	vadd.f32 v14, v5;
	v6 =	vadd.f32 v15, v6  }
0x276: {  	v14 =	vld [tilespmem:$0x121F0];
	v7 =	vadd.f32 v19, v7  }
0x277: {  	v15 =	vld [tilespmem:$0x12200];
	v5 =	vadd.f32 v17, v5;
	v6 =	vadd.f32 v18, v6  }
0x278: {  	v16 =	vld [tilespmem:$0x12210];
	v7 =	vadd.f32 v22, v7  }
0x279: {  	v17 =	vld [tilespmem:$0x12220];
	v5 =	vadd.f32 v20, v5;
	v6 =	vadd.f32 v21, v6  }
0x27a: {  	v18 =	vld [tilespmem:$0x12230];
	v7 =	vadd.f32 v25, v7  }
0x27b: {  	v19 =	vld [tilespmem:$0x12240];
	v5 =	vadd.f32 v23, v5;
	v6 =	vadd.f32 v24, v6  }
0x27c: {  	v20 =	vld [tilespmem:$0x12250];
	v7 =	vadd.f32 v9, v7  }
0x27d: {  	v5 =	vadd.f32 v26, v5;
	v6 =	vadd.f32 v8, v6;
	v8 =	vld [tilespmem:$0x12260]  }
0x27e: {  	v9 =	vld [tilespmem:$0x12270];
	v7 =	vadd.f32 v12, v7  }
0x27f: {  	v5 =	vadd.f32 v10, v5;
	v10 =	vld [tilespmem:$0x12280]  }
0x280: {  	v6 =	vadd.f32 v11, v6;
	v11 =	vld [tilespmem:$0x12290];
	v7 =	vadd.f32 v15, v7  }
0x281: {  	v12 =	vld [tilespmem:$0x122A0];
	v5 =	vadd.f32 v13, v5  }
0x282: {  	v6 =	vadd.f32 v14, v6;
	v13 =	vld [tilespmem:$0x122B0];
	v7 =	vadd.f32 v18, v7  }
0x283: {  	v14 =	vld [tilespmem:$0x122C0];
	v5 =	vadd.f32 v16, v5  }
0x284: {  	v15 =	vld [tilespmem:$0x122D0];
	v6 =	vadd.f32 v17, v6;
	v7 =	vadd.f32 v8, v7  }
0x285: {  	v5 =	vadd.f32 v19, v5;
	v8 =	vld [tilespmem:$0x122F0]  }
0x286: {  	v16 =	vld [tilespmem:$0x122E0];
	v6 =	vadd.f32 v20, v6;
	v7 =	vadd.f32 v11, v7  }
0x287: {  	v5 =	vadd.f32 v9, v5;
	v9 =	vld [tilespmem:$0x12300]  }
0x288: {  	v6 =	vadd.f32 v10, v6;
	v10 =	vld [tilespmem:$0x12310];
	v7 =	vadd.f32 v14, v7  }
0x289: {  	v11 =	vld [tilespmem:$0x12320];
	v5 =	vadd.f32 v12, v5  }
0x28a: {  	v6 =	vadd.f32 v13, v6;
	v7 =	vadd.f32 v8, v7;
	v8 =	vld [tilespmem:$0x1FE90]  }
0x28b: {  	v5 =	vadd.f32 v15, v5  }
0x28c: {  	v6 =	vadd.f32 v16, v6  }
0x28d: {  	v5 =	vadd.f32 v9, v5  }
0x28e: {  	v6 =	vadd.f32 v10, v6  }
0x28f: {  	v7 =	vadd.f32 v11, v7;
	[tilespmem:$0x12330] =	vst v5  }
0x290: {  	[tilespmem:$0x12340] =	vst v6  }
0x291: {  	[tilespmem:$0x12350] =	vst v7  }
0x292: {  	v8 =	vld.idx.msk [tilespmem:v8+s31+$0x0], $0xffff;
	_ =	sdelay $0x4  }
0x293: {  	v9 =	vsub.s32 $0x7EF311C3, v8  }
0x294: {  	v10 =	vmul.f32 v9, v8;
	_ =	sdelay $0x1  }
0x295: {  	v10 =	vsub.f32 $2.000000000e+00, v10;
	_ =	sdelay $0x1  }
0x296: {  	v9 =	vmul.f32 v9, v10;
	_ =	sdelay $0x1  }
0x297: {  	v10 =	vmul.f32 v9, v8;
	_ =	sdelay $0x1  }
0x298: {  	v10 =	vsub.f32 $2.000000000e+00, v10;
	_ =	sdelay $0x1  }
0x299: {  	v9 =	vmul.f32 v10, v9;
	_ =	sdelay $0x1  }
0x29a: {  	v10 =	vmul.f32 v9, v8;
	_ =	sdelay $0x1  }
0x29b: {  	v10 =	vsub.f32 $2.000000000e+00, v10;
	_ =	sdelay $0x1  }
0x29c: {  	v9 =	vmul.f32 v10, v9;
	_ =	sdelay $0x1  }
0x29d: {  	v8 =	vmul.f32 v9, v8;
	_ =	sdelay $0x1  }
0x29e: {  	v8 =	vsub.f32 $2.000000000e+00, v8;
	_ =	sdelay $0x1  }
0x29f: {  	v8 =	vmul.f32 v8, v9;
	_ =	sdelay $0x1  }
0x2a0: {  	v5 =	vmul.f32 v8, v5;
	_ =	sdelay $0x1  }
0x2a1: {  	[tilespmem:$0x12360] =	vst v5;
	v5 =	vld [tilespmem:$0x1FEC0];
	_ =	sdelay $0x7  }
0x2a2: {  	v5 =	vld.idx.msk [tilespmem:v5+s31+$0x0], $0xffff;
	_ =	sdelay $0x4  }
0x2a3: {  	v8 =	vsub.s32 $0x7EF311C3, v5  }
0x2a4: {  	v9 =	vmul.f32 v8, v5;
	_ =	sdelay $0x1  }
0x2a5: {  	v9 =	vsub.f32 $2.000000000e+00, v9;
	_ =	sdelay $0x1  }
0x2a6: {  	v8 =	vmul.f32 v8, v9;
	_ =	sdelay $0x1  }
0x2a7: {  	v9 =	vmul.f32 v8, v5;
	_ =	sdelay $0x1  }
0x2a8: {  	v9 =	vsub.f32 $2.000000000e+00, v9;
	_ =	sdelay $0x1  }
0x2a9: {  	v8 =	vmul.f32 v9, v8;
	_ =	sdelay $0x1  }
0x2aa: {  	v9 =	vmul.f32 v8, v5;
	_ =	sdelay $0x1  }
0x2ab: {  	v9 =	vsub.f32 $2.000000000e+00, v9;
	_ =	sdelay $0x1  }
0x2ac: {  	v8 =	vmul.f32 v9, v8;
	_ =	sdelay $0x1  }
0x2ad: {  	v5 =	vmul.f32 v8, v5;
	_ =	sdelay $0x1  }
0x2ae: {  	v5 =	vsub.f32 $2.000000000e+00, v5;
	_ =	sdelay $0x1  }
0x2af: {  	v5 =	vmul.f32 v5, v8;
	_ =	sdelay $0x1  }
0x2b0: {  	v5 =	vmul.f32 v5, v6;
	_ =	sdelay $0x1  }
0x2b1: {  	[tilespmem:$0x12370] =	vst v5;
	v5 =	vld [tilespmem:$0x1FED0];
	_ =	sdelay $0x7  }
0x2b2: {  	v5 =	vld.idx.msk [tilespmem:v5+s31+$0x0], $0xffff;
	_ =	sdelay $0x4  }
0x2b3: {  	v6 =	vsub.s32 $0x7EF311C3, v5  }
0x2b4: {  	v8 =	vmul.f32 v6, v5;
	_ =	sdelay $0x1  }
0x2b5: {  	v8 =	vsub.f32 $2.000000000e+00, v8;
	_ =	sdelay $0x1  }
0x2b6: {  	v6 =	vmul.f32 v6, v8;
	_ =	sdelay $0x1  }
0x2b7: {  	v8 =	vmul.f32 v6, v5;
	_ =	sdelay $0x1  }
0x2b8: {  	v8 =	vsub.f32 $2.000000000e+00, v8;
	_ =	sdelay $0x1  }
0x2b9: {  	v6 =	vmul.f32 v8, v6;
	_ =	sdelay $0x1  }
0x2ba: {  	v8 =	vmul.f32 v6, v5;
	_ =	sdelay $0x1  }
0x2bb: {  	v8 =	vsub.f32 $2.000000000e+00, v8;
	_ =	sdelay $0x1  }
0x2bc: {  	v6 =	vmul.f32 v8, v6;
	_ =	sdelay $0x1  }
0x2bd: {  	v5 =	vmul.f32 v6, v5;
	_ =	sdelay $0x1  }
0x2be: {  	v5 =	vsub.f32 $2.000000000e+00, v5;
	_ =	sdelay $0x1  }
0x2bf: {  	v5 =	vmul.f32 v5, v6;
	_ =	sdelay $0x1  }
0x2c0: {  	v5 =	vmul.f32 v5, v7;
	_ =	sdelay $0x1  }
0x2c1: {  	[tilespmem:$0x12380] =	vst v5;
	v5 =	vld [tilespmem:$0x1FEA0];
	_ =	sdelay $0x7  }
0x2c2: {  	v5 =	vld.idx.msk [tilespmem:v5+s31+$0x0], $0xffff;
	_ =	sdelay $0x4  }
0x2c3: {  	v6 =	vsub.s32 $0x7EF311C3, v5  }
0x2c4: {  	v7 =	vmul.f32 v6, v5;
	_ =	sdelay $0x1  }
0x2c5: {  	v7 =	vsub.f32 $2.000000000e+00, v7;
	_ =	sdelay $0x1  }
0x2c6: {  	v6 =	vmul.f32 v6, v7;
	_ =	sdelay $0x1  }
0x2c7: {  	v7 =	vmul.f32 v6, v5;
	_ =	sdelay $0x1  }
0x2c8: {  	v7 =	vsub.f32 $2.000000000e+00, v7;
	_ =	sdelay $0x1  }
0x2c9: {  	v6 =	vmul.f32 v7, v6;
	_ =	sdelay $0x1  }
0x2ca: {  	v7 =	vmul.f32 v6, v5;
	_ =	sdelay $0x1  }
0x2cb: {  	v7 =	vsub.f32 $2.000000000e+00, v7;
	_ =	sdelay $0x1  }
0x2cc: {  	v6 =	vmul.f32 v7, v6;
	_ =	sdelay $0x1  }
0x2cd: {  	v5 =	vmul.f32 v6, v5;
	_ =	sdelay $0x1  }
0x2ce: {  	v5 =	vsub.f32 $2.000000000e+00, v5;
	_ =	sdelay $0x1  }
0x2cf: {  	v5 =	vmul.f32 v5, v6;
	_ =	sdelay $0x1  }
0x2d0: {  	[tilespmem:$0x12390] =	vst v5;
	v5 =	vld [tilespmem:$0x1FEB0];
	_ =	sdelay $0x7  }
0x2d1: {  	v5 =	vld.idx.msk [tilespmem:v5+s31+$0x0], $0xffff;
	_ =	sdelay $0x4  }
0x2d2: {  	v6 =	vsub.s32 $0x7EF311C3, v5  }
0x2d3: {  	v7 =	vmul.f32 v6, v5;
	_ =	sdelay $0x1  }
0x2d4: {  	v7 =	vsub.f32 $2.000000000e+00, v7;
	_ =	sdelay $0x1  }
0x2d5: {  	v6 =	vmul.f32 v6, v7;
	_ =	sdelay $0x1  }
0x2d6: {  	v7 =	vmul.f32 v6, v5;
	_ =	sdelay $0x1  }
0x2d7: {  	v7 =	vsub.f32 $2.000000000e+00, v7;
	_ =	sdelay $0x1  }
0x2d8: {  	v6 =	vmul.f32 v7, v6;
	_ =	sdelay $0x1  }
0x2d9: {  	v7 =	vmul.f32 v6, v5;
	_ =	sdelay $0x1  }
0x2da: {  	v7 =	vsub.f32 $2.000000000e+00, v7;
	_ =	sdelay $0x1  }
0x2db: {  	v6 =	vmul.f32 v7, v6;
	_ =	sdelay $0x1  }
0x2dc: {  	v5 =	vmul.f32 v6, v5;
	_ =	sdelay $0x1  }
0x2dd: {  	v5 =	vsub.f32 $2.000000000e+00, v5;
	_ =	sdelay $0x1  }
0x2de: {  	v5 =	vmul.f32 v5, v6;
	_ =	sdelay $0x1  }
0x2df: {  	[tilespmem:$0x123A0] =	vst v5;
	v5 =	vld [tilespmem:$0x1FEF0];
	_ =	sdelay $0x7  }
0x2e0: {  	v5 =	vld.idx.msk [tilespmem:v5+s3+$0x0], $0xffff;
	_ =	sdelay $0x4  }
0x2e1: {  	[tilespmem:$0x123B0] =	vst v5;
	v5 =	vld [tilespmem:$0x1FF10];
	_ =	sdelay $0x7  }
0x2e2: {  	v5 =	vld.idx.msk [tilespmem:v5+s3+$0x0], $0xffff;
	_ =	sdelay $0x4  }
0x2e3: {  	[tilespmem:$0x123C0] =	vst v5;
	v5 =	vld [tilespmem:$0x1FF30];
	_ =	sdelay $0x7  }
0x2e4: {  	v5 =	vld.idx.msk [tilespmem:v5+s3+$0x0], $0xffff;
	_ =	sdelay $0x4  }
0x2e5: {  	[tilespmem:$0x123D0] =	vst v5;
	v5 =	vld [tilespmem:$0x1FF50];
	_ =	sdelay $0x7  }
0x2e6: {  	v5 =	vld.idx.msk [tilespmem:v5+s3+$0x0], $0xffff;
	_ =	sdelay $0x4  }
0x2e7: {  	[tilespmem:$0x123E0] =	vst v5;
	v5 =	vld [tilespmem:$0x1FFC0];
	_ =	sdelay $0x7  }
0x2e8: {  	v5 =	vld.idx.msk [tilespmem:v5+s3+$0x0], $0xffff;
	_ =	sdelay $0x4  }
0x2e9: {  	[tilespmem:$0x123F0] =	vst v5;
	v5 =	vld [tilespmem:$0x1FFD0];
	_ =	sdelay $0x7  }
0x2ea: {  	v5 =	vld.idx.msk [tilespmem:v5+s1+$0x0], $0xffff;
	_ =	sdelay $0x4  }
0x2eb: {  	[tilespmem:$0x12400] =	vst v5;
	v5 =	vld [tilespmem:$0x1FFE0];
	_ =	sdelay $0x7  }
0x2ec: {  	v5 =	vld.idx.msk [tilespmem:v5+s1+$0x0], $0xffff;
	_ =	sdelay $0x4  }
0x2ed: {  	s24 =	simm.s32 $0x0;
	[tilespmem:$0x12410] =	vst v5  }
0x2ee: {  	v6 =	vld [tilespmem:s24+$0xE000]  }
0x2ef: {  	v7 =	vld [tilespmem:s24+$0x10000]  }
0x2f0: {  	v8 =	vld [tilespmem:s24+$0xA000]  }
0x2f1: {  	v9 =	vld [tilespmem:s24+$0xC000]  }
0x2f2: {  	v10 =	vld [tilespmem:s24+$0x4000]  }
0x2f3: {  	v5 =	vld [tilespmem:s24+$0x0]  }
0x2f4: {  	v11 =	vld [tilespmem:s24+$0x2000]  }
0x2f5: {  	v16 =	vld [tilespmem:s24+$0x6000]  }
0x2f6: {  	v12 =	vld.idx.msk [tilespmem:v6+s15+$0x0], $0xffff  }
0x2f7: {  	v13 =	vld.idx.msk [tilespmem:v6+s0+$0x0], $0xffff  }
0x2f8: {  	v18 =	vld [tilespmem:s24+$0x8000]  }
0x2f9: {  	s24 =	simm.s32 $0x10;
	v14 =	vld.idx.msk [tilespmem:v6+s17+$0x0], $0xffff  }
0x2fa: {  	v19 =	vld [tilespmem:s24+$0x10000]  }
0x2fb: {  	v15 =	vld.idx.msk [tilespmem:v6+s18+$0x0], $0xffff  }
0x2fc: {  	v17 =	vld.idx.msk [tilespmem:v6+s19+$0x0], $0xffff;
	v12 =	vsub.f32 v5, v12;
	v11 =	vsub.f32 v11, v13  }
0x2fd: {  	v5 =	vld [tilespmem:s24+$0xE000]  }
0x2fe: {  	v22 =	vld [tilespmem:s24+$0x6000];
	v10 =	vsub.f32 v10, v14;
	v12 =	vmul.f32 v12, v12;
	v11 =	vmul.f32 v11, v11  }
0x2ff: {  	v24 =	vld [tilespmem:s24+$0x8000]  }
0x300: {  	v13 =	vld.idx.msk [tilespmem:v7+s21+$0x0], $0xffff;
	v15 =	vsub.f32 v16, v15;
	v10 =	vmul.f32 v10, v10;
	v11 =	vadd.f32 v11, v12  }
0x301: {  	v14 =	vld.idx.msk [tilespmem:v7+s22+$0x0], $0xffff  }
0x302: {  	v35 =	vld.idx.msk [tilespmem:v7+s23+$0x0], $0xffff;
	v17 =	vsub.f32 v18, v17;
	v10 =	vadd.f32 v10, v11;
	v11 =	vmul.f32 v15, v15  }
0x303: {  	v7 =	vld [tilespmem:s24+$0x0]  }
0x304: {  	v15 =	vld [tilespmem:s24+$0x2000];
	v10 =	vadd.f32 v11, v10;
	v11 =	vmul.f32 v17, v17  }
0x305: {  	v8 =	vsub.f32 v8, v13;
	v13 =	vld.idx.msk [tilespmem:v5+s15+$0x0], $0xffff  }
0x306: {  	v9 =	vsub.f32 v9, v14;
	v10 =	vadd.f32 v11, v10;
	v11 =	vld.idx.msk [tilespmem:v5+s0+$0x0], $0xffff  }
0x307: {  	v14 =	vld [tilespmem:s24+$0x4000];
	v8 =	vmul.f32 v8, v8  }
0x308: {  	v9 =	vmul.f32 v9, v9;
	v20 =	vld.idx.msk [tilespmem:v5+s17+$0x0], $0xffff;
	v17 =	vshrl.u32 v10, $0x1;
	v18 =	vmul.f32 $5.000000000e-01, v10  }
0x309: {  	v21 =	vld.idx.msk [tilespmem:v5+s18+$0x0], $0xffff;
	v17 =	vsub.s32 $0x5F3759DF, v17  }
0x30a: {  	v30 =	vld.idx.msk [tilespmem:v6+s20+$0x0], $0xffff;
	v8 =	vadd.f32 v9, v8;
	v9 =	vmul.f32 v17, v18  }
0x30b: {  	v7 =	vsub.f32 v7, v13;
	v13 =	vld.idx.msk [tilespmem:v5+s19+$0x0], $0xffff;
	v11 =	vsub.f32 v15, v11  }
0x30c: {  	v25 =	vld.idx.msk [tilespmem:v19+s21+$0x0], $0xffff;
	v23 =	vshrl.u32 v8, $0x1;
	v15 =	vmul.f32 $5.000000000e-01, v8;
	v9 =	vmul.f32 v17, v9  }
0x30d: {  	v16 =	vld [tilespmem:s24+$0xC000];
	v14 =	vsub.f32 v14, v20;
	v7 =	vmul.f32 v7, v7;
	v11 =	vmul.f32 v11, v11  }
0x30e: {  	v12 =	vld [tilespmem:s24+$0xA000];
	s24 =	simm.s32 $0x20;
	v23 =	vsub.s32 $0x5F3759DF, v23;
	v21 =	vsub.f32 v22, v21;
	v26 =	vsub.f32 $1.500000000e+00, v9  }
0x30f: {  	v20 =	vmul.f32 v23, v15;
	v9 =	vld [tilespmem:s24+$0xE000];
	v7 =	vadd.f32 v11, v7;
	v11 =	vmul.f32 v14, v14  }
0x310: {  	v27 =	vld.idx.msk [tilespmem:v19+s22+$0x0], $0xffff;
	v13 =	vsub.f32 v24, v13;
	v14 =	vmul.f32 v17, v26  }
0x311: {  	v36 =	vld.idx.msk [tilespmem:v19+s23+$0x0], $0xffff;
	v17 =	vmul.f32 v23, v20;
	v7 =	vadd.f32 v11, v7;
	v11 =	vmul.f32 v21, v21  }
0x312: {  	v19 =	vld [tilespmem:s24+$0x0];
	v18 =	vmul.f32 v14, v18  }
0x313: {  	v22 =	vld [tilespmem:s24+$0xA000];
	v17 =	vsub.f32 $1.500000000e+00, v17;
	v7 =	vadd.f32 v11, v7;
	v11 =	vmul.f32 v13, v13  }
0x314: {  	v12 =	vsub.f32 v12, v25;
	v20 =	vld [tilespmem:s24+$0x10000];
	v13 =	vmul.f32 v18, v14  }
0x315: {  	v18 =	vld [tilespmem:s24+$0x4000];
	v17 =	vmul.f32 v23, v17;
	v23 =	vadd.f32 v11, v7  }
0x316: {  	v11 =	vmul.f32 v12, v12;
	v12 =	vsub.f32 v16, v27;
	v7 =	vsub.f32 $1.500000000e+00, v13;
	v13 =	vld [tilespmem:s24+$0x2000]  }
0x317: {  	v15 =	vmul.f32 v17, v15;
	v16 =	vld.idx.msk [tilespmem:v9+s15+$0x0], $0xffff  }
0x318: {  	v26 =	vld.idx.msk [tilespmem:v9+s17+$0x0], $0xffff;
	v24 =	vshrl.u32 v23, $0x1;
	v25 =	vmul.f32 $5.000000000e-01, v23;
	v12 =	vmul.f32 v12, v12  }
0x319: {  	v7 =	vmul.f32 v7, v14;
	v14 =	vld.idx.msk [tilespmem:v9+s0+$0x0], $0xffff;
	v24 =	vsub.s32 $0x5F3759DF, v24;
	v15 =	vmul.f32 v15, v17  }
0x31a: {  	v21 =	vld [tilespmem:s24+$0xC000];
	v27 =	vmul.f32 v24, v25;
	v28 =	vadd.f32 v12, v11  }
0x31b: {  	v11 =	vld.idx.msk [tilespmem:v9+s18+$0x0], $0xffff;
	v7 =	vmul.f32 v7, v10;
	v10 =	vsub.f32 $1.500000000e+00, v15  }
0x31c: {  	v12 =	vld [tilespmem:s24+$0x6000];
	v15 =	vmul.f32 v24, v27;
	v27 =	vshrl.u32 v28, $0x1;
	v29 =	vmul.f32 $5.000000000e-01, v28  }
0x31d: {  	v16 =	vsub.f32 v19, v16;
	v19 =	vld.idx.msk [tilespmem:v9+s19+$0x0], $0xffff;
	v18 =	vsub.f32 v18, v26;
	v27 =	vsub.s32 $0x5F3759DF, v27  }
0x31e: {  	v17 =	vmul.f32 v10, v17;
	v13 =	vsub.f32 v13, v14;
	v14 =	vld [tilespmem:s24+$0x8000];
	v15 =	vsub.f32 $1.500000000e+00, v15  }
0x31f: {  	v26 =	vld.idx.msk [tilespmem:v20+s21+$0x0], $0xffff;
	v6 =	vadd.f32 $-5.000000000e-01, v7;
	v7 =	vmul.f32 v27, v29;
	v16 =	vmul.f32 v16, v16;
	s24 =	simm.s32 $0x30  }
0x320: {  	v10 =	vld [tilespmem:s24+$0xE000];
	v13 =	vmul.f32 v13, v13;
	v15 =	vmul.f32 v24, v15  }
0x321: {  	v11 =	vsub.f32 v12, v11;
	v8 =	vmul.f32 v17, v8;
	v7 =	vmul.f32 v27, v7  }
0x322: {  	v12 =	vld [tilespmem:s24+$0xA000];
	v13 =	vadd.f32 v13, v16;
	v16 =	vmul.f32 v18, v18;
	v18 =	vmul.f32 v15, v25  }
0x323: {  	v60 =	vld [tilespmem:s24+$0x6000];
	v25 =	vmax.f32 v6, $0.0e+00;
	v14 =	vsub.f32 v14, v19;
	v19 =	vsub.f32 $1.500000000e+00, v7  }
0x324: {  	v24 =	vld.idx.msk [tilespmem:v20+s22+$0x0], $0xffff;
	v13 =	vadd.f32 v16, v13;
	v16 =	vmul.f32 v11, v11;
	v18 =	vmul.f32 v18, v15  }
0x325: {  	v17 =	vsub.f32 v22, v26;
	v22 =	vld [tilespmem:s24+$0x0];
	v25 =	vmul.f32 v25, v25;
	v19 =	vmul.f32 v27, v19  }
0x326: {  	v26 =	vld [tilespmem:s24+$0x2000];
	v14 =	vmul.f32 v14, v14;
	v13 =	vadd.f32 v16, v13;
	v16 =	vsub.f32 $1.500000000e+00, v18  }
0x327: {  	v6 =	vld [tilespmem:s24+$0x10000];
	v7 =	vimm.f32 $0.0e+00;
	v25 =	vmul.f32 v25, v30;
	v18 =	vmul.f32 v19, v29  }
0x328: {  	v13 =	vadd.f32 v14, v13;
	v14 =	vmul.f32 v16, v15;
	v15 =	vmul.f32 v17, v17;
	v17 =	vld.idx.msk [tilespmem:v10+s15+$0x0], $0xffff  }
0x329: {  	v30 =	vadd.f32 $-5.000000000e-01, v8;
	v16 =	vsub.f32 v21, v24;
	v24 =	vld.idx.msk [tilespmem:v10+s0+$0x0], $0xffff;
	v21 =	vmul.f32 v18, v19  }
0x32a: {  	v11 =	vld [tilespmem:s24+$0xC000];
	v29 =	vshrl.u32 v13, $0x1;
	v18 =	vmul.f32 $5.000000000e-01, v13;
	v14 =	vmul.f32 v14, v23  }
0x32b: {  	v16 =	vmul.f32 v16, v16;
	v23 =	vsub.s32 $0x5F3759DF, v29;
	v29 =	vld.idx.msk [tilespmem:v5+s20+$0x0], $0xffff;
	v5 =	vsub.f32 $1.500000000e+00, v21  }
0x32c: {  	v27 =	vld [tilespmem:s24+$0x4000];
	v31 =	vadd.f32 v25, v7;
	v25 =	vmul.f32 v23, v18;
	v14 =	vadd.f32 $-5.000000000e-01, v14  }
0x32d: {  	v21 =	vld.idx.msk [tilespmem:v10+s17+$0x0], $0xffff;
	v8 =	vadd.f32 v16, v15;
	v15 =	vmul.f32 v5, v19;
	v17 =	vsub.f32 v22, v17  }
0x32e: {  	v16 =	vld.idx.msk [tilespmem:v10+s18+$0x0], $0xffff;
	v62 =	vsub.f32 v26, v24;
	v61 =	vmul.f32 v23, v25;
	v14 =	vmax.f32 v14, $0.0e+00  }
0x32f: {  	v5 =	vld.idx.msk [tilespmem:v20+s23+$0x0], $0xffff;
	v20 =	vshrl.u32 v8, $0x1;
	v22 =	vmul.f32 v14, v14;
	v14 =	vmul.f32 $5.000000000e-01, v8  }
0x330: {  	v26 =	vld [tilespmem:s24+$0x8000];
	v19 =	vmul.f32 v15, v28;
	v20 =	vsub.s32 $0x5F3759DF, v20;
	v15 =	vsub.f32 $1.500000000e+00, v61  }
0x331: {  	v25 =	vld.idx.msk [tilespmem:v10+s19+$0x0], $0xffff;
	v22 =	vmul.f32 v22, v29;
	v63 =	vmul.f32 v20, v14  }
0x332: {  	v30 =	vmax.f32 v30, $0.0e+00;
	v24 =	vld.idx.msk [tilespmem:v6+s21+$0x0], $0xffff;
	v29 =	vmul.f32 v17, v17;
	v23 =	vmul.f32 v23, v15  }
0x333: {  	s30 =	simm.s32 $0x40;
	v28 =	vsub.f32 v27, v21;
	v21 =	vld.idx.msk [tilespmem:v6+s22+$0x0], $0xffff;
	v15 =	vmul.f32 v30, v30;
	v30 =	vmul.f32 v62, v62  }
0x334: {  	s24 =	simm.s32 $0x140;
	v27 =	vsub.f32 v60, v16;
	v17 =	vld [tilespmem:s30+$0xE000];
	v16 =	vadd.f32 v22, v31;
	v22 =	vmul.f32 v20, v63  }
.LBB2_6:
0x335: {  	p1 =	sne.s32 s24, $0x7FC0;
	v31 =	vld [tilespmem:s30+$0x10000];
	v29 =	vadd.f32 v30, v29;
	v28 =	vmul.f32 v28, v28;
	v18 =	vmul.f32 v23, v18  }
0x336: {  	v15 =	vmul.f32 v15, v35;
	v35 =	vmovc v36;
	v36 =	vmovc v5;
	v30 =	vld [tilespmem:s30+$0xA000];
	v25 =	vsub.f32 v26, v25;
	v22 =	vsub.f32 $1.500000000e+00, v22  }
0x337: {  	v27 =	vmul.f32 v27, v27;
	v26 =	vld [tilespmem:s30+$0xC000];
	v28 =	vadd.f32 v28, v29;
	v18 =	vmul.f32 v18, v23  }
0x338: {  	v19 =	vadd.f32 $-5.000000000e-01, v19;
	v29 =	vsub.f32 v12, v24;
	v5 =	vld.idx.msk [tilespmem:v6+s23+$0x0], $0xffff;
	v20 =	vmul.f32 v20, v22  }
0x339: {  	v25 =	vmul.f32 v25, v25;
	v22 =	vld [tilespmem:s30+$0x4000];
	v24 =	vadd.f32 v27, v28;
	v18 =	vsub.f32 $1.500000000e+00, v18  }
0x33a: {  	v32 =	vsub.f32 v11, v21;
	v28 =	vmul.f32 v29, v29;
	v27 =	vld [tilespmem:s30+$0x0];
	v14 =	vmul.f32 v20, v14;
	v6 =	vmovc v31  }
0x33b: {  	v19 =	vmax.f32 v19, $0.0e+00;
	v21 =	vld [tilespmem:s30+$0x2000];
	v24 =	vadd.f32 v25, v24;
	v23 =	vmul.f32 v18, v23;
	v12 =	vmovc v30  }
0x33c: {  	v7 =	vadd.f32 v15, v7;
	v29 =	vmul.f32 v32, v32;
	v25 =	vld.idx.msk [tilespmem:v17+s15+$0x0], $0xffff;
	v14 =	vmul.f32 v14, v20  }
0x33d: {  	v11 =	vmovc v26;
	v30 =	vld.idx.msk [tilespmem:v17+s0+$0x0], $0xffff;
	v15 =	vshrl.u32 v24, $0x1;
	v18 =	vmul.f32 $5.000000000e-01, v24;
	v23 =	vmul.f32 v23, v13;
	v13 =	vmovc v24  }
0x33e: {  	v24 =	vadd.f32 v29, v28;
	v31 =	vsub.s32 $0x5F3759DF, v15;
	v28 =	vld.idx.msk [tilespmem:v9+s20+$0x0], $0xffff;
	v26 =	vsub.f32 $1.500000000e+00, v14;
	v9 =	vmovc v10;
	v10 =	vmovc v17  }
0x33f: {  	v15 =	vmul.f32 v19, v19;
	v32 =	vld.idx.msk [tilespmem:v17+s17+$0x0], $0xffff;
	v29 =	vmul.f32 v31, v18;
	v23 =	vadd.f32 $-5.000000000e-01, v23  }
0x340: {  	v19 =	vshrl.u32 v24, $0x1;
	v14 =	vmul.f32 $5.000000000e-01, v24;
	v33 =	vld.idx.msk [tilespmem:v17+s18+$0x0], $0xffff;
	v34 =	vmul.f32 v26, v20  }
0x341: {  	v20 =	vsub.s32 $0x5F3759DF, v19;
	v37 =	vld [tilespmem:s30+$0x6000];
	v29 =	vmul.f32 v31, v29;
	v19 =	vmax.f32 v23, $0.0e+00  }
.Ltmp4:
0x342: {  	v23 =	vsub.f32 v27, v25;
	v38 =	vmul.f32 v20, v14;
	v25 =	vld.idx.msk [tilespmem:v17+s19+$0x0], $0xffff;
	v17 =	vmul.f32 v19, v19;
	(pc) =	sbr.rel @p1 .LBB2_6-.Ltmp4, $4  }
0x343: {  	v21 =	vsub.f32 v21, v30;
	v19 =	vmul.f32 v34, v8;
	v8 =	vmovc v24;
	v26 =	vld [tilespmem:s30+$0x8000];
	v27 =	vsub.f32 $1.500000000e+00, v29  }
0x344: {  	v29 =	vmul.f32 v23, v23;
	v24 =	vld.idx.msk [tilespmem:v6+s21+$0x0], $0xffff;
	v34 =	vmul.f32 v17, v28  }
0x345: {  	s30 =	sshra.s32 s24, $0x2;
	v30 =	vmul.f32 v21, v21;
	v28 =	vsub.f32 v22, v32;
	v21 =	vld.idx.msk [tilespmem:v6+s22+$0x0], $0xffff;
	v23 =	vmul.f32 v31, v27  }
0x346: {  	s24 =	sadd.s32 $0x40, s24;
	v22 =	vmul.f32 v20, v38;
	v17 =	vld [tilespmem:s30+$0xE000];
	v27 =	vsub.f32 v37, v33;
	v16 =	vadd.f32 v34, v16  }
0x347: {  	_ =	sdelay $0x5  }
0x348: {  	v31 =	vld [tilespmem:s30+$0x0]  }
0x349: {  	v32 =	vld [tilespmem:s30+$0x2000]  }
0x34a: {  	v33 =	vld.idx.msk [tilespmem:v17+s15+$0x0], $0xffff  }
0x34b: {  	v34 =	vld.idx.msk [tilespmem:v17+s0+$0x0], $0xffff  }
0x34c: {  	v37 =	vld [tilespmem:s30+$0x4000]  }
0x34d: {  	v38 =	vld.idx.msk [tilespmem:v17+s17+$0x0], $0xffff  }
0x34e: {  	v40 =	vld [tilespmem:s30+$0x6000]  }
0x34f: {  	v39 =	vld.idx.msk [tilespmem:v17+s18+$0x0], $0xffff  }
0x350: {  	v63 =	vld [tilespmem:s30+$0x8000];
	v31 =	vsub.f32 v31, v33;
	v32 =	vsub.f32 v32, v34  }
0x351: {  	v29 =	vadd.f32 v30, v29;
	v28 =	vmul.f32 v28, v28;
	v62 =	vld.idx.msk [tilespmem:v17+s19+$0x0], $0xffff  }
0x352: {  	v38 =	vsub.f32 v37, v38;
	v31 =	vmul.f32 v31, v31;
	v32 =	vmul.f32 v32, v32  }
0x353: {  	v25 =	vsub.f32 v26, v25;
	v27 =	vmul.f32 v27, v27;
	v41 =	vadd.f32 v28, v29  }
0x354: {  	v42 =	vsub.f32 v40, v39;
	v44 =	vmul.f32 v38, v38;
	v43 =	vadd.f32 v32, v31  }
0x355: {  	v25 =	vmul.f32 v25, v25;
	v26 =	vadd.f32 v27, v41  }
0x356: {  	v45 =	vsub.f32 v63, v62;
	v28 =	vmul.f32 v42, v42;
	v29 =	vadd.f32 v44, v43;
	_ =	sdelay $0x1  }
0x357: {  	v25 =	vadd.f32 v25, v26;
	v27 =	vmul.f32 v45, v45;
	v46 =	vadd.f32 v28, v29;
	_ =	sdelay $0x1  }
0x358: {  	v47 =	vshrl.u32 v25, $0x1;
	v48 =	vmul.f32 $5.000000000e-01, v25;
	v26 =	vadd.f32 v27, v46  }
0x359: {  	v49 =	vsub.s32 $0x5F3759DF, v47  }
0x35a: {  	v28 =	vmul.f32 v49, v48;
	v50 =	vshrl.u32 v26, $0x1;
	v51 =	vmul.f32 $5.000000000e-01, v26  }
0x35b: {  	v30 =	vsub.s32 $0x5F3759DF, v50  }
0x35c: {  	v28 =	vmul.f32 v49, v28;
	v52 =	vmul.f32 v30, v51  }
0x35d: {  	v18 =	vmul.f32 v23, v18  }
0x35e: {  	v53 =	vld [tilespmem:s30+$0x10000];
	v28 =	vsub.f32 $1.500000000e+00, v28;
	v32 =	vmul.f32 v30, v52  }
0x35f: {  	v18 =	vmul.f32 v18, v23  }
0x360: {  	v27 =	vmul.f32 v49, v28;
	v54 =	vsub.f32 $1.500000000e+00, v32  }
0x361: {  	v18 =	vsub.f32 $1.500000000e+00, v18  }
0x362: {  	v29 =	vmul.f32 v27, v48;
	v28 =	vmul.f32 v30, v54  }
0x363: {  	v18 =	vmul.f32 v18, v23  }
0x364: {  	v55 =	vld [tilespmem:s30+$0xA000];
	v29 =	vmul.f32 v29, v27;
	v30 =	vmul.f32 v28, v51  }
0x365: {  	v58 =	vld [tilespmem:s30+$0xC000]  }
0x366: {  	v13 =	vmul.f32 v18, v13;
	v59 =	vld.idx.msk [tilespmem:v53+s21+$0x0], $0xffff;
	v56 =	vsub.f32 $1.500000000e+00, v29;
	v57 =	vmul.f32 v30, v28  }
0x367: {  	v12 =	vsub.f32 v12, v24;
	v61 =	vld.idx.msk [tilespmem:v53+s22+$0x0], $0xffff  }
0x368: {  	v9 =	vld.idx.msk [tilespmem:v9+s20+$0x0], $0xffff;
	v13 =	vadd.f32 $-5.000000000e-01, v13;
	v23 =	vmul.f32 v56, v27;
	v60 =	vsub.f32 $1.500000000e+00, v57  }
0x369: {  	v11 =	vsub.f32 v11, v21;
	v12 =	vmul.f32 v12, v12  }
0x36a: {  	v13 =	vmax.f32 v13, $0.0e+00;
	v23 =	vmul.f32 v23, v25;
	v62 =	vmul.f32 v60, v28  }
0x36b: {  	v11 =	vmul.f32 v11, v11;
	v13 =	vmul.f32 v13, v13;
	v18 =	vsub.f32 v55, v59  }
0x36c: {  	v10 =	vld.idx.msk [tilespmem:v10+s20+$0x0], $0xffff;
	v24 =	vsub.f32 v58, v61;
	v63 =	vadd.f32 $-5.000000000e-01, v23;
	v28 =	vmul.f32 v62, v26  }
0x36d: {  	v11 =	vadd.f32 v11, v12;
	v9 =	vmul.f32 v13, v9;
	v31 =	vmul.f32 v18, v18  }
0x36e: {  	v32 =	vmul.f32 v24, v24;
	v29 =	vld.idx.msk [tilespmem:v17+s20+$0x0], $0xffff;
	v21 =	vmax.f32 v63, $0.0e+00;
	v23 =	vadd.f32 $-5.000000000e-01, v28  }
0x36f: {  	v39 =	vmul.f32 $5.000000000e-01, v11;
	v38 =	vshrl.u32 v11, $0x1;
	v30 =	vmul.f32 v21, v21  }
0x370: {  	v9 =	vadd.f32 v9, v16;
	v13 =	vadd.f32 v32, v31;
	v34 =	vmax.f32 v23, $0.0e+00  }
0x371: {  	v16 =	vsub.s32 $0x5F3759DF, v38;
	v10 =	vmul.f32 v30, v10;
	v37 =	vmul.f32 v34, v34  }
0x372: {  	v41 =	vmul.f32 v16, v39;
	v42 =	vshrl.u32 v13, $0x1  }
0x373: {  	v18 =	vmul.f32 $5.000000000e-01, v13;
	v9 =	vadd.f32 v10, v9;
	v40 =	vmul.f32 v37, v29  }
0x374: {  	v22 =	vsub.f32 $1.500000000e+00, v22;
	v17 =	vsub.s32 $0x5F3759DF, v42  }
0x375: {  	v43 =	vmul.f32 v16, v41;
	v45 =	vmul.f32 v17, v18;
	v9 =	vadd.f32 v40, v9  }
0x376: {  	v6 =	vld.idx.msk [tilespmem:v6+s23+$0x0], $0xffff;
	v20 =	vmul.f32 v20, v22  }
0x377: {  	v44 =	vld.idx.msk [tilespmem:v53+s23+$0x0], $0xffff;
	v46 =	vmul.f32 v17, v45;
	v10 =	vsub.f32 $1.500000000e+00, v43;
	[tilespmem:$0x12540] =	vst v9  }
0x378: {  	v14 =	vmul.f32 v20, v14;
	v47 =	vld.idx.msk [tilespmem:v1+s26+$0x0], $0xffff  }
0x379: {  	v48 =	vsub.f32 $1.500000000e+00, v46;
	v10 =	vmul.f32 v16, v10  }
0x37a: {  	v14 =	vmul.f32 v14, v20  }
0x37b: {  	v16 =	vmul.f32 v17, v48;
	v21 =	vmul.f32 v10, v39  }
0x37c: {  	v14 =	vsub.f32 $1.500000000e+00, v14  }
0x37d: {  	v18 =	vmul.f32 v16, v18;
	v49 =	vmul.f32 v21, v10;
	v9 =	vadd.f32 v47, v9  }
0x37e: {  	v14 =	vmul.f32 v14, v20  }
0x37f: {  	v18 =	vmul.f32 v18, v16;
	v17 =	vsub.f32 $1.500000000e+00, v49;
	[tilespmem:$0x12540] =	vst v9  }
0x380: {  	v8 =	vmul.f32 v14, v8;
	v50 =	vld.idx.msk [tilespmem:v2+s26+$0x0], $0xffff  }
0x381: {  	v19 =	vadd.f32 $-5.000000000e-01, v19;
	v51 =	vsub.f32 $1.500000000e+00, v18;
	v10 =	vmul.f32 v17, v10  }
0x382: {  	v8 =	vadd.f32 $-5.000000000e-01, v8  }
0x383: {  	v52 =	vmax.f32 v19, $0.0e+00;
	v53 =	vmul.f32 v51, v16;
	v10 =	vmul.f32 v10, v11  }
0x384: {  	v8 =	vmax.f32 v8, $0.0e+00;
	v55 =	vmul.f32 v52, v52;
	v54 =	vmul.f32 v15, v35  }
0x385: {  	v11 =	vmul.f32 v53, v13;
	v10 =	vadd.f32 $-5.000000000e-01, v10;
	v9 =	vadd.f32 v50, v9  }
0x386: {  	v8 =	vmul.f32 v8, v8;
	v7 =	vadd.f32 v54, v7;
	v56 =	vmul.f32 v55, v36  }
0x387: {  	v11 =	vadd.f32 $-5.000000000e-01, v11;
	v10 =	vmax.f32 v10, $0.0e+00;
	[tilespmem:$0x12540] =	vst v9  }
0x388: {  	v5 =	vmul.f32 v8, v5;
	v7 =	vadd.f32 v56, v7;
	v58 =	vmul.f32 v10, v10;
	v57 =	vld.idx.msk [tilespmem:v3+s26+$0x0], $0xffff  }
0x389: {  	v59 =	vmax.f32 v11, $0.0e+00  }
0x38a: {  	v5 =	vadd.f32 v5, v7;
	v7 =	vmul.f32 v59, v59;
	v6 =	vmul.f32 v58, v6;
	_ =	sdelay $0x1  }
0x38b: {  	v5 =	vadd.f32 v6, v5;
	v6 =	vmul.f32 v7, v44  }
0x38c: {  	v7 =	vadd.f32 v57, v9  }
0x38d: {  	v5 =	vadd.f32 v6, v5  }
0x38e: {  	[tilespmem:$0x12540] =	vst v7  }
0x38f: {  	v6 =	vld.idx.msk [tilespmem:v4+s26+$0x0], $0xffff;
	[tilespmem:$0x12540] =	vst v5  }
0x390: {  	v60 =	vld.idx.msk [tilespmem:v1+s26+$0x0], $0xffff;
	_ =	sdelay $0x4  }
0x391: {  	v5 =	vadd.f32 v60, v5;
	_ =	sdelay $0x1  }
0x392: {  	[tilespmem:$0x12540] =	vst v5  }
0x393: {  	v61 =	vld.idx.msk [tilespmem:v2+s26+$0x0], $0xffff;
	_ =	sdelay $0x4  }
0x394: {  	v5 =	vadd.f32 v61, v5;
	_ =	sdelay $0x1  }
0x395: {  	[tilespmem:$0x12540] =	vst v5  }
0x396: {  	v62 =	vld.idx.msk [tilespmem:v3+s26+$0x0], $0xffff;
	_ =	sdelay $0x4  }
0x397: {  	v5 =	vadd.f32 v62, v5;
	_ =	sdelay $0x1  }
0x398: {  	[tilespmem:$0x12540] =	vst v5  }
0x399: {  	v63 =	vld.idx.msk [tilespmem:v4+s26+$0x0], $0xffff;
	_ =	sdelay $0x3  }
0x39a: {  	v6 =	vadd.f32 v6, v7  }
0x39b: {  	v5 =	vadd.f32 v63, v5  }
0x39c: {  	v6 =	vnsel vm4, $0x0, v6  }
0x39d: {  	v5 =	vsel vm3, v6, v5  }
0x39e: {  	s24 =	simm.s32 $0x12420;
	[tilespmem:$0x12420] =	vst v5  }
0x39f: {  	[spmem:s14] =	stream.linear.scatter [tilespmem:s24], [sflag:$0x2], $0x10, $0x38;
	[tilespmem:$0x12590] =	vst v63  }
.Ltmp5:
0x3a0: {  	_ =	swait.ge [sflag:s29], $0x10;
	(pc) =	sbr.rel @p0 .LBB2_9-.Ltmp5, $3  }
0x3a1: {  	[sflag:s29] =	ssyncset.done $0x0  }
0x3a2: {  	[sflag:s29] =	ssyncadd.s32 $0xFFFFFFF0  }
0x3a3: {  	[bflag:$0x0] =	sbarrier.arrive $0xFFFF;
	_ =	sdelay $0x1  }
0x3a4: {  	s24 =	rddreg [dreg:$0x3];
	s30 =	simm.s32 $0x12430  }
0x3a5: {  	[tilespmem:s30], [sflag:$0x2] =	stream.linear.gather [spmem:s24], $0x100, $0x38;
	[tilespmem:$0x12590] =	vst v63  }
0x3a6: {  	_ =	swait.ge [sflag:s29], $0x100  }
0x3a7: {  	[sflag:s29] =	ssyncset.done $0x0  }
0x3a8: {  	[sflag:s29] =	ssyncadd.s32 $0xFFFFFF00  }
0x3a9: {  	v5 =	vld [tilespmem:$0x12430];
	_ =	sdelay $0x1  }
0x3aa: {  	v6 =	vld [tilespmem:$0x12440];
	_ =	sdelay $0x1  }
0x3ab: {  	v7 =	vld [tilespmem:$0x12450]  }
0x3ac: {  	v5 =	vadd.f32 $0.0e+00, v5  }
0x3ad: {  	v8 =	vld [tilespmem:$0x12460]  }
0x3ae: {  	v5 =	vadd.f32 v6, v5  }
0x3af: {  	v6 =	vld [tilespmem:$0x12470]  }
0x3b0: {  	v5 =	vadd.f32 v7, v5  }
0x3b1: {  	v7 =	vld [tilespmem:$0x12480]  }
0x3b2: {  	v5 =	vadd.f32 v8, v5  }
0x3b3: {  	v38 =	vld [tilespmem:$0x12490]  }
0x3b4: {  	v5 =	vadd.f32 v6, v5  }
0x3b5: {  	v6 =	vld [tilespmem:$0x124A0]  }
0x3b6: {  	v5 =	vadd.f32 v7, v5  }
0x3b7: {  	v7 =	vld [tilespmem:$0x124B0]  }
0x3b8: {  	v5 =	vadd.f32 v38, v5  }
0x3b9: {  	v39 =	vld [tilespmem:$0x124C0]  }
0x3ba: {  	v5 =	vadd.f32 v6, v5  }
0x3bb: {  	v6 =	vld [tilespmem:$0x124D0]  }
0x3bc: {  	v5 =	vadd.f32 v7, v5  }
0x3bd: {  	v7 =	vld [tilespmem:$0x124E0]  }
0x3be: {  	v5 =	vadd.f32 v39, v5  }
0x3bf: {  	v40 =	vld [tilespmem:$0x124F0]  }
0x3c0: {  	v5 =	vadd.f32 v6, v5  }
0x3c1: {  	v6 =	vld [tilespmem:$0x12500]  }
0x3c2: {  	v5 =	vadd.f32 v7, v5  }
0x3c3: {  	v7 =	vld [tilespmem:$0x12510]  }
0x3c4: {  	v5 =	vadd.f32 v40, v5  }
0x3c5: {  	v41 =	vld [tilespmem:$0x12520]  }
0x3c6: {  	v5 =	vadd.f32 v6, v5;
	_ =	sdelay $0x1  }
0x3c7: {  	v5 =	vadd.f32 v7, v5;
	_ =	sdelay $0x1  }
0x3c8: {  	v7 =	vadd.f32 v41, v5;
	_ =	sdelay $0x1  }
0x3c9: {  	v5 =	vnsel vm4, $0x0, v7  }
0x3ca: {  	[tilespmem:$0x12540] =	vst v5  }
0x3cb: {  	v6 =	vld.idx.msk [tilespmem:v1+s26+$0x0], $0xffff;
	_ =	sdelay $0x4  }
0x3cc: {  	v5 =	vadd.f32 v6, v5;
	_ =	sdelay $0x1  }
0x3cd: {  	[tilespmem:$0x12540] =	vst v5  }
0x3ce: {  	v6 =	vld.idx.msk [tilespmem:v2+s26+$0x0], $0xffff;
	_ =	sdelay $0x4  }
0x3cf: {  	v5 =	vadd.f32 v6, v5;
	_ =	sdelay $0x1  }
0x3d0: {  	[tilespmem:$0x12540] =	vst v5  }
0x3d1: {  	v6 =	vld.idx.msk [tilespmem:v3+s26+$0x0], $0xffff;
	_ =	sdelay $0x4  }
0x3d2: {  	v5 =	vadd.f32 v6, v5;
	_ =	sdelay $0x1  }
0x3d3: {  	v7 =	vsel vm3, $0x0, v7;
	[tilespmem:$0x12540] =	vst v5  }
0x3d4: {  	v6 =	vld.idx.msk [tilespmem:v4+s26+$0x0], $0xffff;
	[tilespmem:$0x12540] =	vst v7  }
0x3d5: {  	v42 =	vld.idx.msk [tilespmem:v1+s26+$0x0], $0xffff;
	_ =	sdelay $0x4  }
0x3d6: {  	v7 =	vadd.f32 v42, v7;
	_ =	sdelay $0x1  }
0x3d7: {  	[tilespmem:$0x12540] =	vst v7  }
0x3d8: {  	v43 =	vld.idx.msk [tilespmem:v2+s26+$0x0], $0xffff;
	_ =	sdelay $0x4  }
0x3d9: {  	v7 =	vadd.f32 v43, v7;
	_ =	sdelay $0x1  }
0x3da: {  	[tilespmem:$0x12540] =	vst v7  }
0x3db: {  	v9 =	vlaneseq.u32;
	v44 =	vld.idx.msk [tilespmem:v3+s26+$0x0], $0xffff  }
0x3dc: {  	v9 =	vshrl.u32 v9, $0x2;
	v12 =	vld [tilespmem:$0x1FF60]  }
0x3dd: {  	v9 =	vmul.u32 $0x5, v9  }
0x3de: {  	v14 =	vld [tilespmem:$0x1FF70];
	_ =	sdelay $0x1  }
0x3df: {  	v15 =	vld [tilespmem:$0x1FF80];
	v45 =	vadd.s32 $0x1, v9;
	v7 =	vadd.f32 v44, v7  }
0x3e0: {  	v16 =	vld [tilespmem:$0x1FF90]  }
0x3e1: {  	v46 =	vld [tilespmem:$0x1FFA0];
	v10 =	vadd.s32 $0x2, v9;
	[tilespmem:$0x12540] =	vst v7  }
0x3e2: {  	v11 =	vld.idx.msk [tilespmem:v9+s3+$0x0], $0xffff  }
0x3e3: {  	v13 =	vadd.s32 $0x3, v9;
	v12 =	vld.idx.msk [tilespmem:v12+s3+$0x0], $0xffff  }
0x3e4: {  	v8 =	vld.idx.msk [tilespmem:v45+s3+$0x0], $0xffff  }
0x3e5: {  	v14 =	vld.idx.msk [tilespmem:v14+s3+$0x0], $0xffff;
	v9 =	vadd.s32 $0x4, v9  }
0x3e6: {  	v10 =	vld.idx.msk [tilespmem:v10+s3+$0x0], $0xffff  }
0x3e7: {  	v15 =	vld.idx.msk [tilespmem:v15+s3+$0x0], $0xffff  }
0x3e8: {  	v13 =	vld.idx.msk [tilespmem:v13+s3+$0x0], $0xffff  }
0x3e9: {  	v16 =	vld.idx.msk [tilespmem:v16+s3+$0x0], $0xffff  }
0x3ea: {  	v11 =	vsub.f32 v11, v12;
	v8 =	vsub.f32 v8, v14;
	v9 =	vld.idx.msk [tilespmem:v9+s3+$0x0], $0xffff  }
0x3eb: {  	v12 =	vld.idx.msk [tilespmem:v46+s3+$0x0], $0xffff  }
0x3ec: {  	v10 =	vsub.f32 v10, v15;
	v11 =	vmul.f32 v11, v11;
	v8 =	vmul.f32 v8, v8;
	_ =	sdelay $0x1  }
0x3ed: {  	v47 =	vsub.f32 v13, v16;
	v10 =	vmul.f32 v10, v10;
	v8 =	vadd.f32 v8, v11;
	_ =	sdelay $0x1  }
0x3ee: {  	v48 =	vmul.f32 v47, v47;
	v9 =	vsub.f32 v9, v12;
	v8 =	vadd.f32 v10, v8;
	_ =	sdelay $0x1  }
0x3ef: {  	v9 =	vmul.f32 v9, v9;
	v8 =	vadd.f32 v48, v8;
	_ =	sdelay $0x1  }
0x3f0: {  	v8 =	vadd.f32 v9, v8;
	_ =	sdelay $0x1  }
0x3f1: {  	v9 =	vshrl.u32 v8, $0x1;
	v49 =	vmul.f32 $5.000000000e-01, v8  }
0x3f2: {  	v9 =	vsub.s32 $0x5F3759DF, v9  }
0x3f3: {  	v50 =	vmul.f32 v9, v49;
	_ =	sdelay $0x1  }
0x3f4: {  	v11 =	vmul.f32 v9, v50;
	_ =	sdelay $0x1  }
0x3f5: {  	v11 =	vsub.f32 $1.500000000e+00, v11;
	_ =	sdelay $0x1  }
0x3f6: {  	v9 =	vmul.f32 v9, v11;
	_ =	sdelay $0x1  }
0x3f7: {  	v11 =	vmul.f32 v9, v49;
	_ =	sdelay $0x1  }
0x3f8: {  	v11 =	vmul.f32 v11, v9;
	_ =	sdelay $0x1  }
0x3f9: {  	v11 =	vsub.f32 $1.500000000e+00, v11;
	_ =	sdelay $0x1  }
0x3fa: {  	v9 =	vmul.f32 v11, v9;
	_ =	sdelay $0x1  }
0x3fb: {  	v10 =	vmul.f32 v9, v49;
	_ =	sdelay $0x1  }
0x3fc: {  	v10 =	vmul.f32 v10, v9;
	_ =	sdelay $0x1  }
0x3fd: {  	v10 =	vsub.f32 $1.500000000e+00, v10;
	_ =	sdelay $0x1  }
0x3fe: {  	v9 =	vmul.f32 v10, v9;
	_ =	sdelay $0x1  }
0x3ff: {  	v8 =	vmul.f32 v9, v8;
	_ =	sdelay $0x1  }
0x400: {  	v8 =	vsub.f32 $6.000000000e+00, v8;
	_ =	sdelay $0x1  }
0x401: {  	v8 =	vmax.f32 v8, $0.0e+00  }
0x402: {  	v51 =	vmul.f32 v8, v8;
	_ =	sdelay $0x1  }
0x403: {  	v8 =	vld.idx.msk [tilespmem:v4+s26+$0x0], $0xffff;
	[tilespmem:$0x12540] =	vst v51  }
0x404: {  	v52 =	vld.idx.msk [tilespmem:v1+s26+$0x0], $0xffff;
	_ =	sdelay $0x4  }
0x405: {  	v9 =	vadd.f32 v51, v52;
	_ =	sdelay $0x1  }
0x406: {  	[tilespmem:$0x12540] =	vst v9  }
0x407: {  	v53 =	vld.idx.msk [tilespmem:v2+s26+$0x0], $0xffff;
	_ =	sdelay $0x4  }
0x408: {  	v9 =	vadd.f32 v9, v53;
	_ =	sdelay $0x1  }
0x409: {  	v55 =	vld [tilespmem:$0x1FEE0];
	[tilespmem:$0x12540] =	vst v9  }
0x40a: {  	v54 =	vld.idx.msk [tilespmem:v3+s26+$0x0], $0xffff  }
0x40b: {  	v56 =	vld [tilespmem:$0x1FF00];
	_ =	sdelay $0x1  }
0x40c: {  	v57 =	vimm.s32 $0x14;
	v58 =	vld [tilespmem:$0x1FF20]  }
0x40d: {  	v11 =	vnsel vm14, $0xF, v55  }
0x40e: {  	v59 =	vimm.s32 $0x15;
	v60 =	vld [tilespmem:$0x1FF40];
	v9 =	vadd.f32 v9, v54  }
0x40f: {  	v17 =	vld [tilespmem:$0x1FFB0];
	v10 =	vnsel vm14, $0x10, v56  }
0x410: {  	v61 =	vimm.s32 $0x16;
	[tilespmem:$0x12540] =	vst v9  }
0x411: {  	v13 =	vnsel vm14, $0x11, v58;
	v12 =	vld.idx.msk [tilespmem:v57+s3+$0x0], $0xffff  }
0x412: {  	v18 =	vimm.s32 $0x17;
	v11 =	vld.idx.msk [tilespmem:v11+s3+$0x0], $0xffff  }
0x413: {  	v15 =	vnsel vm14, $0x12, v60;
	v14 =	vld.idx.msk [tilespmem:v59+s3+$0x0], $0xffff  }
0x414: {  	v17 =	vnsel vm14, $0x13, v17;
	v10 =	vld.idx.msk [tilespmem:v10+s3+$0x0], $0xffff  }
0x415: {  	v62 =	vimm.s32 $0x18;
	v16 =	vld.idx.msk [tilespmem:v61+s3+$0x0], $0xffff  }
0x416: {  	v13 =	vld.idx.msk [tilespmem:v13+s3+$0x0], $0xffff  }
0x417: {  	v18 =	vld.idx.msk [tilespmem:v18+s3+$0x0], $0xffff  }
0x418: {  	v15 =	vld.idx.msk [tilespmem:v15+s3+$0x0], $0xffff  }
0x419: {  	v63 =	vld.idx.msk [tilespmem:v17+s3+$0x0], $0xffff;
	v11 =	vsub.f32 v12, v11;
	v10 =	vsub.f32 v14, v10  }
0x41a: {  	v12 =	vld.idx.msk [tilespmem:v62+s3+$0x0], $0xffff  }
0x41b: {  	v13 =	vsub.f32 v16, v13;
	v11 =	vmul.f32 v11, v11;
	v10 =	vmul.f32 v10, v10;
	_ =	sdelay $0x1  }
0x41c: {  	v19 =	vsub.f32 v18, v15;
	v17 =	vmul.f32 v13, v13;
	v10 =	vadd.f32 v10, v11;
	_ =	sdelay $0x1  }
0x41d: {  	v20 =	vmul.f32 v19, v19;
	v12 =	vsub.f32 v12, v63;
	v10 =	vadd.f32 v17, v10;
	_ =	sdelay $0x1  }
0x41e: {  	v21 =	vmul.f32 v12, v12;
	v10 =	vadd.f32 v20, v10;
	_ =	sdelay $0x1  }
0x41f: {  	v10 =	vadd.f32 v21, v10;
	_ =	sdelay $0x1  }
0x420: {  	v11 =	vshrl.u32 v10, $0x1;
	v22 =	vmul.f32 $5.000000000e-01, v10  }
0x421: {  	v11 =	vsub.s32 $0x5F3759DF, v11  }
0x422: {  	v23 =	vmul.f32 v11, v22;
	_ =	sdelay $0x1  }
0x423: {  	v13 =	vmul.f32 v11, v23;
	_ =	sdelay $0x1  }
0x424: {  	v13 =	vsub.f32 $1.500000000e+00, v13;
	_ =	sdelay $0x1  }
0x425: {  	v11 =	vmul.f32 v11, v13;
	_ =	sdelay $0x1  }
0x426: {  	v13 =	vmul.f32 v11, v22;
	_ =	sdelay $0x1  }
0x427: {  	v13 =	vmul.f32 v13, v11;
	_ =	sdelay $0x1  }
0x428: {  	v13 =	vsub.f32 $1.500000000e+00, v13;
	_ =	sdelay $0x1  }
0x429: {  	v11 =	vmul.f32 v13, v11;
	_ =	sdelay $0x1  }
0x42a: {  	v12 =	vmul.f32 v11, v22;
	_ =	sdelay $0x1  }
0x42b: {  	v12 =	vmul.f32 v12, v11;
	_ =	sdelay $0x1  }
0x42c: {  	v12 =	vsub.f32 $1.500000000e+00, v12;
	_ =	sdelay $0x1  }
0x42d: {  	v11 =	vmul.f32 v12, v11;
	_ =	sdelay $0x1  }
0x42e: {  	v10 =	vmul.f32 v11, v10;
	_ =	sdelay $0x1  }
0x42f: {  	v10 =	vsub.f32 $6.000000000e+00, v10;
	_ =	sdelay $0x1  }
0x430: {  	v10 =	vmax.f32 v10, $0.0e+00  }
0x431: {  	v10 =	vmul.f32 v10, v10;
	_ =	sdelay $0x1  }
0x432: {  	v10 =	vnsel vm7, $0x0, v10  }
0x433: {  	v24 =	vld.idx.msk [tilespmem:v4+s26+$0x0], $0xffff;
	[tilespmem:$0x12540] =	vst v10  }
0x434: {  	v25 =	vld.idx.msk [tilespmem:v1+s26+$0x0], $0xffff;
	_ =	sdelay $0x4  }
0x435: {  	v10 =	vadd.f32 v10, v25;
	_ =	sdelay $0x1  }
0x436: {  	[tilespmem:$0x12540] =	vst v10  }
0x437: {  	v26 =	vld.idx.msk [tilespmem:v2+s26+$0x0], $0xffff;
	_ =	sdelay $0x4  }
0x438: {  	v10 =	vadd.f32 v10, v26;
	_ =	sdelay $0x1  }
0x439: {  	v29 =	vld [tilespmem:$0x1FFF0];
	[tilespmem:$0x12540] =	vst v10  }
0x43a: {  	v27 =	vld.idx.msk [tilespmem:v3+s26+$0x0], $0xffff;
	_ =	sdelay $0x2  }
0x43b: {  	v28 =	vimm.s32 $0x3;
	vm7 =	vcmask $0x300  }
0x43c: {  	v13 =	vsel vm7, $0x2, v28  }
0x43d: {  	v10 =	vadd.f32 v10, v27;
	_ =	sdelay $0x1  }
0x43e: {  	[tilespmem:$0x12540] =	vst v10  }
0x43f: {  	v12 =	vld.idx.msk [tilespmem:v29+s1+$0x0], $0xffff  }
0x440: {  	v13 =	vld.idx.msk [tilespmem:v13+s1+$0x0], $0xffff;
	_ =	sdelay $0x4  }
0x441: {  	v12 =	vsub.f32 v12, v13;
	_ =	sdelay $0x1  }
0x442: {  	v12 =	vmul.f32 v12, v12;
	_ =	sdelay $0x1  }
0x443: {  	v12 =	vnsel vm5, $0x0, v12  }
0x444: {  	v30 =	vld.idx.msk [tilespmem:v4+s26+$0x0], $0xffff;
	[tilespmem:$0x12540] =	vst v12  }
0x445: {  	v31 =	vld.idx.msk [tilespmem:v1+s26+$0x0], $0xffff;
	_ =	sdelay $0x4  }
0x446: {  	v12 =	vadd.f32 v12, v31;
	_ =	sdelay $0x1  }
0x447: {  	[tilespmem:$0x12540] =	vst v12  }
0x448: {  	v32 =	vld.idx.msk [tilespmem:v2+s26+$0x0], $0xffff;
	_ =	sdelay $0x4  }
0x449: {  	v12 =	vadd.f32 v32, v12;
	_ =	sdelay $0x1  }
0x44a: {  	v34 =	vld [tilespmem:$0x1FEF0];
	[tilespmem:$0x12540] =	vst v12  }
0x44b: {  	v33 =	vld.idx.msk [tilespmem:v3+s26+$0x0], $0xffff  }
0x44c: {  	v35 =	vld [tilespmem:$0x1FF10];
	_ =	sdelay $0x1  }
0x44d: {  	v36 =	vld [tilespmem:$0x1FF30];
	_ =	sdelay $0x1  }
0x44e: {  	v37 =	vld [tilespmem:$0x1FF50];
	v12 =	vadd.f32 v33, v12;
	_ =	sdelay $0x1  }
0x44f: {  	v38 =	vld [tilespmem:$0x1FFC0];
	[tilespmem:$0x12540] =	vst v12  }
0x450: {  	v14 =	vld.idx.msk [tilespmem:v34+s3+$0x0], $0xffff  }
0x451: {  	v15 =	vld.idx.msk [tilespmem:v35+s3+$0x0], $0xffff;
	_ =	sdelay $0x1  }
0x452: {  	v16 =	vld.idx.msk [tilespmem:v36+s3+$0x0], $0xffff;
	_ =	sdelay $0x1  }
0x453: {  	v17 =	vld.idx.msk [tilespmem:v37+s3+$0x0], $0xffff  }
0x454: {  	v14 =	vmul.f32 v14, v14;
	v15 =	vmul.f32 v15, v15  }
0x455: {  	v18 =	vld.idx.msk [tilespmem:v38+s3+$0x0], $0xffff  }
0x456: {  	v39 =	vmul.f32 v16, v16;
	v14 =	vadd.f32 v15, v14;
	_ =	sdelay $0x1  }
0x457: {  	v40 =	vmul.f32 v17, v17;
	v14 =	vadd.f32 v39, v14;
	_ =	sdelay $0x1  }
0x458: {  	v41 =	vmul.f32 v18, v18;
	v14 =	vadd.f32 v40, v14;
	_ =	sdelay $0x1  }
0x459: {  	v14 =	vadd.f32 v41, v14;
	_ =	sdelay $0x1  }
0x45a: {  	v15 =	vshrl.u32 v14, $0x1;
	v42 =	vmul.f32 $5.000000000e-01, v14  }
0x45b: {  	v15 =	vsub.s32 $0x5F3759DF, v15  }
0x45c: {  	v43 =	vmul.f32 v15, v42;
	_ =	sdelay $0x1  }
0x45d: {  	v17 =	vmul.f32 v15, v43;
	_ =	sdelay $0x1  }
0x45e: {  	v17 =	vsub.f32 $1.500000000e+00, v17;
	_ =	sdelay $0x1  }
0x45f: {  	v15 =	vmul.f32 v15, v17;
	_ =	sdelay $0x1  }
0x460: {  	v17 =	vmul.f32 v15, v42;
	_ =	sdelay $0x1  }
0x461: {  	v17 =	vmul.f32 v17, v15;
	_ =	sdelay $0x1  }
0x462: {  	v17 =	vsub.f32 $1.500000000e+00, v17;
	_ =	sdelay $0x1  }
0x463: {  	v15 =	vmul.f32 v17, v15;
	_ =	sdelay $0x1  }
0x464: {  	v16 =	vmul.f32 v15, v42;
	_ =	sdelay $0x1  }
0x465: {  	v16 =	vmul.f32 v16, v15;
	_ =	sdelay $0x1  }
0x466: {  	v16 =	vsub.f32 $1.500000000e+00, v16;
	_ =	sdelay $0x1  }
0x467: {  	v15 =	vmul.f32 v16, v15;
	_ =	sdelay $0x1  }
0x468: {  	v14 =	vmul.f32 v15, v14;
	_ =	sdelay $0x1  }
0x469: {  	v14 =	vnsel vm6, $0x0, v14  }
0x46a: {  	v44 =	vld.idx.msk [tilespmem:v4+s26+$0x0], $0xffff;
	[tilespmem:$0x12540] =	vst v14  }
0x46b: {  	v45 =	vld.idx.msk [tilespmem:v1+s26+$0x0], $0xffff;
	_ =	sdelay $0x4  }
0x46c: {  	v14 =	vadd.f32 v14, v45;
	_ =	sdelay $0x1  }
0x46d: {  	[tilespmem:$0x12540] =	vst v14  }
0x46e: {  	v46 =	vld.idx.msk [tilespmem:v2+s26+$0x0], $0xffff;
	_ =	sdelay $0x4  }
0x46f: {  	v14 =	vadd.f32 v14, v46;
	_ =	sdelay $0x1  }
0x470: {  	v48 =	vld [tilespmem:$0x1FFD0];
	[tilespmem:$0x12540] =	vst v14  }
0x471: {  	v47 =	vld.idx.msk [tilespmem:v3+s26+$0x0], $0xffff  }
0x472: {  	v49 =	vld [tilespmem:$0x1FFE0];
	_ =	sdelay $0x3  }
0x473: {  	v14 =	vadd.f32 v14, v47;
	_ =	sdelay $0x1  }
0x474: {  	[tilespmem:$0x12540] =	vst v14  }
0x475: {  	v16 =	vld.idx.msk [tilespmem:v48+s1+$0x0], $0xffff  }
0x476: {  	v17 =	vld.idx.msk [tilespmem:v49+s1+$0x0], $0xffff;
	_ =	sdelay $0x4  }
0x477: {  	v16 =	vmul.f32 v16, v16;
	v17 =	vmul.f32 v17, v17;
	_ =	sdelay $0x1  }
0x478: {  	v16 =	vadd.f32 v17, v16;
	_ =	sdelay $0x1  }
0x479: {  	v17 =	vshrl.u32 v16, $0x1;
	v50 =	vmul.f32 $5.000000000e-01, v16  }
0x47a: {  	v17 =	vsub.s32 $0x5F3759DF, v17  }
0x47b: {  	v19 =	vmul.f32 v17, v50;
	_ =	sdelay $0x1  }
0x47c: {  	v19 =	vmul.f32 v17, v19;
	_ =	sdelay $0x1  }
0x47d: {  	v19 =	vsub.f32 $1.500000000e+00, v19;
	_ =	sdelay $0x1  }
0x47e: {  	v17 =	vmul.f32 v17, v19;
	_ =	sdelay $0x1  }
0x47f: {  	v19 =	vmul.f32 v17, v50;
	_ =	sdelay $0x1  }
0x480: {  	v19 =	vmul.f32 v19, v17;
	_ =	sdelay $0x1  }
0x481: {  	v19 =	vsub.f32 $1.500000000e+00, v19;
	_ =	sdelay $0x1  }
0x482: {  	v17 =	vmul.f32 v19, v17;
	_ =	sdelay $0x1  }
0x483: {  	v18 =	vmul.f32 v17, v50;
	_ =	sdelay $0x1  }
0x484: {  	v18 =	vmul.f32 v18, v17;
	_ =	sdelay $0x1  }
0x485: {  	v18 =	vsub.f32 $1.500000000e+00, v18;
	_ =	sdelay $0x1  }
0x486: {  	v17 =	vmul.f32 v18, v17;
	_ =	sdelay $0x1  }
0x487: {  	v16 =	vmul.f32 v17, v16;
	_ =	sdelay $0x1  }
0x488: {  	v12 =	vadd.f32 v44, v12;
	v16 =	vnsel vm5, $0x0, v16  }
0x489: {  	v51 =	vld.idx.msk [tilespmem:v4+s26+$0x0], $0xffff;
	[tilespmem:$0x12540] =	vst v16  }
0x48a: {  	v52 =	vshrl.u32 v12, $0x1;
	v53 =	vmul.f32 $5.000000000e-01, v12;
	v54 =	vld.idx.msk [tilespmem:v1+s26+$0x0], $0xffff  }
0x48b: {  	v17 =	vsub.s32 $0x5F3759DF, v52  }
0x48c: {  	v20 =	vmul.f32 v17, v53;
	_ =	sdelay $0x1  }
0x48d: {  	v20 =	vmul.f32 v17, v20  }
0x48e: {  	v16 =	vadd.f32 v16, v54  }
0x48f: {  	v20 =	vsub.f32 $1.500000000e+00, v20  }
0x490: {  	[tilespmem:$0x12540] =	vst v16  }
0x491: {  	v17 =	vmul.f32 v17, v20;
	v55 =	vld.idx.msk [tilespmem:v2+s26+$0x0], $0xffff;
	_ =	sdelay $0x1  }
0x492: {  	v20 =	vmul.f32 v17, v53;
	_ =	sdelay $0x1  }
0x493: {  	v20 =	vmul.f32 v20, v17  }
0x494: {  	v16 =	vadd.f32 v16, v55  }
0x495: {  	v56 =	vsub.f32 $1.500000000e+00, v20  }
0x496: {  	[tilespmem:$0x12540] =	vst v16  }
0x497: {  	v17 =	vmul.f32 v56, v17;
	v57 =	vld.idx.msk [tilespmem:v3+s26+$0x0], $0xffff;
	_ =	sdelay $0x1  }
0x498: {  	v18 =	vmul.f32 v17, v53;
	_ =	sdelay $0x1  }
0x499: {  	v18 =	vmul.f32 v18, v17  }
0x49a: {  	v16 =	vadd.f32 v16, v57  }
0x49b: {  	v18 =	vsub.f32 $1.500000000e+00, v18  }
0x49c: {  	[tilespmem:$0x12540] =	vst v16  }
0x49d: {  	v17 =	vmul.f32 v18, v17;
	v58 =	vld.idx.msk [tilespmem:v4+s26+$0x0], $0xffff;
	_ =	sdelay $0x1  }
0x49e: {  	v5 =	vadd.f32 v6, v5;
	v12 =	vmul.f32 v17, v12  }
0x49f: {  	v7 =	vadd.f32 v8, v7;
	v9 =	vadd.f32 v9, v24  }
0x4a0: {  	v10 =	vadd.f32 v10, v30;
	v59 =	vsub.f32 $6.000000000e+00, v12  }
0x4a1: {  	v5 =	vmul.f32 $2.000000030e-01, v5;
	v7 =	vmul.f32 $5.000000000e-01, v7;
	v61 =	vadd.f32 v16, v58  }
0x4a2: {  	v6 =	vadd.f32 v10, v9;
	v62 =	vadd.f32 v14, v51;
	v60 =	vmax.f32 v59, $0.0e+00  }
0x4a3: {  	v8 =	vmul.f32 v60, v60;
	v9 =	vmul.f32 $5.000000000e-01, v61  }
0x4a4: {  	v6 =	vmul.f32 $5.000000070e-02, v6;
	v10 =	vmul.f32 $2.000000030e-01, v62  }
0x4a5: {  	v7 =	vadd.f32 v8, v7;
	v63 =	vmul.f32 $1.000000050e-03, v9  }
0x4a6: {  	v5 =	vadd.f32 v6, v5;
	v6 =	vmul.f32 $1.000000050e-03, v10  }
0x4a7: {  	v7 =	vadd.f32 v63, v7  }
0x4a8: {  	v5 =	vadd.f32 v6, v5  }
0x4a9: {  	v6 =	vnsel vm4, $0x0, v7  }
0x4aa: {  	v5 =	vsel vm3, v6, v5  }
.Ltmp6:
0x4ab: {  	s30 =	simm.s32 $0x12530;
	s24 =	rddreg [dreg:$0x5];
	[tilespmem:$0x12530] =	vst v5;
	(pc) =	sbr.rel .LBB2_9-.Ltmp6, $4  }
0x4ac: {  	[hbm4b:s24+s2] =	stream.linear.scatter [tilespmem:s30], [sflag:$0x2], $0x10, $0x38;
	[tilespmem:$0x12590] =	vst v63  }
0x4ad: {  	_ =	swait.ge [sflag:s29], $0x10  }
0x4ae: {  	[sflag:s29] =	ssyncset.done $0x0  }
0x4af: {  	[sflag:s29] =	ssyncadd.s32 $0xFFFFFFF0  }
.LBB2_10:
0x4b0: {  	_ =	sfence.sel $0x180000  }
0x4b1: {  	[bflag:$0x0] =	sbarrier.arrive $0xFFFF  }
0x4b2: {  	_ =	strace $0x90000047  }
0x4b3: {  	[bflag:$0x2] =	sbarrier.arrive $0xFFFF  }
0x4b4: {  	s0 =	rddreg [dreg:$0x4]  }
0x4b5: {  	s0 =	sadd.s32 @!p0 $0x100000, s0  }
0x4b6: {  	[sflag:s0] =	ssyncadd.tile.s32 @!p0 $0x1;
	_ =	shalt  }
.Lfunc_end2:
_tile_overlayer_lowered:
.L_overlay_start_2:
0x4b7: {  	(tag) =	ssettag $0x2  }
0x4b8: {  	s0 =	rddreg [dreg:$0x0];
	s2 =	stileid.u32  }
0x4b9: {  	s1 =	rddreg [dreg:$0x1];
	p0 =	sne.s32 s2, $0x0  }
0x4ba: {  	s3 =	rddreg [dreg:$0x2];
	[bflag:$0x3] =	sbarrier.arrive $0xFFFF;
	s2 =	simm.s32 @!p0 $0x1C02  }
0x4bb: {  	[timem:s3], [sflag:s2] =	dma.local @!p0 [hbm:s0], s1  }
0x4bc: {  	s0 =	simm.s32 @!p0 $0x2  }
0x4bd: {  	_ =	swait.ge @!p0 [sflag:s0], s1  }
0x4be: {  	s1 =	ssub.s32 @!p0 $0x0, s1;
	[sflag:s0] =	ssyncset.done @!p0 $0x0  }
0x4bf: {  	[sflag:s0] =	ssyncadd.s32 @!p0 s1  }
0x4c0: {  	[bflag:$0x3] =	sbarrier.arrive $0xFFFF  }
0x4c1: {  	_ =	shalt  }

</sc_bundles>
